<compile_context>
chip_gen: v7x
topology: tpu7x:2x2x1
jax: 0.10.2.dev20260603
libtpu: 0.0.44.dev20260713+nightly
codegen_flags: <defaults>
</compile_context>

<pallas_src>
import jax
import jax.numpy as jnp
from jax import lax
from jax.experimental import pallas as pl
from jax.experimental.pallas import tpu as pltpu
from jax.experimental.pallas import tpu_sc as plsc

_NSUB = 16
_NCORE = 2
_L = 128


def _sc_agg_pair(h0, h1, src, dst, zeros_rows):
    n = h0.shape[0]
    e = src.shape[0]
    nblk = e // _L
    rpt = -(-(n // _NSUB) // 8) * 8
    n_pad = rpt * _NSUB
    bpt = -(-nblk // _NSUB)
    mesh = plsc.VectorSubcoreMesh(core_axis_name="c", subcore_axis_name="s")

    bpt2 = -(-bpt // 2)

    def body(h0_hbm, h1_hbm, src_hbm, dst_hbm, z_hbm, out_hbm,
             acc, src_v0, dst_v0, msg0, src_v1, dst_v1, msg1,
             gsem0, gsem1, ssem0, ssem1, isem0, isem1, isem2, isem3):
        core = lax.axis_index("c")
        sub = lax.axis_index("s")
        r0 = sub * rpt
        pltpu.sync_copy(z_hbm, acc.at[pl.ds(r0, rpt)])
        plsc.subcore_barrier()

        slots = ((src_v0, dst_v0, msg0, gsem0, ssem0, isem0, isem1),
                 (src_v1, dst_v1, msg1, gsem1, ssem1, isem2, isem3))

        def edge_loop(h_hbm):
            def one_slot(i2, p):
                src_v, dst_v, msg, gsem, ssem, ia, ib = slots[p]
                j = 2 * i2 + p
                b = sub + _NSUB * j

                @pl.when(i2 > 0)
                def _():
                    pltpu.make_async_copy(msg, acc.at[dst_v], ssem).wait()

                @pl.when(b < nblk)
                def _():
                    off = b * _L
                    d1 = pltpu.async_copy(src_hbm.at[pl.ds(off, _L)],
                                          src_v, ia)
                    d2 = pltpu.async_copy(dst_hbm.at[pl.ds(off, _L)],
                                          dst_v, ib)
                    d1.wait()
                    d2.wait()
                    pltpu.async_copy(h_hbm.at[src_v], msg, gsem).wait()
                    pltpu.async_copy(msg, acc.at[dst_v], ssem, add=True)

            def blk2(i2, carry):
                one_slot(i2, 0)
                one_slot(i2, 1)
                return carry

            lax.fori_loop(0, bpt2, blk2, 0)
            for p in range(2):
                src_v, dst_v, msg, gsem, ssem, ia, ib = slots[p]
                last_b = sub + _NSUB * (2 * (bpt2 - 1) + p)

                @pl.when(last_b < nblk)
                def _():
                    pltpu.make_async_copy(msg, acc.at[dst_v], ssem).wait()

        @pl.when(core == 0)
        def _():
            edge_loop(h0_hbm)

        @pl.when(core == 1)
        def _():
            edge_loop(h1_hbm)

        plsc.subcore_barrier()

        @pl.when(core == 0)
        def _():
            pltpu.sync_copy(acc.at[pl.ds(r0, rpt)],
                            out_hbm.at[0, pl.ds(r0, rpt)])

        @pl.when(core == 1)
        def _():
            pltpu.sync_copy(acc.at[pl.ds(r0, rpt)],
                            out_hbm.at[1, pl.ds(r0, rpt)])

    f = pl.kernel(
        body,
        out_type=jax.ShapeDtypeStruct((2, n_pad, _L), jnp.float32),
        mesh=mesh,
        scratch_types=(
            [pltpu.VMEM_SHARED((n_pad, _L), jnp.float32)]
            + 2 * [pltpu.VMEM((_L,), jnp.int32),
                   pltpu.VMEM((_L,), jnp.int32),
                   pltpu.VMEM((_L, _L), jnp.float32)]
            + 8 * [pltpu.SemaphoreType.DMA]
        ),
    )
    return f(h0, h1, src, dst, zeros_rows)


def _sc_count(dst, ones_blk, zeros_cnt, n):
    e = dst.shape[0]
    nblk = e // _L
    nw = _NSUB * _NCORE
    bpw = -(-nblk // nw)
    rpt = -(-(n // _NSUB) // 8) * 8
    n_pad = rpt * _NSUB
    mesh = plsc.VectorSubcoreMesh(core_axis_name="c", subcore_axis_name="s")

    bpw2 = -(-bpw // 2)

    def body(dst_hbm, ones_hbm, z_hbm, out_hbm, acc, ones_v,
             dst_v0, dst_v1, ssem0, ssem1, isem0, isem1):
        core = lax.axis_index("c")
        sub = lax.axis_index("s")
        wid = sub * _NCORE + core
        r0 = sub * rpt
        pltpu.sync_copy(z_hbm, acc.at[pl.ds(r0, rpt)])
        pltpu.sync_copy(ones_hbm, ones_v)
        plsc.subcore_barrier()

        slots = ((dst_v0, ssem0, isem0), (dst_v1, ssem1, isem1))

        def one_slot(i2, p):
            dst_v, ssem, isem = slots[p]
            b = wid + nw * (2 * i2 + p)

            @pl.when(i2 > 0)
            def _():
                pltpu.make_async_copy(ones_v, acc.at[dst_v], ssem).wait()

            @pl.when(b < nblk)
            def _():
                pltpu.async_copy(dst_hbm.at[pl.ds(b * _L, _L)],
                                 dst_v, isem).wait()
                pltpu.async_copy(ones_v, acc.at[dst_v], ssem, add=True)

        def blk2(i2, carry):
            one_slot(i2, 0)
            one_slot(i2, 1)
            return carry

        lax.fori_loop(0, bpw2, blk2, 0)
        for p in range(2):
            dst_v, ssem, isem = slots[p]
            last_b = wid + nw * (2 * (bpw2 - 1) + p)

            @pl.when(last_b < nblk)
            def _():
                pltpu.make_async_copy(ones_v, acc.at[dst_v], ssem).wait()

        plsc.subcore_barrier()

        @pl.when(core == 0)
        def _():
            pltpu.sync_copy(acc.at[pl.ds(r0, rpt)],
                            out_hbm.at[0, pl.ds(r0, rpt)])

        @pl.when(core == 1)
        def _():
            pltpu.sync_copy(acc.at[pl.ds(r0, rpt)],
                            out_hbm.at[1, pl.ds(r0, rpt)])

    f = pl.kernel(
        body,
        out_type=jax.ShapeDtypeStruct((2, n_pad, _L), jnp.float32),
        mesh=mesh,
        scratch_types=(
            [pltpu.VMEM_SHARED((n_pad, _L), jnp.float32),
             pltpu.VMEM((_L, _L), jnp.float32),
             pltpu.VMEM((_L,), jnp.int32),
             pltpu.VMEM((_L,), jnp.int32)]
            + 4 * [pltpu.SemaphoreType.DMA]
        ),
    )
    return f(dst, ones_blk, zeros_cnt)


def _tc_layer(acc_list, h_chunks, cnt, Wl, Wr, bias, chunked_out, bn=1000):
    n = h_chunks.shape[1]
    grid_n = n // bn
    n_acc = len(acc_list)
    nc_h = h_chunks.shape[0]
    d_in = Wl.shape[0]
    d_out = Wl.shape[1]
    prec = jax.lax.Precision.HIGHEST

    def body(*refs):
        acc_refs = refs[:n_acc]
        h_ref, cnt_ref, wl_ref, wr_ref, b_ref, o_ref = refs[n_acc:]
        cr = cnt_ref[...]
        tot = cr[0, :, 0:1] + cr[1, :, 0:1]
        inv = 1.0 / jnp.maximum(tot, 1.0)
        wl = wl_ref[...]
        wr = wr_ref[...]
        tmp = jnp.zeros((bn, d_out), jnp.float32)
        ci = 0
        for ar in acc_refs:
            a = ar[...]
            for k in range(a.shape[0]):
                tmp = tmp + lax.dot(a[k], wl[ci * 128:(ci + 1) * 128, :],
                                    precision=prec)
                ci += 1
        tmp = tmp * inv
        h = h_ref[...]
        for k in range(nc_h):
            tmp = tmp + lax.dot(h[k], wr[k * 128:(k + 1) * 128, :],
                                precision=prec)
        out = jnp.maximum(tmp + b_ref[...], 0.0)
        if chunked_out:
            for k in range(d_out // 128):
                o_ref[k] = out[:, k * 128:(k + 1) * 128]
        else:
            o_ref[...] = out

    in_specs = (
        [pl.BlockSpec((2, bn, 128), lambda i: (0, i, 0)) for _ in acc_list]
        + [
            pl.BlockSpec((nc_h, bn, 128), lambda i: (0, i, 0)),
            pl.BlockSpec((2, bn, 128), lambda i: (0, i, 0)),
            pl.BlockSpec((d_in, d_out), lambda i: (0, 0)),
            pl.BlockSpec((d_in, d_out), lambda i: (0, 0)),
            pl.BlockSpec((1, d_out), lambda i: (0, 0)),
        ]
    )
    if chunked_out:
        out_spec = pl.BlockSpec((d_out // 128, bn, 128), lambda i: (0, i, 0))
        out_shape = jax.ShapeDtypeStruct((d_out // 128, n, 128), jnp.float32)
    else:
        out_spec = pl.BlockSpec((bn, d_out), lambda i: (i, 0))
        out_shape = jax.ShapeDtypeStruct((n, d_out), jnp.float32)

    return pl.pallas_call(
        body,
        grid=(grid_n,),
        in_specs=in_specs,
        out_specs=out_spec,
        out_shape=out_shape,
    )(*acc_list, h_chunks, cnt, Wl, Wr, bias)


def kernel(x, edge_index, Wl1, Wr1, b1, Wl2, Wr2, b2, Wl3, Wr3, b3):
    n, d_in = x.shape
    e = edge_index.shape[1]
    src = edge_index[0]
    dst = edge_index[1]
    f32 = jnp.float32

    rpt = -(-(n // _NSUB) // 8) * 8
    xc = x.reshape(n, d_in // 128, 128).transpose(1, 0, 2)
    zrows = jnp.zeros((rpt, _L), f32)
    ones_blk = jnp.ones((_L, _L), f32)

    cnt = _sc_count(dst, ones_blk, zrows, n)

    acc1 = _sc_agg_pair(xc[0], xc[1], src, dst, zrows)
    h1 = _tc_layer([acc1], xc, cnt, Wl1, Wr1, b1.reshape(1, -1), True)

    acc2a = _sc_agg_pair(h1[0], h1[1], src, dst, zrows)
    acc2b = _sc_agg_pair(h1[2], h1[3], src, dst, zrows)
    h2 = _tc_layer([acc2a, acc2b], h1, cnt, Wl2, Wr2, b2.reshape(1, -1), True)

    acc3a = _sc_agg_pair(h2[0], h2[1], src, dst, zrows)
    acc3b = _sc_agg_pair(h2[2], h2[3], src, dst, zrows)
    h3 = _tc_layer([acc3a, acc3b], h2, cnt, Wl3, Wr3, b3.reshape(1, -1), False)
    return h3

# --- scband reference (transcript-rebuilt; emitter-appended) ---
"""Pipeline reference for scband-mpnn-17549236371844 (READ-ONLY COPY).

The authoritative reference and input builder live on the scoring server;
editing this copy changes nothing except your own understanding.
"""

import jax, jax.numpy as jnp
import numpy as np

N = 10000
E = 160000
IN_DIM = 256
HID = 512


def _glorot(key, shape):
    fan_in = shape[0]
    return jax.random.normal(key, shape, dtype=jnp.float32) * (1.0 / np.sqrt(fan_in))


def setup_inputs(seed: int = 0) -> dict:
    key = jax.random.key(seed)
    ks = jax.random.split(key, 12)
    x = jax.random.normal(ks[0], (N, IN_DIM), dtype=jnp.float32)
    edge_index = jax.random.randint(ks[1], (2, E), 0, N, dtype=jnp.int32)
    Wl1 = _glorot(ks[2], (IN_DIM, HID))
    Wr1 = _glorot(ks[3], (IN_DIM, HID))
    b1 = jnp.zeros((HID,), dtype=jnp.float32)
    Wl2 = _glorot(ks[4], (HID, HID))
    Wr2 = _glorot(ks[5], (HID, HID))
    b2 = jnp.zeros((HID,), dtype=jnp.float32)
    Wl3 = _glorot(ks[6], (HID, HID))
    Wr3 = _glorot(ks[7], (HID, HID))
    b3 = jnp.zeros((HID,), dtype=jnp.float32)
    return {"x": x, "edge_index": edge_index,
            "Wl1": Wl1, "Wr1": Wr1, "b1": b1,
            "Wl2": Wl2, "Wr2": Wr2, "b2": b2,
            "Wl3": Wl3, "Wr3": Wr3, "b3": b3}


def _sage_layer(h, src, dst, Wl, Wr, b):
    # SAGEConv with mean aggregation: out = lin_l(mean_agg(h_src -> dst)) + lin_r(h)
    msg = h[src]                                   # gather: [E, d]
    agg_sum = jax.ops.segment_sum(msg, dst, num_segments=N)
    cnt = jax.ops.segment_sum(jnp.ones((src.shape[0],), dtype=h.dtype), dst, num_segments=N)
    agg = agg_sum / jnp.clip(cnt, 1.0)[:, None]
    return agg @ Wl + h @ Wr + b


def reference(x, edge_index, Wl1, Wr1, b1, Wl2, Wr2, b2, Wl3, Wr3, b3):
    src = edge_index[0]
    dst = edge_index[1]
    h = jax.nn.relu(_sage_layer(x, src, dst, Wl1, Wr1, b1))
    h = jax.nn.relu(_sage_layer(h, src, dst, Wl2, Wr2, b2))
    h = jax.nn.relu(_sage_layer(h, src, dst, Wl3, Wr3, b3))
    return h

if __name__ == "__main__":
    import jax
    _d = setup_inputs()
    print(jax.jit(kernel)(*tuple(_d.values())))

</pallas_src>

<mosaic_0001>
#map = affine_map<(d0, d1) -> (0, 0)>
#map1 = affine_map<(d0, d1) -> (0)>
#map2 = affine_map<(d0, d1) -> (0, 0, 0)>
module attributes {stable_mosaic.version = 14 : i64} {
  func.func @body(%arg0: i32, %arg1: i32, %arg2: memref<10000x128xf32, #tpu.memory_space<hbm>>, %arg3: memref<10000x128xf32, #tpu.memory_space<hbm>>, %arg4: memref<160000xi32, #tpu.memory_space<hbm>>, %arg5: memref<160000xi32, #tpu.memory_space<hbm>>, %arg6: memref<632x128xf32, #tpu.memory_space<hbm>>, %arg7: memref<2x10112x128xf32, #tpu.memory_space<hbm>>, %arg8: memref<10112x128xf32, #tpu.memory_space<vmem_shared>>, %arg9: memref<128xi32, #tpu.memory_space<vmem>>, %arg10: memref<128xi32, #tpu.memory_space<vmem>>, %arg11: memref<128x128xf32, #tpu.memory_space<vmem>>, %arg12: memref<128xi32, #tpu.memory_space<vmem>>, %arg13: memref<128xi32, #tpu.memory_space<vmem>>, %arg14: memref<128x128xf32, #tpu.memory_space<vmem>>, %arg15: memref<!tpu.dma_semaphore, #tpu.memory_space<semaphore_mem>>, %arg16: memref<!tpu.dma_semaphore, #tpu.memory_space<semaphore_mem>>, %arg17: memref<!tpu.dma_semaphore, #tpu.memory_space<semaphore_mem>>, %arg18: memref<!tpu.dma_semaphore, #tpu.memory_space<semaphore_mem>>, %arg19: memref<!tpu.dma_semaphore, #tpu.memory_space<semaphore_mem>>, %arg20: memref<!tpu.dma_semaphore, #tpu.memory_space<semaphore_mem>>, %arg21: memref<!tpu.dma_semaphore, #tpu.memory_space<semaphore_mem>>, %arg22: memref<!tpu.dma_semaphore, #tpu.memory_space<semaphore_mem>>) attributes {dimension_semantics = [#tpu.dimension_semantics<core_parallel>, #tpu.dimension_semantics<subcore_parallel>], iteration_bounds = array<i64: 2, 16>, scalar_prefetch = 0 : i64, scratch_operands = 15 : i64, tpu.core_type = #tpu.core_type<sc_vector_subcore>, window_params = [{transform_indices = #map}, {transform_indices = #map}, {transform_indices = #map1}, {transform_indices = #map1}, {transform_indices = #map}, {transform_indices = #map2}]} {
    %mul3A = arith.constant 632 : i32
    %mul3A_0 = arith.muli %arg1, %mul3A : i32
    "tpu.region"() ({
      %run_scoped3A = tpu.sem_alloc : memref<!tpu.dma_semaphore, #tpu.memory_space<semaphore_mem>>
      %dma_start3A = arith.constant 0 : i32
      %dma_start3A_19 = tpu.memref_slice %arg8[%mul3A_0, %dma_start3A] : memref<10112x128xf32, #tpu.memory_space<vmem_shared>> -> memref<632x128xf32, #tpu.memory_space<vmem_shared>>
      tpu.enqueue_dma source(%arg6 : memref<632x128xf32, #tpu.memory_space<hbm>>) target(%dma_start3A_19 : memref<632x128xf32, #tpu.memory_space<vmem_shared>>) target_semaphore(%run_scoped3A : memref<!tpu.dma_semaphore, #tpu.memory_space<semaphore_mem>>)
      %dma_wait3A = arith.constant 0 : i32
      %dma_wait3A_20 = tpu.memref_slice %arg8[%mul3A_0, %dma_wait3A] : memref<10112x128xf32, #tpu.memory_space<vmem_shared>> -> memref<632x128xf32, #tpu.memory_space<vmem_shared>>
      tpu.wait_dma2 semaphore(%run_scoped3A : memref<!tpu.dma_semaphore, #tpu.memory_space<semaphore_mem>>) src(%arg6 : memref<632x128xf32, #tpu.memory_space<hbm>>) dst(%dma_wait3A_20 : memref<632x128xf32, #tpu.memory_space<vmem_shared>>)
      tpu.yield
    }) : () -> ()
    %barrier3A = arith.constant 0 : index
    tpu.barrier barrier_id(%barrier3A)
    %eq3A = arith.constant 0 : i32
    %eq3A_1 = arith.cmpi eq, %arg0, %eq3A : i32
    %convert_element_type3A = arith.extui %eq3A_1 : i1 to i32
    %cond3A = arith.constant 0 : i32
    %cond3A_2 = arith.cmpi ne, %convert_element_type3A, %cond3A : i32
    scf.if %cond3A_2 {
      %scan3A = arith.constant 0 : i32
      %scan3A_19 = arith.constant 0 : i32
      %scan3A_20 = arith.constant 40 : i32
      %scan3A_21 = arith.addi %scan3A_19, %scan3A_20 : i32
      %scan3A_22 = arith.constant 1 : i32
      scf.for %scan3A_36 = %scan3A_19 to %scan3A_21 step %scan3A_22  : i32 {
        %mul3A_37 = arith.constant 2 : i32
        %mul3A_38 = arith.muli %mul3A_37, %scan3A_36 : i32
        %add3A_39 = arith.constant 0 : i32
        %add3A_40 = arith.addi %mul3A_38, %add3A_39 : i32
        %mul3A_41 = arith.constant 16 : i32
        %mul3A_42 = arith.muli %mul3A_41, %add3A_40 : i32
        %add3A_43 = arith.addi %arg1, %mul3A_42 : i32
        %gt3A = arith.constant 0 : i32
        %gt3A_44 = arith.cmpi sgt, %scan3A_36, %gt3A : i32
        %convert_element_type3A_45 = arith.extui %gt3A_44 : i1 to i32
        %cond3A_46 = arith.constant 0 : i32
        %cond3A_47 = arith.cmpi ne, %convert_element_type3A_45, %cond3A_46 : i32
        scf.if %cond3A_47 {
          %dma_wait3A = arith.constant 0 : i32
          %dma_wait3A_70 = arith.constant 0 : i32
          %dma_wait3A_71 = tpu.memref_slice %arg8[%dma_wait3A, %dma_wait3A_70] : memref<10112x128xf32, #tpu.memory_space<vmem_shared>> -> memref<10112x128xf32, #tpu.memory_space<vmem_shared>>
          tpu.wait_indirect_dma semaphore(%arg17 : memref<!tpu.dma_semaphore, #tpu.memory_space<semaphore_mem>>) src(%arg11 : memref<128x128xf32, #tpu.memory_space<vmem>>) dst(%dma_wait3A_71 : memref<10112x128xf32, #tpu.memory_space<vmem_shared>>)
        } else {
        }
        %lt3A_48 = arith.constant 1250 : i32
        %lt3A_49 = arith.cmpi slt, %add3A_43, %lt3A_48 : i32
        %convert_element_type3A_50 = arith.extui %lt3A_49 : i1 to i32
        %cond3A_51 = arith.constant 0 : i32
        %cond3A_52 = arith.cmpi ne, %convert_element_type3A_50, %cond3A_51 : i32
        scf.if %cond3A_52 {
          %mul3A_70 = arith.constant 128 : i32
          %mul3A_71 = arith.muli %add3A_43, %mul3A_70 : i32
          %dma_start3A = tpu.memref_slice %arg4[%mul3A_71] : memref<160000xi32, #tpu.memory_space<hbm>> -> memref<128xi32, #tpu.memory_space<hbm>>
          %dma_start3A_72 = tpu.memref_slice %arg4[%mul3A_71] : memref<160000xi32, #tpu.memory_space<hbm>> -> memref<128xi32, #tpu.memory_space<hbm>>
          tpu.enqueue_dma source(%dma_start3A_72 : memref<128xi32, #tpu.memory_space<hbm>>) target(%arg9 : memref<128xi32, #tpu.memory_space<vmem>>) target_semaphore(%arg19 : memref<!tpu.dma_semaphore, #tpu.memory_space<semaphore_mem>>)
          %dma_start3A_73 = tpu.memref_slice %arg5[%mul3A_71] : memref<160000xi32, #tpu.memory_space<hbm>> -> memref<128xi32, #tpu.memory_space<hbm>>
          %dma_start3A_74 = tpu.memref_slice %arg5[%mul3A_71] : memref<160000xi32, #tpu.memory_space<hbm>> -> memref<128xi32, #tpu.memory_space<hbm>>
          tpu.enqueue_dma source(%dma_start3A_74 : memref<128xi32, #tpu.memory_space<hbm>>) target(%arg10 : memref<128xi32, #tpu.memory_space<vmem>>) target_semaphore(%arg20 : memref<!tpu.dma_semaphore, #tpu.memory_space<semaphore_mem>>)
          %dma_wait3A = tpu.memref_slice %arg4[%mul3A_71] : memref<160000xi32, #tpu.memory_space<hbm>> -> memref<128xi32, #tpu.memory_space<hbm>>
          %dma_wait3A_75 = tpu.memref_slice %arg4[%mul3A_71] : memref<160000xi32, #tpu.memory_space<hbm>> -> memref<128xi32, #tpu.memory_space<hbm>>
          tpu.wait_dma2 semaphore(%arg19 : memref<!tpu.dma_semaphore, #tpu.memory_space<semaphore_mem>>) src(%dma_wait3A_75 : memref<128xi32, #tpu.memory_space<hbm>>) dst(%arg9 : memref<128xi32, #tpu.memory_space<vmem>>)
          %dma_wait3A_76 = tpu.memref_slice %arg5[%mul3A_71] : memref<160000xi32, #tpu.memory_space<hbm>> -> memref<128xi32, #tpu.memory_space<hbm>>
          %dma_wait3A_77 = tpu.memref_slice %arg5[%mul3A_71] : memref<160000xi32, #tpu.memory_space<hbm>> -> memref<128xi32, #tpu.memory_space<hbm>>
          tpu.wait_dma2 semaphore(%arg20 : memref<!tpu.dma_semaphore, #tpu.memory_space<semaphore_mem>>) src(%dma_wait3A_77 : memref<128xi32, #tpu.memory_space<hbm>>) dst(%arg10 : memref<128xi32, #tpu.memory_space<vmem>>)
          %dma_start3A_78 = arith.constant 0 : i32
          %dma_start3A_79 = arith.constant 0 : i32
          %dma_start3A_80 = tpu.memref_slice %arg2[%dma_start3A_78, %dma_start3A_79] : memref<10000x128xf32, #tpu.memory_space<hbm>> -> memref<10000x128xf32, #tpu.memory_space<hbm>>
          tpu.enqueue_indirect_dma source(%dma_start3A_80 : memref<10000x128xf32, #tpu.memory_space<hbm>>) target(%arg11 : memref<128x128xf32, #tpu.memory_space<vmem>>) offsets(%arg9 : memref<128xi32, #tpu.memory_space<vmem>>) semaphore(%arg15 : memref<!tpu.dma_semaphore, #tpu.memory_space<semaphore_mem>>)
          %dma_wait3A_81 = arith.constant 0 : i32
          %dma_wait3A_82 = arith.constant 0 : i32
          %dma_wait3A_83 = tpu.memref_slice %arg2[%dma_wait3A_81, %dma_wait3A_82] : memref<10000x128xf32, #tpu.memory_space<hbm>> -> memref<10000x128xf32, #tpu.memory_space<hbm>>
          tpu.wait_indirect_dma semaphore(%arg15 : memref<!tpu.dma_semaphore, #tpu.memory_space<semaphore_mem>>) src(%dma_wait3A_83 : memref<10000x128xf32, #tpu.memory_space<hbm>>) dst(%arg11 : memref<128x128xf32, #tpu.memory_space<vmem>>)
          %dma_start3A_84 = arith.constant 0 : i32
          %dma_start3A_85 = arith.constant 0 : i32
          %dma_start3A_86 = tpu.memref_slice %arg8[%dma_start3A_84, %dma_start3A_85] : memref<10112x128xf32, #tpu.memory_space<vmem_shared>> -> memref<10112x128xf32, #tpu.memory_space<vmem_shared>>
          tpu.enqueue_indirect_dma source(%arg11 : memref<128x128xf32, #tpu.memory_space<vmem>>) target(%dma_start3A_86 : memref<10112x128xf32, #tpu.memory_space<vmem_shared>>) offsets(%arg10 : memref<128xi32, #tpu.memory_space<vmem>>) semaphore(%arg17 : memref<!tpu.dma_semaphore, #tpu.memory_space<semaphore_mem>>) {add = true}
        } else {
        }
        %mul3A_53 = arith.constant 2 : i32
        %mul3A_54 = arith.muli %mul3A_53, %scan3A_36 : i32
        %add3A_55 = arith.constant 1 : i32
        %add3A_56 = arith.addi %mul3A_54, %add3A_55 : i32
        %mul3A_57 = arith.constant 16 : i32
        %mul3A_58 = arith.muli %mul3A_57, %add3A_56 : i32
        %add3A_59 = arith.addi %arg1, %mul3A_58 : i32
        %gt3A_60 = arith.constant 0 : i32
        %gt3A_61 = arith.cmpi sgt, %scan3A_36, %gt3A_60 : i32
        %convert_element_type3A_62 = arith.extui %gt3A_61 : i1 to i32
        %cond3A_63 = arith.constant 0 : i32
        %cond3A_64 = arith.cmpi ne, %convert_element_type3A_62, %cond3A_63 : i32
        scf.if %cond3A_64 {
          %dma_wait3A = arith.constant 0 : i32
          %dma_wait3A_70 = arith.constant 0 : i32
          %dma_wait3A_71 = tpu.memref_slice %arg8[%dma_wait3A, %dma_wait3A_70] : memref<10112x128xf32, #tpu.memory_space<vmem_shared>> -> memref<10112x128xf32, #tpu.memory_space<vmem_shared>>
          tpu.wait_indirect_dma semaphore(%arg18 : memref<!tpu.dma_semaphore, #tpu.memory_space<semaphore_mem>>) src(%arg14 : memref<128x128xf32, #tpu.memory_space<vmem>>) dst(%dma_wait3A_71 : memref<10112x128xf32, #tpu.memory_space<vmem_shared>>)
        } else {
        }
        %lt3A_65 = arith.constant 1250 : i32
        %lt3A_66 = arith.cmpi slt, %add3A_59, %lt3A_65 : i32
        %convert_element_type3A_67 = arith.extui %lt3A_66 : i1 to i32
        %cond3A_68 = arith.constant 0 : i32
        %cond3A_69 = arith.cmpi ne, %convert_element_type3A_67, %cond3A_68 : i32
        scf.if %cond3A_69 {
          %mul3A_70 = arith.constant 128 : i32
          %mul3A_71 = arith.muli %add3A_59, %mul3A_70 : i32
          %dma_start3A = tpu.memref_slice %arg4[%mul3A_71] : memref<160000xi32, #tpu.memory_space<hbm>> -> memref<128xi32, #tpu.memory_space<hbm>>
          %dma_start3A_72 = tpu.memref_slice %arg4[%mul3A_71] : memref<160000xi32, #tpu.memory_space<hbm>> -> memref<128xi32, #tpu.memory_space<hbm>>
          tpu.enqueue_dma source(%dma_start3A_72 : memref<128xi32, #tpu.memory_space<hbm>>) target(%arg12 : memref<128xi32, #tpu.memory_space<vmem>>) target_semaphore(%arg21 : memref<!tpu.dma_semaphore, #tpu.memory_space<semaphore_mem>>)
          %dma_start3A_73 = tpu.memref_slice %arg5[%mul3A_71] : memref<160000xi32, #tpu.memory_space<hbm>> -> memref<128xi32, #tpu.memory_space<hbm>>
          %dma_start3A_74 = tpu.memref_slice %arg5[%mul3A_71] : memref<160000xi32, #tpu.memory_space<hbm>> -> memref<128xi32, #tpu.memory_space<hbm>>
          tpu.enqueue_dma source(%dma_start3A_74 : memref<128xi32, #tpu.memory_space<hbm>>) target(%arg13 : memref<128xi32, #tpu.memory_space<vmem>>) target_semaphore(%arg22 : memref<!tpu.dma_semaphore, #tpu.memory_space<semaphore_mem>>)
          %dma_wait3A = tpu.memref_slice %arg4[%mul3A_71] : memref<160000xi32, #tpu.memory_space<hbm>> -> memref<128xi32, #tpu.memory_space<hbm>>
          %dma_wait3A_75 = tpu.memref_slice %arg4[%mul3A_71] : memref<160000xi32, #tpu.memory_space<hbm>> -> memref<128xi32, #tpu.memory_space<hbm>>
          tpu.wait_dma2 semaphore(%arg21 : memref<!tpu.dma_semaphore, #tpu.memory_space<semaphore_mem>>) src(%dma_wait3A_75 : memref<128xi32, #tpu.memory_space<hbm>>) dst(%arg12 : memref<128xi32, #tpu.memory_space<vmem>>)
          %dma_wait3A_76 = tpu.memref_slice %arg5[%mul3A_71] : memref<160000xi32, #tpu.memory_space<hbm>> -> memref<128xi32, #tpu.memory_space<hbm>>
          %dma_wait3A_77 = tpu.memref_slice %arg5[%mul3A_71] : memref<160000xi32, #tpu.memory_space<hbm>> -> memref<128xi32, #tpu.memory_space<hbm>>
          tpu.wait_dma2 semaphore(%arg22 : memref<!tpu.dma_semaphore, #tpu.memory_space<semaphore_mem>>) src(%dma_wait3A_77 : memref<128xi32, #tpu.memory_space<hbm>>) dst(%arg13 : memref<128xi32, #tpu.memory_space<vmem>>)
          %dma_start3A_78 = arith.constant 0 : i32
          %dma_start3A_79 = arith.constant 0 : i32
          %dma_start3A_80 = tpu.memref_slice %arg2[%dma_start3A_78, %dma_start3A_79] : memref<10000x128xf32, #tpu.memory_space<hbm>> -> memref<10000x128xf32, #tpu.memory_space<hbm>>
          tpu.enqueue_indirect_dma source(%dma_start3A_80 : memref<10000x128xf32, #tpu.memory_space<hbm>>) target(%arg14 : memref<128x128xf32, #tpu.memory_space<vmem>>) offsets(%arg12 : memref<128xi32, #tpu.memory_space<vmem>>) semaphore(%arg16 : memref<!tpu.dma_semaphore, #tpu.memory_space<semaphore_mem>>)
          %dma_wait3A_81 = arith.constant 0 : i32
          %dma_wait3A_82 = arith.constant 0 : i32
          %dma_wait3A_83 = tpu.memref_slice %arg2[%dma_wait3A_81, %dma_wait3A_82] : memref<10000x128xf32, #tpu.memory_space<hbm>> -> memref<10000x128xf32, #tpu.memory_space<hbm>>
          tpu.wait_indirect_dma semaphore(%arg16 : memref<!tpu.dma_semaphore, #tpu.memory_space<semaphore_mem>>) src(%dma_wait3A_83 : memref<10000x128xf32, #tpu.memory_space<hbm>>) dst(%arg14 : memref<128x128xf32, #tpu.memory_space<vmem>>)
          %dma_start3A_84 = arith.constant 0 : i32
          %dma_start3A_85 = arith.constant 0 : i32
          %dma_start3A_86 = tpu.memref_slice %arg8[%dma_start3A_84, %dma_start3A_85] : memref<10112x128xf32, #tpu.memory_space<vmem_shared>> -> memref<10112x128xf32, #tpu.memory_space<vmem_shared>>
          tpu.enqueue_indirect_dma source(%arg14 : memref<128x128xf32, #tpu.memory_space<vmem>>) target(%dma_start3A_86 : memref<10112x128xf32, #tpu.memory_space<vmem_shared>>) offsets(%arg13 : memref<128xi32, #tpu.memory_space<vmem>>) semaphore(%arg18 : memref<!tpu.dma_semaphore, #tpu.memory_space<semaphore_mem>>) {add = true}
        } else {
        }
      }
      %scan3A_23 = arith.constant 40 : i32
      %add3A = arith.constant 1248 : i32
      %add3A_24 = arith.addi %arg1, %add3A : i32
      %lt3A = arith.constant 1250 : i32
      %lt3A_25 = arith.cmpi slt, %add3A_24, %lt3A : i32
      %convert_element_type3A_26 = arith.extui %lt3A_25 : i1 to i32
      %cond3A_27 = arith.constant 0 : i32
      %cond3A_28 = arith.cmpi ne, %convert_element_type3A_26, %cond3A_27 : i32
      scf.if %cond3A_28 {
        %dma_wait3A = arith.constant 0 : i32
        %dma_wait3A_36 = arith.constant 0 : i32
        %dma_wait3A_37 = tpu.memref_slice %arg8[%dma_wait3A, %dma_wait3A_36] : memref<10112x128xf32, #tpu.memory_space<vmem_shared>> -> memref<10112x128xf32, #tpu.memory_space<vmem_shared>>
        tpu.wait_indirect_dma semaphore(%arg17 : memref<!tpu.dma_semaphore, #tpu.memory_space<semaphore_mem>>) src(%arg11 : memref<128x128xf32, #tpu.memory_space<vmem>>) dst(%dma_wait3A_37 : memref<10112x128xf32, #tpu.memory_space<vmem_shared>>)
      } else {
      }
      %add3A_29 = arith.constant 1264 : i32
      %add3A_30 = arith.addi %arg1, %add3A_29 : i32
      %lt3A_31 = arith.constant 1250 : i32
      %lt3A_32 = arith.cmpi slt, %add3A_30, %lt3A_31 : i32
      %convert_element_type3A_33 = arith.extui %lt3A_32 : i1 to i32
      %cond3A_34 = arith.constant 0 : i32
      %cond3A_35 = arith.cmpi ne, %convert_element_type3A_33, %cond3A_34 : i32
      scf.if %cond3A_35 {
        %dma_wait3A = arith.constant 0 : i32
        %dma_wait3A_36 = arith.constant 0 : i32
        %dma_wait3A_37 = tpu.memref_slice %arg8[%dma_wait3A, %dma_wait3A_36] : memref<10112x128xf32, #tpu.memory_space<vmem_shared>> -> memref<10112x128xf32, #tpu.memory_space<vmem_shared>>
        tpu.wait_indirect_dma semaphore(%arg18 : memref<!tpu.dma_semaphore, #tpu.memory_space<semaphore_mem>>) src(%arg14 : memref<128x128xf32, #tpu.memory_space<vmem>>) dst(%dma_wait3A_37 : memref<10112x128xf32, #tpu.memory_space<vmem_shared>>)
      } else {
      }
    } else {
    }
    %eq3A_3 = arith.constant 1 : i32
    %eq3A_4 = arith.cmpi eq, %arg0, %eq3A_3 : i32
    %convert_element_type3A_5 = arith.extui %eq3A_4 : i1 to i32
    %cond3A_6 = arith.constant 0 : i32
    %cond3A_7 = arith.cmpi ne, %convert_element_type3A_5, %cond3A_6 : i32
    scf.if %cond3A_7 {
      %scan3A = arith.constant 0 : i32
      %scan3A_19 = arith.constant 0 : i32
      %scan3A_20 = arith.constant 40 : i32
      %scan3A_21 = arith.addi %scan3A_19, %scan3A_20 : i32
      %scan3A_22 = arith.constant 1 : i32
      scf.for %scan3A_36 = %scan3A_19 to %scan3A_21 step %scan3A_22  : i32 {
        %mul3A_37 = arith.constant 2 : i32
        %mul3A_38 = arith.muli %mul3A_37, %scan3A_36 : i32
        %add3A_39 = arith.constant 0 : i32
        %add3A_40 = arith.addi %mul3A_38, %add3A_39 : i32
        %mul3A_41 = arith.constant 16 : i32
        %mul3A_42 = arith.muli %mul3A_41, %add3A_40 : i32
        %add3A_43 = arith.addi %arg1, %mul3A_42 : i32
        %gt3A = arith.constant 0 : i32
        %gt3A_44 = arith.cmpi sgt, %scan3A_36, %gt3A : i32
        %convert_element_type3A_45 = arith.extui %gt3A_44 : i1 to i32
        %cond3A_46 = arith.constant 0 : i32
        %cond3A_47 = arith.cmpi ne, %convert_element_type3A_45, %cond3A_46 : i32
        scf.if %cond3A_47 {
          %dma_wait3A = arith.constant 0 : i32
          %dma_wait3A_70 = arith.constant 0 : i32
          %dma_wait3A_71 = tpu.memref_slice %arg8[%dma_wait3A, %dma_wait3A_70] : memref<10112x128xf32, #tpu.memory_space<vmem_shared>> -> memref<10112x128xf32, #tpu.memory_space<vmem_shared>>
          tpu.wait_indirect_dma semaphore(%arg17 : memref<!tpu.dma_semaphore, #tpu.memory_space<semaphore_mem>>) src(%arg11 : memref<128x128xf32, #tpu.memory_space<vmem>>) dst(%dma_wait3A_71 : memref<10112x128xf32, #tpu.memory_space<vmem_shared>>)
        } else {
        }
        %lt3A_48 = arith.constant 1250 : i32
        %lt3A_49 = arith.cmpi slt, %add3A_43, %lt3A_48 : i32
        %convert_element_type3A_50 = arith.extui %lt3A_49 : i1 to i32
        %cond3A_51 = arith.constant 0 : i32
        %cond3A_52 = arith.cmpi ne, %convert_element_type3A_50, %cond3A_51 : i32
        scf.if %cond3A_52 {
          %mul3A_70 = arith.constant 128 : i32
          %mul3A_71 = arith.muli %add3A_43, %mul3A_70 : i32
          %dma_start3A = tpu.memref_slice %arg4[%mul3A_71] : memref<160000xi32, #tpu.memory_space<hbm>> -> memref<128xi32, #tpu.memory_space<hbm>>
          %dma_start3A_72 = tpu.memref_slice %arg4[%mul3A_71] : memref<160000xi32, #tpu.memory_space<hbm>> -> memref<128xi32, #tpu.memory_space<hbm>>
          tpu.enqueue_dma source(%dma_start3A_72 : memref<128xi32, #tpu.memory_space<hbm>>) target(%arg9 : memref<128xi32, #tpu.memory_space<vmem>>) target_semaphore(%arg19 : memref<!tpu.dma_semaphore, #tpu.memory_space<semaphore_mem>>)
          %dma_start3A_73 = tpu.memref_slice %arg5[%mul3A_71] : memref<160000xi32, #tpu.memory_space<hbm>> -> memref<128xi32, #tpu.memory_space<hbm>>
          %dma_start3A_74 = tpu.memref_slice %arg5[%mul3A_71] : memref<160000xi32, #tpu.memory_space<hbm>> -> memref<128xi32, #tpu.memory_space<hbm>>
          tpu.enqueue_dma source(%dma_start3A_74 : memref<128xi32, #tpu.memory_space<hbm>>) target(%arg10 : memref<128xi32, #tpu.memory_space<vmem>>) target_semaphore(%arg20 : memref<!tpu.dma_semaphore, #tpu.memory_space<semaphore_mem>>)
          %dma_wait3A = tpu.memref_slice %arg4[%mul3A_71] : memref<160000xi32, #tpu.memory_space<hbm>> -> memref<128xi32, #tpu.memory_space<hbm>>
          %dma_wait3A_75 = tpu.memref_slice %arg4[%mul3A_71] : memref<160000xi32, #tpu.memory_space<hbm>> -> memref<128xi32, #tpu.memory_space<hbm>>
          tpu.wait_dma2 semaphore(%arg19 : memref<!tpu.dma_semaphore, #tpu.memory_space<semaphore_mem>>) src(%dma_wait3A_75 : memref<128xi32, #tpu.memory_space<hbm>>) dst(%arg9 : memref<128xi32, #tpu.memory_space<vmem>>)
          %dma_wait3A_76 = tpu.memref_slice %arg5[%mul3A_71] : memref<160000xi32, #tpu.memory_space<hbm>> -> memref<128xi32, #tpu.memory_space<hbm>>
          %dma_wait3A_77 = tpu.memref_slice %arg5[%mul3A_71] : memref<160000xi32, #tpu.memory_space<hbm>> -> memref<128xi32, #tpu.memory_space<hbm>>
          tpu.wait_dma2 semaphore(%arg20 : memref<!tpu.dma_semaphore, #tpu.memory_space<semaphore_mem>>) src(%dma_wait3A_77 : memref<128xi32, #tpu.memory_space<hbm>>) dst(%arg10 : memref<128xi32, #tpu.memory_space<vmem>>)
          %dma_start3A_78 = arith.constant 0 : i32
          %dma_start3A_79 = arith.constant 0 : i32
          %dma_start3A_80 = tpu.memref_slice %arg3[%dma_start3A_78, %dma_start3A_79] : memref<10000x128xf32, #tpu.memory_space<hbm>> -> memref<10000x128xf32, #tpu.memory_space<hbm>>
          tpu.enqueue_indirect_dma source(%dma_start3A_80 : memref<10000x128xf32, #tpu.memory_space<hbm>>) target(%arg11 : memref<128x128xf32, #tpu.memory_space<vmem>>) offsets(%arg9 : memref<128xi32, #tpu.memory_space<vmem>>) semaphore(%arg15 : memref<!tpu.dma_semaphore, #tpu.memory_space<semaphore_mem>>)
          %dma_wait3A_81 = arith.constant 0 : i32
          %dma_wait3A_82 = arith.constant 0 : i32
          %dma_wait3A_83 = tpu.memref_slice %arg3[%dma_wait3A_81, %dma_wait3A_82] : memref<10000x128xf32, #tpu.memory_space<hbm>> -> memref<10000x128xf32, #tpu.memory_space<hbm>>
          tpu.wait_indirect_dma semaphore(%arg15 : memref<!tpu.dma_semaphore, #tpu.memory_space<semaphore_mem>>) src(%dma_wait3A_83 : memref<10000x128xf32, #tpu.memory_space<hbm>>) dst(%arg11 : memref<128x128xf32, #tpu.memory_space<vmem>>)
          %dma_start3A_84 = arith.constant 0 : i32
          %dma_start3A_85 = arith.constant 0 : i32
          %dma_start3A_86 = tpu.memref_slice %arg8[%dma_start3A_84, %dma_start3A_85] : memref<10112x128xf32, #tpu.memory_space<vmem_shared>> -> memref<10112x128xf32, #tpu.memory_space<vmem_shared>>
          tpu.enqueue_indirect_dma source(%arg11 : memref<128x128xf32, #tpu.memory_space<vmem>>) target(%dma_start3A_86 : memref<10112x128xf32, #tpu.memory_space<vmem_shared>>) offsets(%arg10 : memref<128xi32, #tpu.memory_space<vmem>>) semaphore(%arg17 : memref<!tpu.dma_semaphore, #tpu.memory_space<semaphore_mem>>) {add = true}
        } else {
        }
        %mul3A_53 = arith.constant 2 : i32
        %mul3A_54 = arith.muli %mul3A_53, %scan3A_36 : i32
        %add3A_55 = arith.constant 1 : i32
        %add3A_56 = arith.addi %mul3A_54, %add3A_55 : i32
        %mul3A_57 = arith.constant 16 : i32
        %mul3A_58 = arith.muli %mul3A_57, %add3A_56 : i32
        %add3A_59 = arith.addi %arg1, %mul3A_58 : i32
        %gt3A_60 = arith.constant 0 : i32
        %gt3A_61 = arith.cmpi sgt, %scan3A_36, %gt3A_60 : i32
        %convert_element_type3A_62 = arith.extui %gt3A_61 : i1 to i32
        %cond3A_63 = arith.constant 0 : i32
        %cond3A_64 = arith.cmpi ne, %convert_element_type3A_62, %cond3A_63 : i32
        scf.if %cond3A_64 {
          %dma_wait3A = arith.constant 0 : i32
          %dma_wait3A_70 = arith.constant 0 : i32
          %dma_wait3A_71 = tpu.memref_slice %arg8[%dma_wait3A, %dma_wait3A_70] : memref<10112x128xf32, #tpu.memory_space<vmem_shared>> -> memref<10112x128xf32, #tpu.memory_space<vmem_shared>>
          tpu.wait_indirect_dma semaphore(%arg18 : memref<!tpu.dma_semaphore, #tpu.memory_space<semaphore_mem>>) src(%arg14 : memref<128x128xf32, #tpu.memory_space<vmem>>) dst(%dma_wait3A_71 : memref<10112x128xf32, #tpu.memory_space<vmem_shared>>)
        } else {
        }
        %lt3A_65 = arith.constant 1250 : i32
        %lt3A_66 = arith.cmpi slt, %add3A_59, %lt3A_65 : i32
        %convert_element_type3A_67 = arith.extui %lt3A_66 : i1 to i32
        %cond3A_68 = arith.constant 0 : i32
        %cond3A_69 = arith.cmpi ne, %convert_element_type3A_67, %cond3A_68 : i32
        scf.if %cond3A_69 {
          %mul3A_70 = arith.constant 128 : i32
          %mul3A_71 = arith.muli %add3A_59, %mul3A_70 : i32
          %dma_start3A = tpu.memref_slice %arg4[%mul3A_71] : memref<160000xi32, #tpu.memory_space<hbm>> -> memref<128xi32, #tpu.memory_space<hbm>>
          %dma_start3A_72 = tpu.memref_slice %arg4[%mul3A_71] : memref<160000xi32, #tpu.memory_space<hbm>> -> memref<128xi32, #tpu.memory_space<hbm>>
          tpu.enqueue_dma source(%dma_start3A_72 : memref<128xi32, #tpu.memory_space<hbm>>) target(%arg12 : memref<128xi32, #tpu.memory_space<vmem>>) target_semaphore(%arg21 : memref<!tpu.dma_semaphore, #tpu.memory_space<semaphore_mem>>)
          %dma_start3A_73 = tpu.memref_slice %arg5[%mul3A_71] : memref<160000xi32, #tpu.memory_space<hbm>> -> memref<128xi32, #tpu.memory_space<hbm>>
          %dma_start3A_74 = tpu.memref_slice %arg5[%mul3A_71] : memref<160000xi32, #tpu.memory_space<hbm>> -> memref<128xi32, #tpu.memory_space<hbm>>
          tpu.enqueue_dma source(%dma_start3A_74 : memref<128xi32, #tpu.memory_space<hbm>>) target(%arg13 : memref<128xi32, #tpu.memory_space<vmem>>) target_semaphore(%arg22 : memref<!tpu.dma_semaphore, #tpu.memory_space<semaphore_mem>>)
          %dma_wait3A = tpu.memref_slice %arg4[%mul3A_71] : memref<160000xi32, #tpu.memory_space<hbm>> -> memref<128xi32, #tpu.memory_space<hbm>>
          %dma_wait3A_75 = tpu.memref_slice %arg4[%mul3A_71] : memref<160000xi32, #tpu.memory_space<hbm>> -> memref<128xi32, #tpu.memory_space<hbm>>
          tpu.wait_dma2 semaphore(%arg21 : memref<!tpu.dma_semaphore, #tpu.memory_space<semaphore_mem>>) src(%dma_wait3A_75 : memref<128xi32, #tpu.memory_space<hbm>>) dst(%arg12 : memref<128xi32, #tpu.memory_space<vmem>>)
          %dma_wait3A_76 = tpu.memref_slice %arg5[%mul3A_71] : memref<160000xi32, #tpu.memory_space<hbm>> -> memref<128xi32, #tpu.memory_space<hbm>>
          %dma_wait3A_77 = tpu.memref_slice %arg5[%mul3A_71] : memref<160000xi32, #tpu.memory_space<hbm>> -> memref<128xi32, #tpu.memory_space<hbm>>
          tpu.wait_dma2 semaphore(%arg22 : memref<!tpu.dma_semaphore, #tpu.memory_space<semaphore_mem>>) src(%dma_wait3A_77 : memref<128xi32, #tpu.memory_space<hbm>>) dst(%arg13 : memref<128xi32, #tpu.memory_space<vmem>>)
          %dma_start3A_78 = arith.constant 0 : i32
          %dma_start3A_79 = arith.constant 0 : i32
          %dma_start3A_80 = tpu.memref_slice %arg3[%dma_start3A_78, %dma_start3A_79] : memref<10000x128xf32, #tpu.memory_space<hbm>> -> memref<10000x128xf32, #tpu.memory_space<hbm>>
          tpu.enqueue_indirect_dma source(%dma_start3A_80 : memref<10000x128xf32, #tpu.memory_space<hbm>>) target(%arg14 : memref<128x128xf32, #tpu.memory_space<vmem>>) offsets(%arg12 : memref<128xi32, #tpu.memory_space<vmem>>) semaphore(%arg16 : memref<!tpu.dma_semaphore, #tpu.memory_space<semaphore_mem>>)
          %dma_wait3A_81 = arith.constant 0 : i32
          %dma_wait3A_82 = arith.constant 0 : i32
          %dma_wait3A_83 = tpu.memref_slice %arg3[%dma_wait3A_81, %dma_wait3A_82] : memref<10000x128xf32, #tpu.memory_space<hbm>> -> memref<10000x128xf32, #tpu.memory_space<hbm>>
          tpu.wait_indirect_dma semaphore(%arg16 : memref<!tpu.dma_semaphore, #tpu.memory_space<semaphore_mem>>) src(%dma_wait3A_83 : memref<10000x128xf32, #tpu.memory_space<hbm>>) dst(%arg14 : memref<128x128xf32, #tpu.memory_space<vmem>>)
          %dma_start3A_84 = arith.constant 0 : i32
          %dma_start3A_85 = arith.constant 0 : i32
          %dma_start3A_86 = tpu.memref_slice %arg8[%dma_start3A_84, %dma_start3A_85] : memref<10112x128xf32, #tpu.memory_space<vmem_shared>> -> memref<10112x128xf32, #tpu.memory_space<vmem_shared>>
          tpu.enqueue_indirect_dma source(%arg14 : memref<128x128xf32, #tpu.memory_space<vmem>>) target(%dma_start3A_86 : memref<10112x128xf32, #tpu.memory_space<vmem_shared>>) offsets(%arg13 : memref<128xi32, #tpu.memory_space<vmem>>) semaphore(%arg18 : memref<!tpu.dma_semaphore, #tpu.memory_space<semaphore_mem>>) {add = true}
        } else {
        }
      }
      %scan3A_23 = arith.constant 40 : i32
      %add3A = arith.constant 1248 : i32
      %add3A_24 = arith.addi %arg1, %add3A : i32
      %lt3A = arith.constant 1250 : i32
      %lt3A_25 = arith.cmpi slt, %add3A_24, %lt3A : i32
      %convert_element_type3A_26 = arith.extui %lt3A_25 : i1 to i32
      %cond3A_27 = arith.constant 0 : i32
      %cond3A_28 = arith.cmpi ne, %convert_element_type3A_26, %cond3A_27 : i32
      scf.if %cond3A_28 {
        %dma_wait3A = arith.constant 0 : i32
        %dma_wait3A_36 = arith.constant 0 : i32
        %dma_wait3A_37 = tpu.memref_slice %arg8[%dma_wait3A, %dma_wait3A_36] : memref<10112x128xf32, #tpu.memory_space<vmem_shared>> -> memref<10112x128xf32, #tpu.memory_space<vmem_shared>>
        tpu.wait_indirect_dma semaphore(%arg17 : memref<!tpu.dma_semaphore, #tpu.memory_space<semaphore_mem>>) src(%arg11 : memref<128x128xf32, #tpu.memory_space<vmem>>) dst(%dma_wait3A_37 : memref<10112x128xf32, #tpu.memory_space<vmem_shared>>)
      } else {
      }
      %add3A_29 = arith.constant 1264 : i32
      %add3A_30 = arith.addi %arg1, %add3A_29 : i32
      %lt3A_31 = arith.constant 1250 : i32
      %lt3A_32 = arith.cmpi slt, %add3A_30, %lt3A_31 : i32
      %convert_element_type3A_33 = arith.extui %lt3A_32 : i1 to i32
      %cond3A_34 = arith.constant 0 : i32
      %cond3A_35 = arith.cmpi ne, %convert_element_type3A_33, %cond3A_34 : i32
      scf.if %cond3A_35 {
        %dma_wait3A = arith.constant 0 : i32
        %dma_wait3A_36 = arith.constant 0 : i32
        %dma_wait3A_37 = tpu.memref_slice %arg8[%dma_wait3A, %dma_wait3A_36] : memref<10112x128xf32, #tpu.memory_space<vmem_shared>> -> memref<10112x128xf32, #tpu.memory_space<vmem_shared>>
        tpu.wait_indirect_dma semaphore(%arg18 : memref<!tpu.dma_semaphore, #tpu.memory_space<semaphore_mem>>) src(%arg14 : memref<128x128xf32, #tpu.memory_space<vmem>>) dst(%dma_wait3A_37 : memref<10112x128xf32, #tpu.memory_space<vmem_shared>>)
      } else {
      }
    } else {
    }
    %barrier3A_8 = arith.constant 0 : index
    tpu.barrier barrier_id(%barrier3A_8)
    %eq3A_9 = arith.constant 0 : i32
    %eq3A_10 = arith.cmpi eq, %arg0, %eq3A_9 : i32
    %convert_element_type3A_11 = arith.extui %eq3A_10 : i1 to i32
    %cond3A_12 = arith.constant 0 : i32
    %cond3A_13 = arith.cmpi ne, %convert_element_type3A_11, %cond3A_12 : i32
    scf.if %cond3A_13 {
      %run_scoped3A = arith.constant 0 : i32
      "tpu.region"() ({
        %run_scoped3A_19 = tpu.sem_alloc : memref<!tpu.dma_semaphore, #tpu.memory_space<semaphore_mem>>
        %dma_start3A = arith.constant 0 : i32
        %dma_start3A_20 = tpu.memref_slice %arg7[%run_scoped3A, %mul3A_0, %dma_start3A] : memref<2x10112x128xf32, #tpu.memory_space<hbm>> -> memref<1x632x128xf32, #tpu.memory_space<hbm>>
        %dma_start3A_21 = tpu.memref_squeeze %dma_start3A_20 : memref<1x632x128xf32, #tpu.memory_space<hbm>> -> memref<632x128xf32, #tpu.memory_space<hbm>>
        %dma_start3A_22 = arith.constant 0 : i32
        %dma_start3A_23 = tpu.memref_slice %arg8[%mul3A_0, %dma_start3A_22] : memref<10112x128xf32, #tpu.memory_space<vmem_shared>> -> memref<632x128xf32, #tpu.memory_space<vmem_shared>>
        tpu.enqueue_dma source(%dma_start3A_23 : memref<632x128xf32, #tpu.memory_space<vmem_shared>>) target(%dma_start3A_21 : memref<632x128xf32, #tpu.memory_space<hbm>>) target_semaphore(%run_scoped3A_19 : memref<!tpu.dma_semaphore, #tpu.memory_space<semaphore_mem>>)
        %dma_wait3A = arith.constant 0 : i32
        %dma_wait3A_24 = tpu.memref_slice %arg7[%run_scoped3A, %mul3A_0, %dma_wait3A] : memref<2x10112x128xf32, #tpu.memory_space<hbm>> -> memref<1x632x128xf32, #tpu.memory_space<hbm>>
        %dma_wait3A_25 = tpu.memref_squeeze %dma_wait3A_24 : memref<1x632x128xf32, #tpu.memory_space<hbm>> -> memref<632x128xf32, #tpu.memory_space<hbm>>
        %dma_wait3A_26 = arith.constant 0 : i32
        %dma_wait3A_27 = tpu.memref_slice %arg8[%mul3A_0, %dma_wait3A_26] : memref<10112x128xf32, #tpu.memory_space<vmem_shared>> -> memref<632x128xf32, #tpu.memory_space<vmem_shared>>
        tpu.wait_dma2 semaphore(%run_scoped3A_19 : memref<!tpu.dma_semaphore, #tpu.memory_space<semaphore_mem>>) src(%dma_wait3A_27 : memref<632x128xf32, #tpu.memory_space<vmem_shared>>) dst(%dma_wait3A_25 : memref<632x128xf32, #tpu.memory_space<hbm>>)
        tpu.yield
      }) : () -> ()
    } else {
    }
    %eq3A_14 = arith.constant 1 : i32
    %eq3A_15 = arith.cmpi eq, %arg0, %eq3A_14 : i32
    %convert_element_type3A_16 = arith.extui %eq3A_15 : i1 to i32
    %cond3A_17 = arith.constant 0 : i32
    %cond3A_18 = arith.cmpi ne, %convert_element_type3A_16, %cond3A_17 : i32
    scf.if %cond3A_18 {
      %run_scoped3A = arith.constant 1 : i32
      "tpu.region"() ({
        %run_scoped3A_19 = tpu.sem_alloc : memref<!tpu.dma_semaphore, #tpu.memory_space<semaphore_mem>>
        %dma_start3A = arith.constant 0 : i32
        %dma_start3A_20 = tpu.memref_slice %arg7[%run_scoped3A, %mul3A_0, %dma_start3A] : memref<2x10112x128xf32, #tpu.memory_space<hbm>> -> memref<1x632x128xf32, #tpu.memory_space<hbm>>
        %dma_start3A_21 = tpu.memref_squeeze %dma_start3A_20 : memref<1x632x128xf32, #tpu.memory_space<hbm>> -> memref<632x128xf32, #tpu.memory_space<hbm>>
        %dma_start3A_22 = arith.constant 0 : i32
        %dma_start3A_23 = tpu.memref_slice %arg8[%mul3A_0, %dma_start3A_22] : memref<10112x128xf32, #tpu.memory_space<vmem_shared>> -> memref<632x128xf32, #tpu.memory_space<vmem_shared>>
        tpu.enqueue_dma source(%dma_start3A_23 : memref<632x128xf32, #tpu.memory_space<vmem_shared>>) target(%dma_start3A_21 : memref<632x128xf32, #tpu.memory_space<hbm>>) target_semaphore(%run_scoped3A_19 : memref<!tpu.dma_semaphore, #tpu.memory_space<semaphore_mem>>)
        %dma_wait3A = arith.constant 0 : i32
        %dma_wait3A_24 = tpu.memref_slice %arg7[%run_scoped3A, %mul3A_0, %dma_wait3A] : memref<2x10112x128xf32, #tpu.memory_space<hbm>> -> memref<1x632x128xf32, #tpu.memory_space<hbm>>
        %dma_wait3A_25 = tpu.memref_squeeze %dma_wait3A_24 : memref<1x632x128xf32, #tpu.memory_space<hbm>> -> memref<632x128xf32, #tpu.memory_space<hbm>>
        %dma_wait3A_26 = arith.constant 0 : i32
        %dma_wait3A_27 = tpu.memref_slice %arg8[%mul3A_0, %dma_wait3A_26] : memref<10112x128xf32, #tpu.memory_space<vmem_shared>> -> memref<632x128xf32, #tpu.memory_space<vmem_shared>>
        tpu.wait_dma2 semaphore(%run_scoped3A_19 : memref<!tpu.dma_semaphore, #tpu.memory_space<semaphore_mem>>) src(%dma_wait3A_27 : memref<632x128xf32, #tpu.memory_space<vmem_shared>>) dst(%dma_wait3A_25 : memref<632x128xf32, #tpu.memory_space<hbm>>)
        tpu.yield
      }) : () -> ()
    } else {
    }
    return
  }
}

#map = affine_map<(d0, d1) -> (0)>
#map1 = affine_map<(d0, d1) -> (0, 0)>
#map2 = affine_map<(d0, d1) -> (0, 0, 0)>
module attributes {stable_mosaic.version = 14 : i64} {
  func.func @body(%arg0: i32, %arg1: i32, %arg2: memref<160000xi32, #tpu.memory_space<hbm>>, %arg3: memref<128x128xf32, #tpu.memory_space<hbm>>, %arg4: memref<632x128xf32, #tpu.memory_space<hbm>>, %arg5: memref<2x10112x128xf32, #tpu.memory_space<hbm>>, %arg6: memref<10112x128xf32, #tpu.memory_space<vmem_shared>>, %arg7: memref<128x128xf32, #tpu.memory_space<vmem>>, %arg8: memref<128xi32, #tpu.memory_space<vmem>>, %arg9: memref<128xi32, #tpu.memory_space<vmem>>, %arg10: memref<!tpu.dma_semaphore, #tpu.memory_space<semaphore_mem>>, %arg11: memref<!tpu.dma_semaphore, #tpu.memory_space<semaphore_mem>>, %arg12: memref<!tpu.dma_semaphore, #tpu.memory_space<semaphore_mem>>, %arg13: memref<!tpu.dma_semaphore, #tpu.memory_space<semaphore_mem>>) attributes {dimension_semantics = [#tpu.dimension_semantics<core_parallel>, #tpu.dimension_semantics<subcore_parallel>], iteration_bounds = array<i64: 2, 16>, scalar_prefetch = 0 : i64, scratch_operands = 8 : i64, tpu.core_type = #tpu.core_type<sc_vector_subcore>, window_params = [{transform_indices = #map}, {transform_indices = #map1}, {transform_indices = #map1}, {transform_indices = #map2}]} {
    %mul3A = arith.constant 2 : i32
    %mul3A_0 = arith.muli %arg1, %mul3A : i32
    %add3A = arith.addi %mul3A_0, %arg0 : i32
    %mul3A_1 = arith.constant 632 : i32
    %mul3A_2 = arith.muli %arg1, %mul3A_1 : i32
    "tpu.region"() ({
      %run_scoped3A = tpu.sem_alloc : memref<!tpu.dma_semaphore, #tpu.memory_space<semaphore_mem>>
      %dma_start3A = arith.constant 0 : i32
      %dma_start3A_29 = tpu.memref_slice %arg6[%mul3A_2, %dma_start3A] : memref<10112x128xf32, #tpu.memory_space<vmem_shared>> -> memref<632x128xf32, #tpu.memory_space<vmem_shared>>
      tpu.enqueue_dma source(%arg4 : memref<632x128xf32, #tpu.memory_space<hbm>>) target(%dma_start3A_29 : memref<632x128xf32, #tpu.memory_space<vmem_shared>>) target_semaphore(%run_scoped3A : memref<!tpu.dma_semaphore, #tpu.memory_space<semaphore_mem>>)
      %dma_wait3A = arith.constant 0 : i32
      %dma_wait3A_30 = tpu.memref_slice %arg6[%mul3A_2, %dma_wait3A] : memref<10112x128xf32, #tpu.memory_space<vmem_shared>> -> memref<632x128xf32, #tpu.memory_space<vmem_shared>>
      tpu.wait_dma2 semaphore(%run_scoped3A : memref<!tpu.dma_semaphore, #tpu.memory_space<semaphore_mem>>) src(%arg4 : memref<632x128xf32, #tpu.memory_space<hbm>>) dst(%dma_wait3A_30 : memref<632x128xf32, #tpu.memory_space<vmem_shared>>)
      tpu.yield
    }) : () -> ()
    "tpu.region"() ({
      %run_scoped3A = tpu.sem_alloc : memref<!tpu.dma_semaphore, #tpu.memory_space<semaphore_mem>>
      tpu.enqueue_dma source(%arg3 : memref<128x128xf32, #tpu.memory_space<hbm>>) target(%arg7 : memref<128x128xf32, #tpu.memory_space<vmem>>) target_semaphore(%run_scoped3A : memref<!tpu.dma_semaphore, #tpu.memory_space<semaphore_mem>>)
      tpu.wait_dma2 semaphore(%run_scoped3A : memref<!tpu.dma_semaphore, #tpu.memory_space<semaphore_mem>>) src(%arg3 : memref<128x128xf32, #tpu.memory_space<hbm>>) dst(%arg7 : memref<128x128xf32, #tpu.memory_space<vmem>>)
      tpu.yield
    }) : () -> ()
    %barrier3A = arith.constant 0 : index
    tpu.barrier barrier_id(%barrier3A)
    %scan3A = arith.constant 0 : i32
    %scan3A_3 = arith.constant 0 : i32
    %scan3A_4 = arith.constant 20 : i32
    %scan3A_5 = arith.addi %scan3A_3, %scan3A_4 : i32
    %scan3A_6 = arith.constant 1 : i32
    scf.for %scan3A_29 = %scan3A_3 to %scan3A_5 step %scan3A_6  : i32 {
      %mul3A_30 = arith.constant 2 : i32
      %mul3A_31 = arith.muli %mul3A_30, %scan3A_29 : i32
      %add3A_32 = arith.constant 0 : i32
      %add3A_33 = arith.addi %mul3A_31, %add3A_32 : i32
      %mul3A_34 = arith.constant 32 : i32
      %mul3A_35 = arith.muli %mul3A_34, %add3A_33 : i32
      %add3A_36 = arith.addi %add3A, %mul3A_35 : i32
      %gt3A = arith.constant 0 : i32
      %gt3A_37 = arith.cmpi sgt, %scan3A_29, %gt3A : i32
      %convert_element_type3A_38 = arith.extui %gt3A_37 : i1 to i32
      %cond3A_39 = arith.constant 0 : i32
      %cond3A_40 = arith.cmpi ne, %convert_element_type3A_38, %cond3A_39 : i32
      scf.if %cond3A_40 {
        %dma_wait3A = arith.constant 0 : i32
        %dma_wait3A_63 = arith.constant 0 : i32
        %dma_wait3A_64 = tpu.memref_slice %arg6[%dma_wait3A, %dma_wait3A_63] : memref<10112x128xf32, #tpu.memory_space<vmem_shared>> -> memref<10112x128xf32, #tpu.memory_space<vmem_shared>>
        tpu.wait_indirect_dma semaphore(%arg10 : memref<!tpu.dma_semaphore, #tpu.memory_space<semaphore_mem>>) src(%arg7 : memref<128x128xf32, #tpu.memory_space<vmem>>) dst(%dma_wait3A_64 : memref<10112x128xf32, #tpu.memory_space<vmem_shared>>)
      } else {
      }
      %lt3A_41 = arith.constant 1250 : i32
      %lt3A_42 = arith.cmpi slt, %add3A_36, %lt3A_41 : i32
      %convert_element_type3A_43 = arith.extui %lt3A_42 : i1 to i32
      %cond3A_44 = arith.constant 0 : i32
      %cond3A_45 = arith.cmpi ne, %convert_element_type3A_43, %cond3A_44 : i32
      scf.if %cond3A_45 {
        %mul3A_63 = arith.constant 128 : i32
        %mul3A_64 = arith.muli %add3A_36, %mul3A_63 : i32
        %dma_start3A = tpu.memref_slice %arg2[%mul3A_64] : memref<160000xi32, #tpu.memory_space<hbm>> -> memref<128xi32, #tpu.memory_space<hbm>>
        %dma_start3A_65 = tpu.memref_slice %arg2[%mul3A_64] : memref<160000xi32, #tpu.memory_space<hbm>> -> memref<128xi32, #tpu.memory_space<hbm>>
        tpu.enqueue_dma source(%dma_start3A_65 : memref<128xi32, #tpu.memory_space<hbm>>) target(%arg8 : memref<128xi32, #tpu.memory_space<vmem>>) target_semaphore(%arg12 : memref<!tpu.dma_semaphore, #tpu.memory_space<semaphore_mem>>)
        %dma_wait3A = tpu.memref_slice %arg2[%mul3A_64] : memref<160000xi32, #tpu.memory_space<hbm>> -> memref<128xi32, #tpu.memory_space<hbm>>
        %dma_wait3A_66 = tpu.memref_slice %arg2[%mul3A_64] : memref<160000xi32, #tpu.memory_space<hbm>> -> memref<128xi32, #tpu.memory_space<hbm>>
        tpu.wait_dma2 semaphore(%arg12 : memref<!tpu.dma_semaphore, #tpu.memory_space<semaphore_mem>>) src(%dma_wait3A_66 : memref<128xi32, #tpu.memory_space<hbm>>) dst(%arg8 : memref<128xi32, #tpu.memory_space<vmem>>)
        %dma_start3A_67 = arith.constant 0 : i32
        %dma_start3A_68 = arith.constant 0 : i32
        %dma_start3A_69 = tpu.memref_slice %arg6[%dma_start3A_67, %dma_start3A_68] : memref<10112x128xf32, #tpu.memory_space<vmem_shared>> -> memref<10112x128xf32, #tpu.memory_space<vmem_shared>>
        tpu.enqueue_indirect_dma source(%arg7 : memref<128x128xf32, #tpu.memory_space<vmem>>) target(%dma_start3A_69 : memref<10112x128xf32, #tpu.memory_space<vmem_shared>>) offsets(%arg8 : memref<128xi32, #tpu.memory_space<vmem>>) semaphore(%arg10 : memref<!tpu.dma_semaphore, #tpu.memory_space<semaphore_mem>>) {add = true}
      } else {
      }
      %mul3A_46 = arith.constant 2 : i32
      %mul3A_47 = arith.muli %mul3A_46, %scan3A_29 : i32
      %add3A_48 = arith.constant 1 : i32
      %add3A_49 = arith.addi %mul3A_47, %add3A_48 : i32
      %mul3A_50 = arith.constant 32 : i32
      %mul3A_51 = arith.muli %mul3A_50, %add3A_49 : i32
      %add3A_52 = arith.addi %add3A, %mul3A_51 : i32
      %gt3A_53 = arith.constant 0 : i32
      %gt3A_54 = arith.cmpi sgt, %scan3A_29, %gt3A_53 : i32
      %convert_element_type3A_55 = arith.extui %gt3A_54 : i1 to i32
      %cond3A_56 = arith.constant 0 : i32
      %cond3A_57 = arith.cmpi ne, %convert_element_type3A_55, %cond3A_56 : i32
      scf.if %cond3A_57 {
        %dma_wait3A = arith.constant 0 : i32
        %dma_wait3A_63 = arith.constant 0 : i32
        %dma_wait3A_64 = tpu.memref_slice %arg6[%dma_wait3A, %dma_wait3A_63] : memref<10112x128xf32, #tpu.memory_space<vmem_shared>> -> memref<10112x128xf32, #tpu.memory_space<vmem_shared>>
        tpu.wait_indirect_dma semaphore(%arg11 : memref<!tpu.dma_semaphore, #tpu.memory_space<semaphore_mem>>) src(%arg7 : memref<128x128xf32, #tpu.memory_space<vmem>>) dst(%dma_wait3A_64 : memref<10112x128xf32, #tpu.memory_space<vmem_shared>>)
      } else {
      }
      %lt3A_58 = arith.constant 1250 : i32
      %lt3A_59 = arith.cmpi slt, %add3A_52, %lt3A_58 : i32
      %convert_element_type3A_60 = arith.extui %lt3A_59 : i1 to i32
      %cond3A_61 = arith.constant 0 : i32
      %cond3A_62 = arith.cmpi ne, %convert_element_type3A_60, %cond3A_61 : i32
      scf.if %cond3A_62 {
        %mul3A_63 = arith.constant 128 : i32
        %mul3A_64 = arith.muli %add3A_52, %mul3A_63 : i32
        %dma_start3A = tpu.memref_slice %arg2[%mul3A_64] : memref<160000xi32, #tpu.memory_space<hbm>> -> memref<128xi32, #tpu.memory_space<hbm>>
        %dma_start3A_65 = tpu.memref_slice %arg2[%mul3A_64] : memref<160000xi32, #tpu.memory_space<hbm>> -> memref<128xi32, #tpu.memory_space<hbm>>
        tpu.enqueue_dma source(%dma_start3A_65 : memref<128xi32, #tpu.memory_space<hbm>>) target(%arg9 : memref<128xi32, #tpu.memory_space<vmem>>) target_semaphore(%arg13 : memref<!tpu.dma_semaphore, #tpu.memory_space<semaphore_mem>>)
        %dma_wait3A = tpu.memref_slice %arg2[%mul3A_64] : memref<160000xi32, #tpu.memory_space<hbm>> -> memref<128xi32, #tpu.memory_space<hbm>>
        %dma_wait3A_66 = tpu.memref_slice %arg2[%mul3A_64] : memref<160000xi32, #tpu.memory_space<hbm>> -> memref<128xi32, #tpu.memory_space<hbm>>
        tpu.wait_dma2 semaphore(%arg13 : memref<!tpu.dma_semaphore, #tpu.memory_space<semaphore_mem>>) src(%dma_wait3A_66 : memref<128xi32, #tpu.memory_space<hbm>>) dst(%arg9 : memref<128xi32, #tpu.memory_space<vmem>>)
        %dma_start3A_67 = arith.constant 0 : i32
        %dma_start3A_68 = arith.constant 0 : i32
        %dma_start3A_69 = tpu.memref_slice %arg6[%dma_start3A_67, %dma_start3A_68] : memref<10112x128xf32, #tpu.memory_space<vmem_shared>> -> memref<10112x128xf32, #tpu.memory_space<vmem_shared>>
        tpu.enqueue_indirect_dma source(%arg7 : memref<128x128xf32, #tpu.memory_space<vmem>>) target(%dma_start3A_69 : memref<10112x128xf32, #tpu.memory_space<vmem_shared>>) offsets(%arg9 : memref<128xi32, #tpu.memory_space<vmem>>) semaphore(%arg11 : memref<!tpu.dma_semaphore, #tpu.memory_space<semaphore_mem>>) {add = true}
      } else {
      }
    }
    %scan3A_7 = arith.constant 20 : i32
    %add3A_8 = arith.constant 1216 : i32
    %add3A_9 = arith.addi %add3A, %add3A_8 : i32
    %lt3A = arith.constant 1250 : i32
    %lt3A_10 = arith.cmpi slt, %add3A_9, %lt3A : i32
    %convert_element_type3A = arith.extui %lt3A_10 : i1 to i32
    %cond3A = arith.constant 0 : i32
    %cond3A_11 = arith.cmpi ne, %convert_element_type3A, %cond3A : i32
    scf.if %cond3A_11 {
      %dma_wait3A = arith.constant 0 : i32
      %dma_wait3A_29 = arith.constant 0 : i32
      %dma_wait3A_30 = tpu.memref_slice %arg6[%dma_wait3A, %dma_wait3A_29] : memref<10112x128xf32, #tpu.memory_space<vmem_shared>> -> memref<10112x128xf32, #tpu.memory_space<vmem_shared>>
      tpu.wait_indirect_dma semaphore(%arg10 : memref<!tpu.dma_semaphore, #tpu.memory_space<semaphore_mem>>) src(%arg7 : memref<128x128xf32, #tpu.memory_space<vmem>>) dst(%dma_wait3A_30 : memref<10112x128xf32, #tpu.memory_space<vmem_shared>>)
    } else {
    }
    %add3A_12 = arith.constant 1248 : i32
    %add3A_13 = arith.addi %add3A, %add3A_12 : i32
    %lt3A_14 = arith.constant 1250 : i32
    %lt3A_15 = arith.cmpi slt, %add3A_13, %lt3A_14 : i32
    %convert_element_type3A_16 = arith.extui %lt3A_15 : i1 to i32
    %cond3A_17 = arith.constant 0 : i32
    %cond3A_18 = arith.cmpi ne, %convert_element_type3A_16, %cond3A_17 : i32
    scf.if %cond3A_18 {
      %dma_wait3A = arith.constant 0 : i32
      %dma_wait3A_29 = arith.constant 0 : i32
      %dma_wait3A_30 = tpu.memref_slice %arg6[%dma_wait3A, %dma_wait3A_29] : memref<10112x128xf32, #tpu.memory_space<vmem_shared>> -> memref<10112x128xf32, #tpu.memory_space<vmem_shared>>
      tpu.wait_indirect_dma semaphore(%arg11 : memref<!tpu.dma_semaphore, #tpu.memory_space<semaphore_mem>>) src(%arg7 : memref<128x128xf32, #tpu.memory_space<vmem>>) dst(%dma_wait3A_30 : memref<10112x128xf32, #tpu.memory_space<vmem_shared>>)
    } else {
    }
    %barrier3A_19 = arith.constant 0 : index
    tpu.barrier barrier_id(%barrier3A_19)
    %eq3A = arith.constant 0 : i32
    %eq3A_20 = arith.cmpi eq, %arg0, %eq3A : i32
    %convert_element_type3A_21 = arith.extui %eq3A_20 : i1 to i32
    %cond3A_22 = arith.constant 0 : i32
    %cond3A_23 = arith.cmpi ne, %convert_element_type3A_21, %cond3A_22 : i32
    scf.if %cond3A_23 {
      %run_scoped3A = arith.constant 0 : i32
      "tpu.region"() ({
        %run_scoped3A_29 = tpu.sem_alloc : memref<!tpu.dma_semaphore, #tpu.memory_space<semaphore_mem>>
        %dma_start3A = arith.constant 0 : i32
        %dma_start3A_30 = tpu.memref_slice %arg5[%run_scoped3A, %mul3A_2, %dma_start3A] : memref<2x10112x128xf32, #tpu.memory_space<hbm>> -> memref<1x632x128xf32, #tpu.memory_space<hbm>>
        %dma_start3A_31 = tpu.memref_squeeze %dma_start3A_30 : memref<1x632x128xf32, #tpu.memory_space<hbm>> -> memref<632x128xf32, #tpu.memory_space<hbm>>
        %dma_start3A_32 = arith.constant 0 : i32
        %dma_start3A_33 = tpu.memref_slice %arg6[%mul3A_2, %dma_start3A_32] : memref<10112x128xf32, #tpu.memory_space<vmem_shared>> -> memref<632x128xf32, #tpu.memory_space<vmem_shared>>
        tpu.enqueue_dma source(%dma_start3A_33 : memref<632x128xf32, #tpu.memory_space<vmem_shared>>) target(%dma_start3A_31 : memref<632x128xf32, #tpu.memory_space<hbm>>) target_semaphore(%run_scoped3A_29 : memref<!tpu.dma_semaphore, #tpu.memory_space<semaphore_mem>>)
        %dma_wait3A = arith.constant 0 : i32
        %dma_wait3A_34 = tpu.memref_slice %arg5[%run_scoped3A, %mul3A_2, %dma_wait3A] : memref<2x10112x128xf32, #tpu.memory_space<hbm>> -> memref<1x632x128xf32, #tpu.memory_space<hbm>>
        %dma_wait3A_35 = tpu.memref_squeeze %dma_wait3A_34 : memref<1x632x128xf32, #tpu.memory_space<hbm>> -> memref<632x128xf32, #tpu.memory_space<hbm>>
        %dma_wait3A_36 = arith.constant 0 : i32
        %dma_wait3A_37 = tpu.memref_slice %arg6[%mul3A_2, %dma_wait3A_36] : memref<10112x128xf32, #tpu.memory_space<vmem_shared>> -> memref<632x128xf32, #tpu.memory_space<vmem_shared>>
        tpu.wait_dma2 semaphore(%run_scoped3A_29 : memref<!tpu.dma_semaphore, #tpu.memory_space<semaphore_mem>>) src(%dma_wait3A_37 : memref<632x128xf32, #tpu.memory_space<vmem_shared>>) dst(%dma_wait3A_35 : memref<632x128xf32, #tpu.memory_space<hbm>>)
        tpu.yield
      }) : () -> ()
    } else {
    }
    %eq3A_24 = arith.constant 1 : i32
    %eq3A_25 = arith.cmpi eq, %arg0, %eq3A_24 : i32
    %convert_element_type3A_26 = arith.extui %eq3A_25 : i1 to i32
    %cond3A_27 = arith.constant 0 : i32
    %cond3A_28 = arith.cmpi ne, %convert_element_type3A_26, %cond3A_27 : i32
    scf.if %cond3A_28 {
      %run_scoped3A = arith.constant 1 : i32
      "tpu.region"() ({
        %run_scoped3A_29 = tpu.sem_alloc : memref<!tpu.dma_semaphore, #tpu.memory_space<semaphore_mem>>
        %dma_start3A = arith.constant 0 : i32
        %dma_start3A_30 = tpu.memref_slice %arg5[%run_scoped3A, %mul3A_2, %dma_start3A] : memref<2x10112x128xf32, #tpu.memory_space<hbm>> -> memref<1x632x128xf32, #tpu.memory_space<hbm>>
        %dma_start3A_31 = tpu.memref_squeeze %dma_start3A_30 : memref<1x632x128xf32, #tpu.memory_space<hbm>> -> memref<632x128xf32, #tpu.memory_space<hbm>>
        %dma_start3A_32 = arith.constant 0 : i32
        %dma_start3A_33 = tpu.memref_slice %arg6[%mul3A_2, %dma_start3A_32] : memref<10112x128xf32, #tpu.memory_space<vmem_shared>> -> memref<632x128xf32, #tpu.memory_space<vmem_shared>>
        tpu.enqueue_dma source(%dma_start3A_33 : memref<632x128xf32, #tpu.memory_space<vmem_shared>>) target(%dma_start3A_31 : memref<632x128xf32, #tpu.memory_space<hbm>>) target_semaphore(%run_scoped3A_29 : memref<!tpu.dma_semaphore, #tpu.memory_space<semaphore_mem>>)
        %dma_wait3A = arith.constant 0 : i32
        %dma_wait3A_34 = tpu.memref_slice %arg5[%run_scoped3A, %mul3A_2, %dma_wait3A] : memref<2x10112x128xf32, #tpu.memory_space<hbm>> -> memref<1x632x128xf32, #tpu.memory_space<hbm>>
        %dma_wait3A_35 = tpu.memref_squeeze %dma_wait3A_34 : memref<1x632x128xf32, #tpu.memory_space<hbm>> -> memref<632x128xf32, #tpu.memory_space<hbm>>
        %dma_wait3A_36 = arith.constant 0 : i32
        %dma_wait3A_37 = tpu.memref_slice %arg6[%mul3A_2, %dma_wait3A_36] : memref<10112x128xf32, #tpu.memory_space<vmem_shared>> -> memref<632x128xf32, #tpu.memory_space<vmem_shared>>
        tpu.wait_dma2 semaphore(%run_scoped3A_29 : memref<!tpu.dma_semaphore, #tpu.memory_space<semaphore_mem>>) src(%dma_wait3A_37 : memref<632x128xf32, #tpu.memory_space<vmem_shared>>) dst(%dma_wait3A_35 : memref<632x128xf32, #tpu.memory_space<hbm>>)
        tpu.yield
      }) : () -> ()
    } else {
    }
    return
  }
}

#map = affine_map<(d0, d1) -> (0, 0)>
#map1 = affine_map<(d0, d1) -> (0)>
#map2 = affine_map<(d0, d1) -> (0, 0, 0)>
module attributes {stable_mosaic.version = 14 : i64} {
  func.func @body(%arg0: i32, %arg1: i32, %arg2: memref<10000x128xf32, #tpu.memory_space<hbm>>, %arg3: memref<10000x128xf32, #tpu.memory_space<hbm>>, %arg4: memref<160000xi32, #tpu.memory_space<hbm>>, %arg5: memref<160000xi32, #tpu.memory_space<hbm>>, %arg6: memref<632x128xf32, #tpu.memory_space<hbm>>, %arg7: memref<2x10112x128xf32, #tpu.memory_space<hbm>>, %arg8: memref<10112x128xf32, #tpu.memory_space<vmem_shared>>, %arg9: memref<128xi32, #tpu.memory_space<vmem>>, %arg10: memref<128xi32, #tpu.memory_space<vmem>>, %arg11: memref<128x128xf32, #tpu.memory_space<vmem>>, %arg12: memref<128xi32, #tpu.memory_space<vmem>>, %arg13: memref<128xi32, #tpu.memory_space<vmem>>, %arg14: memref<128x128xf32, #tpu.memory_space<vmem>>, %arg15: memref<!tpu.dma_semaphore, #tpu.memory_space<semaphore_mem>>, %arg16: memref<!tpu.dma_semaphore, #tpu.memory_space<semaphore_mem>>, %arg17: memref<!tpu.dma_semaphore, #tpu.memory_space<semaphore_mem>>, %arg18: memref<!tpu.dma_semaphore, #tpu.memory_space<semaphore_mem>>, %arg19: memref<!tpu.dma_semaphore, #tpu.memory_space<semaphore_mem>>, %arg20: memref<!tpu.dma_semaphore, #tpu.memory_space<semaphore_mem>>, %arg21: memref<!tpu.dma_semaphore, #tpu.memory_space<semaphore_mem>>, %arg22: memref<!tpu.dma_semaphore, #tpu.memory_space<semaphore_mem>>) attributes {dimension_semantics = [#tpu.dimension_semantics<core_parallel>, #tpu.dimension_semantics<subcore_parallel>], iteration_bounds = array<i64: 2, 16>, scalar_prefetch = 0 : i64, scratch_operands = 15 : i64, tpu.core_type = #tpu.core_type<sc_vector_subcore>, window_params = [{transform_indices = #map}, {transform_indices = #map}, {transform_indices = #map1}, {transform_indices = #map1}, {transform_indices = #map}, {transform_indices = #map2}]} {
    %mul3A = arith.constant 632 : i32
    %mul3A_0 = arith.muli %arg1, %mul3A : i32
    "tpu.region"() ({
      %run_scoped3A = tpu.sem_alloc : memref<!tpu.dma_semaphore, #tpu.memory_space<semaphore_mem>>
      %dma_start3A = arith.constant 0 : i32
      %dma_start3A_19 = tpu.memref_slice %arg8[%mul3A_0, %dma_start3A] : memref<10112x128xf32, #tpu.memory_space<vmem_shared>> -> memref<632x128xf32, #tpu.memory_space<vmem_shared>>
      tpu.enqueue_dma source(%arg6 : memref<632x128xf32, #tpu.memory_space<hbm>>) target(%dma_start3A_19 : memref<632x128xf32, #tpu.memory_space<vmem_shared>>) target_semaphore(%run_scoped3A : memref<!tpu.dma_semaphore, #tpu.memory_space<semaphore_mem>>)
      %dma_wait3A = arith.constant 0 : i32
      %dma_wait3A_20 = tpu.memref_slice %arg8[%mul3A_0, %dma_wait3A] : memref<10112x128xf32, #tpu.memory_space<vmem_shared>> -> memref<632x128xf32, #tpu.memory_space<vmem_shared>>
      tpu.wait_dma2 semaphore(%run_scoped3A : memref<!tpu.dma_semaphore, #tpu.memory_space<semaphore_mem>>) src(%arg6 : memref<632x128xf32, #tpu.memory_space<hbm>>) dst(%dma_wait3A_20 : memref<632x128xf32, #tpu.memory_space<vmem_shared>>)
      tpu.yield
    }) : () -> ()
    %barrier3A = arith.constant 0 : index
    tpu.barrier barrier_id(%barrier3A)
    %eq3A = arith.constant 0 : i32
    %eq3A_1 = arith.cmpi eq, %arg0, %eq3A : i32
    %convert_element_type3A = arith.extui %eq3A_1 : i1 to i32
    %cond3A = arith.constant 0 : i32
    %cond3A_2 = arith.cmpi ne, %convert_element_type3A, %cond3A : i32
    scf.if %cond3A_2 {
      %scan3A = arith.constant 0 : i32
      %scan3A_19 = arith.constant 0 : i32
      %scan3A_20 = arith.constant 40 : i32
      %scan3A_21 = arith.addi %scan3A_19, %scan3A_20 : i32
      %scan3A_22 = arith.constant 1 : i32
      scf.for %scan3A_36 = %scan3A_19 to %scan3A_21 step %scan3A_22  : i32 {
        %mul3A_37 = arith.constant 2 : i32
        %mul3A_38 = arith.muli %mul3A_37, %scan3A_36 : i32
        %add3A_39 = arith.constant 0 : i32
        %add3A_40 = arith.addi %mul3A_38, %add3A_39 : i32
        %mul3A_41 = arith.constant 16 : i32
        %mul3A_42 = arith.muli %mul3A_41, %add3A_40 : i32
        %add3A_43 = arith.addi %arg1, %mul3A_42 : i32
        %gt3A = arith.constant 0 : i32
        %gt3A_44 = arith.cmpi sgt, %scan3A_36, %gt3A : i32
        %convert_element_type3A_45 = arith.extui %gt3A_44 : i1 to i32
        %cond3A_46 = arith.constant 0 : i32
        %cond3A_47 = arith.cmpi ne, %convert_element_type3A_45, %cond3A_46 : i32
        scf.if %cond3A_47 {
          %dma_wait3A = arith.constant 0 : i32
          %dma_wait3A_70 = arith.constant 0 : i32
          %dma_wait3A_71 = tpu.memref_slice %arg8[%dma_wait3A, %dma_wait3A_70] : memref<10112x128xf32, #tpu.memory_space<vmem_shared>> -> memref<10112x128xf32, #tpu.memory_space<vmem_shared>>
          tpu.wait_indirect_dma semaphore(%arg17 : memref<!tpu.dma_semaphore, #tpu.memory_space<semaphore_mem>>) src(%arg11 : memref<128x128xf32, #tpu.memory_space<vmem>>) dst(%dma_wait3A_71 : memref<10112x128xf32, #tpu.memory_space<vmem_shared>>)
        } else {
        }
        %lt3A_48 = arith.constant 1250 : i32
        %lt3A_49 = arith.cmpi slt, %add3A_43, %lt3A_48 : i32
        %convert_element_type3A_50 = arith.extui %lt3A_49 : i1 to i32
        %cond3A_51 = arith.constant 0 : i32
        %cond3A_52 = arith.cmpi ne, %convert_element_type3A_50, %cond3A_51 : i32
        scf.if %cond3A_52 {
          %mul3A_70 = arith.constant 128 : i32
          %mul3A_71 = arith.muli %add3A_43, %mul3A_70 : i32
          %dma_start3A = tpu.memref_slice %arg4[%mul3A_71] : memref<160000xi32, #tpu.memory_space<hbm>> -> memref<128xi32, #tpu.memory_space<hbm>>
          %dma_start3A_72 = tpu.memref_slice %arg4[%mul3A_71] : memref<160000xi32, #tpu.memory_space<hbm>> -> memref<128xi32, #tpu.memory_space<hbm>>
          tpu.enqueue_dma source(%dma_start3A_72 : memref<128xi32, #tpu.memory_space<hbm>>) target(%arg9 : memref<128xi32, #tpu.memory_space<vmem>>) target_semaphore(%arg19 : memref<!tpu.dma_semaphore, #tpu.memory_space<semaphore_mem>>)
          %dma_start3A_73 = tpu.memref_slice %arg5[%mul3A_71] : memref<160000xi32, #tpu.memory_space<hbm>> -> memref<128xi32, #tpu.memory_space<hbm>>
          %dma_start3A_74 = tpu.memref_slice %arg5[%mul3A_71] : memref<160000xi32, #tpu.memory_space<hbm>> -> memref<128xi32, #tpu.memory_space<hbm>>
          tpu.enqueue_dma source(%dma_start3A_74 : memref<128xi32, #tpu.memory_space<hbm>>) target(%arg10 : memref<128xi32, #tpu.memory_space<vmem>>) target_semaphore(%arg20 : memref<!tpu.dma_semaphore, #tpu.memory_space<semaphore_mem>>)
          %dma_wait3A = tpu.memref_slice %arg4[%mul3A_71] : memref<160000xi32, #tpu.memory_space<hbm>> -> memref<128xi32, #tpu.memory_space<hbm>>
          %dma_wait3A_75 = tpu.memref_slice %arg4[%mul3A_71] : memref<160000xi32, #tpu.memory_space<hbm>> -> memref<128xi32, #tpu.memory_space<hbm>>
          tpu.wait_dma2 semaphore(%arg19 : memref<!tpu.dma_semaphore, #tpu.memory_space<semaphore_mem>>) src(%dma_wait3A_75 : memref<128xi32, #tpu.memory_space<hbm>>) dst(%arg9 : memref<128xi32, #tpu.memory_space<vmem>>)
          %dma_wait3A_76 = tpu.memref_slice %arg5[%mul3A_71] : memref<160000xi32, #tpu.memory_space<hbm>> -> memref<128xi32, #tpu.memory_space<hbm>>
          %dma_wait3A_77 = tpu.memref_slice %arg5[%mul3A_71] : memref<160000xi32, #tpu.memory_space<hbm>> -> memref<128xi32, #tpu.memory_space<hbm>>
          tpu.wait_dma2 semaphore(%arg20 : memref<!tpu.dma_semaphore, #tpu.memory_space<semaphore_mem>>) src(%dma_wait3A_77 : memref<128xi32, #tpu.memory_space<hbm>>) dst(%arg10 : memref<128xi32, #tpu.memory_space<vmem>>)
          %dma_start3A_78 = arith.constant 0 : i32
          %dma_start3A_79 = arith.constant 0 : i32
          %dma_start3A_80 = tpu.memref_slice %arg2[%dma_start3A_78, %dma_start3A_79] : memref<10000x128xf32, #tpu.memory_space<hbm>> -> memref<10000x128xf32, #tpu.memory_space<hbm>>
          tpu.enqueue_indirect_dma source(%dma_start3A_80 : memref<10000x128xf32, #tpu.memory_space<hbm>>) target(%arg11 : memref<128x128xf32, #tpu.memory_space<vmem>>) offsets(%arg9 : memref<128xi32, #tpu.memory_space<vmem>>) semaphore(%arg15 : memref<!tpu.dma_semaphore, #tpu.memory_space<semaphore_mem>>)
          %dma_wait3A_81 = arith.constant 0 : i32
          %dma_wait3A_82 = arith.constant 0 : i32
          %dma_wait3A_83 = tpu.memref_slice %arg2[%dma_wait3A_81, %dma_wait3A_82] : memref<10000x128xf32, #tpu.memory_space<hbm>> -> memref<10000x128xf32, #tpu.memory_space<hbm>>
          tpu.wait_indirect_dma semaphore(%arg15 : memref<!tpu.dma_semaphore, #tpu.memory_space<semaphore_mem>>) src(%dma_wait3A_83 : memref<10000x128xf32, #tpu.memory_space<hbm>>) dst(%arg11 : memref<128x128xf32, #tpu.memory_space<vmem>>)
          %dma_start3A_84 = arith.constant 0 : i32
          %dma_start3A_85 = arith.constant 0 : i32
          %dma_start3A_86 = tpu.memref_slice %arg8[%dma_start3A_84, %dma_start3A_85] : memref<10112x128xf32, #tpu.memory_space<vmem_shared>> -> memref<10112x128xf32, #tpu.memory_space<vmem_shared>>
          tpu.enqueue_indirect_dma source(%arg11 : memref<128x128xf32, #tpu.memory_space<vmem>>) target(%dma_start3A_86 : memref<10112x128xf32, #tpu.memory_space<vmem_shared>>) offsets(%arg10 : memref<128xi32, #tpu.memory_space<vmem>>) semaphore(%arg17 : memref<!tpu.dma_semaphore, #tpu.memory_space<semaphore_mem>>) {add = true}
        } else {
        }
        %mul3A_53 = arith.constant 2 : i32
        %mul3A_54 = arith.muli %mul3A_53, %scan3A_36 : i32
        %add3A_55 = arith.constant 1 : i32
        %add3A_56 = arith.addi %mul3A_54, %add3A_55 : i32
        %mul3A_57 = arith.constant 16 : i32
        %mul3A_58 = arith.muli %mul3A_57, %add3A_56 : i32
        %add3A_59 = arith.addi %arg1, %mul3A_58 : i32
        %gt3A_60 = arith.constant 0 : i32
        %gt3A_61 = arith.cmpi sgt, %scan3A_36, %gt3A_60 : i32
        %convert_element_type3A_62 = arith.extui %gt3A_61 : i1 to i32
        %cond3A_63 = arith.constant 0 : i32
        %cond3A_64 = arith.cmpi ne, %convert_element_type3A_62, %cond3A_63 : i32
        scf.if %cond3A_64 {
          %dma_wait3A = arith.constant 0 : i32
          %dma_wait3A_70 = arith.constant 0 : i32
          %dma_wait3A_71 = tpu.memref_slice %arg8[%dma_wait3A, %dma_wait3A_70] : memref<10112x128xf32, #tpu.memory_space<vmem_shared>> -> memref<10112x128xf32, #tpu.memory_space<vmem_shared>>
          tpu.wait_indirect_dma semaphore(%arg18 : memref<!tpu.dma_semaphore, #tpu.memory_space<semaphore_mem>>) src(%arg14 : memref<128x128xf32, #tpu.memory_space<vmem>>) dst(%dma_wait3A_71 : memref<10112x128xf32, #tpu.memory_space<vmem_shared>>)
        } else {
        }
        %lt3A_65 = arith.constant 1250 : i32
        %lt3A_66 = arith.cmpi slt, %add3A_59, %lt3A_65 : i32
        %convert_element_type3A_67 = arith.extui %lt3A_66 : i1 to i32
        %cond3A_68 = arith.constant 0 : i32
        %cond3A_69 = arith.cmpi ne, %convert_element_type3A_67, %cond3A_68 : i32
        scf.if %cond3A_69 {
          %mul3A_70 = arith.constant 128 : i32
          %mul3A_71 = arith.muli %add3A_59, %mul3A_70 : i32
          %dma_start3A = tpu.memref_slice %arg4[%mul3A_71] : memref<160000xi32, #tpu.memory_space<hbm>> -> memref<128xi32, #tpu.memory_space<hbm>>
          %dma_start3A_72 = tpu.memref_slice %arg4[%mul3A_71] : memref<160000xi32, #tpu.memory_space<hbm>> -> memref<128xi32, #tpu.memory_space<hbm>>
          tpu.enqueue_dma source(%dma_start3A_72 : memref<128xi32, #tpu.memory_space<hbm>>) target(%arg12 : memref<128xi32, #tpu.memory_space<vmem>>) target_semaphore(%arg21 : memref<!tpu.dma_semaphore, #tpu.memory_space<semaphore_mem>>)
          %dma_start3A_73 = tpu.memref_slice %arg5[%mul3A_71] : memref<160000xi32, #tpu.memory_space<hbm>> -> memref<128xi32, #tpu.memory_space<hbm>>
          %dma_start3A_74 = tpu.memref_slice %arg5[%mul3A_71] : memref<160000xi32, #tpu.memory_space<hbm>> -> memref<128xi32, #tpu.memory_space<hbm>>
          tpu.enqueue_dma source(%dma_start3A_74 : memref<128xi32, #tpu.memory_space<hbm>>) target(%arg13 : memref<128xi32, #tpu.memory_space<vmem>>) target_semaphore(%arg22 : memref<!tpu.dma_semaphore, #tpu.memory_space<semaphore_mem>>)
          %dma_wait3A = tpu.memref_slice %arg4[%mul3A_71] : memref<160000xi32, #tpu.memory_space<hbm>> -> memref<128xi32, #tpu.memory_space<hbm>>
          %dma_wait3A_75 = tpu.memref_slice %arg4[%mul3A_71] : memref<160000xi32, #tpu.memory_space<hbm>> -> memref<128xi32, #tpu.memory_space<hbm>>
          tpu.wait_dma2 semaphore(%arg21 : memref<!tpu.dma_semaphore, #tpu.memory_space<semaphore_mem>>) src(%dma_wait3A_75 : memref<128xi32, #tpu.memory_space<hbm>>) dst(%arg12 : memref<128xi32, #tpu.memory_space<vmem>>)
          %dma_wait3A_76 = tpu.memref_slice %arg5[%mul3A_71] : memref<160000xi32, #tpu.memory_space<hbm>> -> memref<128xi32, #tpu.memory_space<hbm>>
          %dma_wait3A_77 = tpu.memref_slice %arg5[%mul3A_71] : memref<160000xi32, #tpu.memory_space<hbm>> -> memref<128xi32, #tpu.memory_space<hbm>>
          tpu.wait_dma2 semaphore(%arg22 : memref<!tpu.dma_semaphore, #tpu.memory_space<semaphore_mem>>) src(%dma_wait3A_77 : memref<128xi32, #tpu.memory_space<hbm>>) dst(%arg13 : memref<128xi32, #tpu.memory_space<vmem>>)
          %dma_start3A_78 = arith.constant 0 : i32
          %dma_start3A_79 = arith.constant 0 : i32
          %dma_start3A_80 = tpu.memref_slice %arg2[%dma_start3A_78, %dma_start3A_79] : memref<10000x128xf32, #tpu.memory_space<hbm>> -> memref<10000x128xf32, #tpu.memory_space<hbm>>
          tpu.enqueue_indirect_dma source(%dma_start3A_80 : memref<10000x128xf32, #tpu.memory_space<hbm>>) target(%arg14 : memref<128x128xf32, #tpu.memory_space<vmem>>) offsets(%arg12 : memref<128xi32, #tpu.memory_space<vmem>>) semaphore(%arg16 : memref<!tpu.dma_semaphore, #tpu.memory_space<semaphore_mem>>)
          %dma_wait3A_81 = arith.constant 0 : i32
          %dma_wait3A_82 = arith.constant 0 : i32
          %dma_wait3A_83 = tpu.memref_slice %arg2[%dma_wait3A_81, %dma_wait3A_82] : memref<10000x128xf32, #tpu.memory_space<hbm>> -> memref<10000x128xf32, #tpu.memory_space<hbm>>
          tpu.wait_indirect_dma semaphore(%arg16 : memref<!tpu.dma_semaphore, #tpu.memory_space<semaphore_mem>>) src(%dma_wait3A_83 : memref<10000x128xf32, #tpu.memory_space<hbm>>) dst(%arg14 : memref<128x128xf32, #tpu.memory_space<vmem>>)
          %dma_start3A_84 = arith.constant 0 : i32
          %dma_start3A_85 = arith.constant 0 : i32
          %dma_start3A_86 = tpu.memref_slice %arg8[%dma_start3A_84, %dma_start3A_85] : memref<10112x128xf32, #tpu.memory_space<vmem_shared>> -> memref<10112x128xf32, #tpu.memory_space<vmem_shared>>
          tpu.enqueue_indirect_dma source(%arg14 : memref<128x128xf32, #tpu.memory_space<vmem>>) target(%dma_start3A_86 : memref<10112x128xf32, #tpu.memory_space<vmem_shared>>) offsets(%arg13 : memref<128xi32, #tpu.memory_space<vmem>>) semaphore(%arg18 : memref<!tpu.dma_semaphore, #tpu.memory_space<semaphore_mem>>) {add = true}
        } else {
        }
      }
      %scan3A_23 = arith.constant 40 : i32
      %add3A = arith.constant 1248 : i32
      %add3A_24 = arith.addi %arg1, %add3A : i32
      %lt3A = arith.constant 1250 : i32
      %lt3A_25 = arith.cmpi slt, %add3A_24, %lt3A : i32
      %convert_element_type3A_26 = arith.extui %lt3A_25 : i1 to i32
      %cond3A_27 = arith.constant 0 : i32
      %cond3A_28 = arith.cmpi ne, %convert_element_type3A_26, %cond3A_27 : i32
      scf.if %cond3A_28 {
        %dma_wait3A = arith.constant 0 : i32
        %dma_wait3A_36 = arith.constant 0 : i32
        %dma_wait3A_37 = tpu.memref_slice %arg8[%dma_wait3A, %dma_wait3A_36] : memref<10112x128xf32, #tpu.memory_space<vmem_shared>> -> memref<10112x128xf32, #tpu.memory_space<vmem_shared>>
        tpu.wait_indirect_dma semaphore(%arg17 : memref<!tpu.dma_semaphore, #tpu.memory_space<semaphore_mem>>) src(%arg11 : memref<128x128xf32, #tpu.memory_space<vmem>>) dst(%dma_wait3A_37 : memref<10112x128xf32, #tpu.memory_space<vmem_shared>>)
      } else {
      }
      %add3A_29 = arith.constant 1264 : i32
      %add3A_30 = arith.addi %arg1, %add3A_29 : i32
      %lt3A_31 = arith.constant 1250 : i32
      %lt3A_32 = arith.cmpi slt, %add3A_30, %lt3A_31 : i32
      %convert_element_type3A_33 = arith.extui %lt3A_32 : i1 to i32
      %cond3A_34 = arith.constant 0 : i32
      %cond3A_35 = arith.cmpi ne, %convert_element_type3A_33, %cond3A_34 : i32
      scf.if %cond3A_35 {
        %dma_wait3A = arith.constant 0 : i32
        %dma_wait3A_36 = arith.constant 0 : i32
        %dma_wait3A_37 = tpu.memref_slice %arg8[%dma_wait3A, %dma_wait3A_36] : memref<10112x128xf32, #tpu.memory_space<vmem_shared>> -> memref<10112x128xf32, #tpu.memory_space<vmem_shared>>
        tpu.wait_indirect_dma semaphore(%arg18 : memref<!tpu.dma_semaphore, #tpu.memory_space<semaphore_mem>>) src(%arg14 : memref<128x128xf32, #tpu.memory_space<vmem>>) dst(%dma_wait3A_37 : memref<10112x128xf32, #tpu.memory_space<vmem_shared>>)
      } else {
      }
    } else {
    }
    %eq3A_3 = arith.constant 1 : i32
    %eq3A_4 = arith.cmpi eq, %arg0, %eq3A_3 : i32
    %convert_element_type3A_5 = arith.extui %eq3A_4 : i1 to i32
    %cond3A_6 = arith.constant 0 : i32
    %cond3A_7 = arith.cmpi ne, %convert_element_type3A_5, %cond3A_6 : i32
    scf.if %cond3A_7 {
      %scan3A = arith.constant 0 : i32
      %scan3A_19 = arith.constant 0 : i32
      %scan3A_20 = arith.constant 40 : i32
      %scan3A_21 = arith.addi %scan3A_19, %scan3A_20 : i32
      %scan3A_22 = arith.constant 1 : i32
      scf.for %scan3A_36 = %scan3A_19 to %scan3A_21 step %scan3A_22  : i32 {
        %mul3A_37 = arith.constant 2 : i32
        %mul3A_38 = arith.muli %mul3A_37, %scan3A_36 : i32
        %add3A_39 = arith.constant 0 : i32
        %add3A_40 = arith.addi %mul3A_38, %add3A_39 : i32
        %mul3A_41 = arith.constant 16 : i32
        %mul3A_42 = arith.muli %mul3A_41, %add3A_40 : i32
        %add3A_43 = arith.addi %arg1, %mul3A_42 : i32
        %gt3A = arith.constant 0 : i32
        %gt3A_44 = arith.cmpi sgt, %scan3A_36, %gt3A : i32
        %convert_element_type3A_45 = arith.extui %gt3A_44 : i1 to i32
        %cond3A_46 = arith.constant 0 : i32
        %cond3A_47 = arith.cmpi ne, %convert_element_type3A_45, %cond3A_46 : i32
        scf.if %cond3A_47 {
          %dma_wait3A = arith.constant 0 : i32
          %dma_wait3A_70 = arith.constant 0 : i32
          %dma_wait3A_71 = tpu.memref_slice %arg8[%dma_wait3A, %dma_wait3A_70] : memref<10112x128xf32, #tpu.memory_space<vmem_shared>> -> memref<10112x128xf32, #tpu.memory_space<vmem_shared>>
          tpu.wait_indirect_dma semaphore(%arg17 : memref<!tpu.dma_semaphore, #tpu.memory_space<semaphore_mem>>) src(%arg11 : memref<128x128xf32, #tpu.memory_space<vmem>>) dst(%dma_wait3A_71 : memref<10112x128xf32, #tpu.memory_space<vmem_shared>>)
        } else {
        }
        %lt3A_48 = arith.constant 1250 : i32
        %lt3A_49 = arith.cmpi slt, %add3A_43, %lt3A_48 : i32
        %convert_element_type3A_50 = arith.extui %lt3A_49 : i1 to i32
        %cond3A_51 = arith.constant 0 : i32
        %cond3A_52 = arith.cmpi ne, %convert_element_type3A_50, %cond3A_51 : i32
        scf.if %cond3A_52 {
          %mul3A_70 = arith.constant 128 : i32
          %mul3A_71 = arith.muli %add3A_43, %mul3A_70 : i32
          %dma_start3A = tpu.memref_slice %arg4[%mul3A_71] : memref<160000xi32, #tpu.memory_space<hbm>> -> memref<128xi32, #tpu.memory_space<hbm>>
          %dma_start3A_72 = tpu.memref_slice %arg4[%mul3A_71] : memref<160000xi32, #tpu.memory_space<hbm>> -> memref<128xi32, #tpu.memory_space<hbm>>
          tpu.enqueue_dma source(%dma_start3A_72 : memref<128xi32, #tpu.memory_space<hbm>>) target(%arg9 : memref<128xi32, #tpu.memory_space<vmem>>) target_semaphore(%arg19 : memref<!tpu.dma_semaphore, #tpu.memory_space<semaphore_mem>>)
          %dma_start3A_73 = tpu.memref_slice %arg5[%mul3A_71] : memref<160000xi32, #tpu.memory_space<hbm>> -> memref<128xi32, #tpu.memory_space<hbm>>
          %dma_start3A_74 = tpu.memref_slice %arg5[%mul3A_71] : memref<160000xi32, #tpu.memory_space<hbm>> -> memref<128xi32, #tpu.memory_space<hbm>>
          tpu.enqueue_dma source(%dma_start3A_74 : memref<128xi32, #tpu.memory_space<hbm>>) target(%arg10 : memref<128xi32, #tpu.memory_space<vmem>>) target_semaphore(%arg20 : memref<!tpu.dma_semaphore, #tpu.memory_space<semaphore_mem>>)
          %dma_wait3A = tpu.memref_slice %arg4[%mul3A_71] : memref<160000xi32, #tpu.memory_space<hbm>> -> memref<128xi32, #tpu.memory_space<hbm>>
          %dma_wait3A_75 = tpu.memref_slice %arg4[%mul3A_71] : memref<160000xi32, #tpu.memory_space<hbm>> -> memref<128xi32, #tpu.memory_space<hbm>>
          tpu.wait_dma2 semaphore(%arg19 : memref<!tpu.dma_semaphore, #tpu.memory_space<semaphore_mem>>) src(%dma_wait3A_75 : memref<128xi32, #tpu.memory_space<hbm>>) dst(%arg9 : memref<128xi32, #tpu.memory_space<vmem>>)
          %dma_wait3A_76 = tpu.memref_slice %arg5[%mul3A_71] : memref<160000xi32, #tpu.memory_space<hbm>> -> memref<128xi32, #tpu.memory_space<hbm>>
          %dma_wait3A_77 = tpu.memref_slice %arg5[%mul3A_71] : memref<160000xi32, #tpu.memory_space<hbm>> -> memref<128xi32, #tpu.memory_space<hbm>>
          tpu.wait_dma2 semaphore(%arg20 : memref<!tpu.dma_semaphore, #tpu.memory_space<semaphore_mem>>) src(%dma_wait3A_77 : memref<128xi32, #tpu.memory_space<hbm>>) dst(%arg10 : memref<128xi32, #tpu.memory_space<vmem>>)
          %dma_start3A_78 = arith.constant 0 : i32
          %dma_start3A_79 = arith.constant 0 : i32
          %dma_start3A_80 = tpu.memref_slice %arg3[%dma_start3A_78, %dma_start3A_79] : memref<10000x128xf32, #tpu.memory_space<hbm>> -> memref<10000x128xf32, #tpu.memory_space<hbm>>
          tpu.enqueue_indirect_dma source(%dma_start3A_80 : memref<10000x128xf32, #tpu.memory_space<hbm>>) target(%arg11 : memref<128x128xf32, #tpu.memory_space<vmem>>) offsets(%arg9 : memref<128xi32, #tpu.memory_space<vmem>>) semaphore(%arg15 : memref<!tpu.dma_semaphore, #tpu.memory_space<semaphore_mem>>)
          %dma_wait3A_81 = arith.constant 0 : i32
          %dma_wait3A_82 = arith.constant 0 : i32
          %dma_wait3A_83 = tpu.memref_slice %arg3[%dma_wait3A_81, %dma_wait3A_82] : memref<10000x128xf32, #tpu.memory_space<hbm>> -> memref<10000x128xf32, #tpu.memory_space<hbm>>
          tpu.wait_indirect_dma semaphore(%arg15 : memref<!tpu.dma_semaphore, #tpu.memory_space<semaphore_mem>>) src(%dma_wait3A_83 : memref<10000x128xf32, #tpu.memory_space<hbm>>) dst(%arg11 : memref<128x128xf32, #tpu.memory_space<vmem>>)
          %dma_start3A_84 = arith.constant 0 : i32
          %dma_start3A_85 = arith.constant 0 : i32
          %dma_start3A_86 = tpu.memref_slice %arg8[%dma_start3A_84, %dma_start3A_85] : memref<10112x128xf32, #tpu.memory_space<vmem_shared>> -> memref<10112x128xf32, #tpu.memory_space<vmem_shared>>
          tpu.enqueue_indirect_dma source(%arg11 : memref<128x128xf32, #tpu.memory_space<vmem>>) target(%dma_start3A_86 : memref<10112x128xf32, #tpu.memory_space<vmem_shared>>) offsets(%arg10 : memref<128xi32, #tpu.memory_space<vmem>>) semaphore(%arg17 : memref<!tpu.dma_semaphore, #tpu.memory_space<semaphore_mem>>) {add = true}
        } else {
        }
        %mul3A_53 = arith.constant 2 : i32
        %mul3A_54 = arith.muli %mul3A_53, %scan3A_36 : i32
        %add3A_55 = arith.constant 1 : i32
        %add3A_56 = arith.addi %mul3A_54, %add3A_55 : i32
        %mul3A_57 = arith.constant 16 : i32
        %mul3A_58 = arith.muli %mul3A_57, %add3A_56 : i32
        %add3A_59 = arith.addi %arg1, %mul3A_58 : i32
        %gt3A_60 = arith.constant 0 : i32
        %gt3A_61 = arith.cmpi sgt, %scan3A_36, %gt3A_60 : i32
        %convert_element_type3A_62 = arith.extui %gt3A_61 : i1 to i32
        %cond3A_63 = arith.constant 0 : i32
        %cond3A_64 = arith.cmpi ne, %convert_element_type3A_62, %cond3A_63 : i32
        scf.if %cond3A_64 {
          %dma_wait3A = arith.constant 0 : i32
          %dma_wait3A_70 = arith.constant 0 : i32
          %dma_wait3A_71 = tpu.memref_slice %arg8[%dma_wait3A, %dma_wait3A_70] : memref<10112x128xf32, #tpu.memory_space<vmem_shared>> -> memref<10112x128xf32, #tpu.memory_space<vmem_shared>>
          tpu.wait_indirect_dma semaphore(%arg18 : memref<!tpu.dma_semaphore, #tpu.memory_space<semaphore_mem>>) src(%arg14 : memref<128x128xf32, #tpu.memory_space<vmem>>) dst(%dma_wait3A_71 : memref<10112x128xf32, #tpu.memory_space<vmem_shared>>)
        } else {
        }
        %lt3A_65 = arith.constant 1250 : i32
        %lt3A_66 = arith.cmpi slt, %add3A_59, %lt3A_65 : i32
        %convert_element_type3A_67 = arith.extui %lt3A_66 : i1 to i32
        %cond3A_68 = arith.constant 0 : i32
        %cond3A_69 = arith.cmpi ne, %convert_element_type3A_67, %cond3A_68 : i32
        scf.if %cond3A_69 {
          %mul3A_70 = arith.constant 128 : i32
          %mul3A_71 = arith.muli %add3A_59, %mul3A_70 : i32
          %dma_start3A = tpu.memref_slice %arg4[%mul3A_71] : memref<160000xi32, #tpu.memory_space<hbm>> -> memref<128xi32, #tpu.memory_space<hbm>>
          %dma_start3A_72 = tpu.memref_slice %arg4[%mul3A_71] : memref<160000xi32, #tpu.memory_space<hbm>> -> memref<128xi32, #tpu.memory_space<hbm>>
          tpu.enqueue_dma source(%dma_start3A_72 : memref<128xi32, #tpu.memory_space<hbm>>) target(%arg12 : memref<128xi32, #tpu.memory_space<vmem>>) target_semaphore(%arg21 : memref<!tpu.dma_semaphore, #tpu.memory_space<semaphore_mem>>)
          %dma_start3A_73 = tpu.memref_slice %arg5[%mul3A_71] : memref<160000xi32, #tpu.memory_space<hbm>> -> memref<128xi32, #tpu.memory_space<hbm>>
          %dma_start3A_74 = tpu.memref_slice %arg5[%mul3A_71] : memref<160000xi32, #tpu.memory_space<hbm>> -> memref<128xi32, #tpu.memory_space<hbm>>
          tpu.enqueue_dma source(%dma_start3A_74 : memref<128xi32, #tpu.memory_space<hbm>>) target(%arg13 : memref<128xi32, #tpu.memory_space<vmem>>) target_semaphore(%arg22 : memref<!tpu.dma_semaphore, #tpu.memory_space<semaphore_mem>>)
          %dma_wait3A = tpu.memref_slice %arg4[%mul3A_71] : memref<160000xi32, #tpu.memory_space<hbm>> -> memref<128xi32, #tpu.memory_space<hbm>>
          %dma_wait3A_75 = tpu.memref_slice %arg4[%mul3A_71] : memref<160000xi32, #tpu.memory_space<hbm>> -> memref<128xi32, #tpu.memory_space<hbm>>
          tpu.wait_dma2 semaphore(%arg21 : memref<!tpu.dma_semaphore, #tpu.memory_space<semaphore_mem>>) src(%dma_wait3A_75 : memref<128xi32, #tpu.memory_space<hbm>>) dst(%arg12 : memref<128xi32, #tpu.memory_space<vmem>>)
          %dma_wait3A_76 = tpu.memref_slice %arg5[%mul3A_71] : memref<160000xi32, #tpu.memory_space<hbm>> -> memref<128xi32, #tpu.memory_space<hbm>>
          %dma_wait3A_77 = tpu.memref_slice %arg5[%mul3A_71] : memref<160000xi32, #tpu.memory_space<hbm>> -> memref<128xi32, #tpu.memory_space<hbm>>
          tpu.wait_dma2 semaphore(%arg22 : memref<!tpu.dma_semaphore, #tpu.memory_space<semaphore_mem>>) src(%dma_wait3A_77 : memref<128xi32, #tpu.memory_space<hbm>>) dst(%arg13 : memref<128xi32, #tpu.memory_space<vmem>>)
          %dma_start3A_78 = arith.constant 0 : i32
          %dma_start3A_79 = arith.constant 0 : i32
          %dma_start3A_80 = tpu.memref_slice %arg3[%dma_start3A_78, %dma_start3A_79] : memref<10000x128xf32, #tpu.memory_space<hbm>> -> memref<10000x128xf32, #tpu.memory_space<hbm>>
          tpu.enqueue_indirect_dma source(%dma_start3A_80 : memref<10000x128xf32, #tpu.memory_space<hbm>>) target(%arg14 : memref<128x128xf32, #tpu.memory_space<vmem>>) offsets(%arg12 : memref<128xi32, #tpu.memory_space<vmem>>) semaphore(%arg16 : memref<!tpu.dma_semaphore, #tpu.memory_space<semaphore_mem>>)
          %dma_wait3A_81 = arith.constant 0 : i32
          %dma_wait3A_82 = arith.constant 0 : i32
          %dma_wait3A_83 = tpu.memref_slice %arg3[%dma_wait3A_81, %dma_wait3A_82] : memref<10000x128xf32, #tpu.memory_space<hbm>> -> memref<10000x128xf32, #tpu.memory_space<hbm>>
          tpu.wait_indirect_dma semaphore(%arg16 : memref<!tpu.dma_semaphore, #tpu.memory_space<semaphore_mem>>) src(%dma_wait3A_83 : memref<10000x128xf32, #tpu.memory_space<hbm>>) dst(%arg14 : memref<128x128xf32, #tpu.memory_space<vmem>>)
          %dma_start3A_84 = arith.constant 0 : i32
          %dma_start3A_85 = arith.constant 0 : i32
          %dma_start3A_86 = tpu.memref_slice %arg8[%dma_start3A_84, %dma_start3A_85] : memref<10112x128xf32, #tpu.memory_space<vmem_shared>> -> memref<10112x128xf32, #tpu.memory_space<vmem_shared>>
          tpu.enqueue_indirect_dma source(%arg14 : memref<128x128xf32, #tpu.memory_space<vmem>>) target(%dma_start3A_86 : memref<10112x128xf32, #tpu.memory_space<vmem_shared>>) offsets(%arg13 : memref<128xi32, #tpu.memory_space<vmem>>) semaphore(%arg18 : memref<!tpu.dma_semaphore, #tpu.memory_space<semaphore_mem>>) {add = true}
        } else {
        }
      }
      %scan3A_23 = arith.constant 40 : i32
      %add3A = arith.constant 1248 : i32
      %add3A_24 = arith.addi %arg1, %add3A : i32
      %lt3A = arith.constant 1250 : i32
      %lt3A_25 = arith.cmpi slt, %add3A_24, %lt3A : i32
      %convert_element_type3A_26 = arith.extui %lt3A_25 : i1 to i32
      %cond3A_27 = arith.constant 0 : i32
      %cond3A_28 = arith.cmpi ne, %convert_element_type3A_26, %cond3A_27 : i32
      scf.if %cond3A_28 {
        %dma_wait3A = arith.constant 0 : i32
        %dma_wait3A_36 = arith.constant 0 : i32
        %dma_wait3A_37 = tpu.memref_slice %arg8[%dma_wait3A, %dma_wait3A_36] : memref<10112x128xf32, #tpu.memory_space<vmem_shared>> -> memref<10112x128xf32, #tpu.memory_space<vmem_shared>>
        tpu.wait_indirect_dma semaphore(%arg17 : memref<!tpu.dma_semaphore, #tpu.memory_space<semaphore_mem>>) src(%arg11 : memref<128x128xf32, #tpu.memory_space<vmem>>) dst(%dma_wait3A_37 : memref<10112x128xf32, #tpu.memory_space<vmem_shared>>)
      } else {
      }
      %add3A_29 = arith.constant 1264 : i32
      %add3A_30 = arith.addi %arg1, %add3A_29 : i32
      %lt3A_31 = arith.constant 1250 : i32
      %lt3A_32 = arith.cmpi slt, %add3A_30, %lt3A_31 : i32
      %convert_element_type3A_33 = arith.extui %lt3A_32 : i1 to i32
      %cond3A_34 = arith.constant 0 : i32
      %cond3A_35 = arith.cmpi ne, %convert_element_type3A_33, %cond3A_34 : i32
      scf.if %cond3A_35 {
        %dma_wait3A = arith.constant 0 : i32
        %dma_wait3A_36 = arith.constant 0 : i32
        %dma_wait3A_37 = tpu.memref_slice %arg8[%dma_wait3A, %dma_wait3A_36] : memref<10112x128xf32, #tpu.memory_space<vmem_shared>> -> memref<10112x128xf32, #tpu.memory_space<vmem_shared>>
        tpu.wait_indirect_dma semaphore(%arg18 : memref<!tpu.dma_semaphore, #tpu.memory_space<semaphore_mem>>) src(%arg14 : memref<128x128xf32, #tpu.memory_space<vmem>>) dst(%dma_wait3A_37 : memref<10112x128xf32, #tpu.memory_space<vmem_shared>>)
      } else {
      }
    } else {
    }
    %barrier3A_8 = arith.constant 0 : index
    tpu.barrier barrier_id(%barrier3A_8)
    %eq3A_9 = arith.constant 0 : i32
    %eq3A_10 = arith.cmpi eq, %arg0, %eq3A_9 : i32
    %convert_element_type3A_11 = arith.extui %eq3A_10 : i1 to i32
    %cond3A_12 = arith.constant 0 : i32
    %cond3A_13 = arith.cmpi ne, %convert_element_type3A_11, %cond3A_12 : i32
    scf.if %cond3A_13 {
      %run_scoped3A = arith.constant 0 : i32
      "tpu.region"() ({
        %run_scoped3A_19 = tpu.sem_alloc : memref<!tpu.dma_semaphore, #tpu.memory_space<semaphore_mem>>
        %dma_start3A = arith.constant 0 : i32
        %dma_start3A_20 = tpu.memref_slice %arg7[%run_scoped3A, %mul3A_0, %dma_start3A] : memref<2x10112x128xf32, #tpu.memory_space<hbm>> -> memref<1x632x128xf32, #tpu.memory_space<hbm>>
        %dma_start3A_21 = tpu.memref_squeeze %dma_start3A_20 : memref<1x632x128xf32, #tpu.memory_space<hbm>> -> memref<632x128xf32, #tpu.memory_space<hbm>>
        %dma_start3A_22 = arith.constant 0 : i32
        %dma_start3A_23 = tpu.memref_slice %arg8[%mul3A_0, %dma_start3A_22] : memref<10112x128xf32, #tpu.memory_space<vmem_shared>> -> memref<632x128xf32, #tpu.memory_space<vmem_shared>>
        tpu.enqueue_dma source(%dma_start3A_23 : memref<632x128xf32, #tpu.memory_space<vmem_shared>>) target(%dma_start3A_21 : memref<632x128xf32, #tpu.memory_space<hbm>>) target_semaphore(%run_scoped3A_19 : memref<!tpu.dma_semaphore, #tpu.memory_space<semaphore_mem>>)
        %dma_wait3A = arith.constant 0 : i32
        %dma_wait3A_24 = tpu.memref_slice %arg7[%run_scoped3A, %mul3A_0, %dma_wait3A] : memref<2x10112x128xf32, #tpu.memory_space<hbm>> -> memref<1x632x128xf32, #tpu.memory_space<hbm>>
        %dma_wait3A_25 = tpu.memref_squeeze %dma_wait3A_24 : memref<1x632x128xf32, #tpu.memory_space<hbm>> -> memref<632x128xf32, #tpu.memory_space<hbm>>
        %dma_wait3A_26 = arith.constant 0 : i32
        %dma_wait3A_27 = tpu.memref_slice %arg8[%mul3A_0, %dma_wait3A_26] : memref<10112x128xf32, #tpu.memory_space<vmem_shared>> -> memref<632x128xf32, #tpu.memory_space<vmem_shared>>
        tpu.wait_dma2 semaphore(%run_scoped3A_19 : memref<!tpu.dma_semaphore, #tpu.memory_space<semaphore_mem>>) src(%dma_wait3A_27 : memref<632x128xf32, #tpu.memory_space<vmem_shared>>) dst(%dma_wait3A_25 : memref<632x128xf32, #tpu.memory_space<hbm>>)
        tpu.yield
      }) : () -> ()
    } else {
    }
    %eq3A_14 = arith.constant 1 : i32
    %eq3A_15 = arith.cmpi eq, %arg0, %eq3A_14 : i32
    %convert_element_type3A_16 = arith.extui %eq3A_15 : i1 to i32
    %cond3A_17 = arith.constant 0 : i32
    %cond3A_18 = arith.cmpi ne, %convert_element_type3A_16, %cond3A_17 : i32
    scf.if %cond3A_18 {
      %run_scoped3A = arith.constant 1 : i32
      "tpu.region"() ({
        %run_scoped3A_19 = tpu.sem_alloc : memref<!tpu.dma_semaphore, #tpu.memory_space<semaphore_mem>>
        %dma_start3A = arith.constant 0 : i32
        %dma_start3A_20 = tpu.memref_slice %arg7[%run_scoped3A, %mul3A_0, %dma_start3A] : memref<2x10112x128xf32, #tpu.memory_space<hbm>> -> memref<1x632x128xf32, #tpu.memory_space<hbm>>
        %dma_start3A_21 = tpu.memref_squeeze %dma_start3A_20 : memref<1x632x128xf32, #tpu.memory_space<hbm>> -> memref<632x128xf32, #tpu.memory_space<hbm>>
        %dma_start3A_22 = arith.constant 0 : i32
        %dma_start3A_23 = tpu.memref_slice %arg8[%mul3A_0, %dma_start3A_22] : memref<10112x128xf32, #tpu.memory_space<vmem_shared>> -> memref<632x128xf32, #tpu.memory_space<vmem_shared>>
        tpu.enqueue_dma source(%dma_start3A_23 : memref<632x128xf32, #tpu.memory_space<vmem_shared>>) target(%dma_start3A_21 : memref<632x128xf32, #tpu.memory_space<hbm>>) target_semaphore(%run_scoped3A_19 : memref<!tpu.dma_semaphore, #tpu.memory_space<semaphore_mem>>)
        %dma_wait3A = arith.constant 0 : i32
        %dma_wait3A_24 = tpu.memref_slice %arg7[%run_scoped3A, %mul3A_0, %dma_wait3A] : memref<2x10112x128xf32, #tpu.memory_space<hbm>> -> memref<1x632x128xf32, #tpu.memory_space<hbm>>
        %dma_wait3A_25 = tpu.memref_squeeze %dma_wait3A_24 : memref<1x632x128xf32, #tpu.memory_space<hbm>> -> memref<632x128xf32, #tpu.memory_space<hbm>>
        %dma_wait3A_26 = arith.constant 0 : i32
        %dma_wait3A_27 = tpu.memref_slice %arg8[%mul3A_0, %dma_wait3A_26] : memref<10112x128xf32, #tpu.memory_space<vmem_shared>> -> memref<632x128xf32, #tpu.memory_space<vmem_shared>>
        tpu.wait_dma2 semaphore(%run_scoped3A_19 : memref<!tpu.dma_semaphore, #tpu.memory_space<semaphore_mem>>) src(%dma_wait3A_27 : memref<632x128xf32, #tpu.memory_space<vmem_shared>>) dst(%dma_wait3A_25 : memref<632x128xf32, #tpu.memory_space<hbm>>)
        tpu.yield
      }) : () -> ()
    } else {
    }
    return
  }
}

#map = affine_map<(d0, d1) -> (0, 0)>
#map1 = affine_map<(d0, d1) -> (0)>
#map2 = affine_map<(d0, d1) -> (0, 0, 0)>
module attributes {stable_mosaic.version = 14 : i64} {
  func.func @body(%arg0: i32, %arg1: i32, %arg2: memref<10000x128xf32, #tpu.memory_space<hbm>>, %arg3: memref<10000x128xf32, #tpu.memory_space<hbm>>, %arg4: memref<160000xi32, #tpu.memory_space<hbm>>, %arg5: memref<160000xi32, #tpu.memory_space<hbm>>, %arg6: memref<632x128xf32, #tpu.memory_space<hbm>>, %arg7: memref<2x10112x128xf32, #tpu.memory_space<hbm>>, %arg8: memref<10112x128xf32, #tpu.memory_space<vmem_shared>>, %arg9: memref<128xi32, #tpu.memory_space<vmem>>, %arg10: memref<128xi32, #tpu.memory_space<vmem>>, %arg11: memref<128x128xf32, #tpu.memory_space<vmem>>, %arg12: memref<128xi32, #tpu.memory_space<vmem>>, %arg13: memref<128xi32, #tpu.memory_space<vmem>>, %arg14: memref<128x128xf32, #tpu.memory_space<vmem>>, %arg15: memref<!tpu.dma_semaphore, #tpu.memory_space<semaphore_mem>>, %arg16: memref<!tpu.dma_semaphore, #tpu.memory_space<semaphore_mem>>, %arg17: memref<!tpu.dma_semaphore, #tpu.memory_space<semaphore_mem>>, %arg18: memref<!tpu.dma_semaphore, #tpu.memory_space<semaphore_mem>>, %arg19: memref<!tpu.dma_semaphore, #tpu.memory_space<semaphore_mem>>, %arg20: memref<!tpu.dma_semaphore, #tpu.memory_space<semaphore_mem>>, %arg21: memref<!tpu.dma_semaphore, #tpu.memory_space<semaphore_mem>>, %arg22: memref<!tpu.dma_semaphore, #tpu.memory_space<semaphore_mem>>) attributes {dimension_semantics = [#tpu.dimension_semantics<core_parallel>, #tpu.dimension_semantics<subcore_parallel>], iteration_bounds = array<i64: 2, 16>, scalar_prefetch = 0 : i64, scratch_operands = 15 : i64, tpu.core_type = #tpu.core_type<sc_vector_subcore>, window_params = [{transform_indices = #map}, {transform_indices = #map}, {transform_indices = #map1}, {transform_indices = #map1}, {transform_indices = #map}, {transform_indices = #map2}]} {
    %mul3A = arith.constant 632 : i32
    %mul3A_0 = arith.muli %arg1, %mul3A : i32
    "tpu.region"() ({
      %run_scoped3A = tpu.sem_alloc : memref<!tpu.dma_semaphore, #tpu.memory_space<semaphore_mem>>
      %dma_start3A = arith.constant 0 : i32
      %dma_start3A_19 = tpu.memref_slice %arg8[%mul3A_0, %dma_start3A] : memref<10112x128xf32, #tpu.memory_space<vmem_shared>> -> memref<632x128xf32, #tpu.memory_space<vmem_shared>>
      tpu.enqueue_dma source(%arg6 : memref<632x128xf32, #tpu.memory_space<hbm>>) target(%dma_start3A_19 : memref<632x128xf32, #tpu.memory_space<vmem_shared>>) target_semaphore(%run_scoped3A : memref<!tpu.dma_semaphore, #tpu.memory_space<semaphore_mem>>)
      %dma_wait3A = arith.constant 0 : i32
      %dma_wait3A_20 = tpu.memref_slice %arg8[%mul3A_0, %dma_wait3A] : memref<10112x128xf32, #tpu.memory_space<vmem_shared>> -> memref<632x128xf32, #tpu.memory_space<vmem_shared>>
      tpu.wait_dma2 semaphore(%run_scoped3A : memref<!tpu.dma_semaphore, #tpu.memory_space<semaphore_mem>>) src(%arg6 : memref<632x128xf32, #tpu.memory_space<hbm>>) dst(%dma_wait3A_20 : memref<632x128xf32, #tpu.memory_space<vmem_shared>>)
      tpu.yield
    }) : () -> ()
    %barrier3A = arith.constant 0 : index
    tpu.barrier barrier_id(%barrier3A)
    %eq3A = arith.constant 0 : i32
    %eq3A_1 = arith.cmpi eq, %arg0, %eq3A : i32
    %convert_element_type3A = arith.extui %eq3A_1 : i1 to i32
    %cond3A = arith.constant 0 : i32
    %cond3A_2 = arith.cmpi ne, %convert_element_type3A, %cond3A : i32
    scf.if %cond3A_2 {
      %scan3A = arith.constant 0 : i32
      %scan3A_19 = arith.constant 0 : i32
      %scan3A_20 = arith.constant 40 : i32
      %scan3A_21 = arith.addi %scan3A_19, %scan3A_20 : i32
      %scan3A_22 = arith.constant 1 : i32
      scf.for %scan3A_36 = %scan3A_19 to %scan3A_21 step %scan3A_22  : i32 {
        %mul3A_37 = arith.constant 2 : i32
        %mul3A_38 = arith.muli %mul3A_37, %scan3A_36 : i32
        %add3A_39 = arith.constant 0 : i32
        %add3A_40 = arith.addi %mul3A_38, %add3A_39 : i32
        %mul3A_41 = arith.constant 16 : i32
        %mul3A_42 = arith.muli %mul3A_41, %add3A_40 : i32
        %add3A_43 = arith.addi %arg1, %mul3A_42 : i32
        %gt3A = arith.constant 0 : i32
        %gt3A_44 = arith.cmpi sgt, %scan3A_36, %gt3A : i32
        %convert_element_type3A_45 = arith.extui %gt3A_44 : i1 to i32
        %cond3A_46 = arith.constant 0 : i32
        %cond3A_47 = arith.cmpi ne, %convert_element_type3A_45, %cond3A_46 : i32
        scf.if %cond3A_47 {
          %dma_wait3A = arith.constant 0 : i32
          %dma_wait3A_70 = arith.constant 0 : i32
          %dma_wait3A_71 = tpu.memref_slice %arg8[%dma_wait3A, %dma_wait3A_70] : memref<10112x128xf32, #tpu.memory_space<vmem_shared>> -> memref<10112x128xf32, #tpu.memory_space<vmem_shared>>
          tpu.wait_indirect_dma semaphore(%arg17 : memref<!tpu.dma_semaphore, #tpu.memory_space<semaphore_mem>>) src(%arg11 : memref<128x128xf32, #tpu.memory_space<vmem>>) dst(%dma_wait3A_71 : memref<10112x128xf32, #tpu.memory_space<vmem_shared>>)
        } else {
        }
        %lt3A_48 = arith.constant 1250 : i32
        %lt3A_49 = arith.cmpi slt, %add3A_43, %lt3A_48 : i32
        %convert_element_type3A_50 = arith.extui %lt3A_49 : i1 to i32
        %cond3A_51 = arith.constant 0 : i32
        %cond3A_52 = arith.cmpi ne, %convert_element_type3A_50, %cond3A_51 : i32
        scf.if %cond3A_52 {
          %mul3A_70 = arith.constant 128 : i32
          %mul3A_71 = arith.muli %add3A_43, %mul3A_70 : i32
          %dma_start3A = tpu.memref_slice %arg4[%mul3A_71] : memref<160000xi32, #tpu.memory_space<hbm>> -> memref<128xi32, #tpu.memory_space<hbm>>
          %dma_start3A_72 = tpu.memref_slice %arg4[%mul3A_71] : memref<160000xi32, #tpu.memory_space<hbm>> -> memref<128xi32, #tpu.memory_space<hbm>>
          tpu.enqueue_dma source(%dma_start3A_72 : memref<128xi32, #tpu.memory_space<hbm>>) target(%arg9 : memref<128xi32, #tpu.memory_space<vmem>>) target_semaphore(%arg19 : memref<!tpu.dma_semaphore, #tpu.memory_space<semaphore_mem>>)
          %dma_start3A_73 = tpu.memref_slice %arg5[%mul3A_71] : memref<160000xi32, #tpu.memory_space<hbm>> -> memref<128xi32, #tpu.memory_space<hbm>>
          %dma_start3A_74 = tpu.memref_slice %arg5[%mul3A_71] : memref<160000xi32, #tpu.memory_space<hbm>> -> memref<128xi32, #tpu.memory_space<hbm>>
          tpu.enqueue_dma source(%dma_start3A_74 : memref<128xi32, #tpu.memory_space<hbm>>) target(%arg10 : memref<128xi32, #tpu.memory_space<vmem>>) target_semaphore(%arg20 : memref<!tpu.dma_semaphore, #tpu.memory_space<semaphore_mem>>)
          %dma_wait3A = tpu.memref_slice %arg4[%mul3A_71] : memref<160000xi32, #tpu.memory_space<hbm>> -> memref<128xi32, #tpu.memory_space<hbm>>
          %dma_wait3A_75 = tpu.memref_slice %arg4[%mul3A_71] : memref<160000xi32, #tpu.memory_space<hbm>> -> memref<128xi32, #tpu.memory_space<hbm>>
          tpu.wait_dma2 semaphore(%arg19 : memref<!tpu.dma_semaphore, #tpu.memory_space<semaphore_mem>>) src(%dma_wait3A_75 : memref<128xi32, #tpu.memory_space<hbm>>) dst(%arg9 : memref<128xi32, #tpu.memory_space<vmem>>)
          %dma_wait3A_76 = tpu.memref_slice %arg5[%mul3A_71] : memref<160000xi32, #tpu.memory_space<hbm>> -> memref<128xi32, #tpu.memory_space<hbm>>
          %dma_wait3A_77 = tpu.memref_slice %arg5[%mul3A_71] : memref<160000xi32, #tpu.memory_space<hbm>> -> memref<128xi32, #tpu.memory_space<hbm>>
          tpu.wait_dma2 semaphore(%arg20 : memref<!tpu.dma_semaphore, #tpu.memory_space<semaphore_mem>>) src(%dma_wait3A_77 : memref<128xi32, #tpu.memory_space<hbm>>) dst(%arg10 : memref<128xi32, #tpu.memory_space<vmem>>)
          %dma_start3A_78 = arith.constant 0 : i32
          %dma_start3A_79 = arith.constant 0 : i32
          %dma_start3A_80 = tpu.memref_slice %arg2[%dma_start3A_78, %dma_start3A_79] : memref<10000x128xf32, #tpu.memory_space<hbm>> -> memref<10000x128xf32, #tpu.memory_space<hbm>>
          tpu.enqueue_indirect_dma source(%dma_start3A_80 : memref<10000x128xf32, #tpu.memory_space<hbm>>) target(%arg11 : memref<128x128xf32, #tpu.memory_space<vmem>>) offsets(%arg9 : memref<128xi32, #tpu.memory_space<vmem>>) semaphore(%arg15 : memref<!tpu.dma_semaphore, #tpu.memory_space<semaphore_mem>>)
          %dma_wait3A_81 = arith.constant 0 : i32
          %dma_wait3A_82 = arith.constant 0 : i32
          %dma_wait3A_83 = tpu.memref_slice %arg2[%dma_wait3A_81, %dma_wait3A_82] : memref<10000x128xf32, #tpu.memory_space<hbm>> -> memref<10000x128xf32, #tpu.memory_space<hbm>>
          tpu.wait_indirect_dma semaphore(%arg15 : memref<!tpu.dma_semaphore, #tpu.memory_space<semaphore_mem>>) src(%dma_wait3A_83 : memref<10000x128xf32, #tpu.memory_space<hbm>>) dst(%arg11 : memref<128x128xf32, #tpu.memory_space<vmem>>)
          %dma_start3A_84 = arith.constant 0 : i32
          %dma_start3A_85 = arith.constant 0 : i32
          %dma_start3A_86 = tpu.memref_slice %arg8[%dma_start3A_84, %dma_start3A_85] : memref<10112x128xf32, #tpu.memory_space<vmem_shared>> -> memref<10112x128xf32, #tpu.memory_space<vmem_shared>>
          tpu.enqueue_indirect_dma source(%arg11 : memref<128x128xf32, #tpu.memory_space<vmem>>) target(%dma_start3A_86 : memref<10112x128xf32, #tpu.memory_space<vmem_shared>>) offsets(%arg10 : memref<128xi32, #tpu.memory_space<vmem>>) semaphore(%arg17 : memref<!tpu.dma_semaphore, #tpu.memory_space<semaphore_mem>>) {add = true}
        } else {
        }
        %mul3A_53 = arith.constant 2 : i32
        %mul3A_54 = arith.muli %mul3A_53, %scan3A_36 : i32
        %add3A_55 = arith.constant 1 : i32
        %add3A_56 = arith.addi %mul3A_54, %add3A_55 : i32
        %mul3A_57 = arith.constant 16 : i32
        %mul3A_58 = arith.muli %mul3A_57, %add3A_56 : i32
        %add3A_59 = arith.addi %arg1, %mul3A_58 : i32
        %gt3A_60 = arith.constant 0 : i32
        %gt3A_61 = arith.cmpi sgt, %scan3A_36, %gt3A_60 : i32
        %convert_element_type3A_62 = arith.extui %gt3A_61 : i1 to i32
        %cond3A_63 = arith.constant 0 : i32
        %cond3A_64 = arith.cmpi ne, %convert_element_type3A_62, %cond3A_63 : i32
        scf.if %cond3A_64 {
          %dma_wait3A = arith.constant 0 : i32
          %dma_wait3A_70 = arith.constant 0 : i32
          %dma_wait3A_71 = tpu.memref_slice %arg8[%dma_wait3A, %dma_wait3A_70] : memref<10112x128xf32, #tpu.memory_space<vmem_shared>> -> memref<10112x128xf32, #tpu.memory_space<vmem_shared>>
          tpu.wait_indirect_dma semaphore(%arg18 : memref<!tpu.dma_semaphore, #tpu.memory_space<semaphore_mem>>) src(%arg14 : memref<128x128xf32, #tpu.memory_space<vmem>>) dst(%dma_wait3A_71 : memref<10112x128xf32, #tpu.memory_space<vmem_shared>>)
        } else {
        }
        %lt3A_65 = arith.constant 1250 : i32
        %lt3A_66 = arith.cmpi slt, %add3A_59, %lt3A_65 : i32
        %convert_element_type3A_67 = arith.extui %lt3A_66 : i1 to i32
        %cond3A_68 = arith.constant 0 : i32
        %cond3A_69 = arith.cmpi ne, %convert_element_type3A_67, %cond3A_68 : i32
        scf.if %cond3A_69 {
          %mul3A_70 = arith.constant 128 : i32
          %mul3A_71 = arith.muli %add3A_59, %mul3A_70 : i32
          %dma_start3A = tpu.memref_slice %arg4[%mul3A_71] : memref<160000xi32, #tpu.memory_space<hbm>> -> memref<128xi32, #tpu.memory_space<hbm>>
          %dma_start3A_72 = tpu.memref_slice %arg4[%mul3A_71] : memref<160000xi32, #tpu.memory_space<hbm>> -> memref<128xi32, #tpu.memory_space<hbm>>
          tpu.enqueue_dma source(%dma_start3A_72 : memref<128xi32, #tpu.memory_space<hbm>>) target(%arg12 : memref<128xi32, #tpu.memory_space<vmem>>) target_semaphore(%arg21 : memref<!tpu.dma_semaphore, #tpu.memory_space<semaphore_mem>>)
          %dma_start3A_73 = tpu.memref_slice %arg5[%mul3A_71] : memref<160000xi32, #tpu.memory_space<hbm>> -> memref<128xi32, #tpu.memory_space<hbm>>
          %dma_start3A_74 = tpu.memref_slice %arg5[%mul3A_71] : memref<160000xi32, #tpu.memory_space<hbm>> -> memref<128xi32, #tpu.memory_space<hbm>>
          tpu.enqueue_dma source(%dma_start3A_74 : memref<128xi32, #tpu.memory_space<hbm>>) target(%arg13 : memref<128xi32, #tpu.memory_space<vmem>>) target_semaphore(%arg22 : memref<!tpu.dma_semaphore, #tpu.memory_space<semaphore_mem>>)
          %dma_wait3A = tpu.memref_slice %arg4[%mul3A_71] : memref<160000xi32, #tpu.memory_space<hbm>> -> memref<128xi32, #tpu.memory_space<hbm>>
          %dma_wait3A_75 = tpu.memref_slice %arg4[%mul3A_71] : memref<160000xi32, #tpu.memory_space<hbm>> -> memref<128xi32, #tpu.memory_space<hbm>>
          tpu.wait_dma2 semaphore(%arg21 : memref<!tpu.dma_semaphore, #tpu.memory_space<semaphore_mem>>) src(%dma_wait3A_75 : memref<128xi32, #tpu.memory_space<hbm>>) dst(%arg12 : memref<128xi32, #tpu.memory_space<vmem>>)
          %dma_wait3A_76 = tpu.memref_slice %arg5[%mul3A_71] : memref<160000xi32, #tpu.memory_space<hbm>> -> memref<128xi32, #tpu.memory_space<hbm>>
          %dma_wait3A_77 = tpu.memref_slice %arg5[%mul3A_71] : memref<160000xi32, #tpu.memory_space<hbm>> -> memref<128xi32, #tpu.memory_space<hbm>>
          tpu.wait_dma2 semaphore(%arg22 : memref<!tpu.dma_semaphore, #tpu.memory_space<semaphore_mem>>) src(%dma_wait3A_77 : memref<128xi32, #tpu.memory_space<hbm>>) dst(%arg13 : memref<128xi32, #tpu.memory_space<vmem>>)
          %dma_start3A_78 = arith.constant 0 : i32
          %dma_start3A_79 = arith.constant 0 : i32
          %dma_start3A_80 = tpu.memref_slice %arg2[%dma_start3A_78, %dma_start3A_79] : memref<10000x128xf32, #tpu.memory_space<hbm>> -> memref<10000x128xf32, #tpu.memory_space<hbm>>
          tpu.enqueue_indirect_dma source(%dma_start3A_80 : memref<10000x128xf32, #tpu.memory_space<hbm>>) target(%arg14 : memref<128x128xf32, #tpu.memory_space<vmem>>) offsets(%arg12 : memref<128xi32, #tpu.memory_space<vmem>>) semaphore(%arg16 : memref<!tpu.dma_semaphore, #tpu.memory_space<semaphore_mem>>)
          %dma_wait3A_81 = arith.constant 0 : i32
          %dma_wait3A_82 = arith.constant 0 : i32
          %dma_wait3A_83 = tpu.memref_slice %arg2[%dma_wait3A_81, %dma_wait3A_82] : memref<10000x128xf32, #tpu.memory_space<hbm>> -> memref<10000x128xf32, #tpu.memory_space<hbm>>
          tpu.wait_indirect_dma semaphore(%arg16 : memref<!tpu.dma_semaphore, #tpu.memory_space<semaphore_mem>>) src(%dma_wait3A_83 : memref<10000x128xf32, #tpu.memory_space<hbm>>) dst(%arg14 : memref<128x128xf32, #tpu.memory_space<vmem>>)
          %dma_start3A_84 = arith.constant 0 : i32
          %dma_start3A_85 = arith.constant 0 : i32
          %dma_start3A_86 = tpu.memref_slice %arg8[%dma_start3A_84, %dma_start3A_85] : memref<10112x128xf32, #tpu.memory_space<vmem_shared>> -> memref<10112x128xf32, #tpu.memory_space<vmem_shared>>
          tpu.enqueue_indirect_dma source(%arg14 : memref<128x128xf32, #tpu.memory_space<vmem>>) target(%dma_start3A_86 : memref<10112x128xf32, #tpu.memory_space<vmem_shared>>) offsets(%arg13 : memref<128xi32, #tpu.memory_space<vmem>>) semaphore(%arg18 : memref<!tpu.dma_semaphore, #tpu.memory_space<semaphore_mem>>) {add = true}
        } else {
        }
      }
      %scan3A_23 = arith.constant 40 : i32
      %add3A = arith.constant 1248 : i32
      %add3A_24 = arith.addi %arg1, %add3A : i32
      %lt3A = arith.constant 1250 : i32
      %lt3A_25 = arith.cmpi slt, %add3A_24, %lt3A : i32
      %convert_element_type3A_26 = arith.extui %lt3A_25 : i1 to i32
      %cond3A_27 = arith.constant 0 : i32
      %cond3A_28 = arith.cmpi ne, %convert_element_type3A_26, %cond3A_27 : i32
      scf.if %cond3A_28 {
        %dma_wait3A = arith.constant 0 : i32
        %dma_wait3A_36 = arith.constant 0 : i32
        %dma_wait3A_37 = tpu.memref_slice %arg8[%dma_wait3A, %dma_wait3A_36] : memref<10112x128xf32, #tpu.memory_space<vmem_shared>> -> memref<10112x128xf32, #tpu.memory_space<vmem_shared>>
        tpu.wait_indirect_dma semaphore(%arg17 : memref<!tpu.dma_semaphore, #tpu.memory_space<semaphore_mem>>) src(%arg11 : memref<128x128xf32, #tpu.memory_space<vmem>>) dst(%dma_wait3A_37 : memref<10112x128xf32, #tpu.memory_space<vmem_shared>>)
      } else {
      }
      %add3A_29 = arith.constant 1264 : i32
      %add3A_30 = arith.addi %arg1, %add3A_29 : i32
      %lt3A_31 = arith.constant 1250 : i32
      %lt3A_32 = arith.cmpi slt, %add3A_30, %lt3A_31 : i32
      %convert_element_type3A_33 = arith.extui %lt3A_32 : i1 to i32
      %cond3A_34 = arith.constant 0 : i32
      %cond3A_35 = arith.cmpi ne, %convert_element_type3A_33, %cond3A_34 : i32
      scf.if %cond3A_35 {
        %dma_wait3A = arith.constant 0 : i32
        %dma_wait3A_36 = arith.constant 0 : i32
        %dma_wait3A_37 = tpu.memref_slice %arg8[%dma_wait3A, %dma_wait3A_36] : memref<10112x128xf32, #tpu.memory_space<vmem_shared>> -> memref<10112x128xf32, #tpu.memory_space<vmem_shared>>
        tpu.wait_indirect_dma semaphore(%arg18 : memref<!tpu.dma_semaphore, #tpu.memory_space<semaphore_mem>>) src(%arg14 : memref<128x128xf32, #tpu.memory_space<vmem>>) dst(%dma_wait3A_37 : memref<10112x128xf32, #tpu.memory_space<vmem_shared>>)
      } else {
      }
    } else {
    }
    %eq3A_3 = arith.constant 1 : i32
    %eq3A_4 = arith.cmpi eq, %arg0, %eq3A_3 : i32
    %convert_element_type3A_5 = arith.extui %eq3A_4 : i1 to i32
    %cond3A_6 = arith.constant 0 : i32
    %cond3A_7 = arith.cmpi ne, %convert_element_type3A_5, %cond3A_6 : i32
    scf.if %cond3A_7 {
      %scan3A = arith.constant 0 : i32
      %scan3A_19 = arith.constant 0 : i32
      %scan3A_20 = arith.constant 40 : i32
      %scan3A_21 = arith.addi %scan3A_19, %scan3A_20 : i32
      %scan3A_22 = arith.constant 1 : i32
      scf.for %scan3A_36 = %scan3A_19 to %scan3A_21 step %scan3A_22  : i32 {
        %mul3A_37 = arith.constant 2 : i32
        %mul3A_38 = arith.muli %mul3A_37, %scan3A_36 : i32
        %add3A_39 = arith.constant 0 : i32
        %add3A_40 = arith.addi %mul3A_38, %add3A_39 : i32
        %mul3A_41 = arith.constant 16 : i32
        %mul3A_42 = arith.muli %mul3A_41, %add3A_40 : i32
        %add3A_43 = arith.addi %arg1, %mul3A_42 : i32
        %gt3A = arith.constant 0 : i32
        %gt3A_44 = arith.cmpi sgt, %scan3A_36, %gt3A : i32
        %convert_element_type3A_45 = arith.extui %gt3A_44 : i1 to i32
        %cond3A_46 = arith.constant 0 : i32
        %cond3A_47 = arith.cmpi ne, %convert_element_type3A_45, %cond3A_46 : i32
        scf.if %cond3A_47 {
          %dma_wait3A = arith.constant 0 : i32
          %dma_wait3A_70 = arith.constant 0 : i32
          %dma_wait3A_71 = tpu.memref_slice %arg8[%dma_wait3A, %dma_wait3A_70] : memref<10112x128xf32, #tpu.memory_space<vmem_shared>> -> memref<10112x128xf32, #tpu.memory_space<vmem_shared>>
          tpu.wait_indirect_dma semaphore(%arg17 : memref<!tpu.dma_semaphore, #tpu.memory_space<semaphore_mem>>) src(%arg11 : memref<128x128xf32, #tpu.memory_space<vmem>>) dst(%dma_wait3A_71 : memref<10112x128xf32, #tpu.memory_space<vmem_shared>>)
        } else {
        }
        %lt3A_48 = arith.constant 1250 : i32
        %lt3A_49 = arith.cmpi slt, %add3A_43, %lt3A_48 : i32
        %convert_element_type3A_50 = arith.extui %lt3A_49 : i1 to i32
        %cond3A_51 = arith.constant 0 : i32
        %cond3A_52 = arith.cmpi ne, %convert_element_type3A_50, %cond3A_51 : i32
        scf.if %cond3A_52 {
          %mul3A_70 = arith.constant 128 : i32
          %mul3A_71 = arith.muli %add3A_43, %mul3A_70 : i32
          %dma_start3A = tpu.memref_slice %arg4[%mul3A_71] : memref<160000xi32, #tpu.memory_space<hbm>> -> memref<128xi32, #tpu.memory_space<hbm>>
          %dma_start3A_72 = tpu.memref_slice %arg4[%mul3A_71] : memref<160000xi32, #tpu.memory_space<hbm>> -> memref<128xi32, #tpu.memory_space<hbm>>
          tpu.enqueue_dma source(%dma_start3A_72 : memref<128xi32, #tpu.memory_space<hbm>>) target(%arg9 : memref<128xi32, #tpu.memory_space<vmem>>) target_semaphore(%arg19 : memref<!tpu.dma_semaphore, #tpu.memory_space<semaphore_mem>>)
          %dma_start3A_73 = tpu.memref_slice %arg5[%mul3A_71] : memref<160000xi32, #tpu.memory_space<hbm>> -> memref<128xi32, #tpu.memory_space<hbm>>
          %dma_start3A_74 = tpu.memref_slice %arg5[%mul3A_71] : memref<160000xi32, #tpu.memory_space<hbm>> -> memref<128xi32, #tpu.memory_space<hbm>>
          tpu.enqueue_dma source(%dma_start3A_74 : memref<128xi32, #tpu.memory_space<hbm>>) target(%arg10 : memref<128xi32, #tpu.memory_space<vmem>>) target_semaphore(%arg20 : memref<!tpu.dma_semaphore, #tpu.memory_space<semaphore_mem>>)
          %dma_wait3A = tpu.memref_slice %arg4[%mul3A_71] : memref<160000xi32, #tpu.memory_space<hbm>> -> memref<128xi32, #tpu.memory_space<hbm>>
          %dma_wait3A_75 = tpu.memref_slice %arg4[%mul3A_71] : memref<160000xi32, #tpu.memory_space<hbm>> -> memref<128xi32, #tpu.memory_space<hbm>>
          tpu.wait_dma2 semaphore(%arg19 : memref<!tpu.dma_semaphore, #tpu.memory_space<semaphore_mem>>) src(%dma_wait3A_75 : memref<128xi32, #tpu.memory_space<hbm>>) dst(%arg9 : memref<128xi32, #tpu.memory_space<vmem>>)
          %dma_wait3A_76 = tpu.memref_slice %arg5[%mul3A_71] : memref<160000xi32, #tpu.memory_space<hbm>> -> memref<128xi32, #tpu.memory_space<hbm>>
          %dma_wait3A_77 = tpu.memref_slice %arg5[%mul3A_71] : memref<160000xi32, #tpu.memory_space<hbm>> -> memref<128xi32, #tpu.memory_space<hbm>>
          tpu.wait_dma2 semaphore(%arg20 : memref<!tpu.dma_semaphore, #tpu.memory_space<semaphore_mem>>) src(%dma_wait3A_77 : memref<128xi32, #tpu.memory_space<hbm>>) dst(%arg10 : memref<128xi32, #tpu.memory_space<vmem>>)
          %dma_start3A_78 = arith.constant 0 : i32
          %dma_start3A_79 = arith.constant 0 : i32
          %dma_start3A_80 = tpu.memref_slice %arg3[%dma_start3A_78, %dma_start3A_79] : memref<10000x128xf32, #tpu.memory_space<hbm>> -> memref<10000x128xf32, #tpu.memory_space<hbm>>
          tpu.enqueue_indirect_dma source(%dma_start3A_80 : memref<10000x128xf32, #tpu.memory_space<hbm>>) target(%arg11 : memref<128x128xf32, #tpu.memory_space<vmem>>) offsets(%arg9 : memref<128xi32, #tpu.memory_space<vmem>>) semaphore(%arg15 : memref<!tpu.dma_semaphore, #tpu.memory_space<semaphore_mem>>)
          %dma_wait3A_81 = arith.constant 0 : i32
          %dma_wait3A_82 = arith.constant 0 : i32
          %dma_wait3A_83 = tpu.memref_slice %arg3[%dma_wait3A_81, %dma_wait3A_82] : memref<10000x128xf32, #tpu.memory_space<hbm>> -> memref<10000x128xf32, #tpu.memory_space<hbm>>
          tpu.wait_indirect_dma semaphore(%arg15 : memref<!tpu.dma_semaphore, #tpu.memory_space<semaphore_mem>>) src(%dma_wait3A_83 : memref<10000x128xf32, #tpu.memory_space<hbm>>) dst(%arg11 : memref<128x128xf32, #tpu.memory_space<vmem>>)
          %dma_start3A_84 = arith.constant 0 : i32
          %dma_start3A_85 = arith.constant 0 : i32
          %dma_start3A_86 = tpu.memref_slice %arg8[%dma_start3A_84, %dma_start3A_85] : memref<10112x128xf32, #tpu.memory_space<vmem_shared>> -> memref<10112x128xf32, #tpu.memory_space<vmem_shared>>
          tpu.enqueue_indirect_dma source(%arg11 : memref<128x128xf32, #tpu.memory_space<vmem>>) target(%dma_start3A_86 : memref<10112x128xf32, #tpu.memory_space<vmem_shared>>) offsets(%arg10 : memref<128xi32, #tpu.memory_space<vmem>>) semaphore(%arg17 : memref<!tpu.dma_semaphore, #tpu.memory_space<semaphore_mem>>) {add = true}
        } else {
        }
        %mul3A_53 = arith.constant 2 : i32
        %mul3A_54 = arith.muli %mul3A_53, %scan3A_36 : i32
        %add3A_55 = arith.constant 1 : i32
        %add3A_56 = arith.addi %mul3A_54, %add3A_55 : i32
        %mul3A_57 = arith.constant 16 : i32
        %mul3A_58 = arith.muli %mul3A_57, %add3A_56 : i32
        %add3A_59 = arith.addi %arg1, %mul3A_58 : i32
        %gt3A_60 = arith.constant 0 : i32
        %gt3A_61 = arith.cmpi sgt, %scan3A_36, %gt3A_60 : i32
        %convert_element_type3A_62 = arith.extui %gt3A_61 : i1 to i32
        %cond3A_63 = arith.constant 0 : i32
        %cond3A_64 = arith.cmpi ne, %convert_element_type3A_62, %cond3A_63 : i32
        scf.if %cond3A_64 {
          %dma_wait3A = arith.constant 0 : i32
          %dma_wait3A_70 = arith.constant 0 : i32
          %dma_wait3A_71 = tpu.memref_slice %arg8[%dma_wait3A, %dma_wait3A_70] : memref<10112x128xf32, #tpu.memory_space<vmem_shared>> -> memref<10112x128xf32, #tpu.memory_space<vmem_shared>>
          tpu.wait_indirect_dma semaphore(%arg18 : memref<!tpu.dma_semaphore, #tpu.memory_space<semaphore_mem>>) src(%arg14 : memref<128x128xf32, #tpu.memory_space<vmem>>) dst(%dma_wait3A_71 : memref<10112x128xf32, #tpu.memory_space<vmem_shared>>)
        } else {
        }
        %lt3A_65 = arith.constant 1250 : i32
        %lt3A_66 = arith.cmpi slt, %add3A_59, %lt3A_65 : i32
        %convert_element_type3A_67 = arith.extui %lt3A_66 : i1 to i32
        %cond3A_68 = arith.constant 0 : i32
        %cond3A_69 = arith.cmpi ne, %convert_element_type3A_67, %cond3A_68 : i32
        scf.if %cond3A_69 {
          %mul3A_70 = arith.constant 128 : i32
          %mul3A_71 = arith.muli %add3A_59, %mul3A_70 : i32
          %dma_start3A = tpu.memref_slice %arg4[%mul3A_71] : memref<160000xi32, #tpu.memory_space<hbm>> -> memref<128xi32, #tpu.memory_space<hbm>>
          %dma_start3A_72 = tpu.memref_slice %arg4[%mul3A_71] : memref<160000xi32, #tpu.memory_space<hbm>> -> memref<128xi32, #tpu.memory_space<hbm>>
          tpu.enqueue_dma source(%dma_start3A_72 : memref<128xi32, #tpu.memory_space<hbm>>) target(%arg12 : memref<128xi32, #tpu.memory_space<vmem>>) target_semaphore(%arg21 : memref<!tpu.dma_semaphore, #tpu.memory_space<semaphore_mem>>)
          %dma_start3A_73 = tpu.memref_slice %arg5[%mul3A_71] : memref<160000xi32, #tpu.memory_space<hbm>> -> memref<128xi32, #tpu.memory_space<hbm>>
          %dma_start3A_74 = tpu.memref_slice %arg5[%mul3A_71] : memref<160000xi32, #tpu.memory_space<hbm>> -> memref<128xi32, #tpu.memory_space<hbm>>
          tpu.enqueue_dma source(%dma_start3A_74 : memref<128xi32, #tpu.memory_space<hbm>>) target(%arg13 : memref<128xi32, #tpu.memory_space<vmem>>) target_semaphore(%arg22 : memref<!tpu.dma_semaphore, #tpu.memory_space<semaphore_mem>>)
          %dma_wait3A = tpu.memref_slice %arg4[%mul3A_71] : memref<160000xi32, #tpu.memory_space<hbm>> -> memref<128xi32, #tpu.memory_space<hbm>>
          %dma_wait3A_75 = tpu.memref_slice %arg4[%mul3A_71] : memref<160000xi32, #tpu.memory_space<hbm>> -> memref<128xi32, #tpu.memory_space<hbm>>
          tpu.wait_dma2 semaphore(%arg21 : memref<!tpu.dma_semaphore, #tpu.memory_space<semaphore_mem>>) src(%dma_wait3A_75 : memref<128xi32, #tpu.memory_space<hbm>>) dst(%arg12 : memref<128xi32, #tpu.memory_space<vmem>>)
          %dma_wait3A_76 = tpu.memref_slice %arg5[%mul3A_71] : memref<160000xi32, #tpu.memory_space<hbm>> -> memref<128xi32, #tpu.memory_space<hbm>>
          %dma_wait3A_77 = tpu.memref_slice %arg5[%mul3A_71] : memref<160000xi32, #tpu.memory_space<hbm>> -> memref<128xi32, #tpu.memory_space<hbm>>
          tpu.wait_dma2 semaphore(%arg22 : memref<!tpu.dma_semaphore, #tpu.memory_space<semaphore_mem>>) src(%dma_wait3A_77 : memref<128xi32, #tpu.memory_space<hbm>>) dst(%arg13 : memref<128xi32, #tpu.memory_space<vmem>>)
          %dma_start3A_78 = arith.constant 0 : i32
          %dma_start3A_79 = arith.constant 0 : i32
          %dma_start3A_80 = tpu.memref_slice %arg3[%dma_start3A_78, %dma_start3A_79] : memref<10000x128xf32, #tpu.memory_space<hbm>> -> memref<10000x128xf32, #tpu.memory_space<hbm>>
          tpu.enqueue_indirect_dma source(%dma_start3A_80 : memref<10000x128xf32, #tpu.memory_space<hbm>>) target(%arg14 : memref<128x128xf32, #tpu.memory_space<vmem>>) offsets(%arg12 : memref<128xi32, #tpu.memory_space<vmem>>) semaphore(%arg16 : memref<!tpu.dma_semaphore, #tpu.memory_space<semaphore_mem>>)
          %dma_wait3A_81 = arith.constant 0 : i32
          %dma_wait3A_82 = arith.constant 0 : i32
          %dma_wait3A_83 = tpu.memref_slice %arg3[%dma_wait3A_81, %dma_wait3A_82] : memref<10000x128xf32, #tpu.memory_space<hbm>> -> memref<10000x128xf32, #tpu.memory_space<hbm>>
          tpu.wait_indirect_dma semaphore(%arg16 : memref<!tpu.dma_semaphore, #tpu.memory_space<semaphore_mem>>) src(%dma_wait3A_83 : memref<10000x128xf32, #tpu.memory_space<hbm>>) dst(%arg14 : memref<128x128xf32, #tpu.memory_space<vmem>>)
          %dma_start3A_84 = arith.constant 0 : i32
          %dma_start3A_85 = arith.constant 0 : i32
          %dma_start3A_86 = tpu.memref_slice %arg8[%dma_start3A_84, %dma_start3A_85] : memref<10112x128xf32, #tpu.memory_space<vmem_shared>> -> memref<10112x128xf32, #tpu.memory_space<vmem_shared>>
          tpu.enqueue_indirect_dma source(%arg14 : memref<128x128xf32, #tpu.memory_space<vmem>>) target(%dma_start3A_86 : memref<10112x128xf32, #tpu.memory_space<vmem_shared>>) offsets(%arg13 : memref<128xi32, #tpu.memory_space<vmem>>) semaphore(%arg18 : memref<!tpu.dma_semaphore, #tpu.memory_space<semaphore_mem>>) {add = true}
        } else {
        }
      }
      %scan3A_23 = arith.constant 40 : i32
      %add3A = arith.constant 1248 : i32
      %add3A_24 = arith.addi %arg1, %add3A : i32
      %lt3A = arith.constant 1250 : i32
      %lt3A_25 = arith.cmpi slt, %add3A_24, %lt3A : i32
      %convert_element_type3A_26 = arith.extui %lt3A_25 : i1 to i32
      %cond3A_27 = arith.constant 0 : i32
      %cond3A_28 = arith.cmpi ne, %convert_element_type3A_26, %cond3A_27 : i32
      scf.if %cond3A_28 {
        %dma_wait3A = arith.constant 0 : i32
        %dma_wait3A_36 = arith.constant 0 : i32
        %dma_wait3A_37 = tpu.memref_slice %arg8[%dma_wait3A, %dma_wait3A_36] : memref<10112x128xf32, #tpu.memory_space<vmem_shared>> -> memref<10112x128xf32, #tpu.memory_space<vmem_shared>>
        tpu.wait_indirect_dma semaphore(%arg17 : memref<!tpu.dma_semaphore, #tpu.memory_space<semaphore_mem>>) src(%arg11 : memref<128x128xf32, #tpu.memory_space<vmem>>) dst(%dma_wait3A_37 : memref<10112x128xf32, #tpu.memory_space<vmem_shared>>)
      } else {
      }
      %add3A_29 = arith.constant 1264 : i32
      %add3A_30 = arith.addi %arg1, %add3A_29 : i32
      %lt3A_31 = arith.constant 1250 : i32
      %lt3A_32 = arith.cmpi slt, %add3A_30, %lt3A_31 : i32
      %convert_element_type3A_33 = arith.extui %lt3A_32 : i1 to i32
      %cond3A_34 = arith.constant 0 : i32
      %cond3A_35 = arith.cmpi ne, %convert_element_type3A_33, %cond3A_34 : i32
      scf.if %cond3A_35 {
        %dma_wait3A = arith.constant 0 : i32
        %dma_wait3A_36 = arith.constant 0 : i32
        %dma_wait3A_37 = tpu.memref_slice %arg8[%dma_wait3A, %dma_wait3A_36] : memref<10112x128xf32, #tpu.memory_space<vmem_shared>> -> memref<10112x128xf32, #tpu.memory_space<vmem_shared>>
        tpu.wait_indirect_dma semaphore(%arg18 : memref<!tpu.dma_semaphore, #tpu.memory_space<semaphore_mem>>) src(%arg14 : memref<128x128xf32, #tpu.memory_space<vmem>>) dst(%dma_wait3A_37 : memref<10112x128xf32, #tpu.memory_space<vmem_shared>>)
      } else {
      }
    } else {
    }
    %barrier3A_8 = arith.constant 0 : index
    tpu.barrier barrier_id(%barrier3A_8)
    %eq3A_9 = arith.constant 0 : i32
    %eq3A_10 = arith.cmpi eq, %arg0, %eq3A_9 : i32
    %convert_element_type3A_11 = arith.extui %eq3A_10 : i1 to i32
    %cond3A_12 = arith.constant 0 : i32
    %cond3A_13 = arith.cmpi ne, %convert_element_type3A_11, %cond3A_12 : i32
    scf.if %cond3A_13 {
      %run_scoped3A = arith.constant 0 : i32
      "tpu.region"() ({
        %run_scoped3A_19 = tpu.sem_alloc : memref<!tpu.dma_semaphore, #tpu.memory_space<semaphore_mem>>
        %dma_start3A = arith.constant 0 : i32
        %dma_start3A_20 = tpu.memref_slice %arg7[%run_scoped3A, %mul3A_0, %dma_start3A] : memref<2x10112x128xf32, #tpu.memory_space<hbm>> -> memref<1x632x128xf32, #tpu.memory_space<hbm>>
        %dma_start3A_21 = tpu.memref_squeeze %dma_start3A_20 : memref<1x632x128xf32, #tpu.memory_space<hbm>> -> memref<632x128xf32, #tpu.memory_space<hbm>>
        %dma_start3A_22 = arith.constant 0 : i32
        %dma_start3A_23 = tpu.memref_slice %arg8[%mul3A_0, %dma_start3A_22] : memref<10112x128xf32, #tpu.memory_space<vmem_shared>> -> memref<632x128xf32, #tpu.memory_space<vmem_shared>>
        tpu.enqueue_dma source(%dma_start3A_23 : memref<632x128xf32, #tpu.memory_space<vmem_shared>>) target(%dma_start3A_21 : memref<632x128xf32, #tpu.memory_space<hbm>>) target_semaphore(%run_scoped3A_19 : memref<!tpu.dma_semaphore, #tpu.memory_space<semaphore_mem>>)
        %dma_wait3A = arith.constant 0 : i32
        %dma_wait3A_24 = tpu.memref_slice %arg7[%run_scoped3A, %mul3A_0, %dma_wait3A] : memref<2x10112x128xf32, #tpu.memory_space<hbm>> -> memref<1x632x128xf32, #tpu.memory_space<hbm>>
        %dma_wait3A_25 = tpu.memref_squeeze %dma_wait3A_24 : memref<1x632x128xf32, #tpu.memory_space<hbm>> -> memref<632x128xf32, #tpu.memory_space<hbm>>
        %dma_wait3A_26 = arith.constant 0 : i32
        %dma_wait3A_27 = tpu.memref_slice %arg8[%mul3A_0, %dma_wait3A_26] : memref<10112x128xf32, #tpu.memory_space<vmem_shared>> -> memref<632x128xf32, #tpu.memory_space<vmem_shared>>
        tpu.wait_dma2 semaphore(%run_scoped3A_19 : memref<!tpu.dma_semaphore, #tpu.memory_space<semaphore_mem>>) src(%dma_wait3A_27 : memref<632x128xf32, #tpu.memory_space<vmem_shared>>) dst(%dma_wait3A_25 : memref<632x128xf32, #tpu.memory_space<hbm>>)
        tpu.yield
      }) : () -> ()
    } else {
    }
    %eq3A_14 = arith.constant 1 : i32
    %eq3A_15 = arith.cmpi eq, %arg0, %eq3A_14 : i32
    %convert_element_type3A_16 = arith.extui %eq3A_15 : i1 to i32
    %cond3A_17 = arith.constant 0 : i32
    %cond3A_18 = arith.cmpi ne, %convert_element_type3A_16, %cond3A_17 : i32
    scf.if %cond3A_18 {
      %run_scoped3A = arith.constant 1 : i32
      "tpu.region"() ({
        %run_scoped3A_19 = tpu.sem_alloc : memref<!tpu.dma_semaphore, #tpu.memory_space<semaphore_mem>>
        %dma_start3A = arith.constant 0 : i32
        %dma_start3A_20 = tpu.memref_slice %arg7[%run_scoped3A, %mul3A_0, %dma_start3A] : memref<2x10112x128xf32, #tpu.memory_space<hbm>> -> memref<1x632x128xf32, #tpu.memory_space<hbm>>
        %dma_start3A_21 = tpu.memref_squeeze %dma_start3A_20 : memref<1x632x128xf32, #tpu.memory_space<hbm>> -> memref<632x128xf32, #tpu.memory_space<hbm>>
        %dma_start3A_22 = arith.constant 0 : i32
        %dma_start3A_23 = tpu.memref_slice %arg8[%mul3A_0, %dma_start3A_22] : memref<10112x128xf32, #tpu.memory_space<vmem_shared>> -> memref<632x128xf32, #tpu.memory_space<vmem_shared>>
        tpu.enqueue_dma source(%dma_start3A_23 : memref<632x128xf32, #tpu.memory_space<vmem_shared>>) target(%dma_start3A_21 : memref<632x128xf32, #tpu.memory_space<hbm>>) target_semaphore(%run_scoped3A_19 : memref<!tpu.dma_semaphore, #tpu.memory_space<semaphore_mem>>)
        %dma_wait3A = arith.constant 0 : i32
        %dma_wait3A_24 = tpu.memref_slice %arg7[%run_scoped3A, %mul3A_0, %dma_wait3A] : memref<2x10112x128xf32, #tpu.memory_space<hbm>> -> memref<1x632x128xf32, #tpu.memory_space<hbm>>
        %dma_wait3A_25 = tpu.memref_squeeze %dma_wait3A_24 : memref<1x632x128xf32, #tpu.memory_space<hbm>> -> memref<632x128xf32, #tpu.memory_space<hbm>>
        %dma_wait3A_26 = arith.constant 0 : i32
        %dma_wait3A_27 = tpu.memref_slice %arg8[%mul3A_0, %dma_wait3A_26] : memref<10112x128xf32, #tpu.memory_space<vmem_shared>> -> memref<632x128xf32, #tpu.memory_space<vmem_shared>>
        tpu.wait_dma2 semaphore(%run_scoped3A_19 : memref<!tpu.dma_semaphore, #tpu.memory_space<semaphore_mem>>) src(%dma_wait3A_27 : memref<632x128xf32, #tpu.memory_space<vmem_shared>>) dst(%dma_wait3A_25 : memref<632x128xf32, #tpu.memory_space<hbm>>)
        tpu.yield
      }) : () -> ()
    } else {
    }
    return
  }
}

#map = affine_map<(d0, d1) -> (0, 0)>
#map1 = affine_map<(d0, d1) -> (0)>
#map2 = affine_map<(d0, d1) -> (0, 0, 0)>
module attributes {stable_mosaic.version = 14 : i64} {
  func.func @body(%arg0: i32, %arg1: i32, %arg2: memref<10000x128xf32, #tpu.memory_space<hbm>>, %arg3: memref<10000x128xf32, #tpu.memory_space<hbm>>, %arg4: memref<160000xi32, #tpu.memory_space<hbm>>, %arg5: memref<160000xi32, #tpu.memory_space<hbm>>, %arg6: memref<632x128xf32, #tpu.memory_space<hbm>>, %arg7: memref<2x10112x128xf32, #tpu.memory_space<hbm>>, %arg8: memref<10112x128xf32, #tpu.memory_space<vmem_shared>>, %arg9: memref<128xi32, #tpu.memory_space<vmem>>, %arg10: memref<128xi32, #tpu.memory_space<vmem>>, %arg11: memref<128x128xf32, #tpu.memory_space<vmem>>, %arg12: memref<128xi32, #tpu.memory_space<vmem>>, %arg13: memref<128xi32, #tpu.memory_space<vmem>>, %arg14: memref<128x128xf32, #tpu.memory_space<vmem>>, %arg15: memref<!tpu.dma_semaphore, #tpu.memory_space<semaphore_mem>>, %arg16: memref<!tpu.dma_semaphore, #tpu.memory_space<semaphore_mem>>, %arg17: memref<!tpu.dma_semaphore, #tpu.memory_space<semaphore_mem>>, %arg18: memref<!tpu.dma_semaphore, #tpu.memory_space<semaphore_mem>>, %arg19: memref<!tpu.dma_semaphore, #tpu.memory_space<semaphore_mem>>, %arg20: memref<!tpu.dma_semaphore, #tpu.memory_space<semaphore_mem>>, %arg21: memref<!tpu.dma_semaphore, #tpu.memory_space<semaphore_mem>>, %arg22: memref<!tpu.dma_semaphore, #tpu.memory_space<semaphore_mem>>) attributes {dimension_semantics = [#tpu.dimension_semantics<core_parallel>, #tpu.dimension_semantics<subcore_parallel>], iteration_bounds = array<i64: 2, 16>, scalar_prefetch = 0 : i64, scratch_operands = 15 : i64, tpu.core_type = #tpu.core_type<sc_vector_subcore>, window_params = [{transform_indices = #map}, {transform_indices = #map}, {transform_indices = #map1}, {transform_indices = #map1}, {transform_indices = #map}, {transform_indices = #map2}]} {
    %mul3A = arith.constant 632 : i32
    %mul3A_0 = arith.muli %arg1, %mul3A : i32
    "tpu.region"() ({
      %run_scoped3A = tpu.sem_alloc : memref<!tpu.dma_semaphore, #tpu.memory_space<semaphore_mem>>
      %dma_start3A = arith.constant 0 : i32
      %dma_start3A_19 = tpu.memref_slice %arg8[%mul3A_0, %dma_start3A] : memref<10112x128xf32, #tpu.memory_space<vmem_shared>> -> memref<632x128xf32, #tpu.memory_space<vmem_shared>>
      tpu.enqueue_dma source(%arg6 : memref<632x128xf32, #tpu.memory_space<hbm>>) target(%dma_start3A_19 : memref<632x128xf32, #tpu.memory_space<vmem_shared>>) target_semaphore(%run_scoped3A : memref<!tpu.dma_semaphore, #tpu.memory_space<semaphore_mem>>)
      %dma_wait3A = arith.constant 0 : i32
      %dma_wait3A_20 = tpu.memref_slice %arg8[%mul3A_0, %dma_wait3A] : memref<10112x128xf32, #tpu.memory_space<vmem_shared>> -> memref<632x128xf32, #tpu.memory_space<vmem_shared>>
      tpu.wait_dma2 semaphore(%run_scoped3A : memref<!tpu.dma_semaphore, #tpu.memory_space<semaphore_mem>>) src(%arg6 : memref<632x128xf32, #tpu.memory_space<hbm>>) dst(%dma_wait3A_20 : memref<632x128xf32, #tpu.memory_space<vmem_shared>>)
      tpu.yield
    }) : () -> ()
    %barrier3A = arith.constant 0 : index
    tpu.barrier barrier_id(%barrier3A)
    %eq3A = arith.constant 0 : i32
    %eq3A_1 = arith.cmpi eq, %arg0, %eq3A : i32
    %convert_element_type3A = arith.extui %eq3A_1 : i1 to i32
    %cond3A = arith.constant 0 : i32
    %cond3A_2 = arith.cmpi ne, %convert_element_type3A, %cond3A : i32
    scf.if %cond3A_2 {
      %scan3A = arith.constant 0 : i32
      %scan3A_19 = arith.constant 0 : i32
      %scan3A_20 = arith.constant 40 : i32
      %scan3A_21 = arith.addi %scan3A_19, %scan3A_20 : i32
      %scan3A_22 = arith.constant 1 : i32
      scf.for %scan3A_36 = %scan3A_19 to %scan3A_21 step %scan3A_22  : i32 {
        %mul3A_37 = arith.constant 2 : i32
        %mul3A_38 = arith.muli %mul3A_37, %scan3A_36 : i32
        %add3A_39 = arith.constant 0 : i32
        %add3A_40 = arith.addi %mul3A_38, %add3A_39 : i32
        %mul3A_41 = arith.constant 16 : i32
        %mul3A_42 = arith.muli %mul3A_41, %add3A_40 : i32
        %add3A_43 = arith.addi %arg1, %mul3A_42 : i32
        %gt3A = arith.constant 0 : i32
        %gt3A_44 = arith.cmpi sgt, %scan3A_36, %gt3A : i32
        %convert_element_type3A_45 = arith.extui %gt3A_44 : i1 to i32
        %cond3A_46 = arith.constant 0 : i32
        %cond3A_47 = arith.cmpi ne, %convert_element_type3A_45, %cond3A_46 : i32
        scf.if %cond3A_47 {
          %dma_wait3A = arith.constant 0 : i32
          %dma_wait3A_70 = arith.constant 0 : i32
          %dma_wait3A_71 = tpu.memref_slice %arg8[%dma_wait3A, %dma_wait3A_70] : memref<10112x128xf32, #tpu.memory_space<vmem_shared>> -> memref<10112x128xf32, #tpu.memory_space<vmem_shared>>
          tpu.wait_indirect_dma semaphore(%arg17 : memref<!tpu.dma_semaphore, #tpu.memory_space<semaphore_mem>>) src(%arg11 : memref<128x128xf32, #tpu.memory_space<vmem>>) dst(%dma_wait3A_71 : memref<10112x128xf32, #tpu.memory_space<vmem_shared>>)
        } else {
        }
        %lt3A_48 = arith.constant 1250 : i32
        %lt3A_49 = arith.cmpi slt, %add3A_43, %lt3A_48 : i32
        %convert_element_type3A_50 = arith.extui %lt3A_49 : i1 to i32
        %cond3A_51 = arith.constant 0 : i32
        %cond3A_52 = arith.cmpi ne, %convert_element_type3A_50, %cond3A_51 : i32
        scf.if %cond3A_52 {
          %mul3A_70 = arith.constant 128 : i32
          %mul3A_71 = arith.muli %add3A_43, %mul3A_70 : i32
          %dma_start3A = tpu.memref_slice %arg4[%mul3A_71] : memref<160000xi32, #tpu.memory_space<hbm>> -> memref<128xi32, #tpu.memory_space<hbm>>
          %dma_start3A_72 = tpu.memref_slice %arg4[%mul3A_71] : memref<160000xi32, #tpu.memory_space<hbm>> -> memref<128xi32, #tpu.memory_space<hbm>>
          tpu.enqueue_dma source(%dma_start3A_72 : memref<128xi32, #tpu.memory_space<hbm>>) target(%arg9 : memref<128xi32, #tpu.memory_space<vmem>>) target_semaphore(%arg19 : memref<!tpu.dma_semaphore, #tpu.memory_space<semaphore_mem>>)
          %dma_start3A_73 = tpu.memref_slice %arg5[%mul3A_71] : memref<160000xi32, #tpu.memory_space<hbm>> -> memref<128xi32, #tpu.memory_space<hbm>>
          %dma_start3A_74 = tpu.memref_slice %arg5[%mul3A_71] : memref<160000xi32, #tpu.memory_space<hbm>> -> memref<128xi32, #tpu.memory_space<hbm>>
          tpu.enqueue_dma source(%dma_start3A_74 : memref<128xi32, #tpu.memory_space<hbm>>) target(%arg10 : memref<128xi32, #tpu.memory_space<vmem>>) target_semaphore(%arg20 : memref<!tpu.dma_semaphore, #tpu.memory_space<semaphore_mem>>)
          %dma_wait3A = tpu.memref_slice %arg4[%mul3A_71] : memref<160000xi32, #tpu.memory_space<hbm>> -> memref<128xi32, #tpu.memory_space<hbm>>
          %dma_wait3A_75 = tpu.memref_slice %arg4[%mul3A_71] : memref<160000xi32, #tpu.memory_space<hbm>> -> memref<128xi32, #tpu.memory_space<hbm>>
          tpu.wait_dma2 semaphore(%arg19 : memref<!tpu.dma_semaphore, #tpu.memory_space<semaphore_mem>>) src(%dma_wait3A_75 : memref<128xi32, #tpu.memory_space<hbm>>) dst(%arg9 : memref<128xi32, #tpu.memory_space<vmem>>)
          %dma_wait3A_76 = tpu.memref_slice %arg5[%mul3A_71] : memref<160000xi32, #tpu.memory_space<hbm>> -> memref<128xi32, #tpu.memory_space<hbm>>
          %dma_wait3A_77 = tpu.memref_slice %arg5[%mul3A_71] : memref<160000xi32, #tpu.memory_space<hbm>> -> memref<128xi32, #tpu.memory_space<hbm>>
          tpu.wait_dma2 semaphore(%arg20 : memref<!tpu.dma_semaphore, #tpu.memory_space<semaphore_mem>>) src(%dma_wait3A_77 : memref<128xi32, #tpu.memory_space<hbm>>) dst(%arg10 : memref<128xi32, #tpu.memory_space<vmem>>)
          %dma_start3A_78 = arith.constant 0 : i32
          %dma_start3A_79 = arith.constant 0 : i32
          %dma_start3A_80 = tpu.memref_slice %arg2[%dma_start3A_78, %dma_start3A_79] : memref<10000x128xf32, #tpu.memory_space<hbm>> -> memref<10000x128xf32, #tpu.memory_space<hbm>>
          tpu.enqueue_indirect_dma source(%dma_start3A_80 : memref<10000x128xf32, #tpu.memory_space<hbm>>) target(%arg11 : memref<128x128xf32, #tpu.memory_space<vmem>>) offsets(%arg9 : memref<128xi32, #tpu.memory_space<vmem>>) semaphore(%arg15 : memref<!tpu.dma_semaphore, #tpu.memory_space<semaphore_mem>>)
          %dma_wait3A_81 = arith.constant 0 : i32
          %dma_wait3A_82 = arith.constant 0 : i32
          %dma_wait3A_83 = tpu.memref_slice %arg2[%dma_wait3A_81, %dma_wait3A_82] : memref<10000x128xf32, #tpu.memory_space<hbm>> -> memref<10000x128xf32, #tpu.memory_space<hbm>>
          tpu.wait_indirect_dma semaphore(%arg15 : memref<!tpu.dma_semaphore, #tpu.memory_space<semaphore_mem>>) src(%dma_wait3A_83 : memref<10000x128xf32, #tpu.memory_space<hbm>>) dst(%arg11 : memref<128x128xf32, #tpu.memory_space<vmem>>)
          %dma_start3A_84 = arith.constant 0 : i32
          %dma_start3A_85 = arith.constant 0 : i32
          %dma_start3A_86 = tpu.memref_slice %arg8[%dma_start3A_84, %dma_start3A_85] : memref<10112x128xf32, #tpu.memory_space<vmem_shared>> -> memref<10112x128xf32, #tpu.memory_space<vmem_shared>>
          tpu.enqueue_indirect_dma source(%arg11 : memref<128x128xf32, #tpu.memory_space<vmem>>) target(%dma_start3A_86 : memref<10112x128xf32, #tpu.memory_space<vmem_shared>>) offsets(%arg10 : memref<128xi32, #tpu.memory_space<vmem>>) semaphore(%arg17 : memref<!tpu.dma_semaphore, #tpu.memory_space<semaphore_mem>>) {add = true}
        } else {
        }
        %mul3A_53 = arith.constant 2 : i32
        %mul3A_54 = arith.muli %mul3A_53, %scan3A_36 : i32
        %add3A_55 = arith.constant 1 : i32
        %add3A_56 = arith.addi %mul3A_54, %add3A_55 : i32
        %mul3A_57 = arith.constant 16 : i32
        %mul3A_58 = arith.muli %mul3A_57, %add3A_56 : i32
        %add3A_59 = arith.addi %arg1, %mul3A_58 : i32
        %gt3A_60 = arith.constant 0 : i32
        %gt3A_61 = arith.cmpi sgt, %scan3A_36, %gt3A_60 : i32
        %convert_element_type3A_62 = arith.extui %gt3A_61 : i1 to i32
        %cond3A_63 = arith.constant 0 : i32
        %cond3A_64 = arith.cmpi ne, %convert_element_type3A_62, %cond3A_63 : i32
        scf.if %cond3A_64 {
          %dma_wait3A = arith.constant 0 : i32
          %dma_wait3A_70 = arith.constant 0 : i32
          %dma_wait3A_71 = tpu.memref_slice %arg8[%dma_wait3A, %dma_wait3A_70] : memref<10112x128xf32, #tpu.memory_space<vmem_shared>> -> memref<10112x128xf32, #tpu.memory_space<vmem_shared>>
          tpu.wait_indirect_dma semaphore(%arg18 : memref<!tpu.dma_semaphore, #tpu.memory_space<semaphore_mem>>) src(%arg14 : memref<128x128xf32, #tpu.memory_space<vmem>>) dst(%dma_wait3A_71 : memref<10112x128xf32, #tpu.memory_space<vmem_shared>>)
        } else {
        }
        %lt3A_65 = arith.constant 1250 : i32
        %lt3A_66 = arith.cmpi slt, %add3A_59, %lt3A_65 : i32
        %convert_element_type3A_67 = arith.extui %lt3A_66 : i1 to i32
        %cond3A_68 = arith.constant 0 : i32
        %cond3A_69 = arith.cmpi ne, %convert_element_type3A_67, %cond3A_68 : i32
        scf.if %cond3A_69 {
          %mul3A_70 = arith.constant 128 : i32
          %mul3A_71 = arith.muli %add3A_59, %mul3A_70 : i32
          %dma_start3A = tpu.memref_slice %arg4[%mul3A_71] : memref<160000xi32, #tpu.memory_space<hbm>> -> memref<128xi32, #tpu.memory_space<hbm>>
          %dma_start3A_72 = tpu.memref_slice %arg4[%mul3A_71] : memref<160000xi32, #tpu.memory_space<hbm>> -> memref<128xi32, #tpu.memory_space<hbm>>
          tpu.enqueue_dma source(%dma_start3A_72 : memref<128xi32, #tpu.memory_space<hbm>>) target(%arg12 : memref<128xi32, #tpu.memory_space<vmem>>) target_semaphore(%arg21 : memref<!tpu.dma_semaphore, #tpu.memory_space<semaphore_mem>>)
          %dma_start3A_73 = tpu.memref_slice %arg5[%mul3A_71] : memref<160000xi32, #tpu.memory_space<hbm>> -> memref<128xi32, #tpu.memory_space<hbm>>
          %dma_start3A_74 = tpu.memref_slice %arg5[%mul3A_71] : memref<160000xi32, #tpu.memory_space<hbm>> -> memref<128xi32, #tpu.memory_space<hbm>>
          tpu.enqueue_dma source(%dma_start3A_74 : memref<128xi32, #tpu.memory_space<hbm>>) target(%arg13 : memref<128xi32, #tpu.memory_space<vmem>>) target_semaphore(%arg22 : memref<!tpu.dma_semaphore, #tpu.memory_space<semaphore_mem>>)
          %dma_wait3A = tpu.memref_slice %arg4[%mul3A_71] : memref<160000xi32, #tpu.memory_space<hbm>> -> memref<128xi32, #tpu.memory_space<hbm>>
          %dma_wait3A_75 = tpu.memref_slice %arg4[%mul3A_71] : memref<160000xi32, #tpu.memory_space<hbm>> -> memref<128xi32, #tpu.memory_space<hbm>>
          tpu.wait_dma2 semaphore(%arg21 : memref<!tpu.dma_semaphore, #tpu.memory_space<semaphore_mem>>) src(%dma_wait3A_75 : memref<128xi32, #tpu.memory_space<hbm>>) dst(%arg12 : memref<128xi32, #tpu.memory_space<vmem>>)
          %dma_wait3A_76 = tpu.memref_slice %arg5[%mul3A_71] : memref<160000xi32, #tpu.memory_space<hbm>> -> memref<128xi32, #tpu.memory_space<hbm>>
          %dma_wait3A_77 = tpu.memref_slice %arg5[%mul3A_71] : memref<160000xi32, #tpu.memory_space<hbm>> -> memref<128xi32, #tpu.memory_space<hbm>>
          tpu.wait_dma2 semaphore(%arg22 : memref<!tpu.dma_semaphore, #tpu.memory_space<semaphore_mem>>) src(%dma_wait3A_77 : memref<128xi32, #tpu.memory_space<hbm>>) dst(%arg13 : memref<128xi32, #tpu.memory_space<vmem>>)
          %dma_start3A_78 = arith.constant 0 : i32
          %dma_start3A_79 = arith.constant 0 : i32
          %dma_start3A_80 = tpu.memref_slice %arg2[%dma_start3A_78, %dma_start3A_79] : memref<10000x128xf32, #tpu.memory_space<hbm>> -> memref<10000x128xf32, #tpu.memory_space<hbm>>
          tpu.enqueue_indirect_dma source(%dma_start3A_80 : memref<10000x128xf32, #tpu.memory_space<hbm>>) target(%arg14 : memref<128x128xf32, #tpu.memory_space<vmem>>) offsets(%arg12 : memref<128xi32, #tpu.memory_space<vmem>>) semaphore(%arg16 : memref<!tpu.dma_semaphore, #tpu.memory_space<semaphore_mem>>)
          %dma_wait3A_81 = arith.constant 0 : i32
          %dma_wait3A_82 = arith.constant 0 : i32
          %dma_wait3A_83 = tpu.memref_slice %arg2[%dma_wait3A_81, %dma_wait3A_82] : memref<10000x128xf32, #tpu.memory_space<hbm>> -> memref<10000x128xf32, #tpu.memory_space<hbm>>
          tpu.wait_indirect_dma semaphore(%arg16 : memref<!tpu.dma_semaphore, #tpu.memory_space<semaphore_mem>>) src(%dma_wait3A_83 : memref<10000x128xf32, #tpu.memory_space<hbm>>) dst(%arg14 : memref<128x128xf32, #tpu.memory_space<vmem>>)
          %dma_start3A_84 = arith.constant 0 : i32
          %dma_start3A_85 = arith.constant 0 : i32
          %dma_start3A_86 = tpu.memref_slice %arg8[%dma_start3A_84, %dma_start3A_85] : memref<10112x128xf32, #tpu.memory_space<vmem_shared>> -> memref<10112x128xf32, #tpu.memory_space<vmem_shared>>
          tpu.enqueue_indirect_dma source(%arg14 : memref<128x128xf32, #tpu.memory_space<vmem>>) target(%dma_start3A_86 : memref<10112x128xf32, #tpu.memory_space<vmem_shared>>) offsets(%arg13 : memref<128xi32, #tpu.memory_space<vmem>>) semaphore(%arg18 : memref<!tpu.dma_semaphore, #tpu.memory_space<semaphore_mem>>) {add = true}
        } else {
        }
      }
      %scan3A_23 = arith.constant 40 : i32
      %add3A = arith.constant 1248 : i32
      %add3A_24 = arith.addi %arg1, %add3A : i32
      %lt3A = arith.constant 1250 : i32
      %lt3A_25 = arith.cmpi slt, %add3A_24, %lt3A : i32
      %convert_element_type3A_26 = arith.extui %lt3A_25 : i1 to i32
      %cond3A_27 = arith.constant 0 : i32
      %cond3A_28 = arith.cmpi ne, %convert_element_type3A_26, %cond3A_27 : i32
      scf.if %cond3A_28 {
        %dma_wait3A = arith.constant 0 : i32
        %dma_wait3A_36 = arith.constant 0 : i32
        %dma_wait3A_37 = tpu.memref_slice %arg8[%dma_wait3A, %dma_wait3A_36] : memref<10112x128xf32, #tpu.memory_space<vmem_shared>> -> memref<10112x128xf32, #tpu.memory_space<vmem_shared>>
        tpu.wait_indirect_dma semaphore(%arg17 : memref<!tpu.dma_semaphore, #tpu.memory_space<semaphore_mem>>) src(%arg11 : memref<128x128xf32, #tpu.memory_space<vmem>>) dst(%dma_wait3A_37 : memref<10112x128xf32, #tpu.memory_space<vmem_shared>>)
      } else {
      }
      %add3A_29 = arith.constant 1264 : i32
      %add3A_30 = arith.addi %arg1, %add3A_29 : i32
      %lt3A_31 = arith.constant 1250 : i32
      %lt3A_32 = arith.cmpi slt, %add3A_30, %lt3A_31 : i32
      %convert_element_type3A_33 = arith.extui %lt3A_32 : i1 to i32
      %cond3A_34 = arith.constant 0 : i32
      %cond3A_35 = arith.cmpi ne, %convert_element_type3A_33, %cond3A_34 : i32
      scf.if %cond3A_35 {
        %dma_wait3A = arith.constant 0 : i32
        %dma_wait3A_36 = arith.constant 0 : i32
        %dma_wait3A_37 = tpu.memref_slice %arg8[%dma_wait3A, %dma_wait3A_36] : memref<10112x128xf32, #tpu.memory_space<vmem_shared>> -> memref<10112x128xf32, #tpu.memory_space<vmem_shared>>
        tpu.wait_indirect_dma semaphore(%arg18 : memref<!tpu.dma_semaphore, #tpu.memory_space<semaphore_mem>>) src(%arg14 : memref<128x128xf32, #tpu.memory_space<vmem>>) dst(%dma_wait3A_37 : memref<10112x128xf32, #tpu.memory_space<vmem_shared>>)
      } else {
      }
    } else {
    }
    %eq3A_3 = arith.constant 1 : i32
    %eq3A_4 = arith.cmpi eq, %arg0, %eq3A_3 : i32
    %convert_element_type3A_5 = arith.extui %eq3A_4 : i1 to i32
    %cond3A_6 = arith.constant 0 : i32
    %cond3A_7 = arith.cmpi ne, %convert_element_type3A_5, %cond3A_6 : i32
    scf.if %cond3A_7 {
      %scan3A = arith.constant 0 : i32
      %scan3A_19 = arith.constant 0 : i32
      %scan3A_20 = arith.constant 40 : i32
      %scan3A_21 = arith.addi %scan3A_19, %scan3A_20 : i32
      %scan3A_22 = arith.constant 1 : i32
      scf.for %scan3A_36 = %scan3A_19 to %scan3A_21 step %scan3A_22  : i32 {
        %mul3A_37 = arith.constant 2 : i32
        %mul3A_38 = arith.muli %mul3A_37, %scan3A_36 : i32
        %add3A_39 = arith.constant 0 : i32
        %add3A_40 = arith.addi %mul3A_38, %add3A_39 : i32
        %mul3A_41 = arith.constant 16 : i32
        %mul3A_42 = arith.muli %mul3A_41, %add3A_40 : i32
        %add3A_43 = arith.addi %arg1, %mul3A_42 : i32
        %gt3A = arith.constant 0 : i32
        %gt3A_44 = arith.cmpi sgt, %scan3A_36, %gt3A : i32
        %convert_element_type3A_45 = arith.extui %gt3A_44 : i1 to i32
        %cond3A_46 = arith.constant 0 : i32
        %cond3A_47 = arith.cmpi ne, %convert_element_type3A_45, %cond3A_46 : i32
        scf.if %cond3A_47 {
          %dma_wait3A = arith.constant 0 : i32
          %dma_wait3A_70 = arith.constant 0 : i32
          %dma_wait3A_71 = tpu.memref_slice %arg8[%dma_wait3A, %dma_wait3A_70] : memref<10112x128xf32, #tpu.memory_space<vmem_shared>> -> memref<10112x128xf32, #tpu.memory_space<vmem_shared>>
          tpu.wait_indirect_dma semaphore(%arg17 : memref<!tpu.dma_semaphore, #tpu.memory_space<semaphore_mem>>) src(%arg11 : memref<128x128xf32, #tpu.memory_space<vmem>>) dst(%dma_wait3A_71 : memref<10112x128xf32, #tpu.memory_space<vmem_shared>>)
        } else {
        }
        %lt3A_48 = arith.constant 1250 : i32
        %lt3A_49 = arith.cmpi slt, %add3A_43, %lt3A_48 : i32
        %convert_element_type3A_50 = arith.extui %lt3A_49 : i1 to i32
        %cond3A_51 = arith.constant 0 : i32
        %cond3A_52 = arith.cmpi ne, %convert_element_type3A_50, %cond3A_51 : i32
        scf.if %cond3A_52 {
          %mul3A_70 = arith.constant 128 : i32
          %mul3A_71 = arith.muli %add3A_43, %mul3A_70 : i32
          %dma_start3A = tpu.memref_slice %arg4[%mul3A_71] : memref<160000xi32, #tpu.memory_space<hbm>> -> memref<128xi32, #tpu.memory_space<hbm>>
          %dma_start3A_72 = tpu.memref_slice %arg4[%mul3A_71] : memref<160000xi32, #tpu.memory_space<hbm>> -> memref<128xi32, #tpu.memory_space<hbm>>
          tpu.enqueue_dma source(%dma_start3A_72 : memref<128xi32, #tpu.memory_space<hbm>>) target(%arg9 : memref<128xi32, #tpu.memory_space<vmem>>) target_semaphore(%arg19 : memref<!tpu.dma_semaphore, #tpu.memory_space<semaphore_mem>>)
          %dma_start3A_73 = tpu.memref_slice %arg5[%mul3A_71] : memref<160000xi32, #tpu.memory_space<hbm>> -> memref<128xi32, #tpu.memory_space<hbm>>
          %dma_start3A_74 = tpu.memref_slice %arg5[%mul3A_71] : memref<160000xi32, #tpu.memory_space<hbm>> -> memref<128xi32, #tpu.memory_space<hbm>>
          tpu.enqueue_dma source(%dma_start3A_74 : memref<128xi32, #tpu.memory_space<hbm>>) target(%arg10 : memref<128xi32, #tpu.memory_space<vmem>>) target_semaphore(%arg20 : memref<!tpu.dma_semaphore, #tpu.memory_space<semaphore_mem>>)
          %dma_wait3A = tpu.memref_slice %arg4[%mul3A_71] : memref<160000xi32, #tpu.memory_space<hbm>> -> memref<128xi32, #tpu.memory_space<hbm>>
          %dma_wait3A_75 = tpu.memref_slice %arg4[%mul3A_71] : memref<160000xi32, #tpu.memory_space<hbm>> -> memref<128xi32, #tpu.memory_space<hbm>>
          tpu.wait_dma2 semaphore(%arg19 : memref<!tpu.dma_semaphore, #tpu.memory_space<semaphore_mem>>) src(%dma_wait3A_75 : memref<128xi32, #tpu.memory_space<hbm>>) dst(%arg9 : memref<128xi32, #tpu.memory_space<vmem>>)
          %dma_wait3A_76 = tpu.memref_slice %arg5[%mul3A_71] : memref<160000xi32, #tpu.memory_space<hbm>> -> memref<128xi32, #tpu.memory_space<hbm>>
          %dma_wait3A_77 = tpu.memref_slice %arg5[%mul3A_71] : memref<160000xi32, #tpu.memory_space<hbm>> -> memref<128xi32, #tpu.memory_space<hbm>>
          tpu.wait_dma2 semaphore(%arg20 : memref<!tpu.dma_semaphore, #tpu.memory_space<semaphore_mem>>) src(%dma_wait3A_77 : memref<128xi32, #tpu.memory_space<hbm>>) dst(%arg10 : memref<128xi32, #tpu.memory_space<vmem>>)
          %dma_start3A_78 = arith.constant 0 : i32
          %dma_start3A_79 = arith.constant 0 : i32
          %dma_start3A_80 = tpu.memref_slice %arg3[%dma_start3A_78, %dma_start3A_79] : memref<10000x128xf32, #tpu.memory_space<hbm>> -> memref<10000x128xf32, #tpu.memory_space<hbm>>
          tpu.enqueue_indirect_dma source(%dma_start3A_80 : memref<10000x128xf32, #tpu.memory_space<hbm>>) target(%arg11 : memref<128x128xf32, #tpu.memory_space<vmem>>) offsets(%arg9 : memref<128xi32, #tpu.memory_space<vmem>>) semaphore(%arg15 : memref<!tpu.dma_semaphore, #tpu.memory_space<semaphore_mem>>)
          %dma_wait3A_81 = arith.constant 0 : i32
          %dma_wait3A_82 = arith.constant 0 : i32
          %dma_wait3A_83 = tpu.memref_slice %arg3[%dma_wait3A_81, %dma_wait3A_82] : memref<10000x128xf32, #tpu.memory_space<hbm>> -> memref<10000x128xf32, #tpu.memory_space<hbm>>
          tpu.wait_indirect_dma semaphore(%arg15 : memref<!tpu.dma_semaphore, #tpu.memory_space<semaphore_mem>>) src(%dma_wait3A_83 : memref<10000x128xf32, #tpu.memory_space<hbm>>) dst(%arg11 : memref<128x128xf32, #tpu.memory_space<vmem>>)
          %dma_start3A_84 = arith.constant 0 : i32
          %dma_start3A_85 = arith.constant 0 : i32
          %dma_start3A_86 = tpu.memref_slice %arg8[%dma_start3A_84, %dma_start3A_85] : memref<10112x128xf32, #tpu.memory_space<vmem_shared>> -> memref<10112x128xf32, #tpu.memory_space<vmem_shared>>
          tpu.enqueue_indirect_dma source(%arg11 : memref<128x128xf32, #tpu.memory_space<vmem>>) target(%dma_start3A_86 : memref<10112x128xf32, #tpu.memory_space<vmem_shared>>) offsets(%arg10 : memref<128xi32, #tpu.memory_space<vmem>>) semaphore(%arg17 : memref<!tpu.dma_semaphore, #tpu.memory_space<semaphore_mem>>) {add = true}
        } else {
        }
        %mul3A_53 = arith.constant 2 : i32
        %mul3A_54 = arith.muli %mul3A_53, %scan3A_36 : i32
        %add3A_55 = arith.constant 1 : i32
        %add3A_56 = arith.addi %mul3A_54, %add3A_55 : i32
        %mul3A_57 = arith.constant 16 : i32
        %mul3A_58 = arith.muli %mul3A_57, %add3A_56 : i32
        %add3A_59 = arith.addi %arg1, %mul3A_58 : i32
        %gt3A_60 = arith.constant 0 : i32
        %gt3A_61 = arith.cmpi sgt, %scan3A_36, %gt3A_60 : i32
        %convert_element_type3A_62 = arith.extui %gt3A_61 : i1 to i32
        %cond3A_63 = arith.constant 0 : i32
        %cond3A_64 = arith.cmpi ne, %convert_element_type3A_62, %cond3A_63 : i32
        scf.if %cond3A_64 {
          %dma_wait3A = arith.constant 0 : i32
          %dma_wait3A_70 = arith.constant 0 : i32
          %dma_wait3A_71 = tpu.memref_slice %arg8[%dma_wait3A, %dma_wait3A_70] : memref<10112x128xf32, #tpu.memory_space<vmem_shared>> -> memref<10112x128xf32, #tpu.memory_space<vmem_shared>>
          tpu.wait_indirect_dma semaphore(%arg18 : memref<!tpu.dma_semaphore, #tpu.memory_space<semaphore_mem>>) src(%arg14 : memref<128x128xf32, #tpu.memory_space<vmem>>) dst(%dma_wait3A_71 : memref<10112x128xf32, #tpu.memory_space<vmem_shared>>)
        } else {
        }
        %lt3A_65 = arith.constant 1250 : i32
        %lt3A_66 = arith.cmpi slt, %add3A_59, %lt3A_65 : i32
        %convert_element_type3A_67 = arith.extui %lt3A_66 : i1 to i32
        %cond3A_68 = arith.constant 0 : i32
        %cond3A_69 = arith.cmpi ne, %convert_element_type3A_67, %cond3A_68 : i32
        scf.if %cond3A_69 {
          %mul3A_70 = arith.constant 128 : i32
          %mul3A_71 = arith.muli %add3A_59, %mul3A_70 : i32
          %dma_start3A = tpu.memref_slice %arg4[%mul3A_71] : memref<160000xi32, #tpu.memory_space<hbm>> -> memref<128xi32, #tpu.memory_space<hbm>>
          %dma_start3A_72 = tpu.memref_slice %arg4[%mul3A_71] : memref<160000xi32, #tpu.memory_space<hbm>> -> memref<128xi32, #tpu.memory_space<hbm>>
          tpu.enqueue_dma source(%dma_start3A_72 : memref<128xi32, #tpu.memory_space<hbm>>) target(%arg12 : memref<128xi32, #tpu.memory_space<vmem>>) target_semaphore(%arg21 : memref<!tpu.dma_semaphore, #tpu.memory_space<semaphore_mem>>)
          %dma_start3A_73 = tpu.memref_slice %arg5[%mul3A_71] : memref<160000xi32, #tpu.memory_space<hbm>> -> memref<128xi32, #tpu.memory_space<hbm>>
          %dma_start3A_74 = tpu.memref_slice %arg5[%mul3A_71] : memref<160000xi32, #tpu.memory_space<hbm>> -> memref<128xi32, #tpu.memory_space<hbm>>
          tpu.enqueue_dma source(%dma_start3A_74 : memref<128xi32, #tpu.memory_space<hbm>>) target(%arg13 : memref<128xi32, #tpu.memory_space<vmem>>) target_semaphore(%arg22 : memref<!tpu.dma_semaphore, #tpu.memory_space<semaphore_mem>>)
          %dma_wait3A = tpu.memref_slice %arg4[%mul3A_71] : memref<160000xi32, #tpu.memory_space<hbm>> -> memref<128xi32, #tpu.memory_space<hbm>>
          %dma_wait3A_75 = tpu.memref_slice %arg4[%mul3A_71] : memref<160000xi32, #tpu.memory_space<hbm>> -> memref<128xi32, #tpu.memory_space<hbm>>
          tpu.wait_dma2 semaphore(%arg21 : memref<!tpu.dma_semaphore, #tpu.memory_space<semaphore_mem>>) src(%dma_wait3A_75 : memref<128xi32, #tpu.memory_space<hbm>>) dst(%arg12 : memref<128xi32, #tpu.memory_space<vmem>>)
          %dma_wait3A_76 = tpu.memref_slice %arg5[%mul3A_71] : memref<160000xi32, #tpu.memory_space<hbm>> -> memref<128xi32, #tpu.memory_space<hbm>>
          %dma_wait3A_77 = tpu.memref_slice %arg5[%mul3A_71] : memref<160000xi32, #tpu.memory_space<hbm>> -> memref<128xi32, #tpu.memory_space<hbm>>
          tpu.wait_dma2 semaphore(%arg22 : memref<!tpu.dma_semaphore, #tpu.memory_space<semaphore_mem>>) src(%dma_wait3A_77 : memref<128xi32, #tpu.memory_space<hbm>>) dst(%arg13 : memref<128xi32, #tpu.memory_space<vmem>>)
          %dma_start3A_78 = arith.constant 0 : i32
          %dma_start3A_79 = arith.constant 0 : i32
          %dma_start3A_80 = tpu.memref_slice %arg3[%dma_start3A_78, %dma_start3A_79] : memref<10000x128xf32, #tpu.memory_space<hbm>> -> memref<10000x128xf32, #tpu.memory_space<hbm>>
          tpu.enqueue_indirect_dma source(%dma_start3A_80 : memref<10000x128xf32, #tpu.memory_space<hbm>>) target(%arg14 : memref<128x128xf32, #tpu.memory_space<vmem>>) offsets(%arg12 : memref<128xi32, #tpu.memory_space<vmem>>) semaphore(%arg16 : memref<!tpu.dma_semaphore, #tpu.memory_space<semaphore_mem>>)
          %dma_wait3A_81 = arith.constant 0 : i32
          %dma_wait3A_82 = arith.constant 0 : i32
          %dma_wait3A_83 = tpu.memref_slice %arg3[%dma_wait3A_81, %dma_wait3A_82] : memref<10000x128xf32, #tpu.memory_space<hbm>> -> memref<10000x128xf32, #tpu.memory_space<hbm>>
          tpu.wait_indirect_dma semaphore(%arg16 : memref<!tpu.dma_semaphore, #tpu.memory_space<semaphore_mem>>) src(%dma_wait3A_83 : memref<10000x128xf32, #tpu.memory_space<hbm>>) dst(%arg14 : memref<128x128xf32, #tpu.memory_space<vmem>>)
          %dma_start3A_84 = arith.constant 0 : i32
          %dma_start3A_85 = arith.constant 0 : i32
          %dma_start3A_86 = tpu.memref_slice %arg8[%dma_start3A_84, %dma_start3A_85] : memref<10112x128xf32, #tpu.memory_space<vmem_shared>> -> memref<10112x128xf32, #tpu.memory_space<vmem_shared>>
          tpu.enqueue_indirect_dma source(%arg14 : memref<128x128xf32, #tpu.memory_space<vmem>>) target(%dma_start3A_86 : memref<10112x128xf32, #tpu.memory_space<vmem_shared>>) offsets(%arg13 : memref<128xi32, #tpu.memory_space<vmem>>) semaphore(%arg18 : memref<!tpu.dma_semaphore, #tpu.memory_space<semaphore_mem>>) {add = true}
        } else {
        }
      }
      %scan3A_23 = arith.constant 40 : i32
      %add3A = arith.constant 1248 : i32
      %add3A_24 = arith.addi %arg1, %add3A : i32
      %lt3A = arith.constant 1250 : i32
      %lt3A_25 = arith.cmpi slt, %add3A_24, %lt3A : i32
      %convert_element_type3A_26 = arith.extui %lt3A_25 : i1 to i32
      %cond3A_27 = arith.constant 0 : i32
      %cond3A_28 = arith.cmpi ne, %convert_element_type3A_26, %cond3A_27 : i32
      scf.if %cond3A_28 {
        %dma_wait3A = arith.constant 0 : i32
        %dma_wait3A_36 = arith.constant 0 : i32
        %dma_wait3A_37 = tpu.memref_slice %arg8[%dma_wait3A, %dma_wait3A_36] : memref<10112x128xf32, #tpu.memory_space<vmem_shared>> -> memref<10112x128xf32, #tpu.memory_space<vmem_shared>>
        tpu.wait_indirect_dma semaphore(%arg17 : memref<!tpu.dma_semaphore, #tpu.memory_space<semaphore_mem>>) src(%arg11 : memref<128x128xf32, #tpu.memory_space<vmem>>) dst(%dma_wait3A_37 : memref<10112x128xf32, #tpu.memory_space<vmem_shared>>)
      } else {
      }
      %add3A_29 = arith.constant 1264 : i32
      %add3A_30 = arith.addi %arg1, %add3A_29 : i32
      %lt3A_31 = arith.constant 1250 : i32
      %lt3A_32 = arith.cmpi slt, %add3A_30, %lt3A_31 : i32
      %convert_element_type3A_33 = arith.extui %lt3A_32 : i1 to i32
      %cond3A_34 = arith.constant 0 : i32
      %cond3A_35 = arith.cmpi ne, %convert_element_type3A_33, %cond3A_34 : i32
      scf.if %cond3A_35 {
        %dma_wait3A = arith.constant 0 : i32
        %dma_wait3A_36 = arith.constant 0 : i32
        %dma_wait3A_37 = tpu.memref_slice %arg8[%dma_wait3A, %dma_wait3A_36] : memref<10112x128xf32, #tpu.memory_space<vmem_shared>> -> memref<10112x128xf32, #tpu.memory_space<vmem_shared>>
        tpu.wait_indirect_dma semaphore(%arg18 : memref<!tpu.dma_semaphore, #tpu.memory_space<semaphore_mem>>) src(%arg14 : memref<128x128xf32, #tpu.memory_space<vmem>>) dst(%dma_wait3A_37 : memref<10112x128xf32, #tpu.memory_space<vmem_shared>>)
      } else {
      }
    } else {
    }
    %barrier3A_8 = arith.constant 0 : index
    tpu.barrier barrier_id(%barrier3A_8)
    %eq3A_9 = arith.constant 0 : i32
    %eq3A_10 = arith.cmpi eq, %arg0, %eq3A_9 : i32
    %convert_element_type3A_11 = arith.extui %eq3A_10 : i1 to i32
    %cond3A_12 = arith.constant 0 : i32
    %cond3A_13 = arith.cmpi ne, %convert_element_type3A_11, %cond3A_12 : i32
    scf.if %cond3A_13 {
      %run_scoped3A = arith.constant 0 : i32
      "tpu.region"() ({
        %run_scoped3A_19 = tpu.sem_alloc : memref<!tpu.dma_semaphore, #tpu.memory_space<semaphore_mem>>
        %dma_start3A = arith.constant 0 : i32
        %dma_start3A_20 = tpu.memref_slice %arg7[%run_scoped3A, %mul3A_0, %dma_start3A] : memref<2x10112x128xf32, #tpu.memory_space<hbm>> -> memref<1x632x128xf32, #tpu.memory_space<hbm>>
        %dma_start3A_21 = tpu.memref_squeeze %dma_start3A_20 : memref<1x632x128xf32, #tpu.memory_space<hbm>> -> memref<632x128xf32, #tpu.memory_space<hbm>>
        %dma_start3A_22 = arith.constant 0 : i32
        %dma_start3A_23 = tpu.memref_slice %arg8[%mul3A_0, %dma_start3A_22] : memref<10112x128xf32, #tpu.memory_space<vmem_shared>> -> memref<632x128xf32, #tpu.memory_space<vmem_shared>>
        tpu.enqueue_dma source(%dma_start3A_23 : memref<632x128xf32, #tpu.memory_space<vmem_shared>>) target(%dma_start3A_21 : memref<632x128xf32, #tpu.memory_space<hbm>>) target_semaphore(%run_scoped3A_19 : memref<!tpu.dma_semaphore, #tpu.memory_space<semaphore_mem>>)
        %dma_wait3A = arith.constant 0 : i32
        %dma_wait3A_24 = tpu.memref_slice %arg7[%run_scoped3A, %mul3A_0, %dma_wait3A] : memref<2x10112x128xf32, #tpu.memory_space<hbm>> -> memref<1x632x128xf32, #tpu.memory_space<hbm>>
        %dma_wait3A_25 = tpu.memref_squeeze %dma_wait3A_24 : memref<1x632x128xf32, #tpu.memory_space<hbm>> -> memref<632x128xf32, #tpu.memory_space<hbm>>
        %dma_wait3A_26 = arith.constant 0 : i32
        %dma_wait3A_27 = tpu.memref_slice %arg8[%mul3A_0, %dma_wait3A_26] : memref<10112x128xf32, #tpu.memory_space<vmem_shared>> -> memref<632x128xf32, #tpu.memory_space<vmem_shared>>
        tpu.wait_dma2 semaphore(%run_scoped3A_19 : memref<!tpu.dma_semaphore, #tpu.memory_space<semaphore_mem>>) src(%dma_wait3A_27 : memref<632x128xf32, #tpu.memory_space<vmem_shared>>) dst(%dma_wait3A_25 : memref<632x128xf32, #tpu.memory_space<hbm>>)
        tpu.yield
      }) : () -> ()
    } else {
    }
    %eq3A_14 = arith.constant 1 : i32
    %eq3A_15 = arith.cmpi eq, %arg0, %eq3A_14 : i32
    %convert_element_type3A_16 = arith.extui %eq3A_15 : i1 to i32
    %cond3A_17 = arith.constant 0 : i32
    %cond3A_18 = arith.cmpi ne, %convert_element_type3A_16, %cond3A_17 : i32
    scf.if %cond3A_18 {
      %run_scoped3A = arith.constant 1 : i32
      "tpu.region"() ({
        %run_scoped3A_19 = tpu.sem_alloc : memref<!tpu.dma_semaphore, #tpu.memory_space<semaphore_mem>>
        %dma_start3A = arith.constant 0 : i32
        %dma_start3A_20 = tpu.memref_slice %arg7[%run_scoped3A, %mul3A_0, %dma_start3A] : memref<2x10112x128xf32, #tpu.memory_space<hbm>> -> memref<1x632x128xf32, #tpu.memory_space<hbm>>
        %dma_start3A_21 = tpu.memref_squeeze %dma_start3A_20 : memref<1x632x128xf32, #tpu.memory_space<hbm>> -> memref<632x128xf32, #tpu.memory_space<hbm>>
        %dma_start3A_22 = arith.constant 0 : i32
        %dma_start3A_23 = tpu.memref_slice %arg8[%mul3A_0, %dma_start3A_22] : memref<10112x128xf32, #tpu.memory_space<vmem_shared>> -> memref<632x128xf32, #tpu.memory_space<vmem_shared>>
        tpu.enqueue_dma source(%dma_start3A_23 : memref<632x128xf32, #tpu.memory_space<vmem_shared>>) target(%dma_start3A_21 : memref<632x128xf32, #tpu.memory_space<hbm>>) target_semaphore(%run_scoped3A_19 : memref<!tpu.dma_semaphore, #tpu.memory_space<semaphore_mem>>)
        %dma_wait3A = arith.constant 0 : i32
        %dma_wait3A_24 = tpu.memref_slice %arg7[%run_scoped3A, %mul3A_0, %dma_wait3A] : memref<2x10112x128xf32, #tpu.memory_space<hbm>> -> memref<1x632x128xf32, #tpu.memory_space<hbm>>
        %dma_wait3A_25 = tpu.memref_squeeze %dma_wait3A_24 : memref<1x632x128xf32, #tpu.memory_space<hbm>> -> memref<632x128xf32, #tpu.memory_space<hbm>>
        %dma_wait3A_26 = arith.constant 0 : i32
        %dma_wait3A_27 = tpu.memref_slice %arg8[%mul3A_0, %dma_wait3A_26] : memref<10112x128xf32, #tpu.memory_space<vmem_shared>> -> memref<632x128xf32, #tpu.memory_space<vmem_shared>>
        tpu.wait_dma2 semaphore(%run_scoped3A_19 : memref<!tpu.dma_semaphore, #tpu.memory_space<semaphore_mem>>) src(%dma_wait3A_27 : memref<632x128xf32, #tpu.memory_space<vmem_shared>>) dst(%dma_wait3A_25 : memref<632x128xf32, #tpu.memory_space<hbm>>)
        tpu.yield
      }) : () -> ()
    } else {
    }
    return
  }
}

#map = affine_map<(d0, d1) -> (0, 0)>
#map1 = affine_map<(d0, d1) -> (0)>
#map2 = affine_map<(d0, d1) -> (0, 0, 0)>
module attributes {stable_mosaic.version = 14 : i64} {
  func.func @body(%arg0: i32, %arg1: i32, %arg2: memref<10000x128xf32, #tpu.memory_space<hbm>>, %arg3: memref<10000x128xf32, #tpu.memory_space<hbm>>, %arg4: memref<160000xi32, #tpu.memory_space<hbm>>, %arg5: memref<160000xi32, #tpu.memory_space<hbm>>, %arg6: memref<632x128xf32, #tpu.memory_space<hbm>>, %arg7: memref<2x10112x128xf32, #tpu.memory_space<hbm>>, %arg8: memref<10112x128xf32, #tpu.memory_space<vmem_shared>>, %arg9: memref<128xi32, #tpu.memory_space<vmem>>, %arg10: memref<128xi32, #tpu.memory_space<vmem>>, %arg11: memref<128x128xf32, #tpu.memory_space<vmem>>, %arg12: memref<128xi32, #tpu.memory_space<vmem>>, %arg13: memref<128xi32, #tpu.memory_space<vmem>>, %arg14: memref<128x128xf32, #tpu.memory_space<vmem>>, %arg15: memref<!tpu.dma_semaphore, #tpu.memory_space<semaphore_mem>>, %arg16: memref<!tpu.dma_semaphore, #tpu.memory_space<semaphore_mem>>, %arg17: memref<!tpu.dma_semaphore, #tpu.memory_space<semaphore_mem>>, %arg18: memref<!tpu.dma_semaphore, #tpu.memory_space<semaphore_mem>>, %arg19: memref<!tpu.dma_semaphore, #tpu.memory_space<semaphore_mem>>, %arg20: memref<!tpu.dma_semaphore, #tpu.memory_space<semaphore_mem>>, %arg21: memref<!tpu.dma_semaphore, #tpu.memory_space<semaphore_mem>>, %arg22: memref<!tpu.dma_semaphore, #tpu.memory_space<semaphore_mem>>) attributes {dimension_semantics = [#tpu.dimension_semantics<core_parallel>, #tpu.dimension_semantics<subcore_parallel>], iteration_bounds = array<i64: 2, 16>, scalar_prefetch = 0 : i64, scratch_operands = 15 : i64, tpu.core_type = #tpu.core_type<sc_vector_subcore>, window_params = [{transform_indices = #map}, {transform_indices = #map}, {transform_indices = #map1}, {transform_indices = #map1}, {transform_indices = #map}, {transform_indices = #map2}]} {
    %mul3A = arith.constant 632 : i32
    %mul3A_0 = arith.muli %arg1, %mul3A : i32
    "tpu.region"() ({
      %run_scoped3A = tpu.sem_alloc : memref<!tpu.dma_semaphore, #tpu.memory_space<semaphore_mem>>
      %dma_start3A = arith.constant 0 : i32
      %dma_start3A_19 = tpu.memref_slice %arg8[%mul3A_0, %dma_start3A] : memref<10112x128xf32, #tpu.memory_space<vmem_shared>> -> memref<632x128xf32, #tpu.memory_space<vmem_shared>>
      tpu.enqueue_dma source(%arg6 : memref<632x128xf32, #tpu.memory_space<hbm>>) target(%dma_start3A_19 : memref<632x128xf32, #tpu.memory_space<vmem_shared>>) target_semaphore(%run_scoped3A : memref<!tpu.dma_semaphore, #tpu.memory_space<semaphore_mem>>)
      %dma_wait3A = arith.constant 0 : i32
      %dma_wait3A_20 = tpu.memref_slice %arg8[%mul3A_0, %dma_wait3A] : memref<10112x128xf32, #tpu.memory_space<vmem_shared>> -> memref<632x128xf32, #tpu.memory_space<vmem_shared>>
      tpu.wait_dma2 semaphore(%run_scoped3A : memref<!tpu.dma_semaphore, #tpu.memory_space<semaphore_mem>>) src(%arg6 : memref<632x128xf32, #tpu.memory_space<hbm>>) dst(%dma_wait3A_20 : memref<632x128xf32, #tpu.memory_space<vmem_shared>>)
      tpu.yield
    }) : () -> ()
    %barrier3A = arith.constant 0 : index
    tpu.barrier barrier_id(%barrier3A)
    %eq3A = arith.constant 0 : i32
    %eq3A_1 = arith.cmpi eq, %arg0, %eq3A : i32
    %convert_element_type3A = arith.extui %eq3A_1 : i1 to i32
    %cond3A = arith.constant 0 : i32
    %cond3A_2 = arith.cmpi ne, %convert_element_type3A, %cond3A : i32
    scf.if %cond3A_2 {
      %scan3A = arith.constant 0 : i32
      %scan3A_19 = arith.constant 0 : i32
      %scan3A_20 = arith.constant 40 : i32
      %scan3A_21 = arith.addi %scan3A_19, %scan3A_20 : i32
      %scan3A_22 = arith.constant 1 : i32
      scf.for %scan3A_36 = %scan3A_19 to %scan3A_21 step %scan3A_22  : i32 {
        %mul3A_37 = arith.constant 2 : i32
        %mul3A_38 = arith.muli %mul3A_37, %scan3A_36 : i32
        %add3A_39 = arith.constant 0 : i32
        %add3A_40 = arith.addi %mul3A_38, %add3A_39 : i32
        %mul3A_41 = arith.constant 16 : i32
        %mul3A_42 = arith.muli %mul3A_41, %add3A_40 : i32
        %add3A_43 = arith.addi %arg1, %mul3A_42 : i32
        %gt3A = arith.constant 0 : i32
        %gt3A_44 = arith.cmpi sgt, %scan3A_36, %gt3A : i32
        %convert_element_type3A_45 = arith.extui %gt3A_44 : i1 to i32
        %cond3A_46 = arith.constant 0 : i32
        %cond3A_47 = arith.cmpi ne, %convert_element_type3A_45, %cond3A_46 : i32
        scf.if %cond3A_47 {
          %dma_wait3A = arith.constant 0 : i32
          %dma_wait3A_70 = arith.constant 0 : i32
          %dma_wait3A_71 = tpu.memref_slice %arg8[%dma_wait3A, %dma_wait3A_70] : memref<10112x128xf32, #tpu.memory_space<vmem_shared>> -> memref<10112x128xf32, #tpu.memory_space<vmem_shared>>
          tpu.wait_indirect_dma semaphore(%arg17 : memref<!tpu.dma_semaphore, #tpu.memory_space<semaphore_mem>>) src(%arg11 : memref<128x128xf32, #tpu.memory_space<vmem>>) dst(%dma_wait3A_71 : memref<10112x128xf32, #tpu.memory_space<vmem_shared>>)
        } else {
        }
        %lt3A_48 = arith.constant 1250 : i32
        %lt3A_49 = arith.cmpi slt, %add3A_43, %lt3A_48 : i32
        %convert_element_type3A_50 = arith.extui %lt3A_49 : i1 to i32
        %cond3A_51 = arith.constant 0 : i32
        %cond3A_52 = arith.cmpi ne, %convert_element_type3A_50, %cond3A_51 : i32
        scf.if %cond3A_52 {
          %mul3A_70 = arith.constant 128 : i32
          %mul3A_71 = arith.muli %add3A_43, %mul3A_70 : i32
          %dma_start3A = tpu.memref_slice %arg4[%mul3A_71] : memref<160000xi32, #tpu.memory_space<hbm>> -> memref<128xi32, #tpu.memory_space<hbm>>
          %dma_start3A_72 = tpu.memref_slice %arg4[%mul3A_71] : memref<160000xi32, #tpu.memory_space<hbm>> -> memref<128xi32, #tpu.memory_space<hbm>>
          tpu.enqueue_dma source(%dma_start3A_72 : memref<128xi32, #tpu.memory_space<hbm>>) target(%arg9 : memref<128xi32, #tpu.memory_space<vmem>>) target_semaphore(%arg19 : memref<!tpu.dma_semaphore, #tpu.memory_space<semaphore_mem>>)
          %dma_start3A_73 = tpu.memref_slice %arg5[%mul3A_71] : memref<160000xi32, #tpu.memory_space<hbm>> -> memref<128xi32, #tpu.memory_space<hbm>>
          %dma_start3A_74 = tpu.memref_slice %arg5[%mul3A_71] : memref<160000xi32, #tpu.memory_space<hbm>> -> memref<128xi32, #tpu.memory_space<hbm>>
          tpu.enqueue_dma source(%dma_start3A_74 : memref<128xi32, #tpu.memory_space<hbm>>) target(%arg10 : memref<128xi32, #tpu.memory_space<vmem>>) target_semaphore(%arg20 : memref<!tpu.dma_semaphore, #tpu.memory_space<semaphore_mem>>)
          %dma_wait3A = tpu.memref_slice %arg4[%mul3A_71] : memref<160000xi32, #tpu.memory_space<hbm>> -> memref<128xi32, #tpu.memory_space<hbm>>
          %dma_wait3A_75 = tpu.memref_slice %arg4[%mul3A_71] : memref<160000xi32, #tpu.memory_space<hbm>> -> memref<128xi32, #tpu.memory_space<hbm>>
          tpu.wait_dma2 semaphore(%arg19 : memref<!tpu.dma_semaphore, #tpu.memory_space<semaphore_mem>>) src(%dma_wait3A_75 : memref<128xi32, #tpu.memory_space<hbm>>) dst(%arg9 : memref<128xi32, #tpu.memory_space<vmem>>)
          %dma_wait3A_76 = tpu.memref_slice %arg5[%mul3A_71] : memref<160000xi32, #tpu.memory_space<hbm>> -> memref<128xi32, #tpu.memory_space<hbm>>
          %dma_wait3A_77 = tpu.memref_slice %arg5[%mul3A_71] : memref<160000xi32, #tpu.memory_space<hbm>> -> memref<128xi32, #tpu.memory_space<hbm>>
          tpu.wait_dma2 semaphore(%arg20 : memref<!tpu.dma_semaphore, #tpu.memory_space<semaphore_mem>>) src(%dma_wait3A_77 : memref<128xi32, #tpu.memory_space<hbm>>) dst(%arg10 : memref<128xi32, #tpu.memory_space<vmem>>)
          %dma_start3A_78 = arith.constant 0 : i32
          %dma_start3A_79 = arith.constant 0 : i32
          %dma_start3A_80 = tpu.memref_slice %arg2[%dma_start3A_78, %dma_start3A_79] : memref<10000x128xf32, #tpu.memory_space<hbm>> -> memref<10000x128xf32, #tpu.memory_space<hbm>>
          tpu.enqueue_indirect_dma source(%dma_start3A_80 : memref<10000x128xf32, #tpu.memory_space<hbm>>) target(%arg11 : memref<128x128xf32, #tpu.memory_space<vmem>>) offsets(%arg9 : memref<128xi32, #tpu.memory_space<vmem>>) semaphore(%arg15 : memref<!tpu.dma_semaphore, #tpu.memory_space<semaphore_mem>>)
          %dma_wait3A_81 = arith.constant 0 : i32
          %dma_wait3A_82 = arith.constant 0 : i32
          %dma_wait3A_83 = tpu.memref_slice %arg2[%dma_wait3A_81, %dma_wait3A_82] : memref<10000x128xf32, #tpu.memory_space<hbm>> -> memref<10000x128xf32, #tpu.memory_space<hbm>>
          tpu.wait_indirect_dma semaphore(%arg15 : memref<!tpu.dma_semaphore, #tpu.memory_space<semaphore_mem>>) src(%dma_wait3A_83 : memref<10000x128xf32, #tpu.memory_space<hbm>>) dst(%arg11 : memref<128x128xf32, #tpu.memory_space<vmem>>)
          %dma_start3A_84 = arith.constant 0 : i32
          %dma_start3A_85 = arith.constant 0 : i32
          %dma_start3A_86 = tpu.memref_slice %arg8[%dma_start3A_84, %dma_start3A_85] : memref<10112x128xf32, #tpu.memory_space<vmem_shared>> -> memref<10112x128xf32, #tpu.memory_space<vmem_shared>>
          tpu.enqueue_indirect_dma source(%arg11 : memref<128x128xf32, #tpu.memory_space<vmem>>) target(%dma_start3A_86 : memref<10112x128xf32, #tpu.memory_space<vmem_shared>>) offsets(%arg10 : memref<128xi32, #tpu.memory_space<vmem>>) semaphore(%arg17 : memref<!tpu.dma_semaphore, #tpu.memory_space<semaphore_mem>>) {add = true}
        } else {
        }
        %mul3A_53 = arith.constant 2 : i32
        %mul3A_54 = arith.muli %mul3A_53, %scan3A_36 : i32
        %add3A_55 = arith.constant 1 : i32
        %add3A_56 = arith.addi %mul3A_54, %add3A_55 : i32
        %mul3A_57 = arith.constant 16 : i32
        %mul3A_58 = arith.muli %mul3A_57, %add3A_56 : i32
        %add3A_59 = arith.addi %arg1, %mul3A_58 : i32
        %gt3A_60 = arith.constant 0 : i32
        %gt3A_61 = arith.cmpi sgt, %scan3A_36, %gt3A_60 : i32
        %convert_element_type3A_62 = arith.extui %gt3A_61 : i1 to i32
        %cond3A_63 = arith.constant 0 : i32
        %cond3A_64 = arith.cmpi ne, %convert_element_type3A_62, %cond3A_63 : i32
        scf.if %cond3A_64 {
          %dma_wait3A = arith.constant 0 : i32
          %dma_wait3A_70 = arith.constant 0 : i32
          %dma_wait3A_71 = tpu.memref_slice %arg8[%dma_wait3A, %dma_wait3A_70] : memref<10112x128xf32, #tpu.memory_space<vmem_shared>> -> memref<10112x128xf32, #tpu.memory_space<vmem_shared>>
          tpu.wait_indirect_dma semaphore(%arg18 : memref<!tpu.dma_semaphore, #tpu.memory_space<semaphore_mem>>) src(%arg14 : memref<128x128xf32, #tpu.memory_space<vmem>>) dst(%dma_wait3A_71 : memref<10112x128xf32, #tpu.memory_space<vmem_shared>>)
        } else {
        }
        %lt3A_65 = arith.constant 1250 : i32
        %lt3A_66 = arith.cmpi slt, %add3A_59, %lt3A_65 : i32
        %convert_element_type3A_67 = arith.extui %lt3A_66 : i1 to i32
        %cond3A_68 = arith.constant 0 : i32
        %cond3A_69 = arith.cmpi ne, %convert_element_type3A_67, %cond3A_68 : i32
        scf.if %cond3A_69 {
          %mul3A_70 = arith.constant 128 : i32
          %mul3A_71 = arith.muli %add3A_59, %mul3A_70 : i32
          %dma_start3A = tpu.memref_slice %arg4[%mul3A_71] : memref<160000xi32, #tpu.memory_space<hbm>> -> memref<128xi32, #tpu.memory_space<hbm>>
          %dma_start3A_72 = tpu.memref_slice %arg4[%mul3A_71] : memref<160000xi32, #tpu.memory_space<hbm>> -> memref<128xi32, #tpu.memory_space<hbm>>
          tpu.enqueue_dma source(%dma_start3A_72 : memref<128xi32, #tpu.memory_space<hbm>>) target(%arg12 : memref<128xi32, #tpu.memory_space<vmem>>) target_semaphore(%arg21 : memref<!tpu.dma_semaphore, #tpu.memory_space<semaphore_mem>>)
          %dma_start3A_73 = tpu.memref_slice %arg5[%mul3A_71] : memref<160000xi32, #tpu.memory_space<hbm>> -> memref<128xi32, #tpu.memory_space<hbm>>
          %dma_start3A_74 = tpu.memref_slice %arg5[%mul3A_71] : memref<160000xi32, #tpu.memory_space<hbm>> -> memref<128xi32, #tpu.memory_space<hbm>>
          tpu.enqueue_dma source(%dma_start3A_74 : memref<128xi32, #tpu.memory_space<hbm>>) target(%arg13 : memref<128xi32, #tpu.memory_space<vmem>>) target_semaphore(%arg22 : memref<!tpu.dma_semaphore, #tpu.memory_space<semaphore_mem>>)
          %dma_wait3A = tpu.memref_slice %arg4[%mul3A_71] : memref<160000xi32, #tpu.memory_space<hbm>> -> memref<128xi32, #tpu.memory_space<hbm>>
          %dma_wait3A_75 = tpu.memref_slice %arg4[%mul3A_71] : memref<160000xi32, #tpu.memory_space<hbm>> -> memref<128xi32, #tpu.memory_space<hbm>>
          tpu.wait_dma2 semaphore(%arg21 : memref<!tpu.dma_semaphore, #tpu.memory_space<semaphore_mem>>) src(%dma_wait3A_75 : memref<128xi32, #tpu.memory_space<hbm>>) dst(%arg12 : memref<128xi32, #tpu.memory_space<vmem>>)
          %dma_wait3A_76 = tpu.memref_slice %arg5[%mul3A_71] : memref<160000xi32, #tpu.memory_space<hbm>> -> memref<128xi32, #tpu.memory_space<hbm>>
          %dma_wait3A_77 = tpu.memref_slice %arg5[%mul3A_71] : memref<160000xi32, #tpu.memory_space<hbm>> -> memref<128xi32, #tpu.memory_space<hbm>>
          tpu.wait_dma2 semaphore(%arg22 : memref<!tpu.dma_semaphore, #tpu.memory_space<semaphore_mem>>) src(%dma_wait3A_77 : memref<128xi32, #tpu.memory_space<hbm>>) dst(%arg13 : memref<128xi32, #tpu.memory_space<vmem>>)
          %dma_start3A_78 = arith.constant 0 : i32
          %dma_start3A_79 = arith.constant 0 : i32
          %dma_start3A_80 = tpu.memref_slice %arg2[%dma_start3A_78, %dma_start3A_79] : memref<10000x128xf32, #tpu.memory_space<hbm>> -> memref<10000x128xf32, #tpu.memory_space<hbm>>
          tpu.enqueue_indirect_dma source(%dma_start3A_80 : memref<10000x128xf32, #tpu.memory_space<hbm>>) target(%arg14 : memref<128x128xf32, #tpu.memory_space<vmem>>) offsets(%arg12 : memref<128xi32, #tpu.memory_space<vmem>>) semaphore(%arg16 : memref<!tpu.dma_semaphore, #tpu.memory_space<semaphore_mem>>)
          %dma_wait3A_81 = arith.constant 0 : i32
          %dma_wait3A_82 = arith.constant 0 : i32
          %dma_wait3A_83 = tpu.memref_slice %arg2[%dma_wait3A_81, %dma_wait3A_82] : memref<10000x128xf32, #tpu.memory_space<hbm>> -> memref<10000x128xf32, #tpu.memory_space<hbm>>
          tpu.wait_indirect_dma semaphore(%arg16 : memref<!tpu.dma_semaphore, #tpu.memory_space<semaphore_mem>>) src(%dma_wait3A_83 : memref<10000x128xf32, #tpu.memory_space<hbm>>) dst(%arg14 : memref<128x128xf32, #tpu.memory_space<vmem>>)
          %dma_start3A_84 = arith.constant 0 : i32
          %dma_start3A_85 = arith.constant 0 : i32
          %dma_start3A_86 = tpu.memref_slice %arg8[%dma_start3A_84, %dma_start3A_85] : memref<10112x128xf32, #tpu.memory_space<vmem_shared>> -> memref<10112x128xf32, #tpu.memory_space<vmem_shared>>
          tpu.enqueue_indirect_dma source(%arg14 : memref<128x128xf32, #tpu.memory_space<vmem>>) target(%dma_start3A_86 : memref<10112x128xf32, #tpu.memory_space<vmem_shared>>) offsets(%arg13 : memref<128xi32, #tpu.memory_space<vmem>>) semaphore(%arg18 : memref<!tpu.dma_semaphore, #tpu.memory_space<semaphore_mem>>) {add = true}
        } else {
        }
      }
      %scan3A_23 = arith.constant 40 : i32
      %add3A = arith.constant 1248 : i32
      %add3A_24 = arith.addi %arg1, %add3A : i32
      %lt3A = arith.constant 1250 : i32
      %lt3A_25 = arith.cmpi slt, %add3A_24, %lt3A : i32
      %convert_element_type3A_26 = arith.extui %lt3A_25 : i1 to i32
      %cond3A_27 = arith.constant 0 : i32
      %cond3A_28 = arith.cmpi ne, %convert_element_type3A_26, %cond3A_27 : i32
      scf.if %cond3A_28 {
        %dma_wait3A = arith.constant 0 : i32
        %dma_wait3A_36 = arith.constant 0 : i32
        %dma_wait3A_37 = tpu.memref_slice %arg8[%dma_wait3A, %dma_wait3A_36] : memref<10112x128xf32, #tpu.memory_space<vmem_shared>> -> memref<10112x128xf32, #tpu.memory_space<vmem_shared>>
        tpu.wait_indirect_dma semaphore(%arg17 : memref<!tpu.dma_semaphore, #tpu.memory_space<semaphore_mem>>) src(%arg11 : memref<128x128xf32, #tpu.memory_space<vmem>>) dst(%dma_wait3A_37 : memref<10112x128xf32, #tpu.memory_space<vmem_shared>>)
      } else {
      }
      %add3A_29 = arith.constant 1264 : i32
      %add3A_30 = arith.addi %arg1, %add3A_29 : i32
      %lt3A_31 = arith.constant 1250 : i32
      %lt3A_32 = arith.cmpi slt, %add3A_30, %lt3A_31 : i32
      %convert_element_type3A_33 = arith.extui %lt3A_32 : i1 to i32
      %cond3A_34 = arith.constant 0 : i32
      %cond3A_35 = arith.cmpi ne, %convert_element_type3A_33, %cond3A_34 : i32
      scf.if %cond3A_35 {
        %dma_wait3A = arith.constant 0 : i32
        %dma_wait3A_36 = arith.constant 0 : i32
        %dma_wait3A_37 = tpu.memref_slice %arg8[%dma_wait3A, %dma_wait3A_36] : memref<10112x128xf32, #tpu.memory_space<vmem_shared>> -> memref<10112x128xf32, #tpu.memory_space<vmem_shared>>
        tpu.wait_indirect_dma semaphore(%arg18 : memref<!tpu.dma_semaphore, #tpu.memory_space<semaphore_mem>>) src(%arg14 : memref<128x128xf32, #tpu.memory_space<vmem>>) dst(%dma_wait3A_37 : memref<10112x128xf32, #tpu.memory_space<vmem_shared>>)
      } else {
      }
    } else {
    }
    %eq3A_3 = arith.constant 1 : i32
    %eq3A_4 = arith.cmpi eq, %arg0, %eq3A_3 : i32
    %convert_element_type3A_5 = arith.extui %eq3A_4 : i1 to i32
    %cond3A_6 = arith.constant 0 : i32
    %cond3A_7 = arith.cmpi ne, %convert_element_type3A_5, %cond3A_6 : i32
    scf.if %cond3A_7 {
      %scan3A = arith.constant 0 : i32
      %scan3A_19 = arith.constant 0 : i32
      %scan3A_20 = arith.constant 40 : i32
      %scan3A_21 = arith.addi %scan3A_19, %scan3A_20 : i32
      %scan3A_22 = arith.constant 1 : i32
      scf.for %scan3A_36 = %scan3A_19 to %scan3A_21 step %scan3A_22  : i32 {
        %mul3A_37 = arith.constant 2 : i32
        %mul3A_38 = arith.muli %mul3A_37, %scan3A_36 : i32
        %add3A_39 = arith.constant 0 : i32
        %add3A_40 = arith.addi %mul3A_38, %add3A_39 : i32
        %mul3A_41 = arith.constant 16 : i32
        %mul3A_42 = arith.muli %mul3A_41, %add3A_40 : i32
        %add3A_43 = arith.addi %arg1, %mul3A_42 : i32
        %gt3A = arith.constant 0 : i32
        %gt3A_44 = arith.cmpi sgt, %scan3A_36, %gt3A : i32
        %convert_element_type3A_45 = arith.extui %gt3A_44 : i1 to i32
        %cond3A_46 = arith.constant 0 : i32
        %cond3A_47 = arith.cmpi ne, %convert_element_type3A_45, %cond3A_46 : i32
        scf.if %cond3A_47 {
          %dma_wait3A = arith.constant 0 : i32
          %dma_wait3A_70 = arith.constant 0 : i32
          %dma_wait3A_71 = tpu.memref_slice %arg8[%dma_wait3A, %dma_wait3A_70] : memref<10112x128xf32, #tpu.memory_space<vmem_shared>> -> memref<10112x128xf32, #tpu.memory_space<vmem_shared>>
          tpu.wait_indirect_dma semaphore(%arg17 : memref<!tpu.dma_semaphore, #tpu.memory_space<semaphore_mem>>) src(%arg11 : memref<128x128xf32, #tpu.memory_space<vmem>>) dst(%dma_wait3A_71 : memref<10112x128xf32, #tpu.memory_space<vmem_shared>>)
        } else {
        }
        %lt3A_48 = arith.constant 1250 : i32
        %lt3A_49 = arith.cmpi slt, %add3A_43, %lt3A_48 : i32
        %convert_element_type3A_50 = arith.extui %lt3A_49 : i1 to i32
        %cond3A_51 = arith.constant 0 : i32
        %cond3A_52 = arith.cmpi ne, %convert_element_type3A_50, %cond3A_51 : i32
        scf.if %cond3A_52 {
          %mul3A_70 = arith.constant 128 : i32
          %mul3A_71 = arith.muli %add3A_43, %mul3A_70 : i32
          %dma_start3A = tpu.memref_slice %arg4[%mul3A_71] : memref<160000xi32, #tpu.memory_space<hbm>> -> memref<128xi32, #tpu.memory_space<hbm>>
          %dma_start3A_72 = tpu.memref_slice %arg4[%mul3A_71] : memref<160000xi32, #tpu.memory_space<hbm>> -> memref<128xi32, #tpu.memory_space<hbm>>
          tpu.enqueue_dma source(%dma_start3A_72 : memref<128xi32, #tpu.memory_space<hbm>>) target(%arg9 : memref<128xi32, #tpu.memory_space<vmem>>) target_semaphore(%arg19 : memref<!tpu.dma_semaphore, #tpu.memory_space<semaphore_mem>>)
          %dma_start3A_73 = tpu.memref_slice %arg5[%mul3A_71] : memref<160000xi32, #tpu.memory_space<hbm>> -> memref<128xi32, #tpu.memory_space<hbm>>
          %dma_start3A_74 = tpu.memref_slice %arg5[%mul3A_71] : memref<160000xi32, #tpu.memory_space<hbm>> -> memref<128xi32, #tpu.memory_space<hbm>>
          tpu.enqueue_dma source(%dma_start3A_74 : memref<128xi32, #tpu.memory_space<hbm>>) target(%arg10 : memref<128xi32, #tpu.memory_space<vmem>>) target_semaphore(%arg20 : memref<!tpu.dma_semaphore, #tpu.memory_space<semaphore_mem>>)
          %dma_wait3A = tpu.memref_slice %arg4[%mul3A_71] : memref<160000xi32, #tpu.memory_space<hbm>> -> memref<128xi32, #tpu.memory_space<hbm>>
          %dma_wait3A_75 = tpu.memref_slice %arg4[%mul3A_71] : memref<160000xi32, #tpu.memory_space<hbm>> -> memref<128xi32, #tpu.memory_space<hbm>>
          tpu.wait_dma2 semaphore(%arg19 : memref<!tpu.dma_semaphore, #tpu.memory_space<semaphore_mem>>) src(%dma_wait3A_75 : memref<128xi32, #tpu.memory_space<hbm>>) dst(%arg9 : memref<128xi32, #tpu.memory_space<vmem>>)
          %dma_wait3A_76 = tpu.memref_slice %arg5[%mul3A_71] : memref<160000xi32, #tpu.memory_space<hbm>> -> memref<128xi32, #tpu.memory_space<hbm>>
          %dma_wait3A_77 = tpu.memref_slice %arg5[%mul3A_71] : memref<160000xi32, #tpu.memory_space<hbm>> -> memref<128xi32, #tpu.memory_space<hbm>>
          tpu.wait_dma2 semaphore(%arg20 : memref<!tpu.dma_semaphore, #tpu.memory_space<semaphore_mem>>) src(%dma_wait3A_77 : memref<128xi32, #tpu.memory_space<hbm>>) dst(%arg10 : memref<128xi32, #tpu.memory_space<vmem>>)
          %dma_start3A_78 = arith.constant 0 : i32
          %dma_start3A_79 = arith.constant 0 : i32
          %dma_start3A_80 = tpu.memref_slice %arg3[%dma_start3A_78, %dma_start3A_79] : memref<10000x128xf32, #tpu.memory_space<hbm>> -> memref<10000x128xf32, #tpu.memory_space<hbm>>
          tpu.enqueue_indirect_dma source(%dma_start3A_80 : memref<10000x128xf32, #tpu.memory_space<hbm>>) target(%arg11 : memref<128x128xf32, #tpu.memory_space<vmem>>) offsets(%arg9 : memref<128xi32, #tpu.memory_space<vmem>>) semaphore(%arg15 : memref<!tpu.dma_semaphore, #tpu.memory_space<semaphore_mem>>)
          %dma_wait3A_81 = arith.constant 0 : i32
          %dma_wait3A_82 = arith.constant 0 : i32
          %dma_wait3A_83 = tpu.memref_slice %arg3[%dma_wait3A_81, %dma_wait3A_82] : memref<10000x128xf32, #tpu.memory_space<hbm>> -> memref<10000x128xf32, #tpu.memory_space<hbm>>
          tpu.wait_indirect_dma semaphore(%arg15 : memref<!tpu.dma_semaphore, #tpu.memory_space<semaphore_mem>>) src(%dma_wait3A_83 : memref<10000x128xf32, #tpu.memory_space<hbm>>) dst(%arg11 : memref<128x128xf32, #tpu.memory_space<vmem>>)
          %dma_start3A_84 = arith.constant 0 : i32
          %dma_start3A_85 = arith.constant 0 : i32
          %dma_start3A_86 = tpu.memref_slice %arg8[%dma_start3A_84, %dma_start3A_85] : memref<10112x128xf32, #tpu.memory_space<vmem_shared>> -> memref<10112x128xf32, #tpu.memory_space<vmem_shared>>
          tpu.enqueue_indirect_dma source(%arg11 : memref<128x128xf32, #tpu.memory_space<vmem>>) target(%dma_start3A_86 : memref<10112x128xf32, #tpu.memory_space<vmem_shared>>) offsets(%arg10 : memref<128xi32, #tpu.memory_space<vmem>>) semaphore(%arg17 : memref<!tpu.dma_semaphore, #tpu.memory_space<semaphore_mem>>) {add = true}
        } else {
        }
        %mul3A_53 = arith.constant 2 : i32
        %mul3A_54 = arith.muli %mul3A_53, %scan3A_36 : i32
        %add3A_55 = arith.constant 1 : i32
        %add3A_56 = arith.addi %mul3A_54, %add3A_55 : i32
        %mul3A_57 = arith.constant 16 : i32
        %mul3A_58 = arith.muli %mul3A_57, %add3A_56 : i32
        %add3A_59 = arith.addi %arg1, %mul3A_58 : i32
        %gt3A_60 = arith.constant 0 : i32
        %gt3A_61 = arith.cmpi sgt, %scan3A_36, %gt3A_60 : i32
        %convert_element_type3A_62 = arith.extui %gt3A_61 : i1 to i32
        %cond3A_63 = arith.constant 0 : i32
        %cond3A_64 = arith.cmpi ne, %convert_element_type3A_62, %cond3A_63 : i32
        scf.if %cond3A_64 {
          %dma_wait3A = arith.constant 0 : i32
          %dma_wait3A_70 = arith.constant 0 : i32
          %dma_wait3A_71 = tpu.memref_slice %arg8[%dma_wait3A, %dma_wait3A_70] : memref<10112x128xf32, #tpu.memory_space<vmem_shared>> -> memref<10112x128xf32, #tpu.memory_space<vmem_shared>>
          tpu.wait_indirect_dma semaphore(%arg18 : memref<!tpu.dma_semaphore, #tpu.memory_space<semaphore_mem>>) src(%arg14 : memref<128x128xf32, #tpu.memory_space<vmem>>) dst(%dma_wait3A_71 : memref<10112x128xf32, #tpu.memory_space<vmem_shared>>)
        } else {
        }
        %lt3A_65 = arith.constant 1250 : i32
        %lt3A_66 = arith.cmpi slt, %add3A_59, %lt3A_65 : i32
        %convert_element_type3A_67 = arith.extui %lt3A_66 : i1 to i32
        %cond3A_68 = arith.constant 0 : i32
        %cond3A_69 = arith.cmpi ne, %convert_element_type3A_67, %cond3A_68 : i32
        scf.if %cond3A_69 {
          %mul3A_70 = arith.constant 128 : i32
          %mul3A_71 = arith.muli %add3A_59, %mul3A_70 : i32
          %dma_start3A = tpu.memref_slice %arg4[%mul3A_71] : memref<160000xi32, #tpu.memory_space<hbm>> -> memref<128xi32, #tpu.memory_space<hbm>>
          %dma_start3A_72 = tpu.memref_slice %arg4[%mul3A_71] : memref<160000xi32, #tpu.memory_space<hbm>> -> memref<128xi32, #tpu.memory_space<hbm>>
          tpu.enqueue_dma source(%dma_start3A_72 : memref<128xi32, #tpu.memory_space<hbm>>) target(%arg12 : memref<128xi32, #tpu.memory_space<vmem>>) target_semaphore(%arg21 : memref<!tpu.dma_semaphore, #tpu.memory_space<semaphore_mem>>)
          %dma_start3A_73 = tpu.memref_slice %arg5[%mul3A_71] : memref<160000xi32, #tpu.memory_space<hbm>> -> memref<128xi32, #tpu.memory_space<hbm>>
          %dma_start3A_74 = tpu.memref_slice %arg5[%mul3A_71] : memref<160000xi32, #tpu.memory_space<hbm>> -> memref<128xi32, #tpu.memory_space<hbm>>
          tpu.enqueue_dma source(%dma_start3A_74 : memref<128xi32, #tpu.memory_space<hbm>>) target(%arg13 : memref<128xi32, #tpu.memory_space<vmem>>) target_semaphore(%arg22 : memref<!tpu.dma_semaphore, #tpu.memory_space<semaphore_mem>>)
          %dma_wait3A = tpu.memref_slice %arg4[%mul3A_71] : memref<160000xi32, #tpu.memory_space<hbm>> -> memref<128xi32, #tpu.memory_space<hbm>>
          %dma_wait3A_75 = tpu.memref_slice %arg4[%mul3A_71] : memref<160000xi32, #tpu.memory_space<hbm>> -> memref<128xi32, #tpu.memory_space<hbm>>
          tpu.wait_dma2 semaphore(%arg21 : memref<!tpu.dma_semaphore, #tpu.memory_space<semaphore_mem>>) src(%dma_wait3A_75 : memref<128xi32, #tpu.memory_space<hbm>>) dst(%arg12 : memref<128xi32, #tpu.memory_space<vmem>>)
          %dma_wait3A_76 = tpu.memref_slice %arg5[%mul3A_71] : memref<160000xi32, #tpu.memory_space<hbm>> -> memref<128xi32, #tpu.memory_space<hbm>>
          %dma_wait3A_77 = tpu.memref_slice %arg5[%mul3A_71] : memref<160000xi32, #tpu.memory_space<hbm>> -> memref<128xi32, #tpu.memory_space<hbm>>
          tpu.wait_dma2 semaphore(%arg22 : memref<!tpu.dma_semaphore, #tpu.memory_space<semaphore_mem>>) src(%dma_wait3A_77 : memref<128xi32, #tpu.memory_space<hbm>>) dst(%arg13 : memref<128xi32, #tpu.memory_space<vmem>>)
          %dma_start3A_78 = arith.constant 0 : i32
          %dma_start3A_79 = arith.constant 0 : i32
          %dma_start3A_80 = tpu.memref_slice %arg3[%dma_start3A_78, %dma_start3A_79] : memref<10000x128xf32, #tpu.memory_space<hbm>> -> memref<10000x128xf32, #tpu.memory_space<hbm>>
          tpu.enqueue_indirect_dma source(%dma_start3A_80 : memref<10000x128xf32, #tpu.memory_space<hbm>>) target(%arg14 : memref<128x128xf32, #tpu.memory_space<vmem>>) offsets(%arg12 : memref<128xi32, #tpu.memory_space<vmem>>) semaphore(%arg16 : memref<!tpu.dma_semaphore, #tpu.memory_space<semaphore_mem>>)
          %dma_wait3A_81 = arith.constant 0 : i32
          %dma_wait3A_82 = arith.constant 0 : i32
          %dma_wait3A_83 = tpu.memref_slice %arg3[%dma_wait3A_81, %dma_wait3A_82] : memref<10000x128xf32, #tpu.memory_space<hbm>> -> memref<10000x128xf32, #tpu.memory_space<hbm>>
          tpu.wait_indirect_dma semaphore(%arg16 : memref<!tpu.dma_semaphore, #tpu.memory_space<semaphore_mem>>) src(%dma_wait3A_83 : memref<10000x128xf32, #tpu.memory_space<hbm>>) dst(%arg14 : memref<128x128xf32, #tpu.memory_space<vmem>>)
          %dma_start3A_84 = arith.constant 0 : i32
          %dma_start3A_85 = arith.constant 0 : i32
          %dma_start3A_86 = tpu.memref_slice %arg8[%dma_start3A_84, %dma_start3A_85] : memref<10112x128xf32, #tpu.memory_space<vmem_shared>> -> memref<10112x128xf32, #tpu.memory_space<vmem_shared>>
          tpu.enqueue_indirect_dma source(%arg14 : memref<128x128xf32, #tpu.memory_space<vmem>>) target(%dma_start3A_86 : memref<10112x128xf32, #tpu.memory_space<vmem_shared>>) offsets(%arg13 : memref<128xi32, #tpu.memory_space<vmem>>) semaphore(%arg18 : memref<!tpu.dma_semaphore, #tpu.memory_space<semaphore_mem>>) {add = true}
        } else {
        }
      }
      %scan3A_23 = arith.constant 40 : i32
      %add3A = arith.constant 1248 : i32
      %add3A_24 = arith.addi %arg1, %add3A : i32
      %lt3A = arith.constant 1250 : i32
      %lt3A_25 = arith.cmpi slt, %add3A_24, %lt3A : i32
      %convert_element_type3A_26 = arith.extui %lt3A_25 : i1 to i32
      %cond3A_27 = arith.constant 0 : i32
      %cond3A_28 = arith.cmpi ne, %convert_element_type3A_26, %cond3A_27 : i32
      scf.if %cond3A_28 {
        %dma_wait3A = arith.constant 0 : i32
        %dma_wait3A_36 = arith.constant 0 : i32
        %dma_wait3A_37 = tpu.memref_slice %arg8[%dma_wait3A, %dma_wait3A_36] : memref<10112x128xf32, #tpu.memory_space<vmem_shared>> -> memref<10112x128xf32, #tpu.memory_space<vmem_shared>>
        tpu.wait_indirect_dma semaphore(%arg17 : memref<!tpu.dma_semaphore, #tpu.memory_space<semaphore_mem>>) src(%arg11 : memref<128x128xf32, #tpu.memory_space<vmem>>) dst(%dma_wait3A_37 : memref<10112x128xf32, #tpu.memory_space<vmem_shared>>)
      } else {
      }
      %add3A_29 = arith.constant 1264 : i32
      %add3A_30 = arith.addi %arg1, %add3A_29 : i32
      %lt3A_31 = arith.constant 1250 : i32
      %lt3A_32 = arith.cmpi slt, %add3A_30, %lt3A_31 : i32
      %convert_element_type3A_33 = arith.extui %lt3A_32 : i1 to i32
      %cond3A_34 = arith.constant 0 : i32
      %cond3A_35 = arith.cmpi ne, %convert_element_type3A_33, %cond3A_34 : i32
      scf.if %cond3A_35 {
        %dma_wait3A = arith.constant 0 : i32
        %dma_wait3A_36 = arith.constant 0 : i32
        %dma_wait3A_37 = tpu.memref_slice %arg8[%dma_wait3A, %dma_wait3A_36] : memref<10112x128xf32, #tpu.memory_space<vmem_shared>> -> memref<10112x128xf32, #tpu.memory_space<vmem_shared>>
        tpu.wait_indirect_dma semaphore(%arg18 : memref<!tpu.dma_semaphore, #tpu.memory_space<semaphore_mem>>) src(%arg14 : memref<128x128xf32, #tpu.memory_space<vmem>>) dst(%dma_wait3A_37 : memref<10112x128xf32, #tpu.memory_space<vmem_shared>>)
      } else {
      }
    } else {
    }
    %barrier3A_8 = arith.constant 0 : index
    tpu.barrier barrier_id(%barrier3A_8)
    %eq3A_9 = arith.constant 0 : i32
    %eq3A_10 = arith.cmpi eq, %arg0, %eq3A_9 : i32
    %convert_element_type3A_11 = arith.extui %eq3A_10 : i1 to i32
    %cond3A_12 = arith.constant 0 : i32
    %cond3A_13 = arith.cmpi ne, %convert_element_type3A_11, %cond3A_12 : i32
    scf.if %cond3A_13 {
      %run_scoped3A = arith.constant 0 : i32
      "tpu.region"() ({
        %run_scoped3A_19 = tpu.sem_alloc : memref<!tpu.dma_semaphore, #tpu.memory_space<semaphore_mem>>
        %dma_start3A = arith.constant 0 : i32
        %dma_start3A_20 = tpu.memref_slice %arg7[%run_scoped3A, %mul3A_0, %dma_start3A] : memref<2x10112x128xf32, #tpu.memory_space<hbm>> -> memref<1x632x128xf32, #tpu.memory_space<hbm>>
        %dma_start3A_21 = tpu.memref_squeeze %dma_start3A_20 : memref<1x632x128xf32, #tpu.memory_space<hbm>> -> memref<632x128xf32, #tpu.memory_space<hbm>>
        %dma_start3A_22 = arith.constant 0 : i32
        %dma_start3A_23 = tpu.memref_slice %arg8[%mul3A_0, %dma_start3A_22] : memref<10112x128xf32, #tpu.memory_space<vmem_shared>> -> memref<632x128xf32, #tpu.memory_space<vmem_shared>>
        tpu.enqueue_dma source(%dma_start3A_23 : memref<632x128xf32, #tpu.memory_space<vmem_shared>>) target(%dma_start3A_21 : memref<632x128xf32, #tpu.memory_space<hbm>>) target_semaphore(%run_scoped3A_19 : memref<!tpu.dma_semaphore, #tpu.memory_space<semaphore_mem>>)
        %dma_wait3A = arith.constant 0 : i32
        %dma_wait3A_24 = tpu.memref_slice %arg7[%run_scoped3A, %mul3A_0, %dma_wait3A] : memref<2x10112x128xf32, #tpu.memory_space<hbm>> -> memref<1x632x128xf32, #tpu.memory_space<hbm>>
        %dma_wait3A_25 = tpu.memref_squeeze %dma_wait3A_24 : memref<1x632x128xf32, #tpu.memory_space<hbm>> -> memref<632x128xf32, #tpu.memory_space<hbm>>
        %dma_wait3A_26 = arith.constant 0 : i32
        %dma_wait3A_27 = tpu.memref_slice %arg8[%mul3A_0, %dma_wait3A_26] : memref<10112x128xf32, #tpu.memory_space<vmem_shared>> -> memref<632x128xf32, #tpu.memory_space<vmem_shared>>
        tpu.wait_dma2 semaphore(%run_scoped3A_19 : memref<!tpu.dma_semaphore, #tpu.memory_space<semaphore_mem>>) src(%dma_wait3A_27 : memref<632x128xf32, #tpu.memory_space<vmem_shared>>) dst(%dma_wait3A_25 : memref<632x128xf32, #tpu.memory_space<hbm>>)
        tpu.yield
      }) : () -> ()
    } else {
    }
    %eq3A_14 = arith.constant 1 : i32
    %eq3A_15 = arith.cmpi eq, %arg0, %eq3A_14 : i32
    %convert_element_type3A_16 = arith.extui %eq3A_15 : i1 to i32
    %cond3A_17 = arith.constant 0 : i32
    %cond3A_18 = arith.cmpi ne, %convert_element_type3A_16, %cond3A_17 : i32
    scf.if %cond3A_18 {
      %run_scoped3A = arith.constant 1 : i32
      "tpu.region"() ({
        %run_scoped3A_19 = tpu.sem_alloc : memref<!tpu.dma_semaphore, #tpu.memory_space<semaphore_mem>>
        %dma_start3A = arith.constant 0 : i32
        %dma_start3A_20 = tpu.memref_slice %arg7[%run_scoped3A, %mul3A_0, %dma_start3A] : memref<2x10112x128xf32, #tpu.memory_space<hbm>> -> memref<1x632x128xf32, #tpu.memory_space<hbm>>
        %dma_start3A_21 = tpu.memref_squeeze %dma_start3A_20 : memref<1x632x128xf32, #tpu.memory_space<hbm>> -> memref<632x128xf32, #tpu.memory_space<hbm>>
        %dma_start3A_22 = arith.constant 0 : i32
        %dma_start3A_23 = tpu.memref_slice %arg8[%mul3A_0, %dma_start3A_22] : memref<10112x128xf32, #tpu.memory_space<vmem_shared>> -> memref<632x128xf32, #tpu.memory_space<vmem_shared>>
        tpu.enqueue_dma source(%dma_start3A_23 : memref<632x128xf32, #tpu.memory_space<vmem_shared>>) target(%dma_start3A_21 : memref<632x128xf32, #tpu.memory_space<hbm>>) target_semaphore(%run_scoped3A_19 : memref<!tpu.dma_semaphore, #tpu.memory_space<semaphore_mem>>)
        %dma_wait3A = arith.constant 0 : i32
        %dma_wait3A_24 = tpu.memref_slice %arg7[%run_scoped3A, %mul3A_0, %dma_wait3A] : memref<2x10112x128xf32, #tpu.memory_space<hbm>> -> memref<1x632x128xf32, #tpu.memory_space<hbm>>
        %dma_wait3A_25 = tpu.memref_squeeze %dma_wait3A_24 : memref<1x632x128xf32, #tpu.memory_space<hbm>> -> memref<632x128xf32, #tpu.memory_space<hbm>>
        %dma_wait3A_26 = arith.constant 0 : i32
        %dma_wait3A_27 = tpu.memref_slice %arg8[%mul3A_0, %dma_wait3A_26] : memref<10112x128xf32, #tpu.memory_space<vmem_shared>> -> memref<632x128xf32, #tpu.memory_space<vmem_shared>>
        tpu.wait_dma2 semaphore(%run_scoped3A_19 : memref<!tpu.dma_semaphore, #tpu.memory_space<semaphore_mem>>) src(%dma_wait3A_27 : memref<632x128xf32, #tpu.memory_space<vmem_shared>>) dst(%dma_wait3A_25 : memref<632x128xf32, #tpu.memory_space<hbm>>)
        tpu.yield
      }) : () -> ()
    } else {
    }
    return
  }
}

module attributes {stable_mosaic.version = 14 : i64} {
  func.func @body(%arg0: i32, %arg1: memref<2x1000x128xf32, #tpu.memory_space<vmem>>, %arg2: memref<2x1000x128xf32, #tpu.memory_space<vmem>>, %arg3: memref<2x1000x128xf32, #tpu.memory_space<vmem>>, %arg4: memref<256x512xf32, #tpu.memory_space<vmem>>, %arg5: memref<256x512xf32, #tpu.memory_space<vmem>>, %arg6: memref<1x512xf32, #tpu.memory_space<vmem>>, %arg7: memref<4x1000x128xf32, #tpu.memory_space<vmem>>) attributes {dimension_semantics = [#tpu.dimension_semantics<arbitrary>], iteration_bounds = array<i64: 10>, scalar_prefetch = 0 : i64, scratch_operands = 0 : i64, tpu.core_type = #tpu.core_type<tc>, window_params = [{transform_indices = @transform_0, window_bounds = array<i64: 2, 1000, 128>}, {transform_indices = @transform_1, window_bounds = array<i64: 2, 1000, 128>}, {transform_indices = @transform_2, window_bounds = array<i64: 2, 1000, 128>}, {pipeline_mode = #tpu.pipeline_mode<synchronous>, transform_indices = @transform_3, window_bounds = array<i64: 256, 512>}, {pipeline_mode = #tpu.pipeline_mode<synchronous>, transform_indices = @transform_4, window_bounds = array<i64: 256, 512>}, {pipeline_mode = #tpu.pipeline_mode<synchronous>, transform_indices = @transform_5, window_bounds = array<i64: 1, 512>}, {transform_indices = @transform_6, window_bounds = array<i64: 4, 1000, 128>}]} {
    %get3A = arith.constant 0 : index
    %get3A_0 = arith.constant 0 : index
    %get3A_1 = arith.constant 0 : index
    %get3A_2 = vector.load %arg3[%get3A, %get3A_0, %get3A_1] : memref<2x1000x128xf32, #tpu.memory_space<vmem>>, vector<2x1000x128xf32>
    %slice3A = vector.extract_strided_slice %get3A_2 {offsets = [0, 0, 0], sizes = [1, 1000, 1], strides = [1, 1, 1]} : vector<2x1000x128xf32> to vector<1x1000x1xf32>
    %squeeze3A = vector.shape_cast %slice3A : vector<1x1000x1xf32> to vector<1000x1xf32>
    %slice3A_3 = vector.extract_strided_slice %get3A_2 {offsets = [1, 0, 0], sizes = [1, 1000, 1], strides = [1, 1, 1]} : vector<2x1000x128xf32> to vector<1x1000x1xf32>
    %squeeze3A_4 = vector.shape_cast %slice3A_3 : vector<1x1000x1xf32> to vector<1000x1xf32>
    %add3A = arith.addf %squeeze3A, %squeeze3A_4 : vector<1000x1xf32>
    %max3A = arith.constant 1.000000e+00 : f32
    %max3A_5 = vector.broadcast %max3A : f32 to vector<1000x1xf32>
    %max3A_6 = arith.maximumf %add3A, %max3A_5 : vector<1000x1xf32>
    %div3A = arith.constant 1.000000e+00 : f32
    %div3A_7 = vector.broadcast %div3A : f32 to vector<1000x1xf32>
    %div3A_8 = arith.divf %div3A_7, %max3A_6 : vector<1000x1xf32>
    %get3A_9 = arith.constant 0 : index
    %get3A_10 = arith.constant 0 : index
    %get3A_11 = vector.load %arg4[%get3A_9, %get3A_10] : memref<256x512xf32, #tpu.memory_space<vmem>>, vector<256x512xf32>
    %get3A_12 = arith.constant 0 : index
    %get3A_13 = arith.constant 0 : index
    %get3A_14 = vector.load %arg5[%get3A_12, %get3A_13] : memref<256x512xf32, #tpu.memory_space<vmem>>, vector<256x512xf32>
    %broadcast_in_dim3A = arith.constant 0.000000e+00 : f32
    %broadcast_in_dim3A_15 = vector.broadcast %broadcast_in_dim3A : f32 to vector<1000x512xf32>
    %get3A_16 = arith.constant 0 : index
    %get3A_17 = arith.constant 0 : index
    %get3A_18 = arith.constant 0 : index
    %get3A_19 = vector.load %arg1[%get3A_16, %get3A_17, %get3A_18] : memref<2x1000x128xf32, #tpu.memory_space<vmem>>, vector<2x1000x128xf32>
    %slice3A_20 = vector.extract_strided_slice %get3A_19 {offsets = [0, 0, 0], sizes = [1, 1000, 128], strides = [1, 1, 1]} : vector<2x1000x128xf32> to vector<1x1000x128xf32>
    %squeeze3A_21 = vector.shape_cast %slice3A_20 : vector<1x1000x128xf32> to vector<1000x128xf32>
    %slice3A_22 = vector.extract_strided_slice %get3A_11 {offsets = [0, 0], sizes = [128, 512], strides = [1, 1]} : vector<256x512xf32> to vector<128x512xf32>
    %dot_general3A = arith.constant dense<0.000000e+00> : vector<1000x512xf32>
    %dot_general3A_23 = tpu.matmul %squeeze3A_21, %slice3A_22, %dot_general3A {dimension_numbers = #tpu.dot_dimension_numbers<[1], [0], [0], [1], [0, 0, 1, 1], [], []>, precision = #tpu.contract_precision<fp32>, transpose_lhs_hint = false} : vector<1000x128xf32>, vector<128x512xf32>, vector<1000x512xf32> -> vector<1000x512xf32>
    %add3A_24 = arith.addf %broadcast_in_dim3A_15, %dot_general3A_23 : vector<1000x512xf32>
    %slice3A_25 = vector.extract_strided_slice %get3A_19 {offsets = [1, 0, 0], sizes = [1, 1000, 128], strides = [1, 1, 1]} : vector<2x1000x128xf32> to vector<1x1000x128xf32>
    %squeeze3A_26 = vector.shape_cast %slice3A_25 : vector<1x1000x128xf32> to vector<1000x128xf32>
    %slice3A_27 = vector.extract_strided_slice %get3A_11 {offsets = [128, 0], sizes = [128, 512], strides = [1, 1]} : vector<256x512xf32> to vector<128x512xf32>
    %dot_general3A_28 = arith.constant dense<0.000000e+00> : vector<1000x512xf32>
    %dot_general3A_29 = tpu.matmul %squeeze3A_26, %slice3A_27, %dot_general3A_28 {dimension_numbers = #tpu.dot_dimension_numbers<[1], [0], [0], [1], [0, 0, 1, 1], [], []>, precision = #tpu.contract_precision<fp32>, transpose_lhs_hint = false} : vector<1000x128xf32>, vector<128x512xf32>, vector<1000x512xf32> -> vector<1000x512xf32>
    %add3A_30 = arith.addf %add3A_24, %dot_general3A_29 : vector<1000x512xf32>
    %mul3A = vector.broadcast %div3A_8 : vector<1000x1xf32> to vector<1000x512xf32>
    %mul3A_31 = arith.mulf %add3A_30, %mul3A : vector<1000x512xf32>
    %get3A_32 = arith.constant 0 : index
    %get3A_33 = arith.constant 0 : index
    %get3A_34 = arith.constant 0 : index
    %get3A_35 = vector.load %arg2[%get3A_32, %get3A_33, %get3A_34] : memref<2x1000x128xf32, #tpu.memory_space<vmem>>, vector<2x1000x128xf32>
    %slice3A_36 = vector.extract_strided_slice %get3A_35 {offsets = [0, 0, 0], sizes = [1, 1000, 128], strides = [1, 1, 1]} : vector<2x1000x128xf32> to vector<1x1000x128xf32>
    %squeeze3A_37 = vector.shape_cast %slice3A_36 : vector<1x1000x128xf32> to vector<1000x128xf32>
    %slice3A_38 = vector.extract_strided_slice %get3A_14 {offsets = [0, 0], sizes = [128, 512], strides = [1, 1]} : vector<256x512xf32> to vector<128x512xf32>
    %dot_general3A_39 = arith.constant dense<0.000000e+00> : vector<1000x512xf32>
    %dot_general3A_40 = tpu.matmul %squeeze3A_37, %slice3A_38, %dot_general3A_39 {dimension_numbers = #tpu.dot_dimension_numbers<[1], [0], [0], [1], [0, 0, 1, 1], [], []>, precision = #tpu.contract_precision<fp32>, transpose_lhs_hint = false} : vector<1000x128xf32>, vector<128x512xf32>, vector<1000x512xf32> -> vector<1000x512xf32>
    %add3A_41 = arith.addf %mul3A_31, %dot_general3A_40 : vector<1000x512xf32>
    %slice3A_42 = vector.extract_strided_slice %get3A_35 {offsets = [1, 0, 0], sizes = [1, 1000, 128], strides = [1, 1, 1]} : vector<2x1000x128xf32> to vector<1x1000x128xf32>
    %squeeze3A_43 = vector.shape_cast %slice3A_42 : vector<1x1000x128xf32> to vector<1000x128xf32>
    %slice3A_44 = vector.extract_strided_slice %get3A_14 {offsets = [128, 0], sizes = [128, 512], strides = [1, 1]} : vector<256x512xf32> to vector<128x512xf32>
    %dot_general3A_45 = arith.constant dense<0.000000e+00> : vector<1000x512xf32>
    %dot_general3A_46 = tpu.matmul %squeeze3A_43, %slice3A_44, %dot_general3A_45 {dimension_numbers = #tpu.dot_dimension_numbers<[1], [0], [0], [1], [0, 0, 1, 1], [], []>, precision = #tpu.contract_precision<fp32>, transpose_lhs_hint = false} : vector<1000x128xf32>, vector<128x512xf32>, vector<1000x512xf32> -> vector<1000x512xf32>
    %add3A_47 = arith.addf %add3A_41, %dot_general3A_46 : vector<1000x512xf32>
    %get3A_48 = arith.constant 0 : index
    %get3A_49 = arith.constant 0 : index
    %get3A_50 = vector.load %arg6[%get3A_48, %get3A_49] : memref<1x512xf32, #tpu.memory_space<vmem>>, vector<1x512xf32>
    %add3A_51 = vector.broadcast %get3A_50 : vector<1x512xf32> to vector<1000x512xf32>
    %add3A_52 = arith.addf %add3A_47, %add3A_51 : vector<1000x512xf32>
    %max3A_53 = arith.constant 0.000000e+00 : f32
    %max3A_54 = vector.broadcast %max3A_53 : f32 to vector<1000x512xf32>
    %max3A_55 = arith.maximumf %add3A_52, %max3A_54 : vector<1000x512xf32>
    %slice3A_56 = vector.extract_strided_slice %max3A_55 {offsets = [0, 0], sizes = [1000, 128], strides = [1, 1]} : vector<1000x512xf32> to vector<1000x128xf32>
    %swap3A = arith.constant 0 : index
    %swap3A_57 = arith.constant 0 : index
    %swap3A_58 = arith.constant 0 : index
    %swap3A_59 = vector.load %arg7[%swap3A, %swap3A_57, %swap3A_58] : memref<4x1000x128xf32, #tpu.memory_space<vmem>>, vector<1x1000x128xf32>
    %swap3A_60 = vector.shape_cast %swap3A_59 : vector<1x1000x128xf32> to vector<1000x128xf32>
    %swap3A_61 = vector.shape_cast %slice3A_56 : vector<1000x128xf32> to vector<1x1000x128xf32>
    tpu.vector_store %arg7[%swap3A, %swap3A_57, %swap3A_58], %swap3A_61 {strides = array<i32>} : memref<4x1000x128xf32, #tpu.memory_space<vmem>>, vector<1x1000x128xf32>,
    %slice3A_62 = vector.extract_strided_slice %max3A_55 {offsets = [0, 128], sizes = [1000, 128], strides = [1, 1]} : vector<1000x512xf32> to vector<1000x128xf32>
    %swap3A_63 = arith.constant 1 : index
    %swap3A_64 = arith.constant 0 : index
    %swap3A_65 = arith.constant 0 : index
    %swap3A_66 = vector.load %arg7[%swap3A_63, %swap3A_64, %swap3A_65] : memref<4x1000x128xf32, #tpu.memory_space<vmem>>, vector<1x1000x128xf32>
    %swap3A_67 = vector.shape_cast %swap3A_66 : vector<1x1000x128xf32> to vector<1000x128xf32>
    %swap3A_68 = vector.shape_cast %slice3A_62 : vector<1000x128xf32> to vector<1x1000x128xf32>
    tpu.vector_store %arg7[%swap3A_63, %swap3A_64, %swap3A_65], %swap3A_68 {strides = array<i32>} : memref<4x1000x128xf32, #tpu.memory_space<vmem>>, vector<1x1000x128xf32>,
    %slice3A_69 = vector.extract_strided_slice %max3A_55 {offsets = [0, 256], sizes = [1000, 128], strides = [1, 1]} : vector<1000x512xf32> to vector<1000x128xf32>
    %swap3A_70 = arith.constant 2 : index
    %swap3A_71 = arith.constant 0 : index
    %swap3A_72 = arith.constant 0 : index
    %swap3A_73 = vector.load %arg7[%swap3A_70, %swap3A_71, %swap3A_72] : memref<4x1000x128xf32, #tpu.memory_space<vmem>>, vector<1x1000x128xf32>
    %swap3A_74 = vector.shape_cast %swap3A_73 : vector<1x1000x128xf32> to vector<1000x128xf32>
    %swap3A_75 = vector.shape_cast %slice3A_69 : vector<1000x128xf32> to vector<1x1000x128xf32>
    tpu.vector_store %arg7[%swap3A_70, %swap3A_71, %swap3A_72], %swap3A_75 {strides = array<i32>} : memref<4x1000x128xf32, #tpu.memory_space<vmem>>, vector<1x1000x128xf32>,
    %slice3A_76 = vector.extract_strided_slice %max3A_55 {offsets = [0, 384], sizes = [1000, 128], strides = [1, 1]} : vector<1000x512xf32> to vector<1000x128xf32>
    %swap3A_77 = arith.constant 3 : index
    %swap3A_78 = arith.constant 0 : index
    %swap3A_79 = arith.constant 0 : index
    %swap3A_80 = vector.load %arg7[%swap3A_77, %swap3A_78, %swap3A_79] : memref<4x1000x128xf32, #tpu.memory_space<vmem>>, vector<1x1000x128xf32>
    %swap3A_81 = vector.shape_cast %swap3A_80 : vector<1x1000x128xf32> to vector<1000x128xf32>
    %swap3A_82 = vector.shape_cast %slice3A_76 : vector<1000x128xf32> to vector<1x1000x128xf32>
    tpu.vector_store %arg7[%swap3A_77, %swap3A_78, %swap3A_79], %swap3A_82 {strides = array<i32>} : memref<4x1000x128xf32, #tpu.memory_space<vmem>>, vector<1x1000x128xf32>,
    return
  }
  func.func @transform_0(%arg0: i32) -> (i32, i32, i32) {
    %c0_i32 = arith.constant 0 : i32
    %c0_i32_0 = arith.constant 0 : i32
    %c0_i32_1 = arith.constant 0 : i32
    return %c0_i32, %arg0, %c0_i32_0 : i32, i32, i32
  }
  func.func @transform_1(%arg0: i32) -> (i32, i32, i32) {
    %c0_i32 = arith.constant 0 : i32
    %c0_i32_0 = arith.constant 0 : i32
    %c0_i32_1 = arith.constant 0 : i32
    return %c0_i32, %arg0, %c0_i32_0 : i32, i32, i32
  }
  func.func @transform_2(%arg0: i32) -> (i32, i32, i32) {
    %c0_i32 = arith.constant 0 : i32
    %c0_i32_0 = arith.constant 0 : i32
    %c0_i32_1 = arith.constant 0 : i32
    return %c0_i32, %arg0, %c0_i32_0 : i32, i32, i32
  }
  func.func @transform_3(%arg0: i32) -> (i32, i32) {
    %c0_i32 = arith.constant 0 : i32
    %c0_i32_0 = arith.constant 0 : i32
    %c0_i32_1 = arith.constant 0 : i32
    return %c0_i32, %c0_i32_0 : i32, i32
  }
  func.func @transform_4(%arg0: i32) -> (i32, i32) {
    %c0_i32 = arith.constant 0 : i32
    %c0_i32_0 = arith.constant 0 : i32
    %c0_i32_1 = arith.constant 0 : i32
    return %c0_i32, %c0_i32_0 : i32, i32
  }
  func.func @transform_5(%arg0: i32) -> (i32, i32) {
    %c0_i32 = arith.constant 0 : i32
    %c0_i32_0 = arith.constant 0 : i32
    %c0_i32_1 = arith.constant 0 : i32
    return %c0_i32, %c0_i32_0 : i32, i32
  }
  func.func @transform_6(%arg0: i32) -> (i32, i32, i32) {
    %c0_i32 = arith.constant 0 : i32
    %c0_i32_0 = arith.constant 0 : i32
    %c0_i32_1 = arith.constant 0 : i32
    return %c0_i32, %arg0, %c0_i32_0 : i32, i32, i32
  }
}

module attributes {stable_mosaic.version = 14 : i64} {
  func.func @body(%arg0: i32, %arg1: memref<2x1000x128xf32, #tpu.memory_space<vmem>>, %arg2: memref<2x1000x128xf32, #tpu.memory_space<vmem>>, %arg3: memref<4x1000x128xf32, #tpu.memory_space<vmem>>, %arg4: memref<2x1000x128xf32, #tpu.memory_space<vmem>>, %arg5: memref<512x512xf32, #tpu.memory_space<vmem>>, %arg6: memref<512x512xf32, #tpu.memory_space<vmem>>, %arg7: memref<1x512xf32, #tpu.memory_space<vmem>>, %arg8: memref<4x1000x128xf32, #tpu.memory_space<vmem>>) attributes {dimension_semantics = [#tpu.dimension_semantics<arbitrary>], iteration_bounds = array<i64: 10>, scalar_prefetch = 0 : i64, scratch_operands = 0 : i64, tpu.core_type = #tpu.core_type<tc>, window_params = [{transform_indices = @transform_0, window_bounds = array<i64: 2, 1000, 128>}, {transform_indices = @transform_1, window_bounds = array<i64: 2, 1000, 128>}, {transform_indices = @transform_2, window_bounds = array<i64: 4, 1000, 128>}, {transform_indices = @transform_3, window_bounds = array<i64: 2, 1000, 128>}, {pipeline_mode = #tpu.pipeline_mode<synchronous>, transform_indices = @transform_4, window_bounds = array<i64: 512, 512>}, {pipeline_mode = #tpu.pipeline_mode<synchronous>, transform_indices = @transform_5, window_bounds = array<i64: 512, 512>}, {pipeline_mode = #tpu.pipeline_mode<synchronous>, transform_indices = @transform_6, window_bounds = array<i64: 1, 512>}, {transform_indices = @transform_7, window_bounds = array<i64: 4, 1000, 128>}]} {
    %get3A = arith.constant 0 : index
    %get3A_0 = arith.constant 0 : index
    %get3A_1 = arith.constant 0 : index
    %get3A_2 = vector.load %arg4[%get3A, %get3A_0, %get3A_1] : memref<2x1000x128xf32, #tpu.memory_space<vmem>>, vector<2x1000x128xf32>
    %slice3A = vector.extract_strided_slice %get3A_2 {offsets = [0, 0, 0], sizes = [1, 1000, 1], strides = [1, 1, 1]} : vector<2x1000x128xf32> to vector<1x1000x1xf32>
    %squeeze3A = vector.shape_cast %slice3A : vector<1x1000x1xf32> to vector<1000x1xf32>
    %slice3A_3 = vector.extract_strided_slice %get3A_2 {offsets = [1, 0, 0], sizes = [1, 1000, 1], strides = [1, 1, 1]} : vector<2x1000x128xf32> to vector<1x1000x1xf32>
    %squeeze3A_4 = vector.shape_cast %slice3A_3 : vector<1x1000x1xf32> to vector<1000x1xf32>
    %add3A = arith.addf %squeeze3A, %squeeze3A_4 : vector<1000x1xf32>
    %max3A = arith.constant 1.000000e+00 : f32
    %max3A_5 = vector.broadcast %max3A : f32 to vector<1000x1xf32>
    %max3A_6 = arith.maximumf %add3A, %max3A_5 : vector<1000x1xf32>
    %div3A = arith.constant 1.000000e+00 : f32
    %div3A_7 = vector.broadcast %div3A : f32 to vector<1000x1xf32>
    %div3A_8 = arith.divf %div3A_7, %max3A_6 : vector<1000x1xf32>
    %get3A_9 = arith.constant 0 : index
    %get3A_10 = arith.constant 0 : index
    %get3A_11 = vector.load %arg5[%get3A_9, %get3A_10] : memref<512x512xf32, #tpu.memory_space<vmem>>, vector<512x512xf32>
    %get3A_12 = arith.constant 0 : index
    %get3A_13 = arith.constant 0 : index
    %get3A_14 = vector.load %arg6[%get3A_12, %get3A_13] : memref<512x512xf32, #tpu.memory_space<vmem>>, vector<512x512xf32>
    %broadcast_in_dim3A = arith.constant 0.000000e+00 : f32
    %broadcast_in_dim3A_15 = vector.broadcast %broadcast_in_dim3A : f32 to vector<1000x512xf32>
    %get3A_16 = arith.constant 0 : index
    %get3A_17 = arith.constant 0 : index
    %get3A_18 = arith.constant 0 : index
    %get3A_19 = vector.load %arg1[%get3A_16, %get3A_17, %get3A_18] : memref<2x1000x128xf32, #tpu.memory_space<vmem>>, vector<2x1000x128xf32>
    %slice3A_20 = vector.extract_strided_slice %get3A_19 {offsets = [0, 0, 0], sizes = [1, 1000, 128], strides = [1, 1, 1]} : vector<2x1000x128xf32> to vector<1x1000x128xf32>
    %squeeze3A_21 = vector.shape_cast %slice3A_20 : vector<1x1000x128xf32> to vector<1000x128xf32>
    %slice3A_22 = vector.extract_strided_slice %get3A_11 {offsets = [0, 0], sizes = [128, 512], strides = [1, 1]} : vector<512x512xf32> to vector<128x512xf32>
    %dot_general3A = arith.constant dense<0.000000e+00> : vector<1000x512xf32>
    %dot_general3A_23 = tpu.matmul %squeeze3A_21, %slice3A_22, %dot_general3A {dimension_numbers = #tpu.dot_dimension_numbers<[1], [0], [0], [1], [0, 0, 1, 1], [], []>, precision = #tpu.contract_precision<fp32>, transpose_lhs_hint = false} : vector<1000x128xf32>, vector<128x512xf32>, vector<1000x512xf32> -> vector<1000x512xf32>
    %add3A_24 = arith.addf %broadcast_in_dim3A_15, %dot_general3A_23 : vector<1000x512xf32>
    %slice3A_25 = vector.extract_strided_slice %get3A_19 {offsets = [1, 0, 0], sizes = [1, 1000, 128], strides = [1, 1, 1]} : vector<2x1000x128xf32> to vector<1x1000x128xf32>
    %squeeze3A_26 = vector.shape_cast %slice3A_25 : vector<1x1000x128xf32> to vector<1000x128xf32>
    %slice3A_27 = vector.extract_strided_slice %get3A_11 {offsets = [128, 0], sizes = [128, 512], strides = [1, 1]} : vector<512x512xf32> to vector<128x512xf32>
    %dot_general3A_28 = arith.constant dense<0.000000e+00> : vector<1000x512xf32>
    %dot_general3A_29 = tpu.matmul %squeeze3A_26, %slice3A_27, %dot_general3A_28 {dimension_numbers = #tpu.dot_dimension_numbers<[1], [0], [0], [1], [0, 0, 1, 1], [], []>, precision = #tpu.contract_precision<fp32>, transpose_lhs_hint = false} : vector<1000x128xf32>, vector<128x512xf32>, vector<1000x512xf32> -> vector<1000x512xf32>
    %add3A_30 = arith.addf %add3A_24, %dot_general3A_29 : vector<1000x512xf32>
    %get3A_31 = arith.constant 0 : index
    %get3A_32 = arith.constant 0 : index
    %get3A_33 = arith.constant 0 : index
    %get3A_34 = vector.load %arg2[%get3A_31, %get3A_32, %get3A_33] : memref<2x1000x128xf32, #tpu.memory_space<vmem>>, vector<2x1000x128xf32>
    %slice3A_35 = vector.extract_strided_slice %get3A_34 {offsets = [0, 0, 0], sizes = [1, 1000, 128], strides = [1, 1, 1]} : vector<2x1000x128xf32> to vector<1x1000x128xf32>
    %squeeze3A_36 = vector.shape_cast %slice3A_35 : vector<1x1000x128xf32> to vector<1000x128xf32>
    %slice3A_37 = vector.extract_strided_slice %get3A_11 {offsets = [256, 0], sizes = [128, 512], strides = [1, 1]} : vector<512x512xf32> to vector<128x512xf32>
    %dot_general3A_38 = arith.constant dense<0.000000e+00> : vector<1000x512xf32>
    %dot_general3A_39 = tpu.matmul %squeeze3A_36, %slice3A_37, %dot_general3A_38 {dimension_numbers = #tpu.dot_dimension_numbers<[1], [0], [0], [1], [0, 0, 1, 1], [], []>, precision = #tpu.contract_precision<fp32>, transpose_lhs_hint = false} : vector<1000x128xf32>, vector<128x512xf32>, vector<1000x512xf32> -> vector<1000x512xf32>
    %add3A_40 = arith.addf %add3A_30, %dot_general3A_39 : vector<1000x512xf32>
    %slice3A_41 = vector.extract_strided_slice %get3A_34 {offsets = [1, 0, 0], sizes = [1, 1000, 128], strides = [1, 1, 1]} : vector<2x1000x128xf32> to vector<1x1000x128xf32>
    %squeeze3A_42 = vector.shape_cast %slice3A_41 : vector<1x1000x128xf32> to vector<1000x128xf32>
    %slice3A_43 = vector.extract_strided_slice %get3A_11 {offsets = [384, 0], sizes = [128, 512], strides = [1, 1]} : vector<512x512xf32> to vector<128x512xf32>
    %dot_general3A_44 = arith.constant dense<0.000000e+00> : vector<1000x512xf32>
    %dot_general3A_45 = tpu.matmul %squeeze3A_42, %slice3A_43, %dot_general3A_44 {dimension_numbers = #tpu.dot_dimension_numbers<[1], [0], [0], [1], [0, 0, 1, 1], [], []>, precision = #tpu.contract_precision<fp32>, transpose_lhs_hint = false} : vector<1000x128xf32>, vector<128x512xf32>, vector<1000x512xf32> -> vector<1000x512xf32>
    %add3A_46 = arith.addf %add3A_40, %dot_general3A_45 : vector<1000x512xf32>
    %mul3A = vector.broadcast %div3A_8 : vector<1000x1xf32> to vector<1000x512xf32>
    %mul3A_47 = arith.mulf %add3A_46, %mul3A : vector<1000x512xf32>
    %get3A_48 = arith.constant 0 : index
    %get3A_49 = arith.constant 0 : index
    %get3A_50 = arith.constant 0 : index
    %get3A_51 = vector.load %arg3[%get3A_48, %get3A_49, %get3A_50] : memref<4x1000x128xf32, #tpu.memory_space<vmem>>, vector<4x1000x128xf32>
    %slice3A_52 = vector.extract_strided_slice %get3A_51 {offsets = [0, 0, 0], sizes = [1, 1000, 128], strides = [1, 1, 1]} : vector<4x1000x128xf32> to vector<1x1000x128xf32>
    %squeeze3A_53 = vector.shape_cast %slice3A_52 : vector<1x1000x128xf32> to vector<1000x128xf32>
    %slice3A_54 = vector.extract_strided_slice %get3A_14 {offsets = [0, 0], sizes = [128, 512], strides = [1, 1]} : vector<512x512xf32> to vector<128x512xf32>
    %dot_general3A_55 = arith.constant dense<0.000000e+00> : vector<1000x512xf32>
    %dot_general3A_56 = tpu.matmul %squeeze3A_53, %slice3A_54, %dot_general3A_55 {dimension_numbers = #tpu.dot_dimension_numbers<[1], [0], [0], [1], [0, 0, 1, 1], [], []>, precision = #tpu.contract_precision<fp32>, transpose_lhs_hint = false} : vector<1000x128xf32>, vector<128x512xf32>, vector<1000x512xf32> -> vector<1000x512xf32>
    %add3A_57 = arith.addf %mul3A_47, %dot_general3A_56 : vector<1000x512xf32>
    %slice3A_58 = vector.extract_strided_slice %get3A_51 {offsets = [1, 0, 0], sizes = [1, 1000, 128], strides = [1, 1, 1]} : vector<4x1000x128xf32> to vector<1x1000x128xf32>
    %squeeze3A_59 = vector.shape_cast %slice3A_58 : vector<1x1000x128xf32> to vector<1000x128xf32>
    %slice3A_60 = vector.extract_strided_slice %get3A_14 {offsets = [128, 0], sizes = [128, 512], strides = [1, 1]} : vector<512x512xf32> to vector<128x512xf32>
    %dot_general3A_61 = arith.constant dense<0.000000e+00> : vector<1000x512xf32>
    %dot_general3A_62 = tpu.matmul %squeeze3A_59, %slice3A_60, %dot_general3A_61 {dimension_numbers = #tpu.dot_dimension_numbers<[1], [0], [0], [1], [0, 0, 1, 1], [], []>, precision = #tpu.contract_precision<fp32>, transpose_lhs_hint = false} : vector<1000x128xf32>, vector<128x512xf32>, vector<1000x512xf32> -> vector<1000x512xf32>
    %add3A_63 = arith.addf %add3A_57, %dot_general3A_62 : vector<1000x512xf32>
    %slice3A_64 = vector.extract_strided_slice %get3A_51 {offsets = [2, 0, 0], sizes = [1, 1000, 128], strides = [1, 1, 1]} : vector<4x1000x128xf32> to vector<1x1000x128xf32>
    %squeeze3A_65 = vector.shape_cast %slice3A_64 : vector<1x1000x128xf32> to vector<1000x128xf32>
    %slice3A_66 = vector.extract_strided_slice %get3A_14 {offsets = [256, 0], sizes = [128, 512], strides = [1, 1]} : vector<512x512xf32> to vector<128x512xf32>
    %dot_general3A_67 = arith.constant dense<0.000000e+00> : vector<1000x512xf32>
    %dot_general3A_68 = tpu.matmul %squeeze3A_65, %slice3A_66, %dot_general3A_67 {dimension_numbers = #tpu.dot_dimension_numbers<[1], [0], [0], [1], [0, 0, 1, 1], [], []>, precision = #tpu.contract_precision<fp32>, transpose_lhs_hint = false} : vector<1000x128xf32>, vector<128x512xf32>, vector<1000x512xf32> -> vector<1000x512xf32>
    %add3A_69 = arith.addf %add3A_63, %dot_general3A_68 : vector<1000x512xf32>
    %slice3A_70 = vector.extract_strided_slice %get3A_51 {offsets = [3, 0, 0], sizes = [1, 1000, 128], strides = [1, 1, 1]} : vector<4x1000x128xf32> to vector<1x1000x128xf32>
    %squeeze3A_71 = vector.shape_cast %slice3A_70 : vector<1x1000x128xf32> to vector<1000x128xf32>
    %slice3A_72 = vector.extract_strided_slice %get3A_14 {offsets = [384, 0], sizes = [128, 512], strides = [1, 1]} : vector<512x512xf32> to vector<128x512xf32>
    %dot_general3A_73 = arith.constant dense<0.000000e+00> : vector<1000x512xf32>
    %dot_general3A_74 = tpu.matmul %squeeze3A_71, %slice3A_72, %dot_general3A_73 {dimension_numbers = #tpu.dot_dimension_numbers<[1], [0], [0], [1], [0, 0, 1, 1], [], []>, precision = #tpu.contract_precision<fp32>, transpose_lhs_hint = false} : vector<1000x128xf32>, vector<128x512xf32>, vector<1000x512xf32> -> vector<1000x512xf32>
    %add3A_75 = arith.addf %add3A_69, %dot_general3A_74 : vector<1000x512xf32>
    %get3A_76 = arith.constant 0 : index
    %get3A_77 = arith.constant 0 : index
    %get3A_78 = vector.load %arg7[%get3A_76, %get3A_77] : memref<1x512xf32, #tpu.memory_space<vmem>>, vector<1x512xf32>
    %add3A_79 = vector.broadcast %get3A_78 : vector<1x512xf32> to vector<1000x512xf32>
    %add3A_80 = arith.addf %add3A_75, %add3A_79 : vector<1000x512xf32>
    %max3A_81 = arith.constant 0.000000e+00 : f32
    %max3A_82 = vector.broadcast %max3A_81 : f32 to vector<1000x512xf32>
    %max3A_83 = arith.maximumf %add3A_80, %max3A_82 : vector<1000x512xf32>
    %slice3A_84 = vector.extract_strided_slice %max3A_83 {offsets = [0, 0], sizes = [1000, 128], strides = [1, 1]} : vector<1000x512xf32> to vector<1000x128xf32>
    %swap3A = arith.constant 0 : index
    %swap3A_85 = arith.constant 0 : index
    %swap3A_86 = arith.constant 0 : index
    %swap3A_87 = vector.load %arg8[%swap3A, %swap3A_85, %swap3A_86] : memref<4x1000x128xf32, #tpu.memory_space<vmem>>, vector<1x1000x128xf32>
    %swap3A_88 = vector.shape_cast %swap3A_87 : vector<1x1000x128xf32> to vector<1000x128xf32>
    %swap3A_89 = vector.shape_cast %slice3A_84 : vector<1000x128xf32> to vector<1x1000x128xf32>
    tpu.vector_store %arg8[%swap3A, %swap3A_85, %swap3A_86], %swap3A_89 {strides = array<i32>} : memref<4x1000x128xf32, #tpu.memory_space<vmem>>, vector<1x1000x128xf32>,
    %slice3A_90 = vector.extract_strided_slice %max3A_83 {offsets = [0, 128], sizes = [1000, 128], strides = [1, 1]} : vector<1000x512xf32> to vector<1000x128xf32>
    %swap3A_91 = arith.constant 1 : index
    %swap3A_92 = arith.constant 0 : index
    %swap3A_93 = arith.constant 0 : index
    %swap3A_94 = vector.load %arg8[%swap3A_91, %swap3A_92, %swap3A_93] : memref<4x1000x128xf32, #tpu.memory_space<vmem>>, vector<1x1000x128xf32>
    %swap3A_95 = vector.shape_cast %swap3A_94 : vector<1x1000x128xf32> to vector<1000x128xf32>
    %swap3A_96 = vector.shape_cast %slice3A_90 : vector<1000x128xf32> to vector<1x1000x128xf32>
    tpu.vector_store %arg8[%swap3A_91, %swap3A_92, %swap3A_93], %swap3A_96 {strides = array<i32>} : memref<4x1000x128xf32, #tpu.memory_space<vmem>>, vector<1x1000x128xf32>,
    %slice3A_97 = vector.extract_strided_slice %max3A_83 {offsets = [0, 256], sizes = [1000, 128], strides = [1, 1]} : vector<1000x512xf32> to vector<1000x128xf32>
    %swap3A_98 = arith.constant 2 : index
    %swap3A_99 = arith.constant 0 : index
    %swap3A_100 = arith.constant 0 : index
    %swap3A_101 = vector.load %arg8[%swap3A_98, %swap3A_99, %swap3A_100] : memref<4x1000x128xf32, #tpu.memory_space<vmem>>, vector<1x1000x128xf32>
    %swap3A_102 = vector.shape_cast %swap3A_101 : vector<1x1000x128xf32> to vector<1000x128xf32>
    %swap3A_103 = vector.shape_cast %slice3A_97 : vector<1000x128xf32> to vector<1x1000x128xf32>
    tpu.vector_store %arg8[%swap3A_98, %swap3A_99, %swap3A_100], %swap3A_103 {strides = array<i32>} : memref<4x1000x128xf32, #tpu.memory_space<vmem>>, vector<1x1000x128xf32>,
    %slice3A_104 = vector.extract_strided_slice %max3A_83 {offsets = [0, 384], sizes = [1000, 128], strides = [1, 1]} : vector<1000x512xf32> to vector<1000x128xf32>
    %swap3A_105 = arith.constant 3 : index
    %swap3A_106 = arith.constant 0 : index
    %swap3A_107 = arith.constant 0 : index
    %swap3A_108 = vector.load %arg8[%swap3A_105, %swap3A_106, %swap3A_107] : memref<4x1000x128xf32, #tpu.memory_space<vmem>>, vector<1x1000x128xf32>
    %swap3A_109 = vector.shape_cast %swap3A_108 : vector<1x1000x128xf32> to vector<1000x128xf32>
    %swap3A_110 = vector.shape_cast %slice3A_104 : vector<1000x128xf32> to vector<1x1000x128xf32>
    tpu.vector_store %arg8[%swap3A_105, %swap3A_106, %swap3A_107], %swap3A_110 {strides = array<i32>} : memref<4x1000x128xf32, #tpu.memory_space<vmem>>, vector<1x1000x128xf32>,
    return
  }
  func.func @transform_0(%arg0: i32) -> (i32, i32, i32) {
    %c0_i32 = arith.constant 0 : i32
    %c0_i32_0 = arith.constant 0 : i32
    %c0_i32_1 = arith.constant 0 : i32
    return %c0_i32, %arg0, %c0_i32_0 : i32, i32, i32
  }
  func.func @transform_1(%arg0: i32) -> (i32, i32, i32) {
    %c0_i32 = arith.constant 0 : i32
    %c0_i32_0 = arith.constant 0 : i32
    %c0_i32_1 = arith.constant 0 : i32
    return %c0_i32, %arg0, %c0_i32_0 : i32, i32, i32
  }
  func.func @transform_2(%arg0: i32) -> (i32, i32, i32) {
    %c0_i32 = arith.constant 0 : i32
    %c0_i32_0 = arith.constant 0 : i32
    %c0_i32_1 = arith.constant 0 : i32
    return %c0_i32, %arg0, %c0_i32_0 : i32, i32, i32
  }
  func.func @transform_3(%arg0: i32) -> (i32, i32, i32) {
    %c0_i32 = arith.constant 0 : i32
    %c0_i32_0 = arith.constant 0 : i32
    %c0_i32_1 = arith.constant 0 : i32
    return %c0_i32, %arg0, %c0_i32_0 : i32, i32, i32
  }
  func.func @transform_4(%arg0: i32) -> (i32, i32) {
    %c0_i32 = arith.constant 0 : i32
    %c0_i32_0 = arith.constant 0 : i32
    %c0_i32_1 = arith.constant 0 : i32
    return %c0_i32, %c0_i32_0 : i32, i32
  }
  func.func @transform_5(%arg0: i32) -> (i32, i32) {
    %c0_i32 = arith.constant 0 : i32
    %c0_i32_0 = arith.constant 0 : i32
    %c0_i32_1 = arith.constant 0 : i32
    return %c0_i32, %c0_i32_0 : i32, i32
  }
  func.func @transform_6(%arg0: i32) -> (i32, i32) {
    %c0_i32 = arith.constant 0 : i32
    %c0_i32_0 = arith.constant 0 : i32
    %c0_i32_1 = arith.constant 0 : i32
    return %c0_i32, %c0_i32_0 : i32, i32
  }
  func.func @transform_7(%arg0: i32) -> (i32, i32, i32) {
    %c0_i32 = arith.constant 0 : i32
    %c0_i32_0 = arith.constant 0 : i32
    %c0_i32_1 = arith.constant 0 : i32
    return %c0_i32, %arg0, %c0_i32_0 : i32, i32, i32
  }
}

module attributes {stable_mosaic.version = 14 : i64} {
  func.func @body(%arg0: i32, %arg1: memref<2x1000x128xf32, #tpu.memory_space<vmem>>, %arg2: memref<2x1000x128xf32, #tpu.memory_space<vmem>>, %arg3: memref<4x1000x128xf32, #tpu.memory_space<vmem>>, %arg4: memref<2x1000x128xf32, #tpu.memory_space<vmem>>, %arg5: memref<512x512xf32, #tpu.memory_space<vmem>>, %arg6: memref<512x512xf32, #tpu.memory_space<vmem>>, %arg7: memref<1x512xf32, #tpu.memory_space<vmem>>, %arg8: memref<1000x512xf32, #tpu.memory_space<vmem>>) attributes {dimension_semantics = [#tpu.dimension_semantics<arbitrary>], iteration_bounds = array<i64: 10>, scalar_prefetch = 0 : i64, scratch_operands = 0 : i64, tpu.core_type = #tpu.core_type<tc>, window_params = [{transform_indices = @transform_0, window_bounds = array<i64: 2, 1000, 128>}, {transform_indices = @transform_1, window_bounds = array<i64: 2, 1000, 128>}, {transform_indices = @transform_2, window_bounds = array<i64: 4, 1000, 128>}, {transform_indices = @transform_3, window_bounds = array<i64: 2, 1000, 128>}, {pipeline_mode = #tpu.pipeline_mode<synchronous>, transform_indices = @transform_4, window_bounds = array<i64: 512, 512>}, {pipeline_mode = #tpu.pipeline_mode<synchronous>, transform_indices = @transform_5, window_bounds = array<i64: 512, 512>}, {pipeline_mode = #tpu.pipeline_mode<synchronous>, transform_indices = @transform_6, window_bounds = array<i64: 1, 512>}, {transform_indices = @transform_7, window_bounds = array<i64: 1000, 512>}]} {
    %get3A = arith.constant 0 : index
    %get3A_0 = arith.constant 0 : index
    %get3A_1 = arith.constant 0 : index
    %get3A_2 = vector.load %arg4[%get3A, %get3A_0, %get3A_1] : memref<2x1000x128xf32, #tpu.memory_space<vmem>>, vector<2x1000x128xf32>
    %slice3A = vector.extract_strided_slice %get3A_2 {offsets = [0, 0, 0], sizes = [1, 1000, 1], strides = [1, 1, 1]} : vector<2x1000x128xf32> to vector<1x1000x1xf32>
    %squeeze3A = vector.shape_cast %slice3A : vector<1x1000x1xf32> to vector<1000x1xf32>
    %slice3A_3 = vector.extract_strided_slice %get3A_2 {offsets = [1, 0, 0], sizes = [1, 1000, 1], strides = [1, 1, 1]} : vector<2x1000x128xf32> to vector<1x1000x1xf32>
    %squeeze3A_4 = vector.shape_cast %slice3A_3 : vector<1x1000x1xf32> to vector<1000x1xf32>
    %add3A = arith.addf %squeeze3A, %squeeze3A_4 : vector<1000x1xf32>
    %max3A = arith.constant 1.000000e+00 : f32
    %max3A_5 = vector.broadcast %max3A : f32 to vector<1000x1xf32>
    %max3A_6 = arith.maximumf %add3A, %max3A_5 : vector<1000x1xf32>
    %div3A = arith.constant 1.000000e+00 : f32
    %div3A_7 = vector.broadcast %div3A : f32 to vector<1000x1xf32>
    %div3A_8 = arith.divf %div3A_7, %max3A_6 : vector<1000x1xf32>
    %get3A_9 = arith.constant 0 : index
    %get3A_10 = arith.constant 0 : index
    %get3A_11 = vector.load %arg5[%get3A_9, %get3A_10] : memref<512x512xf32, #tpu.memory_space<vmem>>, vector<512x512xf32>
    %get3A_12 = arith.constant 0 : index
    %get3A_13 = arith.constant 0 : index
    %get3A_14 = vector.load %arg6[%get3A_12, %get3A_13] : memref<512x512xf32, #tpu.memory_space<vmem>>, vector<512x512xf32>
    %broadcast_in_dim3A = arith.constant 0.000000e+00 : f32
    %broadcast_in_dim3A_15 = vector.broadcast %broadcast_in_dim3A : f32 to vector<1000x512xf32>
    %get3A_16 = arith.constant 0 : index
    %get3A_17 = arith.constant 0 : index
    %get3A_18 = arith.constant 0 : index
    %get3A_19 = vector.load %arg1[%get3A_16, %get3A_17, %get3A_18] : memref<2x1000x128xf32, #tpu.memory_space<vmem>>, vector<2x1000x128xf32>
    %slice3A_20 = vector.extract_strided_slice %get3A_19 {offsets = [0, 0, 0], sizes = [1, 1000, 128], strides = [1, 1, 1]} : vector<2x1000x128xf32> to vector<1x1000x128xf32>
    %squeeze3A_21 = vector.shape_cast %slice3A_20 : vector<1x1000x128xf32> to vector<1000x128xf32>
    %slice3A_22 = vector.extract_strided_slice %get3A_11 {offsets = [0, 0], sizes = [128, 512], strides = [1, 1]} : vector<512x512xf32> to vector<128x512xf32>
    %dot_general3A = arith.constant dense<0.000000e+00> : vector<1000x512xf32>
    %dot_general3A_23 = tpu.matmul %squeeze3A_21, %slice3A_22, %dot_general3A {dimension_numbers = #tpu.dot_dimension_numbers<[1], [0], [0], [1], [0, 0, 1, 1], [], []>, precision = #tpu.contract_precision<fp32>, transpose_lhs_hint = false} : vector<1000x128xf32>, vector<128x512xf32>, vector<1000x512xf32> -> vector<1000x512xf32>
    %add3A_24 = arith.addf %broadcast_in_dim3A_15, %dot_general3A_23 : vector<1000x512xf32>
    %slice3A_25 = vector.extract_strided_slice %get3A_19 {offsets = [1, 0, 0], sizes = [1, 1000, 128], strides = [1, 1, 1]} : vector<2x1000x128xf32> to vector<1x1000x128xf32>
    %squeeze3A_26 = vector.shape_cast %slice3A_25 : vector<1x1000x128xf32> to vector<1000x128xf32>
    %slice3A_27 = vector.extract_strided_slice %get3A_11 {offsets = [128, 0], sizes = [128, 512], strides = [1, 1]} : vector<512x512xf32> to vector<128x512xf32>
    %dot_general3A_28 = arith.constant dense<0.000000e+00> : vector<1000x512xf32>
    %dot_general3A_29 = tpu.matmul %squeeze3A_26, %slice3A_27, %dot_general3A_28 {dimension_numbers = #tpu.dot_dimension_numbers<[1], [0], [0], [1], [0, 0, 1, 1], [], []>, precision = #tpu.contract_precision<fp32>, transpose_lhs_hint = false} : vector<1000x128xf32>, vector<128x512xf32>, vector<1000x512xf32> -> vector<1000x512xf32>
    %add3A_30 = arith.addf %add3A_24, %dot_general3A_29 : vector<1000x512xf32>
    %get3A_31 = arith.constant 0 : index
    %get3A_32 = arith.constant 0 : index
    %get3A_33 = arith.constant 0 : index
    %get3A_34 = vector.load %arg2[%get3A_31, %get3A_32, %get3A_33] : memref<2x1000x128xf32, #tpu.memory_space<vmem>>, vector<2x1000x128xf32>
    %slice3A_35 = vector.extract_strided_slice %get3A_34 {offsets = [0, 0, 0], sizes = [1, 1000, 128], strides = [1, 1, 1]} : vector<2x1000x128xf32> to vector<1x1000x128xf32>
    %squeeze3A_36 = vector.shape_cast %slice3A_35 : vector<1x1000x128xf32> to vector<1000x128xf32>
    %slice3A_37 = vector.extract_strided_slice %get3A_11 {offsets = [256, 0], sizes = [128, 512], strides = [1, 1]} : vector<512x512xf32> to vector<128x512xf32>
    %dot_general3A_38 = arith.constant dense<0.000000e+00> : vector<1000x512xf32>
    %dot_general3A_39 = tpu.matmul %squeeze3A_36, %slice3A_37, %dot_general3A_38 {dimension_numbers = #tpu.dot_dimension_numbers<[1], [0], [0], [1], [0, 0, 1, 1], [], []>, precision = #tpu.contract_precision<fp32>, transpose_lhs_hint = false} : vector<1000x128xf32>, vector<128x512xf32>, vector<1000x512xf32> -> vector<1000x512xf32>
    %add3A_40 = arith.addf %add3A_30, %dot_general3A_39 : vector<1000x512xf32>
    %slice3A_41 = vector.extract_strided_slice %get3A_34 {offsets = [1, 0, 0], sizes = [1, 1000, 128], strides = [1, 1, 1]} : vector<2x1000x128xf32> to vector<1x1000x128xf32>
    %squeeze3A_42 = vector.shape_cast %slice3A_41 : vector<1x1000x128xf32> to vector<1000x128xf32>
    %slice3A_43 = vector.extract_strided_slice %get3A_11 {offsets = [384, 0], sizes = [128, 512], strides = [1, 1]} : vector<512x512xf32> to vector<128x512xf32>
    %dot_general3A_44 = arith.constant dense<0.000000e+00> : vector<1000x512xf32>
    %dot_general3A_45 = tpu.matmul %squeeze3A_42, %slice3A_43, %dot_general3A_44 {dimension_numbers = #tpu.dot_dimension_numbers<[1], [0], [0], [1], [0, 0, 1, 1], [], []>, precision = #tpu.contract_precision<fp32>, transpose_lhs_hint = false} : vector<1000x128xf32>, vector<128x512xf32>, vector<1000x512xf32> -> vector<1000x512xf32>
    %add3A_46 = arith.addf %add3A_40, %dot_general3A_45 : vector<1000x512xf32>
    %mul3A = vector.broadcast %div3A_8 : vector<1000x1xf32> to vector<1000x512xf32>
    %mul3A_47 = arith.mulf %add3A_46, %mul3A : vector<1000x512xf32>
    %get3A_48 = arith.constant 0 : index
    %get3A_49 = arith.constant 0 : index
    %get3A_50 = arith.constant 0 : index
    %get3A_51 = vector.load %arg3[%get3A_48, %get3A_49, %get3A_50] : memref<4x1000x128xf32, #tpu.memory_space<vmem>>, vector<4x1000x128xf32>
    %slice3A_52 = vector.extract_strided_slice %get3A_51 {offsets = [0, 0, 0], sizes = [1, 1000, 128], strides = [1, 1, 1]} : vector<4x1000x128xf32> to vector<1x1000x128xf32>
    %squeeze3A_53 = vector.shape_cast %slice3A_52 : vector<1x1000x128xf32> to vector<1000x128xf32>
    %slice3A_54 = vector.extract_strided_slice %get3A_14 {offsets = [0, 0], sizes = [128, 512], strides = [1, 1]} : vector<512x512xf32> to vector<128x512xf32>
    %dot_general3A_55 = arith.constant dense<0.000000e+00> : vector<1000x512xf32>
    %dot_general3A_56 = tpu.matmul %squeeze3A_53, %slice3A_54, %dot_general3A_55 {dimension_numbers = #tpu.dot_dimension_numbers<[1], [0], [0], [1], [0, 0, 1, 1], [], []>, precision = #tpu.contract_precision<fp32>, transpose_lhs_hint = false} : vector<1000x128xf32>, vector<128x512xf32>, vector<1000x512xf32> -> vector<1000x512xf32>
    %add3A_57 = arith.addf %mul3A_47, %dot_general3A_56 : vector<1000x512xf32>
    %slice3A_58 = vector.extract_strided_slice %get3A_51 {offsets = [1, 0, 0], sizes = [1, 1000, 128], strides = [1, 1, 1]} : vector<4x1000x128xf32> to vector<1x1000x128xf32>
    %squeeze3A_59 = vector.shape_cast %slice3A_58 : vector<1x1000x128xf32> to vector<1000x128xf32>
    %slice3A_60 = vector.extract_strided_slice %get3A_14 {offsets = [128, 0], sizes = [128, 512], strides = [1, 1]} : vector<512x512xf32> to vector<128x512xf32>
    %dot_general3A_61 = arith.constant dense<0.000000e+00> : vector<1000x512xf32>
    %dot_general3A_62 = tpu.matmul %squeeze3A_59, %slice3A_60, %dot_general3A_61 {dimension_numbers = #tpu.dot_dimension_numbers<[1], [0], [0], [1], [0, 0, 1, 1], [], []>, precision = #tpu.contract_precision<fp32>, transpose_lhs_hint = false} : vector<1000x128xf32>, vector<128x512xf32>, vector<1000x512xf32> -> vector<1000x512xf32>
    %add3A_63 = arith.addf %add3A_57, %dot_general3A_62 : vector<1000x512xf32>
    %slice3A_64 = vector.extract_strided_slice %get3A_51 {offsets = [2, 0, 0], sizes = [1, 1000, 128], strides = [1, 1, 1]} : vector<4x1000x128xf32> to vector<1x1000x128xf32>
    %squeeze3A_65 = vector.shape_cast %slice3A_64 : vector<1x1000x128xf32> to vector<1000x128xf32>
    %slice3A_66 = vector.extract_strided_slice %get3A_14 {offsets = [256, 0], sizes = [128, 512], strides = [1, 1]} : vector<512x512xf32> to vector<128x512xf32>
    %dot_general3A_67 = arith.constant dense<0.000000e+00> : vector<1000x512xf32>
    %dot_general3A_68 = tpu.matmul %squeeze3A_65, %slice3A_66, %dot_general3A_67 {dimension_numbers = #tpu.dot_dimension_numbers<[1], [0], [0], [1], [0, 0, 1, 1], [], []>, precision = #tpu.contract_precision<fp32>, transpose_lhs_hint = false} : vector<1000x128xf32>, vector<128x512xf32>, vector<1000x512xf32> -> vector<1000x512xf32>
    %add3A_69 = arith.addf %add3A_63, %dot_general3A_68 : vector<1000x512xf32>
    %slice3A_70 = vector.extract_strided_slice %get3A_51 {offsets = [3, 0, 0], sizes = [1, 1000, 128], strides = [1, 1, 1]} : vector<4x1000x128xf32> to vector<1x1000x128xf32>
    %squeeze3A_71 = vector.shape_cast %slice3A_70 : vector<1x1000x128xf32> to vector<1000x128xf32>
    %slice3A_72 = vector.extract_strided_slice %get3A_14 {offsets = [384, 0], sizes = [128, 512], strides = [1, 1]} : vector<512x512xf32> to vector<128x512xf32>
    %dot_general3A_73 = arith.constant dense<0.000000e+00> : vector<1000x512xf32>
    %dot_general3A_74 = tpu.matmul %squeeze3A_71, %slice3A_72, %dot_general3A_73 {dimension_numbers = #tpu.dot_dimension_numbers<[1], [0], [0], [1], [0, 0, 1, 1], [], []>, precision = #tpu.contract_precision<fp32>, transpose_lhs_hint = false} : vector<1000x128xf32>, vector<128x512xf32>, vector<1000x512xf32> -> vector<1000x512xf32>
    %add3A_75 = arith.addf %add3A_69, %dot_general3A_74 : vector<1000x512xf32>
    %get3A_76 = arith.constant 0 : index
    %get3A_77 = arith.constant 0 : index
    %get3A_78 = vector.load %arg7[%get3A_76, %get3A_77] : memref<1x512xf32, #tpu.memory_space<vmem>>, vector<1x512xf32>
    %add3A_79 = vector.broadcast %get3A_78 : vector<1x512xf32> to vector<1000x512xf32>
    %add3A_80 = arith.addf %add3A_75, %add3A_79 : vector<1000x512xf32>
    %max3A_81 = arith.constant 0.000000e+00 : f32
    %max3A_82 = vector.broadcast %max3A_81 : f32 to vector<1000x512xf32>
    %max3A_83 = arith.maximumf %add3A_80, %max3A_82 : vector<1000x512xf32>
    %swap3A = arith.constant 0 : index
    %swap3A_84 = arith.constant 0 : index
    %swap3A_85 = vector.load %arg8[%swap3A, %swap3A_84] : memref<1000x512xf32, #tpu.memory_space<vmem>>, vector<1000x512xf32>
    tpu.vector_store %arg8[%swap3A, %swap3A_84], %max3A_83 {strides = array<i32>} : memref<1000x512xf32, #tpu.memory_space<vmem>>, vector<1000x512xf32>,
    return
  }
  func.func @transform_0(%arg0: i32) -> (i32, i32, i32) {
    %c0_i32 = arith.constant 0 : i32
    %c0_i32_0 = arith.constant 0 : i32
    %c0_i32_1 = arith.constant 0 : i32
    return %c0_i32, %arg0, %c0_i32_0 : i32, i32, i32
  }
  func.func @transform_1(%arg0: i32) -> (i32, i32, i32) {
    %c0_i32 = arith.constant 0 : i32
    %c0_i32_0 = arith.constant 0 : i32
    %c0_i32_1 = arith.constant 0 : i32
    return %c0_i32, %arg0, %c0_i32_0 : i32, i32, i32
  }
  func.func @transform_2(%arg0: i32) -> (i32, i32, i32) {
    %c0_i32 = arith.constant 0 : i32
    %c0_i32_0 = arith.constant 0 : i32
    %c0_i32_1 = arith.constant 0 : i32
    return %c0_i32, %arg0, %c0_i32_0 : i32, i32, i32
  }
  func.func @transform_3(%arg0: i32) -> (i32, i32, i32) {
    %c0_i32 = arith.constant 0 : i32
    %c0_i32_0 = arith.constant 0 : i32
    %c0_i32_1 = arith.constant 0 : i32
    return %c0_i32, %arg0, %c0_i32_0 : i32, i32, i32
  }
  func.func @transform_4(%arg0: i32) -> (i32, i32) {
    %c0_i32 = arith.constant 0 : i32
    %c0_i32_0 = arith.constant 0 : i32
    %c0_i32_1 = arith.constant 0 : i32
    return %c0_i32, %c0_i32_0 : i32, i32
  }
  func.func @transform_5(%arg0: i32) -> (i32, i32) {
    %c0_i32 = arith.constant 0 : i32
    %c0_i32_0 = arith.constant 0 : i32
    %c0_i32_1 = arith.constant 0 : i32
    return %c0_i32, %c0_i32_0 : i32, i32
  }
  func.func @transform_6(%arg0: i32) -> (i32, i32) {
    %c0_i32 = arith.constant 0 : i32
    %c0_i32_0 = arith.constant 0 : i32
    %c0_i32_1 = arith.constant 0 : i32
    return %c0_i32, %c0_i32_0 : i32, i32
  }
  func.func @transform_7(%arg0: i32) -> (i32, i32) {
    %c0_i32 = arith.constant 0 : i32
    %c0_i32_0 = arith.constant 0 : i32
    return %arg0, %c0_i32 : i32, i32
  }
}

</mosaic_0001>

<sc_bundles>
// kernel: kernel.11.cloned.1.call-start
scs
__scs_entry_jumppad:
0x0: {  	(pc) =	sbr.rel $0x88, $3  }
0x1: {  	(tag) =	ssettag $0x0;
	lr =	simm.s32 $0x1  }
0x2: {  	[smem:$0x3F96] =	sst lr;
	_ =	strace $0xD0000000  }
0x3: {  	_ = 	snop  }
0x4: {  	_ = 	snop  }
0x5: {  	_ = 	snop  }
0x6: {  	_ = 	snop  }
0x7: {  	_ = 	snop  }
__scs_overlays_trampoline_lowered:
0x8: {  	[smem:$0x3FA5] =	sst s0  }
0x9: {  	[smem:$0x3FA6] =	sst s1  }
0xa: {  	[smem:$0x3FA7] =	sst s2  }
0xb: {  	[smem:$0x3FA8] =	sst s3  }
0xc: {  	[smem:$0x3FA9] =	sst s4  }
0xd: {  	[smem:$0x3FAA] =	sst s5  }
0xe: {  	[smem:$0x3FAB] =	sst s6  }
0xf: {  	[smem:$0x3FAC] =	sst s7  }
0x10: {  	[smem:$0x3FAD] =	sst s8  }
0x11: {  	[smem:$0x3FAE] =	sst s9;
	s0 =	simm.s32 @!p0 $0x0  }
0x12: {  	s1 =	sld [smem:$0x3F94];
	s0 =	simm.s32 @p0 $0x1  }
0x13: {  	[smem:$0x3FAF] =	sst s0;
	s0 =	simm.s32 @!p1 $0x0  }
0x14: {  	s2 =	sld [smem:$0x3F93];
	s0 =	simm.s32 @p1 $0x1  }
0x15: {  	[smem:$0x3FB0] =	sst s0;
	s0 =	simm.s32 @!p2 $0x0  }
0x16: {  	s3 =	sld [smem:$0x3FDB];
	s0 =	simm.s32 @p2 $0x1  }
0x17: {  	s4 =	simm.s32 $0x1BF5;
	[smem:$0x3FB2] =	sst s0  }
0x18: {  	s0 =	sld [smem:$0x3F95];
	_ =	swait.ge [sflag:s4], $0x0  }
0x19: {  	s7 =	sld [smem:$0x3F96]  }
0x1a: {  	s8 =	sadd.s32 $0xFFFFE003, lr  }
0x1b: {  	s9 =	sadd.s32 $0xFFFFFEF7, lr;
	s5 =	simm.s32 $0xFFFFFFFF;
	p2 =	slt.u32 s8, $0xFFFFF086  }
0x1c: {  	p1 =	slt.u32 s9, $0xF7A;
	s5 =	simm.s32 @!p2 $0x0  }
0x1d: {  	s5 =	simm.s32 @p1 $0x1;
	p0 =	seq.s32 s7, s2  }
0x1e: {  	s7 =	smul.u32 @!p0 $0xF7A, s2;
	p2 =	seq.s32 @!p0 s5, $0x0  }
0x1f: {  	s9 =	smul.u32 $0xF7A, s1;
	s8 =	simm.s32 @!p0 $0x1BF5;
	p2 =	por !p2, p0  }
0x20: {  	[sflag:s8] =	ssyncset.s32 @!p0 $0xFFFFF086;
	s6 =	sadd.s32 @!p0 s3, s7;
	s7 =	simm.s32 @!p0 $0x108  }
0x21: {  	s3 =	sadd.s32 s3, s9;
	s6 =	sadd.s32 @!p0 $0x88, s6;
	s7 =	simm.s32 @p2 $0x1082  }
0x22: {  	[simem:s7], [sflag:s8] =	dma.local @!p0 [hbm:s6], $0xF7A  }
0x23: {  	s9 =	sor.u32 $0xD0000000, s2;
	s6 =	simm.s32 $0x108;
	_ =	swait.ge @!p0 [sflag:s8], $0x0  }
0x24: {  	s3 =	sadd.s32 $0x88, s3;
	s6 =	simm.s32 @!p1 $0x1082;
	[sflag:s4] =	ssyncset.s32 $0xFFFFF086  }
0x25: {  	[simem:s6], [sflag:s4] =	dma.local [hbm:s3], $0xF7A  }
0x26: {  	[smem:$0x3F96] =	sst s1;
	(tag) =	ssettag s2;
	_ =	strace s9  }
0x27: {  	s1 =	sld [smem:$0x3FA6]  }
0x28: {  	s2 =	sld [smem:$0x3FA7]  }
0x29: {  	s4 =	sld [smem:$0x3FA9]  }
0x2a: {  	p0 =	seq.s32 s5, $0x0;
	s5 =	sld [smem:$0x3FAA]  }
0x2b: {  	s6 =	sld [smem:$0x3FAB]  }
0x2c: {  	s7 =	sld [smem:$0x3FAC]  }
0x2d: {  	s3 =	simm.s32 $0x108;
	s8 =	sld [smem:$0x3FAD]  }
0x2e: {  	s3 =	simm.s32 @!p0 $0x1082;
	s9 =	sld [smem:$0x3FAE]  }
0x2f: {  	lr =	sadd.s32 s0, s3;
	s0 =	sld [smem:$0x3FA5]  }
0x30: {  	s3 =	sld [smem:$0x3FA8]  }
0x31: {  	[smem:$0x3FB1] =	sst s10  }
0x32: {  	s10 =	sld [smem:$0x3FAF];
	_ =	sdelay $0x3  }
0x33: {  	p0 =	seq.s32 s10, $0x1;
	s10 =	sld [smem:$0x3FB1];
	_ =	sdelay $0x3  }
0x34: {  	[smem:$0x3FB1] =	sst s10  }
0x35: {  	s10 =	sld [smem:$0x3FB0];
	_ =	sdelay $0x3  }
0x36: {  	p1 =	seq.s32 s10, $0x1;
	s10 =	sld [smem:$0x3FB1];
	_ =	sdelay $0x3  }
0x37: {  	[smem:$0x3FB1] =	sst s10  }
0x38: {  	s10 =	sld [smem:$0x3FB2]  }
0x39: {  	_ = 	snop;
	(pc) =	sbr.ind lr, $3  }
0x3a: {  	_ = 	snop  }
0x3b: {  	_ = 	snop  }
0x3c: {  	p2 =	seq.s32 s10, $0x1;
	s10 =	sld [smem:$0x3FB1]  }
0x3d: {  	_ =	shalt  }
0x3e: {  	_ =	shalt  }
0x3f: {  	_ =	shalt  }
0x40: {  	_ =	shalt  }
0x41: {  	_ =	shalt  }
0x42: {  	_ =	shalt  }
0x43: {  	_ =	shalt  }
0x44: {  	_ =	shalt  }
0x45: {  	_ =	shalt  }
0x46: {  	_ =	shalt  }
0x47: {  	_ =	shalt  }
0x48: {  	_ =	shalt  }
0x49: {  	_ =	shalt  }
0x4a: {  	_ =	shalt  }
0x4b: {  	_ =	shalt  }
0x4c: {  	_ =	shalt  }
0x4d: {  	_ =	shalt  }
0x4e: {  	_ =	shalt  }
0x4f: {  	_ =	shalt  }
0x50: {  	_ =	shalt  }
0x51: {  	_ =	shalt  }
0x52: {  	_ =	shalt  }
0x53: {  	_ =	shalt  }
0x54: {  	_ =	shalt  }
0x55: {  	_ =	shalt  }
0x56: {  	_ =	shalt  }
0x57: {  	_ =	shalt  }
0x58: {  	_ =	shalt  }
0x59: {  	_ =	shalt  }
0x5a: {  	_ =	shalt  }
0x5b: {  	_ =	shalt  }
0x5c: {  	_ =	shalt  }
0x5d: {  	_ =	shalt  }
0x5e: {  	_ =	shalt  }
0x5f: {  	_ =	shalt  }
0x60: {  	_ =	shalt  }
0x61: {  	_ =	shalt  }
0x62: {  	_ =	shalt  }
0x63: {  	_ =	shalt  }
0x64: {  	_ =	shalt  }
0x65: {  	_ =	shalt  }
0x66: {  	_ =	shalt  }
0x67: {  	_ =	shalt  }
0x68: {  	_ =	shalt  }
0x69: {  	_ =	shalt  }
0x6a: {  	_ =	shalt  }
0x6b: {  	_ =	shalt  }
0x6c: {  	_ =	shalt  }
0x6d: {  	_ =	shalt  }
0x6e: {  	_ =	shalt  }
0x6f: {  	_ =	shalt  }
0x70: {  	_ =	shalt  }
0x71: {  	_ =	shalt  }
0x72: {  	_ =	shalt  }
0x73: {  	_ =	shalt  }
0x74: {  	_ =	shalt  }
0x75: {  	_ =	shalt  }
0x76: {  	_ =	shalt  }
0x77: {  	_ =	shalt  }
0x78: {  	_ =	shalt  }
0x79: {  	_ =	shalt  }
0x7a: {  	_ =	shalt  }
0x7b: {  	_ =	shalt  }
0x7c: {  	_ =	shalt  }
0x7d: {  	_ =	shalt  }
0x7e: {  	_ =	shalt  }
0x7f: {  	_ =	shalt  }
0x80: {  	_ =	shalt  }
0x81: {  	_ =	shalt  }
0x82: {  	_ =	shalt  }
0x83: {  	_ =	shalt  }
0x84: {  	_ =	shalt  }
0x85: {  	_ =	shalt  }
0x86: {  	_ =	shalt  }
0x87: {  	_ =	shalt  }
.Lfunc_end0:
.L_simem_size_0:
called_computation_lowered:
.L_overlay_start_0:
0x88: {  	s2 =	sld [smem:$0x3FD9]  }
0x89: {  	s3 =	sld [smem:$0x3FFE];
	_ =	sdelay $0x1  }
0x8a: {  	s1 =	srdreg.scid  }
0x8b: {  	s0 =	sand.u32 $0x1, s1  }
0x8c: {  	s17 =	sshll.u32 s0, $0xA;
	s2 =	sadd.s32 s3, s2  }
0x8d: {  	s2 =	sadd.s32 s2, s17  }
0x8e: {  	[smem:$0x3FBD] =	sst s2  }
0x8f: {  	_ = 	snop  }
0x90: {  	(tm) =	ssettm $0x1  }
0x91: {  	s18 =	sld [smem:$0x3FFB];
	_ =	sdelay $0x3  }
0x92: {  	_ =	strace s18  }
0x93: {  	s2 =	sld [smem:$0x3FFC];
	_ =	sdelay $0x3  }
0x94: {  	_ =	strace s2  }
0x95: {  	s2 =	sld [smem:$0x3FFD];
	_ =	sdelay $0x3  }
0x96: {  	_ =	strace s2  }
0x97: {  	_ =	strace $0x8FFFFFFF  }
0x98: {  	s19 =	sld [smem:$0x3FDB];
	_ =	sdelay $0x1  }
0x99: {  	s20 =	simm.s32 $_scs_section_size  }
0x9a: {  	s4 =	simm.s32 $_size__tile_overlayer_lowered;
	s5 =	simm.s32 $_tile_overlayer_lowered  }
0x9b: {  	s6 =	simm.s32 $0x1BFF;
	s21 =	sshll.u32 s5, $0x1;
	s3 =	sadd.s32 s20, s19  }
0x9c: {  	s22 =	simm.s32 $0x0;
	s4 =	sshll.u32 s4, $0x1;
	s5 =	sadd.s32 s21, s3  }
0x9d: {  	[timem:s22], [sflag:s6] =	dma.local [hbm:s5], s4  }
0x9e: {  	_ =	swait.ge [sflag:s6], s4  }
0x9f: {  	s4 =	ssub.s32 $0x0, s4;
	[sflag:s6] =	ssyncset.done $0x0  }
0xa0: {  	[sflag:s6] =	ssyncadd.s32 s4;
	_ =	sdelay $0x1  }
0xa1: {  	s23 =	simm.s32 $0x1B8B  }
0xa2: {  	_ =	swait.ge [sflag:s23], $0x1  }
0xa3: {  	[sflag:s23] =	ssyncset.done $0x0  }
0xa4: {  	[sflag:s23] =	ssyncadd.s32 $0xFFFFFFFF  }
0xa5: {  	s4 =	sld [smem:$0x0]  }
0xa6: {  	s5 =	sand.u32 $0xFFFFFFFE, s1  }
0xa7: {  	p0 =	sne.s32 s1, s5  }
0xa8: {  	s5 =	sshll.u32 @p0 s5, $0xE  }
0xa9: {  	s5 =	sadd.s32 @p0 $0x11B8D, s5;
	s6 =	sshll.u32 @p0 s4, $0x11  }
0xaa: {  	s5 =	sor.u32 @p0 s6, s5  }
0xab: {  	[sflag:s5] =	ssyncadd.remote.s32 @p0 $0x1;
	_ =	sdelay $0x1  }
0xac: {  	s5 =	simm.s32 @p0 $0x1B8D  }
0xad: {  	_ =	swait.eq @p0 [sflag:s5], $0x1  }
0xae: {  	[sflag:s5] =	ssyncadd.s32 @p0 $0xFFFFFFFF  }
0xaf: {  	s6 =	sshll.u32 @!p0 s1, $0xE  }
0xb0: {  	s6 =	sor.u32 @!p0 $0x4000, s6;
	s5 =	simm.s32 @!p0 $0x1B8D  }
0xb1: {  	s4 =	sshll.u32 @!p0 s4, $0x11;
	s6 =	sadd.s32 @!p0 $0x11B8D, s6;
	_ =	swait.eq @!p0 [sflag:s5], $0x1  }
0xb2: {  	s4 =	sor.u32 @!p0 s4, s6;
	[sflag:s5] =	ssyncadd.s32 @!p0 $0xFFFFFFFF  }
0xb3: {  	s25 =	simm.s32 $0x1B8E;
	s24 =	sld [smem:$0x3FFE];
	[sflag:s4] =	ssyncadd.remote.s32 @!p0 $0x1  }
0xb4: {  	s26 =	simm.s32 $execute0_lowered;
	[smem:$0x3FD2] =	sst s25  }
0xb5: {  	s5 =	sshll.u32 s26, $0x1;
	_ =	strace $0x80000049;
	[dreg:$0x1] =	wrdreg $0xFFFFFFFF  }
0xb6: {  	s28 =	simm.s32 $_size_execute0_lowered;
	s3 =	sadd.s32 s3, s5;
	[dreg:$0x0] =	wrdreg $0x0  }
0xb7: {  	s5 =	sshll.u32 s28, $0x1;
	[dreg:$0x2] =	wrdreg s3  }
0xb8: {  	[dreg:$0x3] =	wrdreg s5  }
0xb9: {  	[dreg:$0x4] =	wrdreg $0xC0  }
0xba: {  	_ =	task [dreg:s22], $0x5FFFF  }
0xbb: {  	[dreg:$0x1] =	wrdreg $0xFFFFFFFF  }
0xbc: {  	[dreg:$0x0] =	wrdreg $0x60  }
0xbd: {  	[dreg:$0x2] =	wrdreg s24  }
0xbe: {  	[dreg:$0x3] =	wrdreg $0x0  }
0xbf: {  	[dreg:$0x4] =	wrdreg $0x9  }
0xc0: {  	_ =	task.clear_ibuf [dreg:s22], $0x5FFFF;
	_ =	strace $0x90000049  }
0xc1: {  	s29 =	simm.s32 $0x9;
	_ =	strace $0x8000004B  }
0xc2: {  	_ =	swait.ge [sflag:s29], $0x1  }
0xc3: {  	[sflag:s29] =	ssyncadd.s32 $0xFFFFFFFF  }
0xc4: {  	_ =	strace $0x9000004B  }
0xc5: {  	_ =	sfence  }
0xc6: {  	s30 =	sld [smem:$0x0];
	_ =	sdelay $0x2  }
0xc7: {  	s31 =	sshll.u32 s1, $0xD;
	s1 =	sshrl.u32 s1, $0x2  }
0xc8: {  	s4 =	sand.u32 $0x4000, s31;
	s1 =	sadd.s32 s1, s30  }
0xc9: {  	s0 =	sor.u32 s4, s0;
	s1 =	sshll.u32 s1, $0x11  }
0xca: {  	s0 =	sor.u32 s1, s0  }
0xcb: {  	s0 =	sadd.s32 $0x8F2B, s0  }
0xcc: {  	[sflag:s0] =	ssyncadd.remote.s32 $0x1  }
0xcd: {  	_ =	sfence.sel $0xFFFF  }
0xce: {  	[dreg:$0x0] =	wrdreg $0xFFFFFFFF;
	(pc) =	sbr.abs _section_cstart, $3  }
0xcf: {  	[dreg:$0x1] =	wrdreg $0xFFFFFFFF  }
0xd0: {  	_ =	task.clear_ibuf [dreg:s22], $0x2FFFF;
	_ =	strace $0x9FFFFFFF  }
0xd1: {  	(tm) =	ssettm $0x7FFFFFFF  }
tec
execute0_lowered:
.L_overlay_start_1:
0x0: {  	(tag) =	ssettag $0x1  }
0x1: {  	s5 =	rddreg [dreg:$0x0]  }
0x2: {  	s1 =	rddreg [dreg:$0x1]  }
0x3: {  	s0 =	rddreg [dreg:$0x2]  }
0x4: {  	s2 =	simm.s32 $0x0;
	s22 =	stileid.u32;
	s7 =	srdreg.scid  }
0x5: {  	s15 =	simm.s32 $0x17C00;
	s16 =	simm.s32 $0x3;
	s17 =	simm.s32 $0x80  }
0x6: {  	s18 =	simm.s32 $0x17C80;
	s19 =	simm.s32 $0x4;
	s20 =	simm.s32 $0x1  }
0x7: {  	s21 =	simm.s32 $0x2;
	[smem:$0x7FF] =	sst s2;
	s6 =	smul.u32 $0x13C00, s22  }
0x8: {  	s8 =	sadd.s32 $0x3200, s5;
	s3 =	sadd.s32 $0x5DE00, s5;
	s9 =	smul.u32 $0x2780, s22  }
0x9: {  	s4 =	sadd.s32 $0x5B600, s5;
	s7 =	sand.u32 $0x1, s7;
	s11 =	smul.u32 $0x4F000, s22  }
0xa: {  	s25 =	sshll.u32 s22, $0x1;
	s28 =	sshll.u32 s22, $0x6;
	s29 =	sshll.u32 s22, $0x5  }
0xb: {  	_ =	strace $0x8000004A;
	p0 =	seq.s32 s7, $0x1;
	s10 =	ssub.s32 $0x2, s7  }
0xc: {  	s14 =	sshll.u32 s7, $0x4;
	s6 =	sshrl.u32 s6, $0x3;
	s23 =	sshrl.u32 s10, $0x1  }
0xd: {  	s26 =	sshrl.u32 s11, $0x2;
	s6 =	sadd.s32 $0x27800, s6;
	s24 =	ssub.s32 s10, s23  }
0xe: {  	s13 =	sadd.s32 s26, s1;
	s10 =	sadd.s32 s29, s8;
	s9 =	smov.u32 @p0 s6  }
0xf: {  	s6 =	sor.u32 $0x1C05, s28;
	s31 =	sadd.s32 s14, s10;
	s14 =	simm.s32 $0x13C00  }
0x10: {  	p0 =	sne.s32 s22, $0x0;
	s12 =	sadd.s32 s9, s5;
	s5 =	sor.u32 s7, s25  }
0x11: {  	s22 =	simm.s32 $0x0;
	s7 =	smax.u32 s24, $0x1;
	s30 =	sshll.u32 s5, $0x4  }
0x12: {  	s11 =	sadd.s32 $0x600, s31;
	s10 =	sadd.s32 $0x5E600, s12;
	s8 =	sadd.s32 s8, s30  }
0x13: {  	s12 =	sshrl.u32 s13, $0x3;
	s13 =	simm.s32 $0x5;
	s9 =	sadd.s32 $0x200, s8  }
.LBB2_1:
0x14: {  	[spmem:s12], [sflag:s6] =	dma.local [hbm:s4], $0x2780  }
0x15: {  	_ =	swait.ge [sflag:s13], $0x2780  }
0x16: {  	[sflag:s13] =	ssyncset.done $0x0  }
0x17: {  	[sflag:s13] =	ssyncadd.s32 $0xFFFFD880  }
0x18: {  	[tilespmem:s14], [sflag:$0x5] =	stream.linear.gather [hbm4b:s3+s2], $0x4000, $0x38;
	[tilespmem:$0x17D00] =	vst v63  }
0x19: {  	_ =	swait.ge [sflag:s13], $0x4000  }
0x1a: {  	[sflag:s13] =	ssyncset.done $0x0  }
0x1b: {  	[sflag:s13] =	ssyncadd.s32 $0xFFFFC000  }
0x1c: {  	[bflag:$0x0] =	sbarrier.arrive $0xFFFF  }
0x1d: {  	[tilespmem:s15], [sflag:$0x3] =	stream.linear.gather [hbm4b:s8+s2], $0x80, $0x38;
	[tilespmem:$0x17D00] =	vst v63  }
0x1e: {  	_ =	swait.ge [sflag:s16], $0x80  }
0x1f: {  	[sflag:s16] =	ssyncset.done $0x0  }
0x20: {  	[sflag:s16] =	ssyncadd.s32 $0xFFFFFF80  }
0x21: {  	[spmem:s1] =	stream.indirect.scatter.add.f32 [tilespmem:s14], [sflag:$0x1], $0x80, s15, s17, $0xb8;
	[tilespmem:$0x17D00] =	vst v63  }
0x22: {  	_ = 	snop  }
0x23: {  	[tilespmem:s18], [sflag:$0x4] =	stream.linear.gather [hbm4b:s9+s2], $0x80, $0x38;
	[tilespmem:$0x17D00] =	vst v63  }
0x24: {  	_ =	swait.ge [sflag:s19], $0x80  }
0x25: {  	[sflag:s19] =	ssyncset.done $0x0  }
0x26: {  	[sflag:s19] =	ssyncadd.s32 $0xFFFFFF80  }
0x27: {  	[spmem:s1] =	stream.indirect.scatter.add.f32 [tilespmem:s14], [sflag:$0x2], $0x80, s18, s17, $0xb8;
	[tilespmem:$0x17D00] =	vst v63  }
0x28: {  	_ =	swait.ge [sflag:s20], $0x4000  }
0x29: {  	[sflag:s20] =	ssyncset.done $0x0  }
0x2a: {  	s23 =	sadd.s32 $0xFFFFFE00, s11;
	[sflag:s20] =	ssyncadd.s32 $0xFFFFC000  }
0x2b: {  	[tilespmem:s15], [sflag:$0x3] =	stream.linear.gather [hbm4b:s23+s2], $0x80, $0x38;
	[tilespmem:$0x17D00] =	vst v63  }
0x2c: {  	_ =	swait.ge [sflag:s16], $0x80  }
0x2d: {  	[sflag:s16] =	ssyncset.done $0x0  }
0x2e: {  	s31 =	sadd.s32 $0x60, s5;
	[sflag:s16] =	ssyncadd.s32 $0xFFFFFF80  }
0x2f: {  	[spmem:s1] =	stream.indirect.scatter.add.f32 [tilespmem:s14], [sflag:$0x1], $0x80, s15, s17, $0xb8;
	[tilespmem:$0x17D00] =	vst v63  }
0x30: {  	p1 =	sgt.u32 s31, $0x4E1;
	_ =	swait.ge [sflag:s21], $0x4000  }
0x31: {  	s25 =	simm.s32 @!p1 $0x17C80;
	[sflag:s21] =	ssyncset.done $0x0  }
0x32: {  	s26 =	simm.s32 @!p1 $0x4;
	s23 =	simm.s32 @!p1 $0x0;
	[sflag:s21] =	ssyncadd.s32 $0xFFFFC000  }
0x33: {  	[tilespmem:s25], [sflag:$0x4] =	stream.linear.gather @!p1 [hbm4b:s11+s23], $0x80, $0x38;
	[tilespmem:$0x17D00] =	vst v63  }
0x34: {  	s24 =	smov.u32 s11;
	s28 =	simm.s32 @!p1 $0x80;
	_ =	swait.ge @!p1 [sflag:s26], $0x80  }
0x35: {  	s29 =	simm.s32 @!p1 $0x13C00;
	s23 =	simm.s32 $0xA0;
	[sflag:s26] =	ssyncset.done @!p1 $0x0  }
.LBB2_2:
0x36: {  	[sflag:s26] =	ssyncadd.s32 @!p1 $0xFFFFFF80  }
0x37: {  	s24 =	sadd.s32 $0x400, s24;
	s26 =	smov.u32 s23;
	s23 =	sadd.s32 $0x40, s23  }
0x38: {  	[spmem:s1] =	stream.indirect.scatter.add.f32 @!p1 [tilespmem:s29], [sflag:$0x2], $0x80, s25, s28, $0xb8;
	[tilespmem:$0x17D00] =	vst v63  }
0x39: {  	p2 =	sne.s32 s23, $0x520;
	_ =	swait.ge [sflag:s20], $0x4000  }
0x3a: {  	[sflag:s20] =	ssyncset.done $0x0  }
0x3b: {  	s25 =	sadd.s32 $0xFFFFFE00, s24;
	[sflag:s20] =	ssyncadd.s32 $0xFFFFC000  }
0x3c: {  	[tilespmem:s15], [sflag:$0x3] =	stream.linear.gather [hbm4b:s25+s2], $0x80, $0x38;
	[tilespmem:$0x17D00] =	vst v63  }
0x3d: {  	_ =	swait.ge [sflag:s16], $0x80  }
0x3e: {  	[sflag:s16] =	ssyncset.done $0x0  }
0x3f: {  	s25 =	sadd.s32 s26, s5;
	[sflag:s16] =	ssyncadd.s32 $0xFFFFFF80  }
0x40: {  	[spmem:s1] =	stream.indirect.scatter.add.f32 [tilespmem:s14], [sflag:$0x1], $0x80, s15, s17, $0xb8;
	[tilespmem:$0x17D00] =	vst v63  }
0x41: {  	p1 =	sgt.u32 s25, $0x4E1;
	_ =	swait.ge [sflag:s21], $0x4000  }
0x42: {  	s26 =	simm.s32 @!p1 $0x0;
	[sflag:s21] =	ssyncset.done $0x0  }
.Ltmp0:
0x43: {  	s25 =	simm.s32 @!p1 $0x17C80;
	[sflag:s21] =	ssyncadd.s32 $0xFFFFC000;
	(pc) =	sbr.rel @p2 .LBB2_2-.Ltmp0, $4  }
0x44: {  	[tilespmem:s25], [sflag:$0x4] =	stream.linear.gather @!p1 [hbm4b:s24+s26], $0x80, $0x38;
	[tilespmem:$0x17D00] =	vst v63  }
0x45: {  	s26 =	simm.s32 @!p1 $0x4  }
0x46: {  	_ =	swait.ge @!p1 [sflag:s26], $0x80  }
0x47: {  	s28 =	simm.s32 @!p1 $0x80;
	s29 =	simm.s32 @!p1 $0x13C00;
	[sflag:s26] =	ssyncset.done @!p1 $0x0  }
0x48: {  	[sflag:s26] =	ssyncadd.s32 @!p1 $0xFFFFFF80  }
0x49: {  	[spmem:s1] =	stream.indirect.scatter.add.f32 @!p1 [tilespmem:s29], [sflag:$0x2], $0x80, s25, s28, $0xb8;
	[tilespmem:$0x17D00] =	vst v63  }
0x4a: {  	_ =	swait.ge [sflag:s20], $0x4000  }
0x4b: {  	[sflag:s20] =	ssyncset.done $0x0  }
0x4c: {  	s23 =	simm.s32 @!p0 $0x2;
	[sflag:s20] =	ssyncadd.s32 $0xFFFFC000  }
0x4d: {  	_ =	swait.ge @!p0 [sflag:s23], $0x4000  }
0x4e: {  	s22 =	sadd.s32 $0x1, s22;
	[sflag:s23] =	ssyncset.done @!p0 $0x0  }
0x4f: {  	p1 =	sne.s32 s22, s7;
	[sflag:s23] =	ssyncadd.s32 @!p0 $0xFFFFC000  }
.Ltmp1:
0x50: {  	[bflag:$0x0] =	sbarrier.arrive $0xFFFF;
	(pc) =	sbr.rel @p1 .LBB2_1-.Ltmp1, $4  }
0x51: {  	[hbm:s10], [sflag:s6] =	dma.local [spmem:s12], $0x2780  }
0x52: {  	_ =	swait.ge [sflag:s13], $0x2780  }
0x53: {  	[sflag:s13] =	ssyncset.done $0x0  }
0x54: {  	[sflag:s13] =	ssyncadd.s32 $0xFFFFD880  }
0x55: {  	_ =	sfence.sel $0x180000  }
0x56: {  	[bflag:$0x0] =	sbarrier.arrive $0xFFFF  }
0x57: {  	_ =	strace $0x9000004A  }
0x58: {  	s0 =	sadd.s32 @!p0 $0x100000, s0;
	[bflag:$0x2] =	sbarrier.arrive $0xFFFF  }
0x59: {  	[sflag:s0] =	ssyncadd.tile.s32 @!p0 $0x1;
	_ =	shalt  }
.Lfunc_end2:
_tile_overlayer_lowered:
.L_overlay_start_2:
0x5a: {  	(tag) =	ssettag $0x2  }
0x5b: {  	s0 =	rddreg [dreg:$0x0];
	s2 =	stileid.u32  }
0x5c: {  	s1 =	rddreg [dreg:$0x1];
	p0 =	sne.s32 s2, $0x0  }
0x5d: {  	s3 =	rddreg [dreg:$0x2];
	[bflag:$0x3] =	sbarrier.arrive $0xFFFF;
	s2 =	simm.s32 @!p0 $0x1C05  }
0x5e: {  	[timem:s3], [sflag:s2] =	dma.local @!p0 [hbm:s0], s1  }
0x5f: {  	s0 =	simm.s32 @!p0 $0x5  }
0x60: {  	_ =	swait.ge @!p0 [sflag:s0], s1  }
0x61: {  	s1 =	ssub.s32 @!p0 $0x0, s1;
	[sflag:s0] =	ssyncset.done @!p0 $0x0  }
0x62: {  	[sflag:s0] =	ssyncadd.s32 @!p0 s1  }
0x63: {  	[bflag:$0x3] =	sbarrier.arrive $0xFFFF  }
0x64: {  	_ =	shalt  }

// kernel: kernel.14.cloned.1.call-start
scs
__scs_entry_jumppad:
0x0: {  	(pc) =	sbr.rel $0x88, $3  }
0x1: {  	(tag) =	ssettag $0x0;
	lr =	simm.s32 $0x1  }
0x2: {  	[smem:$0x3F96] =	sst lr;
	_ =	strace $0xD0000000  }
0x3: {  	_ = 	snop  }
0x4: {  	_ = 	snop  }
0x5: {  	_ = 	snop  }
0x6: {  	_ = 	snop  }
0x7: {  	_ = 	snop  }
__scs_overlays_trampoline_lowered:
0x8: {  	[smem:$0x3FA5] =	sst s0  }
0x9: {  	[smem:$0x3FA6] =	sst s1  }
0xa: {  	[smem:$0x3FA7] =	sst s2  }
0xb: {  	[smem:$0x3FA8] =	sst s3  }
0xc: {  	[smem:$0x3FA9] =	sst s4  }
0xd: {  	[smem:$0x3FAA] =	sst s5  }
0xe: {  	[smem:$0x3FAB] =	sst s6  }
0xf: {  	[smem:$0x3FAC] =	sst s7  }
0x10: {  	[smem:$0x3FAD] =	sst s8  }
0x11: {  	[smem:$0x3FAE] =	sst s9;
	s0 =	simm.s32 @!p0 $0x0  }
0x12: {  	s1 =	sld [smem:$0x3F94];
	s0 =	simm.s32 @p0 $0x1  }
0x13: {  	[smem:$0x3FAF] =	sst s0;
	s0 =	simm.s32 @!p1 $0x0  }
0x14: {  	s2 =	sld [smem:$0x3F93];
	s0 =	simm.s32 @p1 $0x1  }
0x15: {  	[smem:$0x3FB0] =	sst s0;
	s0 =	simm.s32 @!p2 $0x0  }
0x16: {  	s3 =	sld [smem:$0x3FDB];
	s0 =	simm.s32 @p2 $0x1  }
0x17: {  	s4 =	simm.s32 $0x1BF5;
	[smem:$0x3FB2] =	sst s0  }
0x18: {  	s0 =	sld [smem:$0x3F95];
	_ =	swait.ge [sflag:s4], $0x0  }
0x19: {  	s7 =	sld [smem:$0x3F96]  }
0x1a: {  	s8 =	sadd.s32 $0xFFFFE003, lr  }
0x1b: {  	s9 =	sadd.s32 $0xFFFFFEF7, lr;
	s5 =	simm.s32 $0xFFFFFFFF;
	p2 =	slt.u32 s8, $0xFFFFF086  }
0x1c: {  	p1 =	slt.u32 s9, $0xF7A;
	s5 =	simm.s32 @!p2 $0x0  }
0x1d: {  	s5 =	simm.s32 @p1 $0x1;
	p0 =	seq.s32 s7, s2  }
0x1e: {  	s7 =	smul.u32 @!p0 $0xF7A, s2;
	p2 =	seq.s32 @!p0 s5, $0x0  }
0x1f: {  	s9 =	smul.u32 $0xF7A, s1;
	s8 =	simm.s32 @!p0 $0x1BF5;
	p2 =	por !p2, p0  }
0x20: {  	[sflag:s8] =	ssyncset.s32 @!p0 $0xFFFFF086;
	s6 =	sadd.s32 @!p0 s3, s7;
	s7 =	simm.s32 @!p0 $0x108  }
0x21: {  	s3 =	sadd.s32 s3, s9;
	s6 =	sadd.s32 @!p0 $0x88, s6;
	s7 =	simm.s32 @p2 $0x1082  }
0x22: {  	[simem:s7], [sflag:s8] =	dma.local @!p0 [hbm:s6], $0xF7A  }
0x23: {  	s9 =	sor.u32 $0xD0000000, s2;
	s6 =	simm.s32 $0x108;
	_ =	swait.ge @!p0 [sflag:s8], $0x0  }
0x24: {  	s3 =	sadd.s32 $0x88, s3;
	s6 =	simm.s32 @!p1 $0x1082;
	[sflag:s4] =	ssyncset.s32 $0xFFFFF086  }
0x25: {  	[simem:s6], [sflag:s4] =	dma.local [hbm:s3], $0xF7A  }
0x26: {  	[smem:$0x3F96] =	sst s1;
	(tag) =	ssettag s2;
	_ =	strace s9  }
0x27: {  	s1 =	sld [smem:$0x3FA6]  }
0x28: {  	s2 =	sld [smem:$0x3FA7]  }
0x29: {  	s4 =	sld [smem:$0x3FA9]  }
0x2a: {  	p0 =	seq.s32 s5, $0x0;
	s5 =	sld [smem:$0x3FAA]  }
0x2b: {  	s6 =	sld [smem:$0x3FAB]  }
0x2c: {  	s7 =	sld [smem:$0x3FAC]  }
0x2d: {  	s3 =	simm.s32 $0x108;
	s8 =	sld [smem:$0x3FAD]  }
0x2e: {  	s3 =	simm.s32 @!p0 $0x1082;
	s9 =	sld [smem:$0x3FAE]  }
0x2f: {  	lr =	sadd.s32 s0, s3;
	s0 =	sld [smem:$0x3FA5]  }
0x30: {  	s3 =	sld [smem:$0x3FA8]  }
0x31: {  	[smem:$0x3FB1] =	sst s10  }
0x32: {  	s10 =	sld [smem:$0x3FAF];
	_ =	sdelay $0x3  }
0x33: {  	p0 =	seq.s32 s10, $0x1;
	s10 =	sld [smem:$0x3FB1];
	_ =	sdelay $0x3  }
0x34: {  	[smem:$0x3FB1] =	sst s10  }
0x35: {  	s10 =	sld [smem:$0x3FB0];
	_ =	sdelay $0x3  }
0x36: {  	p1 =	seq.s32 s10, $0x1;
	s10 =	sld [smem:$0x3FB1];
	_ =	sdelay $0x3  }
0x37: {  	[smem:$0x3FB1] =	sst s10  }
0x38: {  	s10 =	sld [smem:$0x3FB2]  }
0x39: {  	_ = 	snop;
	(pc) =	sbr.ind lr, $3  }
0x3a: {  	_ = 	snop  }
0x3b: {  	_ = 	snop  }
0x3c: {  	p2 =	seq.s32 s10, $0x1;
	s10 =	sld [smem:$0x3FB1]  }
0x3d: {  	_ =	shalt  }
0x3e: {  	_ =	shalt  }
0x3f: {  	_ =	shalt  }
0x40: {  	_ =	shalt  }
0x41: {  	_ =	shalt  }
0x42: {  	_ =	shalt  }
0x43: {  	_ =	shalt  }
0x44: {  	_ =	shalt  }
0x45: {  	_ =	shalt  }
0x46: {  	_ =	shalt  }
0x47: {  	_ =	shalt  }
0x48: {  	_ =	shalt  }
0x49: {  	_ =	shalt  }
0x4a: {  	_ =	shalt  }
0x4b: {  	_ =	shalt  }
0x4c: {  	_ =	shalt  }
0x4d: {  	_ =	shalt  }
0x4e: {  	_ =	shalt  }
0x4f: {  	_ =	shalt  }
0x50: {  	_ =	shalt  }
0x51: {  	_ =	shalt  }
0x52: {  	_ =	shalt  }
0x53: {  	_ =	shalt  }
0x54: {  	_ =	shalt  }
0x55: {  	_ =	shalt  }
0x56: {  	_ =	shalt  }
0x57: {  	_ =	shalt  }
0x58: {  	_ =	shalt  }
0x59: {  	_ =	shalt  }
0x5a: {  	_ =	shalt  }
0x5b: {  	_ =	shalt  }
0x5c: {  	_ =	shalt  }
0x5d: {  	_ =	shalt  }
0x5e: {  	_ =	shalt  }
0x5f: {  	_ =	shalt  }
0x60: {  	_ =	shalt  }
0x61: {  	_ =	shalt  }
0x62: {  	_ =	shalt  }
0x63: {  	_ =	shalt  }
0x64: {  	_ =	shalt  }
0x65: {  	_ =	shalt  }
0x66: {  	_ =	shalt  }
0x67: {  	_ =	shalt  }
0x68: {  	_ =	shalt  }
0x69: {  	_ =	shalt  }
0x6a: {  	_ =	shalt  }
0x6b: {  	_ =	shalt  }
0x6c: {  	_ =	shalt  }
0x6d: {  	_ =	shalt  }
0x6e: {  	_ =	shalt  }
0x6f: {  	_ =	shalt  }
0x70: {  	_ =	shalt  }
0x71: {  	_ =	shalt  }
0x72: {  	_ =	shalt  }
0x73: {  	_ =	shalt  }
0x74: {  	_ =	shalt  }
0x75: {  	_ =	shalt  }
0x76: {  	_ =	shalt  }
0x77: {  	_ =	shalt  }
0x78: {  	_ =	shalt  }
0x79: {  	_ =	shalt  }
0x7a: {  	_ =	shalt  }
0x7b: {  	_ =	shalt  }
0x7c: {  	_ =	shalt  }
0x7d: {  	_ =	shalt  }
0x7e: {  	_ =	shalt  }
0x7f: {  	_ =	shalt  }
0x80: {  	_ =	shalt  }
0x81: {  	_ =	shalt  }
0x82: {  	_ =	shalt  }
0x83: {  	_ =	shalt  }
0x84: {  	_ =	shalt  }
0x85: {  	_ =	shalt  }
0x86: {  	_ =	shalt  }
0x87: {  	_ =	shalt  }
.Lfunc_end0:
.L_simem_size_0:
called_computation.1_lowered:
.L_overlay_start_0:
0x88: {  	s2 =	sld [smem:$0x3FD9]  }
0x89: {  	s3 =	sld [smem:$0x3FFE];
	_ =	sdelay $0x1  }
0x8a: {  	s1 =	srdreg.scid  }
0x8b: {  	s0 =	sand.u32 $0x1, s1  }
0x8c: {  	s17 =	sshll.u32 s0, $0xA;
	s2 =	sadd.s32 s3, s2  }
0x8d: {  	s2 =	sadd.s32 s2, s17  }
0x8e: {  	[smem:$0x3FBD] =	sst s2  }
0x8f: {  	_ = 	snop  }
0x90: {  	s2 =	sld [smem:$0x3FD0];
	(tm) =	ssettm $0x1  }
0x91: {  	s18 =	sld [smem:$0x3FFB];
	_ =	sdelay $0x3  }
0x92: {  	_ =	strace s18  }
0x93: {  	s3 =	sld [smem:$0x3FFC];
	_ =	sdelay $0x3  }
0x94: {  	_ =	strace s3  }
0x95: {  	s3 =	sld [smem:$0x3FFD];
	_ =	sdelay $0x3  }
0x96: {  	_ =	strace s3  }
0x97: {  	_ =	strace $0x8FFFFFFF  }
0x98: {  	s19 =	sld [smem:$0x3FDB];
	_ =	sdelay $0x1  }
0x99: {  	s4 =	simm.s32 $_scs_section_size  }
0x9a: {  	s5 =	simm.s32 $_size__tile_overlayer_lowered;
	s6 =	simm.s32 $_tile_overlayer_lowered  }
0x9b: {  	s22 =	simm.s32 $0x1BFF;
	s21 =	sshll.u32 s6, $0x1;
	s3 =	sadd.s32 s4, s19  }
0x9c: {  	s7 =	simm.s32 $0x0;
	s20 =	sshll.u32 s5, $0x1;
	s5 =	sadd.s32 s21, s3  }
0x9d: {  	[timem:s7], [sflag:s22] =	dma.local [hbm:s5], s20  }
0x9e: {  	_ =	swait.ge [sflag:s22], s20  }
0x9f: {  	s4 =	ssub.s32 $0x0, s20;
	[sflag:s22] =	ssyncset.done $0x0  }
0xa0: {  	[sflag:s22] =	ssyncadd.s32 s4;
	_ =	sdelay $0x1  }
0xa1: {  	s23 =	simm.s32 $0x1B8B  }
0xa2: {  	_ =	swait.ge [sflag:s23], $0x1  }
0xa3: {  	[sflag:s23] =	ssyncset.done $0x0  }
0xa4: {  	s25 =	simm.s32 $0x1B8E;
	s24 =	sld [smem:$0x3FFE];
	[sflag:s23] =	ssyncadd.s32 $0xFFFFFFFF  }
0xa5: {  	s26 =	simm.s32 $execute0_lowered;
	[smem:$0x3FD2] =	sst s25  }
0xa6: {  	s5 =	sshll.u32 s26, $0x1;
	_ =	strace $0x80000046;
	[dreg:$0x1] =	wrdreg $0xFFFFFFFF  }
0xa7: {  	s28 =	simm.s32 $_size_execute0_lowered;
	s3 =	sadd.s32 s3, s5;
	[dreg:$0x0] =	wrdreg $0x0  }
0xa8: {  	s5 =	sshll.u32 s28, $0x1;
	[dreg:$0x2] =	wrdreg s3  }
0xa9: {  	[dreg:$0x3] =	wrdreg s5  }
0xaa: {  	[dreg:$0x4] =	wrdreg $0xC0  }
0xab: {  	_ =	task [dreg:s7], $0x5FFFF  }
0xac: {  	[dreg:$0x1] =	wrdreg $0xFFFFFFFF  }
0xad: {  	[dreg:$0x0] =	wrdreg $0x60  }
0xae: {  	[dreg:$0x2] =	wrdreg s24  }
0xaf: {  	[dreg:$0x3] =	wrdreg s2  }
0xb0: {  	[dreg:$0x4] =	wrdreg $0x0  }
0xb1: {  	[dreg:$0x5] =	wrdreg $0xA  }
0xb2: {  	_ =	task.clear_ibuf [dreg:s7], $0x6FFFF;
	_ =	strace $0x90000046  }
0xb3: {  	s29 =	simm.s32 $0xA;
	_ =	strace $0x80000048  }
0xb4: {  	_ =	swait.ge [sflag:s29], $0x1  }
0xb5: {  	[sflag:s29] =	ssyncadd.s32 $0xFFFFFFFF  }
0xb6: {  	_ =	strace $0x90000048  }
0xb7: {  	_ =	sfence  }
0xb8: {  	s30 =	sld [smem:$0x0];
	_ =	sdelay $0x2  }
0xb9: {  	s31 =	sshll.u32 s1, $0xD;
	s1 =	sshrl.u32 s1, $0x2  }
0xba: {  	s3 =	sand.u32 $0x4000, s31;
	s1 =	sadd.s32 s1, s30  }
0xbb: {  	s0 =	sor.u32 s3, s0;
	s1 =	sshll.u32 s1, $0x11  }
0xbc: {  	s0 =	sor.u32 s1, s0  }
0xbd: {  	s0 =	sadd.s32 $0x8F2B, s0  }
0xbe: {  	[sflag:s0] =	ssyncadd.remote.s32 $0x1  }
0xbf: {  	_ =	sfence.sel $0xFFFF  }
0xc0: {  	[dreg:$0x0] =	wrdreg $0xFFFFFFFF;
	(pc) =	sbr.abs _section_cstart, $3  }
0xc1: {  	[dreg:$0x1] =	wrdreg $0xFFFFFFFF  }
0xc2: {  	_ =	task.clear_ibuf [dreg:s7], $0x2FFFF;
	_ =	strace $0x9FFFFFFF  }
0xc3: {  	(tm) =	ssettm $0x7FFFFFFF  }
tec
execute0_lowered:
.L_overlay_start_1:
0x0: {  	(tag) =	ssettag $0x1  }
0x1: {  	s0 =	rddreg [dreg:$0x0]  }
0x2: {  	s3 =	rddreg [dreg:$0x1]  }
0x3: {  	s1 =	rddreg [dreg:$0x2];
	s2 =	simm.s32 $0x0;
	s6 =	srdreg.scid  }
0x4: {  	s14 =	stileid.u32;
	s18 =	simm.s32 $0x9;
	s19 =	simm.s32 $0x13C00  }
0x5: {  	s20 =	simm.s32 $0x13C80;
	s21 =	simm.s32 $0x5;
	s22 =	simm.s32 $0x6  }
0x6: {  	s28 =	simm.s32 $0x17D80;
	s29 =	simm.s32 $0x7;
	s30 =	simm.s32 $0x8  }
0x7: {  	s31 =	simm.s32 $0x17E00;
	[smem:$0x7FF] =	sst s2;
	s4 =	sadd.s32 $0x34400, s0  }
0x8: {  	s5 =	sadd.s32 $0xD200, s0;
	s8 =	sadd.s32 $0x8200, s0;
	s7 =	smul.u32 $0x4F000, s14  }
0x9: {  	s6 =	sand.u32 $0x1, s6;
	s9 =	sadd.s32 $0x3200, s0;
	s11 =	smul.u32 $0x13C00, s14  }
0xa: {  	s0 =	sadd.s32 $0x5B600, s0;
	s25 =	sshll.u32 s14, $0x6;
	s12 =	smul.u32 $0x2780, s14  }
0xb: {  	s13 =	sshll.u32 s14, $0x4;
	p2 =	slt.u32 s14, $0x2;
	p3 =	sgt.u32 s14, $0x1  }
0xc: {  	_ =	strace $0x80000047;
	s10 =	ssub.s32 $0x2, s6;
	[dreg:$0x4] =	wrdreg s0  }
0xd: {  	p0 =	seq.s32 s6, $0x0;
	s23 =	sshrl.u32 s10, $0x1;
	s7 =	sshrl.u32 s7, $0x2  }
0xe: {  	s24 =	sshrl.u32 s11, $0x3;
	s0 =	ssub.s32 s10, s23;
	s17 =	sadd.s32 s7, s1  }
0xf: {  	s11 =	sadd.s32 s3, s24;
	s7 =	sor.u32 $0x1C09, s25;
	s3 =	sadd.s32 s3, s12  }
0x10: {  	s12 =	sadd.s32 s9, s13;
	s23 =	simm.s32 $0x80;
	s24 =	simm.s32 $0x13D00  }
0x11: {  	s26 =	sadd.s32 $0x27800, s11;
	[dreg:$0x6] =	wrdreg s3;
	s0 =	smax.u32 s0, $0x1  }
0x12: {  	s11 =	sadd.s32 s8, s13;
	s3 =	sor.u32 $0x100, s13;
	[dreg:$0x5] =	wrdreg s26  }
0x13: {  	s13 =	sor.u32 $0x4E0, s14;
	s17 =	sshrl.u32 s17, $0x3;
	[dreg:$0x7] =	wrdreg s0  }
.Ltmp0:
0x14: {  	s25 =	sadd.s32 s8, s3;
	s0 =	sadd.s32 s9, s3;
	(pc) =	sbr.rel .LBB2_1-.Ltmp0, $4  }
0x15: {  	s26 =	sshll.u32 s13, $0x4;
	p1 =	sgt.u32 s13, $0x4E1;
	[dreg:$0x8] =	wrdreg s25  }
0x16: {  	s3 =	simm.s32 $0x3;
	[dreg:$0x9] =	wrdreg s0;
	s15 =	sadd.s32 s8, s26  }
0x17: {  	s16 =	sadd.s32 s9, s26;
	s25 =	simm.s32 $0x1;
	s26 =	simm.s32 $0x17D00  }
0x18: {  	s0 =	simm.s32 $0x2;
	s8 =	simm.s32 $0x4;
	s9 =	simm.s32 $0x0  }
.LBB2_8:
0x19: {  	_ =	swait.ge [sflag:s3], $0x4000  }
0x1a: {  	[sflag:s3] =	ssyncset.done $0x0  }
0x1b: {  	[sflag:s3] =	ssyncadd.s32 $0xFFFFC000  }
.LBB2_9:
0x1c: {  	[bflag:$0x0] =	sbarrier.arrive $0xFFFF  }
0x1d: {  	[hbm:s6], [sflag:s7] =	dma.local [spmem:s17], $0x2780  }
0x1e: {  	_ =	swait.ge [sflag:s18], $0x2780  }
0x1f: {  	s9 =	sadd.s32 $0x1, s9;
	s14 =	rddreg [dreg:$0x7]  }
0x20: {  	p4 =	sne.s32 s9, s14  }
.Ltmp1:
0x21: {  	_ = 	snop;
	(pc) =	sbr.rel @!p4 .LBB2_10-.Ltmp1, $3  }
0x22: {  	_ =	sdelay $0x1  }
0x23: {  	[sflag:s18] =	ssyncset.done $0x0  }
0x24: {  	[sflag:s18] =	ssyncadd.s32 $0xFFFFD880  }
.LBB2_1:
0x25: {  	s6 =	rddreg [dreg:$0x4]  }
0x26: {  	[spmem:s17], [sflag:s7] =	dma.local [hbm:s6], $0x2780  }
.Ltmp2:
0x27: {  	_ =	swait.ge [sflag:s18], $0x2780;
	(pc) =	sbr.rel @!p0 .LBB2_2-.Ltmp2, $3  }
0x28: {  	[sflag:s18] =	ssyncset.done $0x0  }
0x29: {  	[sflag:s18] =	ssyncadd.s32 $0xFFFFD880  }
0x2a: {  	[bflag:$0x0] =	sbarrier.arrive $0xFFFF;
	_ =	sdelay $0x1  }
0x2b: {  	[tilespmem:s19], [sflag:$0x5] =	stream.linear.gather [hbm4b:s11+s2], $0x80, $0x38;
	[tilespmem:$0x1BE00] =	vst v63  }
0x2c: {  	_ = 	snop  }
0x2d: {  	[tilespmem:s20], [sflag:$0x6] =	stream.linear.gather [hbm4b:s12+s2], $0x80, $0x38;
	[tilespmem:$0x1BE00] =	vst v63  }
0x2e: {  	_ =	swait.ge [sflag:s21], $0x80  }
0x2f: {  	[sflag:s21] =	ssyncset.done $0x0  }
0x30: {  	[sflag:s21] =	ssyncadd.s32 $0xFFFFFF80  }
0x31: {  	_ =	swait.ge [sflag:s22], $0x80  }
0x32: {  	[sflag:s22] =	ssyncset.done $0x0  }
0x33: {  	[sflag:s22] =	ssyncadd.s32 $0xFFFFFF80  }
0x34: {  	[tilespmem:s24], [sflag:$0x1] =	stream.indirect.gather [hbm4b:s4+s23], $0x80, s19, s23, $0xb8;
	[tilespmem:$0x1BE00] =	vst v63  }
0x35: {  	_ =	swait.ge [sflag:s25], $0x4000  }
0x36: {  	[sflag:s25] =	ssyncset.done $0x0  }
0x37: {  	[sflag:s25] =	ssyncadd.s32 $0xFFFFC000  }
0x38: {  	[spmem:s1] =	stream.indirect.scatter.add.f32 [tilespmem:s24], [sflag:$0x3], $0x80, s20, s23, $0xb8;
	[tilespmem:$0x1BE00] =	vst v63  }
0x39: {  	s6 =	rddreg [dreg:$0x8]  }
0x3a: {  	[tilespmem:s26], [sflag:$0x7] =	stream.linear.gather [hbm4b:s6+s2], $0x80, $0x38;
	[tilespmem:$0x1BE00] =	vst v63  }
0x3b: {  	s13 =	rddreg [dreg:$0x9]  }
0x3c: {  	[tilespmem:s28], [sflag:$0x8] =	stream.linear.gather [hbm4b:s13+s2], $0x80, $0x38;
	[tilespmem:$0x1BE00] =	vst v63  }
0x3d: {  	_ =	swait.ge [sflag:s29], $0x80  }
0x3e: {  	[sflag:s29] =	ssyncset.done $0x0  }
0x3f: {  	[sflag:s29] =	ssyncadd.s32 $0xFFFFFF80  }
0x40: {  	_ =	swait.ge [sflag:s30], $0x80  }
0x41: {  	[sflag:s30] =	ssyncset.done $0x0  }
0x42: {  	[sflag:s30] =	ssyncadd.s32 $0xFFFFFF80  }
0x43: {  	[tilespmem:s31], [sflag:$0x2] =	stream.indirect.gather [hbm4b:s4+s23], $0x80, s26, s23, $0xb8;
	[tilespmem:$0x1BE00] =	vst v63  }
0x44: {  	_ =	swait.ge [sflag:s0], $0x4000  }
0x45: {  	[sflag:s0] =	ssyncset.done $0x0  }
0x46: {  	[sflag:s0] =	ssyncadd.s32 $0xFFFFC000  }
0x47: {  	[spmem:s1] =	stream.indirect.scatter.add.f32 [tilespmem:s31], [sflag:$0x4], $0x80, s28, s23, $0xb8;
	[tilespmem:$0x1BE00] =	vst v63  }
0x48: {  	_ =	swait.ge [sflag:s3], $0x4000  }
0x49: {  	s6 =	sadd.s32 $0xFFFFB400, s11;
	[sflag:s3] =	ssyncset.done $0x0  }
0x4a: {  	s10 =	sadd.s32 $0x4E00, s6;
	s13 =	sadd.s32 $0xFFFFB400, s12;
	[sflag:s3] =	ssyncadd.s32 $0xFFFFC000  }
0x4b: {  	[tilespmem:s19], [sflag:$0x5] =	stream.linear.gather [hbm4b:s10+s2], $0x80, $0x38;
	[tilespmem:$0x1BE00] =	vst v63  }
0x4c: {  	s14 =	sadd.s32 $0x4E00, s13  }
0x4d: {  	[tilespmem:s20], [sflag:$0x6] =	stream.linear.gather [hbm4b:s14+s2], $0x80, $0x38;
	[tilespmem:$0x1BE00] =	vst v63  }
0x4e: {  	_ =	swait.ge [sflag:s21], $0x80  }
0x4f: {  	[sflag:s21] =	ssyncset.done $0x0  }
0x50: {  	[sflag:s21] =	ssyncadd.s32 $0xFFFFFF80  }
0x51: {  	_ =	swait.ge [sflag:s22], $0x80  }
0x52: {  	[sflag:s22] =	ssyncset.done $0x0  }
0x53: {  	[sflag:s22] =	ssyncadd.s32 $0xFFFFFF80  }
0x54: {  	[tilespmem:s24], [sflag:$0x1] =	stream.indirect.gather [hbm4b:s4+s23], $0x80, s19, s23, $0xb8;
	[tilespmem:$0x1BE00] =	vst v63  }
0x55: {  	_ =	swait.ge [sflag:s25], $0x4000  }
0x56: {  	[sflag:s25] =	ssyncset.done $0x0  }
0x57: {  	[sflag:s25] =	ssyncadd.s32 $0xFFFFC000  }
0x58: {  	[spmem:s1] =	stream.indirect.scatter.add.f32 [tilespmem:s24], [sflag:$0x3], $0x80, s20, s23, $0xb8;
	[tilespmem:$0x1BE00] =	vst v63  }
0x59: {  	_ =	swait.ge [sflag:s8], $0x4000  }
0x5a: {  	[sflag:s8] =	ssyncset.done $0x0  }
0x5b: {  	s6 =	sadd.s32 $0x4F00, s6;
	[sflag:s8] =	ssyncadd.s32 $0xFFFFC000  }
0x5c: {  	[tilespmem:s26], [sflag:$0x7] =	stream.linear.gather [hbm4b:s6+s2], $0x80, $0x38;
	[tilespmem:$0x1BE00] =	vst v63  }
0x5d: {  	s14 =	sadd.s32 $0x4F00, s13  }
0x5e: {  	[tilespmem:s28], [sflag:$0x8] =	stream.linear.gather [hbm4b:s14+s2], $0x80, $0x38;
	[tilespmem:$0x1BE00] =	vst v63  }
0x5f: {  	_ =	swait.ge [sflag:s29], $0x80  }
0x60: {  	[sflag:s29] =	ssyncset.done $0x0  }
0x61: {  	[sflag:s29] =	ssyncadd.s32 $0xFFFFFF80  }
0x62: {  	_ =	swait.ge [sflag:s30], $0x80  }
0x63: {  	[sflag:s30] =	ssyncset.done $0x0  }
0x64: {  	[sflag:s30] =	ssyncadd.s32 $0xFFFFFF80  }
0x65: {  	[tilespmem:s31], [sflag:$0x2] =	stream.indirect.gather [hbm4b:s4+s23], $0x80, s26, s23, $0xb8;
	[tilespmem:$0x1BE00] =	vst v63  }
0x66: {  	_ =	swait.ge [sflag:s0], $0x4000  }
0x67: {  	[sflag:s0] =	ssyncset.done $0x0  }
0x68: {  	s6 =	simm.s32 $0xFFFFB600;
	[sflag:s0] =	ssyncadd.s32 $0xFFFFC000  }
.LBB2_6:
0x69: {  	[spmem:s1] =	stream.indirect.scatter.add.f32 [tilespmem:s31], [sflag:$0x4], $0x80, s28, s23, $0xb8;
	[tilespmem:$0x1BE00] =	vst v63  }
0x6a: {  	s10 =	smov.u32 s6  }
0x6b: {  	p4 =	sne.s32 s6, $0xFFFFFE00;
	s6 =	sadd.s32 $0x200, s6;
	_ =	swait.ge [sflag:s3], $0x4000  }
0x6c: {  	s13 =	sadd.s32 s10, s11;
	[sflag:s3] =	ssyncset.done $0x0  }
0x6d: {  	s10 =	sadd.s32 s10, s12;
	s14 =	sadd.s32 $0x4E00, s13;
	[sflag:s3] =	ssyncadd.s32 $0xFFFFC000  }
0x6e: {  	[tilespmem:s19], [sflag:$0x5] =	stream.linear.gather [hbm4b:s14+s2], $0x80, $0x38;
	[tilespmem:$0x1BE00] =	vst v63  }
0x6f: {  	s14 =	sadd.s32 $0x4E00, s10  }
0x70: {  	[tilespmem:s20], [sflag:$0x6] =	stream.linear.gather [hbm4b:s14+s2], $0x80, $0x38;
	[tilespmem:$0x1BE00] =	vst v63  }
0x71: {  	_ =	swait.ge [sflag:s21], $0x80  }
0x72: {  	[sflag:s21] =	ssyncset.done $0x0  }
0x73: {  	[sflag:s21] =	ssyncadd.s32 $0xFFFFFF80  }
0x74: {  	_ =	swait.ge [sflag:s22], $0x80  }
0x75: {  	[sflag:s22] =	ssyncset.done $0x0  }
0x76: {  	[sflag:s22] =	ssyncadd.s32 $0xFFFFFF80  }
0x77: {  	[tilespmem:s24], [sflag:$0x1] =	stream.indirect.gather [hbm4b:s4+s23], $0x80, s19, s23, $0xb8;
	[tilespmem:$0x1BE00] =	vst v63  }
0x78: {  	_ =	swait.ge [sflag:s25], $0x4000  }
0x79: {  	[sflag:s25] =	ssyncset.done $0x0  }
0x7a: {  	[sflag:s25] =	ssyncadd.s32 $0xFFFFC000  }
0x7b: {  	[spmem:s1] =	stream.indirect.scatter.add.f32 [tilespmem:s24], [sflag:$0x3], $0x80, s20, s23, $0xb8;
	[tilespmem:$0x1BE00] =	vst v63  }
0x7c: {  	_ =	swait.ge [sflag:s8], $0x4000  }
0x7d: {  	[sflag:s8] =	ssyncset.done $0x0  }
0x7e: {  	s13 =	sadd.s32 $0x4F00, s13;
	[sflag:s8] =	ssyncadd.s32 $0xFFFFC000  }
0x7f: {  	[tilespmem:s26], [sflag:$0x7] =	stream.linear.gather [hbm4b:s13+s2], $0x80, $0x38;
	[tilespmem:$0x1BE00] =	vst v63  }
0x80: {  	s10 =	sadd.s32 $0x4F00, s10  }
0x81: {  	[tilespmem:s28], [sflag:$0x8] =	stream.linear.gather [hbm4b:s10+s2], $0x80, $0x38;
	[tilespmem:$0x1BE00] =	vst v63  }
0x82: {  	_ =	swait.ge [sflag:s29], $0x80  }
0x83: {  	[sflag:s29] =	ssyncset.done $0x0  }
0x84: {  	[sflag:s29] =	ssyncadd.s32 $0xFFFFFF80  }
0x85: {  	_ =	swait.ge [sflag:s30], $0x80  }
0x86: {  	[sflag:s30] =	ssyncset.done $0x0  }
.Ltmp3:
0x87: {  	[sflag:s30] =	ssyncadd.s32 $0xFFFFFF80;
	(pc) =	sbr.rel @p4 .LBB2_6-.Ltmp3, $4  }
0x88: {  	[tilespmem:s31], [sflag:$0x2] =	stream.indirect.gather [hbm4b:s4+s23], $0x80, s26, s23, $0xb8;
	[tilespmem:$0x1BE00] =	vst v63  }
0x89: {  	_ =	swait.ge [sflag:s0], $0x4000  }
0x8a: {  	[sflag:s0] =	ssyncset.done $0x0  }
0x8b: {  	[sflag:s0] =	ssyncadd.s32 $0xFFFFC000  }
0x8c: {  	[spmem:s1] =	stream.indirect.scatter.add.f32 [tilespmem:s31], [sflag:$0x4], $0x80, s28, s23, $0xb8;
	[tilespmem:$0x1BE00] =	vst v63  }
0x8d: {  	_ =	swait.ge [sflag:s3], $0x4000  }
0x8e: {  	[sflag:s3] =	ssyncset.done $0x0  }
0x8f: {  	s6 =	simm.s32 @!p1 $0x0;
	s10 =	simm.s32 @!p1 $0x13C00;
	[sflag:s3] =	ssyncadd.s32 $0xFFFFC000  }
0x90: {  	[tilespmem:s10], [sflag:$0x5] =	stream.linear.gather @!p1 [hbm4b:s15+s6], $0x80, $0x38;
	[tilespmem:$0x1BE00] =	vst v63  }
0x91: {  	s13 =	simm.s32 @!p1 $0x13C80  }
0x92: {  	[tilespmem:s13], [sflag:$0x6] =	stream.linear.gather @!p1 [hbm4b:s16+s6], $0x80, $0x38;
	[tilespmem:$0x1BE00] =	vst v63  }
0x93: {  	s6 =	simm.s32 @!p1 $0x5  }
0x94: {  	_ =	swait.ge @!p1 [sflag:s6], $0x80  }
0x95: {  	[sflag:s6] =	ssyncset.done @!p1 $0x0  }
0x96: {  	[sflag:s6] =	ssyncadd.s32 @!p1 $0xFFFFFF80;
	s6 =	simm.s32 @!p1 $0x6  }
0x97: {  	_ =	swait.ge @!p1 [sflag:s6], $0x80  }
0x98: {  	[sflag:s6] =	ssyncset.done @!p1 $0x0  }
0x99: {  	s14 =	simm.s32 @!p1 $0x13D00;
	[sflag:s6] =	ssyncadd.s32 @!p1 $0xFFFFFF80;
	s6 =	simm.s32 @!p1 $0x80  }
0x9a: {  	[tilespmem:s14], [sflag:$0x1] =	stream.indirect.gather @!p1 [hbm4b:s4+s6], $0x80, s10, s6, $0xb8;
	[tilespmem:$0x1BE00] =	vst v63  }
0x9b: {  	s10 =	simm.s32 @!p1 $0x1  }
0x9c: {  	_ =	swait.ge @!p1 [sflag:s10], $0x4000  }
0x9d: {  	[sflag:s10] =	ssyncset.done @!p1 $0x0  }
0x9e: {  	[sflag:s10] =	ssyncadd.s32 @!p1 $0xFFFFC000  }
0x9f: {  	[spmem:s1] =	stream.indirect.scatter.add.f32 @!p1 [tilespmem:s14], [sflag:$0x3], $0x80, s13, s6, $0xb8;
	[tilespmem:$0x1BE00] =	vst v63  }
.Ltmp4:
0xa0: {  	_ = 	snop;
	(pc) =	sbr.rel @!p2 .LBB2_9-.Ltmp4, $4  }
.Ltmp5:
0xa1: {  	_ = 	snop;
	(pc) =	sbr.rel @p2 .LBB2_8-.Ltmp5, $4  }
0xa2: {  	_ =	swait.ge [sflag:s8], $0x4000  }
0xa3: {  	[sflag:s8] =	ssyncset.done $0x0  }
0xa4: {  	s6 =	rddreg [dreg:$0x6];
	[sflag:s8] =	ssyncadd.s32 $0xFFFFC000  }
0xa5: {  	_ = 	snop  }
.LBB2_2:
0xa6: {  	[tilespmem:s19], [sflag:$0x5] =	stream.linear.gather [hbm4b:s11+s2], $0x80, $0x38;
	[tilespmem:$0x1BE00] =	vst v63  }
0xa7: {  	_ = 	snop  }
0xa8: {  	[tilespmem:s20], [sflag:$0x6] =	stream.linear.gather [hbm4b:s12+s2], $0x80, $0x38;
	[tilespmem:$0x1BE00] =	vst v63  }
0xa9: {  	_ =	swait.ge [sflag:s21], $0x80  }
0xaa: {  	[sflag:s21] =	ssyncset.done $0x0  }
0xab: {  	[sflag:s21] =	ssyncadd.s32 $0xFFFFFF80  }
0xac: {  	_ =	swait.ge [sflag:s22], $0x80  }
0xad: {  	[sflag:s22] =	ssyncset.done $0x0  }
0xae: {  	[sflag:s22] =	ssyncadd.s32 $0xFFFFFF80  }
0xaf: {  	[tilespmem:s24], [sflag:$0x1] =	stream.indirect.gather [hbm4b:s5+s23], $0x80, s19, s23, $0xb8;
	[tilespmem:$0x1BE00] =	vst v63  }
0xb0: {  	_ =	swait.ge [sflag:s25], $0x4000  }
0xb1: {  	[sflag:s25] =	ssyncset.done $0x0  }
0xb2: {  	[sflag:s25] =	ssyncadd.s32 $0xFFFFC000  }
0xb3: {  	[spmem:s1] =	stream.indirect.scatter.add.f32 [tilespmem:s24], [sflag:$0x3], $0x80, s20, s23, $0xb8;
	[tilespmem:$0x1BE00] =	vst v63  }
0xb4: {  	s6 =	rddreg [dreg:$0x8]  }
0xb5: {  	[tilespmem:s26], [sflag:$0x7] =	stream.linear.gather [hbm4b:s6+s2], $0x80, $0x38;
	[tilespmem:$0x1BE00] =	vst v63  }
0xb6: {  	s13 =	rddreg [dreg:$0x9]  }
0xb7: {  	[tilespmem:s28], [sflag:$0x8] =	stream.linear.gather [hbm4b:s13+s2], $0x80, $0x38;
	[tilespmem:$0x1BE00] =	vst v63  }
0xb8: {  	_ =	swait.ge [sflag:s29], $0x80  }
0xb9: {  	[sflag:s29] =	ssyncset.done $0x0  }
0xba: {  	[sflag:s29] =	ssyncadd.s32 $0xFFFFFF80  }
0xbb: {  	_ =	swait.ge [sflag:s30], $0x80  }
0xbc: {  	[sflag:s30] =	ssyncset.done $0x0  }
0xbd: {  	[sflag:s30] =	ssyncadd.s32 $0xFFFFFF80  }
0xbe: {  	[tilespmem:s31], [sflag:$0x2] =	stream.indirect.gather [hbm4b:s5+s23], $0x80, s26, s23, $0xb8;
	[tilespmem:$0x1BE00] =	vst v63  }
0xbf: {  	_ =	swait.ge [sflag:s0], $0x4000  }
0xc0: {  	[sflag:s0] =	ssyncset.done $0x0  }
0xc1: {  	[sflag:s0] =	ssyncadd.s32 $0xFFFFC000  }
0xc2: {  	[spmem:s1] =	stream.indirect.scatter.add.f32 [tilespmem:s31], [sflag:$0x4], $0x80, s28, s23, $0xb8;
	[tilespmem:$0x1BE00] =	vst v63  }
0xc3: {  	_ =	swait.ge [sflag:s3], $0x4000  }
0xc4: {  	s6 =	sadd.s32 $0xFFFFB400, s11;
	[sflag:s3] =	ssyncset.done $0x0  }
0xc5: {  	s10 =	sadd.s32 $0x4E00, s6;
	s13 =	sadd.s32 $0xFFFFB400, s12;
	[sflag:s3] =	ssyncadd.s32 $0xFFFFC000  }
0xc6: {  	[tilespmem:s19], [sflag:$0x5] =	stream.linear.gather [hbm4b:s10+s2], $0x80, $0x38;
	[tilespmem:$0x1BE00] =	vst v63  }
0xc7: {  	s14 =	sadd.s32 $0x4E00, s13  }
0xc8: {  	[tilespmem:s20], [sflag:$0x6] =	stream.linear.gather [hbm4b:s14+s2], $0x80, $0x38;
	[tilespmem:$0x1BE00] =	vst v63  }
0xc9: {  	_ =	swait.ge [sflag:s21], $0x80  }
0xca: {  	[sflag:s21] =	ssyncset.done $0x0  }
0xcb: {  	[sflag:s21] =	ssyncadd.s32 $0xFFFFFF80  }
0xcc: {  	_ =	swait.ge [sflag:s22], $0x80  }
0xcd: {  	[sflag:s22] =	ssyncset.done $0x0  }
0xce: {  	[sflag:s22] =	ssyncadd.s32 $0xFFFFFF80  }
0xcf: {  	[tilespmem:s24], [sflag:$0x1] =	stream.indirect.gather [hbm4b:s5+s23], $0x80, s19, s23, $0xb8;
	[tilespmem:$0x1BE00] =	vst v63  }
0xd0: {  	_ =	swait.ge [sflag:s25], $0x4000  }
0xd1: {  	[sflag:s25] =	ssyncset.done $0x0  }
0xd2: {  	[sflag:s25] =	ssyncadd.s32 $0xFFFFC000  }
0xd3: {  	[spmem:s1] =	stream.indirect.scatter.add.f32 [tilespmem:s24], [sflag:$0x3], $0x80, s20, s23, $0xb8;
	[tilespmem:$0x1BE00] =	vst v63  }
0xd4: {  	_ =	swait.ge [sflag:s8], $0x4000  }
0xd5: {  	[sflag:s8] =	ssyncset.done $0x0  }
0xd6: {  	s6 =	sadd.s32 $0x4F00, s6;
	[sflag:s8] =	ssyncadd.s32 $0xFFFFC000  }
0xd7: {  	[tilespmem:s26], [sflag:$0x7] =	stream.linear.gather [hbm4b:s6+s2], $0x80, $0x38;
	[tilespmem:$0x1BE00] =	vst v63  }
0xd8: {  	s14 =	sadd.s32 $0x4F00, s13  }
0xd9: {  	[tilespmem:s28], [sflag:$0x8] =	stream.linear.gather [hbm4b:s14+s2], $0x80, $0x38;
	[tilespmem:$0x1BE00] =	vst v63  }
0xda: {  	_ =	swait.ge [sflag:s29], $0x80  }
0xdb: {  	[sflag:s29] =	ssyncset.done $0x0  }
0xdc: {  	[sflag:s29] =	ssyncadd.s32 $0xFFFFFF80  }
0xdd: {  	_ =	swait.ge [sflag:s30], $0x80  }
0xde: {  	[sflag:s30] =	ssyncset.done $0x0  }
0xdf: {  	[sflag:s30] =	ssyncadd.s32 $0xFFFFFF80  }
0xe0: {  	[tilespmem:s31], [sflag:$0x2] =	stream.indirect.gather [hbm4b:s5+s23], $0x80, s26, s23, $0xb8;
	[tilespmem:$0x1BE00] =	vst v63  }
0xe1: {  	_ =	swait.ge [sflag:s0], $0x4000  }
0xe2: {  	[sflag:s0] =	ssyncset.done $0x0  }
0xe3: {  	s6 =	simm.s32 $0xFFFFB600;
	[sflag:s0] =	ssyncadd.s32 $0xFFFFC000  }
.LBB2_3:
0xe4: {  	[spmem:s1] =	stream.indirect.scatter.add.f32 [tilespmem:s31], [sflag:$0x4], $0x80, s28, s23, $0xb8;
	[tilespmem:$0x1BE00] =	vst v63  }
0xe5: {  	s10 =	smov.u32 s6  }
0xe6: {  	p4 =	sne.s32 s6, $0xFFFFFE00;
	s6 =	sadd.s32 $0x200, s6;
	_ =	swait.ge [sflag:s3], $0x4000  }
0xe7: {  	s13 =	sadd.s32 s10, s11;
	[sflag:s3] =	ssyncset.done $0x0  }
0xe8: {  	s10 =	sadd.s32 s10, s12;
	s14 =	sadd.s32 $0x4E00, s13;
	[sflag:s3] =	ssyncadd.s32 $0xFFFFC000  }
0xe9: {  	[tilespmem:s19], [sflag:$0x5] =	stream.linear.gather [hbm4b:s14+s2], $0x80, $0x38;
	[tilespmem:$0x1BE00] =	vst v63  }
0xea: {  	s14 =	sadd.s32 $0x4E00, s10  }
0xeb: {  	[tilespmem:s20], [sflag:$0x6] =	stream.linear.gather [hbm4b:s14+s2], $0x80, $0x38;
	[tilespmem:$0x1BE00] =	vst v63  }
0xec: {  	_ =	swait.ge [sflag:s21], $0x80  }
0xed: {  	[sflag:s21] =	ssyncset.done $0x0  }
0xee: {  	[sflag:s21] =	ssyncadd.s32 $0xFFFFFF80  }
0xef: {  	_ =	swait.ge [sflag:s22], $0x80  }
0xf0: {  	[sflag:s22] =	ssyncset.done $0x0  }
0xf1: {  	[sflag:s22] =	ssyncadd.s32 $0xFFFFFF80  }
0xf2: {  	[tilespmem:s24], [sflag:$0x1] =	stream.indirect.gather [hbm4b:s5+s23], $0x80, s19, s23, $0xb8;
	[tilespmem:$0x1BE00] =	vst v63  }
0xf3: {  	_ =	swait.ge [sflag:s25], $0x4000  }
0xf4: {  	[sflag:s25] =	ssyncset.done $0x0  }
0xf5: {  	[sflag:s25] =	ssyncadd.s32 $0xFFFFC000  }
0xf6: {  	[spmem:s1] =	stream.indirect.scatter.add.f32 [tilespmem:s24], [sflag:$0x3], $0x80, s20, s23, $0xb8;
	[tilespmem:$0x1BE00] =	vst v63  }
0xf7: {  	_ =	swait.ge [sflag:s8], $0x4000  }
0xf8: {  	[sflag:s8] =	ssyncset.done $0x0  }
0xf9: {  	s13 =	sadd.s32 $0x4F00, s13;
	[sflag:s8] =	ssyncadd.s32 $0xFFFFC000  }
0xfa: {  	[tilespmem:s26], [sflag:$0x7] =	stream.linear.gather [hbm4b:s13+s2], $0x80, $0x38;
	[tilespmem:$0x1BE00] =	vst v63  }
0xfb: {  	s10 =	sadd.s32 $0x4F00, s10  }
0xfc: {  	[tilespmem:s28], [sflag:$0x8] =	stream.linear.gather [hbm4b:s10+s2], $0x80, $0x38;
	[tilespmem:$0x1BE00] =	vst v63  }
0xfd: {  	_ =	swait.ge [sflag:s29], $0x80  }
0xfe: {  	[sflag:s29] =	ssyncset.done $0x0  }
0xff: {  	[sflag:s29] =	ssyncadd.s32 $0xFFFFFF80  }
0x100: {  	_ =	swait.ge [sflag:s30], $0x80  }
0x101: {  	[sflag:s30] =	ssyncset.done $0x0  }
.Ltmp6:
0x102: {  	[sflag:s30] =	ssyncadd.s32 $0xFFFFFF80;
	(pc) =	sbr.rel @p4 .LBB2_3-.Ltmp6, $4  }
0x103: {  	[tilespmem:s31], [sflag:$0x2] =	stream.indirect.gather [hbm4b:s5+s23], $0x80, s26, s23, $0xb8;
	[tilespmem:$0x1BE00] =	vst v63  }
0x104: {  	_ =	swait.ge [sflag:s0], $0x4000  }
0x105: {  	[sflag:s0] =	ssyncset.done $0x0  }
0x106: {  	[sflag:s0] =	ssyncadd.s32 $0xFFFFC000  }
0x107: {  	[spmem:s1] =	stream.indirect.scatter.add.f32 [tilespmem:s31], [sflag:$0x4], $0x80, s28, s23, $0xb8;
	[tilespmem:$0x1BE00] =	vst v63  }
0x108: {  	_ =	swait.ge [sflag:s3], $0x4000  }
0x109: {  	[sflag:s3] =	ssyncset.done $0x0  }
0x10a: {  	s6 =	simm.s32 @!p1 $0x0;
	s10 =	simm.s32 @!p1 $0x13C00;
	[sflag:s3] =	ssyncadd.s32 $0xFFFFC000  }
0x10b: {  	[tilespmem:s10], [sflag:$0x5] =	stream.linear.gather @!p1 [hbm4b:s15+s6], $0x80, $0x38;
	[tilespmem:$0x1BE00] =	vst v63  }
0x10c: {  	s13 =	simm.s32 @!p1 $0x13C80  }
0x10d: {  	[tilespmem:s13], [sflag:$0x6] =	stream.linear.gather @!p1 [hbm4b:s16+s6], $0x80, $0x38;
	[tilespmem:$0x1BE00] =	vst v63  }
0x10e: {  	s6 =	simm.s32 @!p1 $0x5  }
0x10f: {  	_ =	swait.ge @!p1 [sflag:s6], $0x80  }
0x110: {  	[sflag:s6] =	ssyncset.done @!p1 $0x0  }
0x111: {  	[sflag:s6] =	ssyncadd.s32 @!p1 $0xFFFFFF80;
	s6 =	simm.s32 @!p1 $0x6  }
0x112: {  	_ =	swait.ge @!p1 [sflag:s6], $0x80  }
0x113: {  	[sflag:s6] =	ssyncset.done @!p1 $0x0  }
0x114: {  	s14 =	simm.s32 @!p1 $0x13D00;
	[sflag:s6] =	ssyncadd.s32 @!p1 $0xFFFFFF80;
	s6 =	simm.s32 @!p1 $0x80  }
0x115: {  	[tilespmem:s14], [sflag:$0x1] =	stream.indirect.gather @!p1 [hbm4b:s5+s6], $0x80, s10, s6, $0xb8;
	[tilespmem:$0x1BE00] =	vst v63  }
0x116: {  	s10 =	simm.s32 @!p1 $0x1  }
0x117: {  	_ =	swait.ge @!p1 [sflag:s10], $0x4000  }
0x118: {  	[sflag:s10] =	ssyncset.done @!p1 $0x0  }
0x119: {  	[sflag:s10] =	ssyncadd.s32 @!p1 $0xFFFFC000  }
0x11a: {  	[spmem:s1] =	stream.indirect.scatter.add.f32 @!p1 [tilespmem:s14], [sflag:$0x3], $0x80, s13, s6, $0xb8;
	[tilespmem:$0x1BE00] =	vst v63  }
.Ltmp7:
0x11b: {  	_ = 	snop;
	(pc) =	sbr.rel @p3 .LBB2_9-.Ltmp7, $4  }
.Ltmp8:
0x11c: {  	_ = 	snop;
	(pc) =	sbr.rel @!p3 .LBB2_8-.Ltmp8, $4  }
0x11d: {  	_ =	swait.ge [sflag:s8], $0x4000  }
0x11e: {  	[sflag:s8] =	ssyncset.done $0x0  }
0x11f: {  	s6 =	rddreg [dreg:$0x5];
	[sflag:s8] =	ssyncadd.s32 $0xFFFFC000  }
0x120: {  	_ = 	snop  }
.LBB2_10:
0x121: {  	_ =	sfence.sel $0x180000  }
0x122: {  	[bflag:$0x0] =	sbarrier.arrive $0xFFFF  }
0x123: {  	_ =	strace $0x90000047  }
0x124: {  	s0 =	stileid.u32;
	[bflag:$0x2] =	sbarrier.arrive $0xFFFF  }
0x125: {  	p0 =	sne.s32 s0, $0x0;
	s0 =	rddreg [dreg:$0x3]  }
0x126: {  	s0 =	sadd.s32 @!p0 $0x100000, s0  }
0x127: {  	[sflag:s0] =	ssyncadd.tile.s32 @!p0 $0x1;
	_ =	shalt  }
.Lfunc_end2:
_tile_overlayer_lowered:
.L_overlay_start_2:
0x128: {  	(tag) =	ssettag $0x2  }
0x129: {  	s0 =	rddreg [dreg:$0x0];
	s2 =	stileid.u32  }
0x12a: {  	s1 =	rddreg [dreg:$0x1];
	p0 =	sne.s32 s2, $0x0  }
0x12b: {  	s3 =	rddreg [dreg:$0x2];
	[bflag:$0x3] =	sbarrier.arrive $0xFFFF;
	s2 =	simm.s32 @!p0 $0x1C09  }
0x12c: {  	[timem:s3], [sflag:s2] =	dma.local @!p0 [hbm:s0], s1  }
0x12d: {  	s0 =	simm.s32 @!p0 $0x9  }
0x12e: {  	_ =	swait.ge @!p0 [sflag:s0], s1  }
0x12f: {  	s1 =	ssub.s32 @!p0 $0x0, s1;
	[sflag:s0] =	ssyncset.done @!p0 $0x0  }
0x130: {  	[sflag:s0] =	ssyncadd.s32 @!p0 s1  }
0x131: {  	[bflag:$0x3] =	sbarrier.arrive $0xFFFF  }
0x132: {  	_ =	shalt  }

// kernel: kernel.17.cloned.1.call-start
scs
__scs_entry_jumppad:
0x0: {  	(pc) =	sbr.rel $0x88, $3  }
0x1: {  	(tag) =	ssettag $0x0;
	lr =	simm.s32 $0x1  }
0x2: {  	[smem:$0x3F96] =	sst lr;
	_ =	strace $0xD0000000  }
0x3: {  	_ = 	snop  }
0x4: {  	_ = 	snop  }
0x5: {  	_ = 	snop  }
0x6: {  	_ = 	snop  }
0x7: {  	_ = 	snop  }
__scs_overlays_trampoline_lowered:
0x8: {  	[smem:$0x3FA5] =	sst s0  }
0x9: {  	[smem:$0x3FA6] =	sst s1  }
0xa: {  	[smem:$0x3FA7] =	sst s2  }
0xb: {  	[smem:$0x3FA8] =	sst s3  }
0xc: {  	[smem:$0x3FA9] =	sst s4  }
0xd: {  	[smem:$0x3FAA] =	sst s5  }
0xe: {  	[smem:$0x3FAB] =	sst s6  }
0xf: {  	[smem:$0x3FAC] =	sst s7  }
0x10: {  	[smem:$0x3FAD] =	sst s8  }
0x11: {  	[smem:$0x3FAE] =	sst s9;
	s0 =	simm.s32 @!p0 $0x0  }
0x12: {  	s1 =	sld [smem:$0x3F94];
	s0 =	simm.s32 @p0 $0x1  }
0x13: {  	[smem:$0x3FAF] =	sst s0;
	s0 =	simm.s32 @!p1 $0x0  }
0x14: {  	s2 =	sld [smem:$0x3F93];
	s0 =	simm.s32 @p1 $0x1  }
0x15: {  	[smem:$0x3FB0] =	sst s0;
	s0 =	simm.s32 @!p2 $0x0  }
0x16: {  	s3 =	sld [smem:$0x3FDB];
	s0 =	simm.s32 @p2 $0x1  }
0x17: {  	s4 =	simm.s32 $0x1BF5;
	[smem:$0x3FB2] =	sst s0  }
0x18: {  	s0 =	sld [smem:$0x3F95];
	_ =	swait.ge [sflag:s4], $0x0  }
0x19: {  	s7 =	sld [smem:$0x3F96]  }
0x1a: {  	s8 =	sadd.s32 $0xFFFFE003, lr  }
0x1b: {  	s9 =	sadd.s32 $0xFFFFFEF7, lr;
	s5 =	simm.s32 $0xFFFFFFFF;
	p2 =	slt.u32 s8, $0xFFFFF086  }
0x1c: {  	p1 =	slt.u32 s9, $0xF7A;
	s5 =	simm.s32 @!p2 $0x0  }
0x1d: {  	s5 =	simm.s32 @p1 $0x1;
	p0 =	seq.s32 s7, s2  }
0x1e: {  	s7 =	smul.u32 @!p0 $0xF7A, s2;
	p2 =	seq.s32 @!p0 s5, $0x0  }
0x1f: {  	s9 =	smul.u32 $0xF7A, s1;
	s8 =	simm.s32 @!p0 $0x1BF5;
	p2 =	por !p2, p0  }
0x20: {  	[sflag:s8] =	ssyncset.s32 @!p0 $0xFFFFF086;
	s6 =	sadd.s32 @!p0 s3, s7;
	s7 =	simm.s32 @!p0 $0x108  }
0x21: {  	s3 =	sadd.s32 s3, s9;
	s6 =	sadd.s32 @!p0 $0x88, s6;
	s7 =	simm.s32 @p2 $0x1082  }
0x22: {  	[simem:s7], [sflag:s8] =	dma.local @!p0 [hbm:s6], $0xF7A  }
0x23: {  	s9 =	sor.u32 $0xD0000000, s2;
	s6 =	simm.s32 $0x108;
	_ =	swait.ge @!p0 [sflag:s8], $0x0  }
0x24: {  	s3 =	sadd.s32 $0x88, s3;
	s6 =	simm.s32 @!p1 $0x1082;
	[sflag:s4] =	ssyncset.s32 $0xFFFFF086  }
0x25: {  	[simem:s6], [sflag:s4] =	dma.local [hbm:s3], $0xF7A  }
0x26: {  	[smem:$0x3F96] =	sst s1;
	(tag) =	ssettag s2;
	_ =	strace s9  }
0x27: {  	s1 =	sld [smem:$0x3FA6]  }
0x28: {  	s2 =	sld [smem:$0x3FA7]  }
0x29: {  	s4 =	sld [smem:$0x3FA9]  }
0x2a: {  	p0 =	seq.s32 s5, $0x0;
	s5 =	sld [smem:$0x3FAA]  }
0x2b: {  	s6 =	sld [smem:$0x3FAB]  }
0x2c: {  	s7 =	sld [smem:$0x3FAC]  }
0x2d: {  	s3 =	simm.s32 $0x108;
	s8 =	sld [smem:$0x3FAD]  }
0x2e: {  	s3 =	simm.s32 @!p0 $0x1082;
	s9 =	sld [smem:$0x3FAE]  }
0x2f: {  	lr =	sadd.s32 s0, s3;
	s0 =	sld [smem:$0x3FA5]  }
0x30: {  	s3 =	sld [smem:$0x3FA8]  }
0x31: {  	[smem:$0x3FB1] =	sst s10  }
0x32: {  	s10 =	sld [smem:$0x3FAF];
	_ =	sdelay $0x3  }
0x33: {  	p0 =	seq.s32 s10, $0x1;
	s10 =	sld [smem:$0x3FB1];
	_ =	sdelay $0x3  }
0x34: {  	[smem:$0x3FB1] =	sst s10  }
0x35: {  	s10 =	sld [smem:$0x3FB0];
	_ =	sdelay $0x3  }
0x36: {  	p1 =	seq.s32 s10, $0x1;
	s10 =	sld [smem:$0x3FB1];
	_ =	sdelay $0x3  }
0x37: {  	[smem:$0x3FB1] =	sst s10  }
0x38: {  	s10 =	sld [smem:$0x3FB2]  }
0x39: {  	_ = 	snop;
	(pc) =	sbr.ind lr, $3  }
0x3a: {  	_ = 	snop  }
0x3b: {  	_ = 	snop  }
0x3c: {  	p2 =	seq.s32 s10, $0x1;
	s10 =	sld [smem:$0x3FB1]  }
0x3d: {  	_ =	shalt  }
0x3e: {  	_ =	shalt  }
0x3f: {  	_ =	shalt  }
0x40: {  	_ =	shalt  }
0x41: {  	_ =	shalt  }
0x42: {  	_ =	shalt  }
0x43: {  	_ =	shalt  }
0x44: {  	_ =	shalt  }
0x45: {  	_ =	shalt  }
0x46: {  	_ =	shalt  }
0x47: {  	_ =	shalt  }
0x48: {  	_ =	shalt  }
0x49: {  	_ =	shalt  }
0x4a: {  	_ =	shalt  }
0x4b: {  	_ =	shalt  }
0x4c: {  	_ =	shalt  }
0x4d: {  	_ =	shalt  }
0x4e: {  	_ =	shalt  }
0x4f: {  	_ =	shalt  }
0x50: {  	_ =	shalt  }
0x51: {  	_ =	shalt  }
0x52: {  	_ =	shalt  }
0x53: {  	_ =	shalt  }
0x54: {  	_ =	shalt  }
0x55: {  	_ =	shalt  }
0x56: {  	_ =	shalt  }
0x57: {  	_ =	shalt  }
0x58: {  	_ =	shalt  }
0x59: {  	_ =	shalt  }
0x5a: {  	_ =	shalt  }
0x5b: {  	_ =	shalt  }
0x5c: {  	_ =	shalt  }
0x5d: {  	_ =	shalt  }
0x5e: {  	_ =	shalt  }
0x5f: {  	_ =	shalt  }
0x60: {  	_ =	shalt  }
0x61: {  	_ =	shalt  }
0x62: {  	_ =	shalt  }
0x63: {  	_ =	shalt  }
0x64: {  	_ =	shalt  }
0x65: {  	_ =	shalt  }
0x66: {  	_ =	shalt  }
0x67: {  	_ =	shalt  }
0x68: {  	_ =	shalt  }
0x69: {  	_ =	shalt  }
0x6a: {  	_ =	shalt  }
0x6b: {  	_ =	shalt  }
0x6c: {  	_ =	shalt  }
0x6d: {  	_ =	shalt  }
0x6e: {  	_ =	shalt  }
0x6f: {  	_ =	shalt  }
0x70: {  	_ =	shalt  }
0x71: {  	_ =	shalt  }
0x72: {  	_ =	shalt  }
0x73: {  	_ =	shalt  }
0x74: {  	_ =	shalt  }
0x75: {  	_ =	shalt  }
0x76: {  	_ =	shalt  }
0x77: {  	_ =	shalt  }
0x78: {  	_ =	shalt  }
0x79: {  	_ =	shalt  }
0x7a: {  	_ =	shalt  }
0x7b: {  	_ =	shalt  }
0x7c: {  	_ =	shalt  }
0x7d: {  	_ =	shalt  }
0x7e: {  	_ =	shalt  }
0x7f: {  	_ =	shalt  }
0x80: {  	_ =	shalt  }
0x81: {  	_ =	shalt  }
0x82: {  	_ =	shalt  }
0x83: {  	_ =	shalt  }
0x84: {  	_ =	shalt  }
0x85: {  	_ =	shalt  }
0x86: {  	_ =	shalt  }
0x87: {  	_ =	shalt  }
.Lfunc_end0:
.L_simem_size_0:
called_computation.2_lowered:
.L_overlay_start_0:
0x88: {  	s2 =	sld [smem:$0x3FD9]  }
0x89: {  	s3 =	sld [smem:$0x3FFE];
	_ =	sdelay $0x1  }
0x8a: {  	s1 =	srdreg.scid  }
0x8b: {  	s0 =	sand.u32 $0x1, s1  }
0x8c: {  	s17 =	sshll.u32 s0, $0xA;
	s2 =	sadd.s32 s3, s2  }
0x8d: {  	s2 =	sadd.s32 s2, s17  }
0x8e: {  	[smem:$0x3FBD] =	sst s2  }
0x8f: {  	_ = 	snop  }
0x90: {  	(tm) =	ssettm $0x1  }
0x91: {  	s18 =	sld [smem:$0x3FFB];
	_ =	sdelay $0x3  }
0x92: {  	_ =	strace s18  }
0x93: {  	s2 =	sld [smem:$0x3FFC];
	_ =	sdelay $0x3  }
0x94: {  	_ =	strace s2  }
0x95: {  	s2 =	sld [smem:$0x3FFD];
	_ =	sdelay $0x3  }
0x96: {  	_ =	strace s2  }
0x97: {  	_ =	strace $0x8FFFFFFF  }
0x98: {  	s19 =	sld [smem:$0x3FDB];
	_ =	sdelay $0x1  }
0x99: {  	s20 =	simm.s32 $_scs_section_size  }
0x9a: {  	s4 =	simm.s32 $_size__tile_overlayer_lowered;
	s5 =	simm.s32 $_tile_overlayer_lowered  }
0x9b: {  	s6 =	simm.s32 $0x1BFF;
	s21 =	sshll.u32 s5, $0x1;
	s3 =	sadd.s32 s20, s19  }
0x9c: {  	s22 =	simm.s32 $0x0;
	s4 =	sshll.u32 s4, $0x1;
	s5 =	sadd.s32 s21, s3  }
0x9d: {  	[timem:s22], [sflag:s6] =	dma.local [hbm:s5], s4  }
0x9e: {  	_ =	swait.ge [sflag:s6], s4  }
0x9f: {  	s4 =	ssub.s32 $0x0, s4;
	[sflag:s6] =	ssyncset.done $0x0  }
0xa0: {  	[sflag:s6] =	ssyncadd.s32 s4;
	_ =	sdelay $0x1  }
0xa1: {  	s23 =	simm.s32 $0x1B8B  }
0xa2: {  	_ =	swait.ge [sflag:s23], $0x1  }
0xa3: {  	[sflag:s23] =	ssyncset.done $0x0  }
0xa4: {  	[sflag:s23] =	ssyncadd.s32 $0xFFFFFFFF  }
0xa5: {  	s4 =	sld [smem:$0x0]  }
0xa6: {  	s5 =	sand.u32 $0xFFFFFFFE, s1  }
0xa7: {  	p0 =	sne.s32 s1, s5  }
0xa8: {  	s5 =	sshll.u32 @p0 s5, $0xE  }
0xa9: {  	s5 =	sadd.s32 @p0 $0x11B8D, s5;
	s6 =	sshll.u32 @p0 s4, $0x11  }
0xaa: {  	s5 =	sor.u32 @p0 s6, s5  }
0xab: {  	[sflag:s5] =	ssyncadd.remote.s32 @p0 $0x1;
	_ =	sdelay $0x1  }
0xac: {  	s5 =	simm.s32 @p0 $0x1B8D  }
0xad: {  	_ =	swait.eq @p0 [sflag:s5], $0x1  }
0xae: {  	[sflag:s5] =	ssyncadd.s32 @p0 $0xFFFFFFFF  }
0xaf: {  	s6 =	sshll.u32 @!p0 s1, $0xE  }
0xb0: {  	s6 =	sor.u32 @!p0 $0x4000, s6;
	s5 =	simm.s32 @!p0 $0x1B8D  }
0xb1: {  	s4 =	sshll.u32 @!p0 s4, $0x11;
	s6 =	sadd.s32 @!p0 $0x11B8D, s6;
	_ =	swait.eq @!p0 [sflag:s5], $0x1  }
0xb2: {  	s4 =	sor.u32 @!p0 s4, s6;
	[sflag:s5] =	ssyncadd.s32 @!p0 $0xFFFFFFFF  }
0xb3: {  	s25 =	simm.s32 $0x1B8E;
	s24 =	sld [smem:$0x3FFE];
	[sflag:s4] =	ssyncadd.remote.s32 @!p0 $0x1  }
0xb4: {  	s26 =	simm.s32 $execute0_lowered;
	[smem:$0x3FD2] =	sst s25  }
0xb5: {  	s5 =	sshll.u32 s26, $0x1;
	_ =	strace $0x8000004F;
	[dreg:$0x1] =	wrdreg $0xFFFFFFFF  }
0xb6: {  	s28 =	simm.s32 $_size_execute0_lowered;
	s3 =	sadd.s32 s3, s5;
	[dreg:$0x0] =	wrdreg $0x0  }
0xb7: {  	s5 =	sshll.u32 s28, $0x1;
	[dreg:$0x2] =	wrdreg s3  }
0xb8: {  	[dreg:$0x3] =	wrdreg s5  }
0xb9: {  	[dreg:$0x4] =	wrdreg $0xC0  }
0xba: {  	_ =	task [dreg:s22], $0x5FFFF  }
0xbb: {  	[dreg:$0x1] =	wrdreg $0xFFFFFFFF  }
0xbc: {  	[dreg:$0x0] =	wrdreg $0x60  }
0xbd: {  	[dreg:$0x2] =	wrdreg s24  }
0xbe: {  	[dreg:$0x3] =	wrdreg $0x0  }
0xbf: {  	[dreg:$0x4] =	wrdreg $0x9  }
0xc0: {  	_ =	task.clear_ibuf [dreg:s22], $0x5FFFF;
	_ =	strace $0x9000004F  }
0xc1: {  	s29 =	simm.s32 $0x9;
	_ =	strace $0x80000051  }
0xc2: {  	_ =	swait.ge [sflag:s29], $0x1  }
0xc3: {  	[sflag:s29] =	ssyncadd.s32 $0xFFFFFFFF  }
0xc4: {  	_ =	strace $0x90000051  }
0xc5: {  	_ =	sfence  }
0xc6: {  	s30 =	sld [smem:$0x0];
	_ =	sdelay $0x2  }
0xc7: {  	s31 =	sshll.u32 s1, $0xD;
	s1 =	sshrl.u32 s1, $0x2  }
0xc8: {  	s4 =	sand.u32 $0x4000, s31;
	s1 =	sadd.s32 s1, s30  }
0xc9: {  	s0 =	sor.u32 s4, s0;
	s1 =	sshll.u32 s1, $0x11  }
0xca: {  	s0 =	sor.u32 s1, s0  }
0xcb: {  	s0 =	sadd.s32 $0x8F2B, s0  }
0xcc: {  	[sflag:s0] =	ssyncadd.remote.s32 $0x1  }
0xcd: {  	_ =	sfence.sel $0xFFFF  }
0xce: {  	[dreg:$0x0] =	wrdreg $0xFFFFFFFF;
	(pc) =	sbr.abs _section_cstart, $3  }
0xcf: {  	[dreg:$0x1] =	wrdreg $0xFFFFFFFF  }
0xd0: {  	_ =	task.clear_ibuf [dreg:s22], $0x2FFFF;
	_ =	strace $0x9FFFFFFF  }
0xd1: {  	(tm) =	ssettm $0x7FFFFFFF  }
tec
execute0_lowered:
.L_overlay_start_1:
0x0: {  	(tag) =	ssettag $0x1  }
0x1: {  	s0 =	rddreg [dreg:$0x0]  }
0x2: {  	s1 =	rddreg [dreg:$0x1]  }
0x3: {  	s2 =	simm.s32 $0x0;
	s6 =	srdreg.scid;
	s14 =	stileid.u32  }
0x4: {  	s18 =	simm.s32 $0x9;
	s19 =	simm.s32 $0x13C00;
	s20 =	simm.s32 $0x13C80  }
0x5: {  	s28 =	simm.s32 $0x17D80;
	s29 =	simm.s32 $0x7;
	s30 =	simm.s32 $0x8  }
0x6: {  	s31 =	simm.s32 $0x17E00;
	[smem:$0x7FF] =	sst s2;
	s4 =	sadd.s32 $0xD4800, s0  }
0x7: {  	s5 =	sadd.s32 $0xAD600, s0;
	s3 =	sadd.s32 $0x8200, s0;
	s8 =	sadd.s32 $0x3200, s0  }
0x8: {  	s6 =	sand.u32 $0x1, s6;
	s7 =	smul.u32 $0x4F000, s14;
	s9 =	sadd.s32 $0x5B600, s0  }
0x9: {  	s10 =	smul.u32 $0x13C00, s14;
	s0 =	sadd.s32 $0x14AA00, s0;
	s23 =	sshll.u32 s14, $0x6  }
0xa: {  	s12 =	smul.u32 $0x2780, s14;
	s13 =	sshll.u32 s14, $0x4;
	p2 =	slt.u32 s14, $0x2  }
0xb: {  	p3 =	sgt.u32 s14, $0x1;
	_ =	strace $0x80000050;
	s21 =	ssub.s32 $0x2, s6  }
0xc: {  	[dreg:$0x3] =	wrdreg s9;
	p0 =	seq.s32 s6, $0x0;
	s11 =	sshrl.u32 s21, $0x1  }
0xd: {  	s7 =	sshrl.u32 s7, $0x2;
	s22 =	sshrl.u32 s10, $0x3;
	s9 =	ssub.s32 s21, s11  }
0xe: {  	s17 =	sadd.s32 s7, s1;
	s24 =	sadd.s32 s0, s22;
	s7 =	sor.u32 $0x1C09, s23  }
0xf: {  	s0 =	sadd.s32 s0, s12;
	s11 =	sadd.s32 s3, s13;
	s12 =	sadd.s32 s8, s13  }
0x10: {  	s21 =	simm.s32 $0x5;
	s22 =	simm.s32 $0x6;
	s23 =	simm.s32 $0x80  }
0x11: {  	s25 =	sadd.s32 $0x27800, s24;
	[dreg:$0x5] =	wrdreg s0;
	s26 =	smax.u32 s9, $0x1  }
0x12: {  	s9 =	sor.u32 $0x100, s13;
	s13 =	sor.u32 $0x4E0, s14;
	[dreg:$0x4] =	wrdreg s25  }
0x13: {  	s17 =	sshrl.u32 s17, $0x3;
	s24 =	simm.s32 $0x13D00;
	[dreg:$0x6] =	wrdreg s26  }
.Ltmp0:
0x14: {  	s25 =	sadd.s32 s3, s9;
	s0 =	sadd.s32 s8, s9;
	(pc) =	sbr.rel .LBB2_1-.Ltmp0, $4  }
0x15: {  	s26 =	sshll.u32 s13, $0x4;
	p1 =	sgt.u32 s13, $0x4E1;
	[dreg:$0x7] =	wrdreg s25  }
0x16: {  	s9 =	simm.s32 $0x0;
	[dreg:$0x8] =	wrdreg s0;
	s15 =	sadd.s32 s3, s26  }
0x17: {  	s16 =	sadd.s32 s8, s26;
	s25 =	simm.s32 $0x1;
	s26 =	simm.s32 $0x17D00  }
0x18: {  	s0 =	simm.s32 $0x2;
	s3 =	simm.s32 $0x3;
	s8 =	simm.s32 $0x4  }
.LBB2_8:
0x19: {  	_ =	swait.ge [sflag:s3], $0x4000  }
0x1a: {  	[sflag:s3] =	ssyncset.done $0x0  }
0x1b: {  	[sflag:s3] =	ssyncadd.s32 $0xFFFFC000  }
.LBB2_9:
0x1c: {  	[bflag:$0x0] =	sbarrier.arrive $0xFFFF  }
0x1d: {  	[hbm:s6], [sflag:s7] =	dma.local [spmem:s17], $0x2780  }
0x1e: {  	_ =	swait.ge [sflag:s18], $0x2780  }
0x1f: {  	s9 =	sadd.s32 $0x1, s9;
	s14 =	rddreg [dreg:$0x6]  }
0x20: {  	p4 =	sne.s32 s9, s14  }
.Ltmp1:
0x21: {  	_ = 	snop;
	(pc) =	sbr.rel @!p4 .LBB2_10-.Ltmp1, $3  }
0x22: {  	_ =	sdelay $0x1  }
0x23: {  	[sflag:s18] =	ssyncset.done $0x0  }
0x24: {  	[sflag:s18] =	ssyncadd.s32 $0xFFFFD880  }
.LBB2_1:
0x25: {  	s6 =	rddreg [dreg:$0x3]  }
0x26: {  	[spmem:s17], [sflag:s7] =	dma.local [hbm:s6], $0x2780  }
.Ltmp2:
0x27: {  	_ =	swait.ge [sflag:s18], $0x2780;
	(pc) =	sbr.rel @!p0 .LBB2_2-.Ltmp2, $3  }
0x28: {  	[sflag:s18] =	ssyncset.done $0x0  }
0x29: {  	[sflag:s18] =	ssyncadd.s32 $0xFFFFD880  }
0x2a: {  	[bflag:$0x0] =	sbarrier.arrive $0xFFFF;
	_ =	sdelay $0x1  }
0x2b: {  	[tilespmem:s19], [sflag:$0x5] =	stream.linear.gather [hbm4b:s11+s2], $0x80, $0x38;
	[tilespmem:$0x1BE00] =	vst v63  }
0x2c: {  	_ = 	snop  }
0x2d: {  	[tilespmem:s20], [sflag:$0x6] =	stream.linear.gather [hbm4b:s12+s2], $0x80, $0x38;
	[tilespmem:$0x1BE00] =	vst v63  }
0x2e: {  	_ =	swait.ge [sflag:s21], $0x80  }
0x2f: {  	[sflag:s21] =	ssyncset.done $0x0  }
0x30: {  	[sflag:s21] =	ssyncadd.s32 $0xFFFFFF80  }
0x31: {  	_ =	swait.ge [sflag:s22], $0x80  }
0x32: {  	[sflag:s22] =	ssyncset.done $0x0  }
0x33: {  	[sflag:s22] =	ssyncadd.s32 $0xFFFFFF80  }
0x34: {  	[tilespmem:s24], [sflag:$0x1] =	stream.indirect.gather [hbm4b:s4+s23], $0x80, s19, s23, $0xb8;
	[tilespmem:$0x1BE00] =	vst v63  }
0x35: {  	_ =	swait.ge [sflag:s25], $0x4000  }
0x36: {  	[sflag:s25] =	ssyncset.done $0x0  }
0x37: {  	[sflag:s25] =	ssyncadd.s32 $0xFFFFC000  }
0x38: {  	[spmem:s1] =	stream.indirect.scatter.add.f32 [tilespmem:s24], [sflag:$0x3], $0x80, s20, s23, $0xb8;
	[tilespmem:$0x1BE00] =	vst v63  }
0x39: {  	s6 =	rddreg [dreg:$0x7]  }
0x3a: {  	[tilespmem:s26], [sflag:$0x7] =	stream.linear.gather [hbm4b:s6+s2], $0x80, $0x38;
	[tilespmem:$0x1BE00] =	vst v63  }
0x3b: {  	s13 =	rddreg [dreg:$0x8]  }
0x3c: {  	[tilespmem:s28], [sflag:$0x8] =	stream.linear.gather [hbm4b:s13+s2], $0x80, $0x38;
	[tilespmem:$0x1BE00] =	vst v63  }
0x3d: {  	_ =	swait.ge [sflag:s29], $0x80  }
0x3e: {  	[sflag:s29] =	ssyncset.done $0x0  }
0x3f: {  	[sflag:s29] =	ssyncadd.s32 $0xFFFFFF80  }
0x40: {  	_ =	swait.ge [sflag:s30], $0x80  }
0x41: {  	[sflag:s30] =	ssyncset.done $0x0  }
0x42: {  	[sflag:s30] =	ssyncadd.s32 $0xFFFFFF80  }
0x43: {  	[tilespmem:s31], [sflag:$0x2] =	stream.indirect.gather [hbm4b:s4+s23], $0x80, s26, s23, $0xb8;
	[tilespmem:$0x1BE00] =	vst v63  }
0x44: {  	_ =	swait.ge [sflag:s0], $0x4000  }
0x45: {  	[sflag:s0] =	ssyncset.done $0x0  }
0x46: {  	[sflag:s0] =	ssyncadd.s32 $0xFFFFC000  }
0x47: {  	[spmem:s1] =	stream.indirect.scatter.add.f32 [tilespmem:s31], [sflag:$0x4], $0x80, s28, s23, $0xb8;
	[tilespmem:$0x1BE00] =	vst v63  }
0x48: {  	_ =	swait.ge [sflag:s3], $0x4000  }
0x49: {  	s6 =	sadd.s32 $0xFFFFB400, s11;
	[sflag:s3] =	ssyncset.done $0x0  }
0x4a: {  	s10 =	sadd.s32 $0x4E00, s6;
	s13 =	sadd.s32 $0xFFFFB400, s12;
	[sflag:s3] =	ssyncadd.s32 $0xFFFFC000  }
0x4b: {  	[tilespmem:s19], [sflag:$0x5] =	stream.linear.gather [hbm4b:s10+s2], $0x80, $0x38;
	[tilespmem:$0x1BE00] =	vst v63  }
0x4c: {  	s14 =	sadd.s32 $0x4E00, s13  }
0x4d: {  	[tilespmem:s20], [sflag:$0x6] =	stream.linear.gather [hbm4b:s14+s2], $0x80, $0x38;
	[tilespmem:$0x1BE00] =	vst v63  }
0x4e: {  	_ =	swait.ge [sflag:s21], $0x80  }
0x4f: {  	[sflag:s21] =	ssyncset.done $0x0  }
0x50: {  	[sflag:s21] =	ssyncadd.s32 $0xFFFFFF80  }
0x51: {  	_ =	swait.ge [sflag:s22], $0x80  }
0x52: {  	[sflag:s22] =	ssyncset.done $0x0  }
0x53: {  	[sflag:s22] =	ssyncadd.s32 $0xFFFFFF80  }
0x54: {  	[tilespmem:s24], [sflag:$0x1] =	stream.indirect.gather [hbm4b:s4+s23], $0x80, s19, s23, $0xb8;
	[tilespmem:$0x1BE00] =	vst v63  }
0x55: {  	_ =	swait.ge [sflag:s25], $0x4000  }
0x56: {  	[sflag:s25] =	ssyncset.done $0x0  }
0x57: {  	[sflag:s25] =	ssyncadd.s32 $0xFFFFC000  }
0x58: {  	[spmem:s1] =	stream.indirect.scatter.add.f32 [tilespmem:s24], [sflag:$0x3], $0x80, s20, s23, $0xb8;
	[tilespmem:$0x1BE00] =	vst v63  }
0x59: {  	_ =	swait.ge [sflag:s8], $0x4000  }
0x5a: {  	[sflag:s8] =	ssyncset.done $0x0  }
0x5b: {  	s6 =	sadd.s32 $0x4F00, s6;
	[sflag:s8] =	ssyncadd.s32 $0xFFFFC000  }
0x5c: {  	[tilespmem:s26], [sflag:$0x7] =	stream.linear.gather [hbm4b:s6+s2], $0x80, $0x38;
	[tilespmem:$0x1BE00] =	vst v63  }
0x5d: {  	s14 =	sadd.s32 $0x4F00, s13  }
0x5e: {  	[tilespmem:s28], [sflag:$0x8] =	stream.linear.gather [hbm4b:s14+s2], $0x80, $0x38;
	[tilespmem:$0x1BE00] =	vst v63  }
0x5f: {  	_ =	swait.ge [sflag:s29], $0x80  }
0x60: {  	[sflag:s29] =	ssyncset.done $0x0  }
0x61: {  	[sflag:s29] =	ssyncadd.s32 $0xFFFFFF80  }
0x62: {  	_ =	swait.ge [sflag:s30], $0x80  }
0x63: {  	[sflag:s30] =	ssyncset.done $0x0  }
0x64: {  	[sflag:s30] =	ssyncadd.s32 $0xFFFFFF80  }
0x65: {  	[tilespmem:s31], [sflag:$0x2] =	stream.indirect.gather [hbm4b:s4+s23], $0x80, s26, s23, $0xb8;
	[tilespmem:$0x1BE00] =	vst v63  }
0x66: {  	_ =	swait.ge [sflag:s0], $0x4000  }
0x67: {  	[sflag:s0] =	ssyncset.done $0x0  }
0x68: {  	s6 =	simm.s32 $0xFFFFB600;
	[sflag:s0] =	ssyncadd.s32 $0xFFFFC000  }
.LBB2_6:
0x69: {  	[spmem:s1] =	stream.indirect.scatter.add.f32 [tilespmem:s31], [sflag:$0x4], $0x80, s28, s23, $0xb8;
	[tilespmem:$0x1BE00] =	vst v63  }
0x6a: {  	s10 =	smov.u32 s6  }
0x6b: {  	p4 =	sne.s32 s6, $0xFFFFFE00;
	s6 =	sadd.s32 $0x200, s6;
	_ =	swait.ge [sflag:s3], $0x4000  }
0x6c: {  	s13 =	sadd.s32 s10, s11;
	[sflag:s3] =	ssyncset.done $0x0  }
0x6d: {  	s10 =	sadd.s32 s10, s12;
	s14 =	sadd.s32 $0x4E00, s13;
	[sflag:s3] =	ssyncadd.s32 $0xFFFFC000  }
0x6e: {  	[tilespmem:s19], [sflag:$0x5] =	stream.linear.gather [hbm4b:s14+s2], $0x80, $0x38;
	[tilespmem:$0x1BE00] =	vst v63  }
0x6f: {  	s14 =	sadd.s32 $0x4E00, s10  }
0x70: {  	[tilespmem:s20], [sflag:$0x6] =	stream.linear.gather [hbm4b:s14+s2], $0x80, $0x38;
	[tilespmem:$0x1BE00] =	vst v63  }
0x71: {  	_ =	swait.ge [sflag:s21], $0x80  }
0x72: {  	[sflag:s21] =	ssyncset.done $0x0  }
0x73: {  	[sflag:s21] =	ssyncadd.s32 $0xFFFFFF80  }
0x74: {  	_ =	swait.ge [sflag:s22], $0x80  }
0x75: {  	[sflag:s22] =	ssyncset.done $0x0  }
0x76: {  	[sflag:s22] =	ssyncadd.s32 $0xFFFFFF80  }
0x77: {  	[tilespmem:s24], [sflag:$0x1] =	stream.indirect.gather [hbm4b:s4+s23], $0x80, s19, s23, $0xb8;
	[tilespmem:$0x1BE00] =	vst v63  }
0x78: {  	_ =	swait.ge [sflag:s25], $0x4000  }
0x79: {  	[sflag:s25] =	ssyncset.done $0x0  }
0x7a: {  	[sflag:s25] =	ssyncadd.s32 $0xFFFFC000  }
0x7b: {  	[spmem:s1] =	stream.indirect.scatter.add.f32 [tilespmem:s24], [sflag:$0x3], $0x80, s20, s23, $0xb8;
	[tilespmem:$0x1BE00] =	vst v63  }
0x7c: {  	_ =	swait.ge [sflag:s8], $0x4000  }
0x7d: {  	[sflag:s8] =	ssyncset.done $0x0  }
0x7e: {  	s13 =	sadd.s32 $0x4F00, s13;
	[sflag:s8] =	ssyncadd.s32 $0xFFFFC000  }
0x7f: {  	[tilespmem:s26], [sflag:$0x7] =	stream.linear.gather [hbm4b:s13+s2], $0x80, $0x38;
	[tilespmem:$0x1BE00] =	vst v63  }
0x80: {  	s10 =	sadd.s32 $0x4F00, s10  }
0x81: {  	[tilespmem:s28], [sflag:$0x8] =	stream.linear.gather [hbm4b:s10+s2], $0x80, $0x38;
	[tilespmem:$0x1BE00] =	vst v63  }
0x82: {  	_ =	swait.ge [sflag:s29], $0x80  }
0x83: {  	[sflag:s29] =	ssyncset.done $0x0  }
0x84: {  	[sflag:s29] =	ssyncadd.s32 $0xFFFFFF80  }
0x85: {  	_ =	swait.ge [sflag:s30], $0x80  }
0x86: {  	[sflag:s30] =	ssyncset.done $0x0  }
.Ltmp3:
0x87: {  	[sflag:s30] =	ssyncadd.s32 $0xFFFFFF80;
	(pc) =	sbr.rel @p4 .LBB2_6-.Ltmp3, $4  }
0x88: {  	[tilespmem:s31], [sflag:$0x2] =	stream.indirect.gather [hbm4b:s4+s23], $0x80, s26, s23, $0xb8;
	[tilespmem:$0x1BE00] =	vst v63  }
0x89: {  	_ =	swait.ge [sflag:s0], $0x4000  }
0x8a: {  	[sflag:s0] =	ssyncset.done $0x0  }
0x8b: {  	[sflag:s0] =	ssyncadd.s32 $0xFFFFC000  }
0x8c: {  	[spmem:s1] =	stream.indirect.scatter.add.f32 [tilespmem:s31], [sflag:$0x4], $0x80, s28, s23, $0xb8;
	[tilespmem:$0x1BE00] =	vst v63  }
0x8d: {  	_ =	swait.ge [sflag:s3], $0x4000  }
0x8e: {  	[sflag:s3] =	ssyncset.done $0x0  }
0x8f: {  	s6 =	simm.s32 @!p1 $0x0;
	s10 =	simm.s32 @!p1 $0x13C00;
	[sflag:s3] =	ssyncadd.s32 $0xFFFFC000  }
0x90: {  	[tilespmem:s10], [sflag:$0x5] =	stream.linear.gather @!p1 [hbm4b:s15+s6], $0x80, $0x38;
	[tilespmem:$0x1BE00] =	vst v63  }
0x91: {  	s13 =	simm.s32 @!p1 $0x13C80  }
0x92: {  	[tilespmem:s13], [sflag:$0x6] =	stream.linear.gather @!p1 [hbm4b:s16+s6], $0x80, $0x38;
	[tilespmem:$0x1BE00] =	vst v63  }
0x93: {  	s6 =	simm.s32 @!p1 $0x5  }
0x94: {  	_ =	swait.ge @!p1 [sflag:s6], $0x80  }
0x95: {  	[sflag:s6] =	ssyncset.done @!p1 $0x0  }
0x96: {  	[sflag:s6] =	ssyncadd.s32 @!p1 $0xFFFFFF80;
	s6 =	simm.s32 @!p1 $0x6  }
0x97: {  	_ =	swait.ge @!p1 [sflag:s6], $0x80  }
0x98: {  	[sflag:s6] =	ssyncset.done @!p1 $0x0  }
0x99: {  	s14 =	simm.s32 @!p1 $0x13D00;
	[sflag:s6] =	ssyncadd.s32 @!p1 $0xFFFFFF80;
	s6 =	simm.s32 @!p1 $0x80  }
0x9a: {  	[tilespmem:s14], [sflag:$0x1] =	stream.indirect.gather @!p1 [hbm4b:s4+s6], $0x80, s10, s6, $0xb8;
	[tilespmem:$0x1BE00] =	vst v63  }
0x9b: {  	s10 =	simm.s32 @!p1 $0x1  }
0x9c: {  	_ =	swait.ge @!p1 [sflag:s10], $0x4000  }
0x9d: {  	[sflag:s10] =	ssyncset.done @!p1 $0x0  }
0x9e: {  	[sflag:s10] =	ssyncadd.s32 @!p1 $0xFFFFC000  }
0x9f: {  	[spmem:s1] =	stream.indirect.scatter.add.f32 @!p1 [tilespmem:s14], [sflag:$0x3], $0x80, s13, s6, $0xb8;
	[tilespmem:$0x1BE00] =	vst v63  }
.Ltmp4:
0xa0: {  	_ = 	snop;
	(pc) =	sbr.rel @!p2 .LBB2_9-.Ltmp4, $4  }
.Ltmp5:
0xa1: {  	_ = 	snop;
	(pc) =	sbr.rel @p2 .LBB2_8-.Ltmp5, $4  }
0xa2: {  	_ =	swait.ge [sflag:s8], $0x4000  }
0xa3: {  	[sflag:s8] =	ssyncset.done $0x0  }
0xa4: {  	s6 =	rddreg [dreg:$0x5];
	[sflag:s8] =	ssyncadd.s32 $0xFFFFC000  }
0xa5: {  	_ = 	snop  }
.LBB2_2:
0xa6: {  	[tilespmem:s19], [sflag:$0x5] =	stream.linear.gather [hbm4b:s11+s2], $0x80, $0x38;
	[tilespmem:$0x1BE00] =	vst v63  }
0xa7: {  	_ = 	snop  }
0xa8: {  	[tilespmem:s20], [sflag:$0x6] =	stream.linear.gather [hbm4b:s12+s2], $0x80, $0x38;
	[tilespmem:$0x1BE00] =	vst v63  }
0xa9: {  	_ =	swait.ge [sflag:s21], $0x80  }
0xaa: {  	[sflag:s21] =	ssyncset.done $0x0  }
0xab: {  	[sflag:s21] =	ssyncadd.s32 $0xFFFFFF80  }
0xac: {  	_ =	swait.ge [sflag:s22], $0x80  }
0xad: {  	[sflag:s22] =	ssyncset.done $0x0  }
0xae: {  	[sflag:s22] =	ssyncadd.s32 $0xFFFFFF80  }
0xaf: {  	[tilespmem:s24], [sflag:$0x1] =	stream.indirect.gather [hbm4b:s5+s23], $0x80, s19, s23, $0xb8;
	[tilespmem:$0x1BE00] =	vst v63  }
0xb0: {  	_ =	swait.ge [sflag:s25], $0x4000  }
0xb1: {  	[sflag:s25] =	ssyncset.done $0x0  }
0xb2: {  	[sflag:s25] =	ssyncadd.s32 $0xFFFFC000  }
0xb3: {  	[spmem:s1] =	stream.indirect.scatter.add.f32 [tilespmem:s24], [sflag:$0x3], $0x80, s20, s23, $0xb8;
	[tilespmem:$0x1BE00] =	vst v63  }
0xb4: {  	s6 =	rddreg [dreg:$0x7]  }
0xb5: {  	[tilespmem:s26], [sflag:$0x7] =	stream.linear.gather [hbm4b:s6+s2], $0x80, $0x38;
	[tilespmem:$0x1BE00] =	vst v63  }
0xb6: {  	s13 =	rddreg [dreg:$0x8]  }
0xb7: {  	[tilespmem:s28], [sflag:$0x8] =	stream.linear.gather [hbm4b:s13+s2], $0x80, $0x38;
	[tilespmem:$0x1BE00] =	vst v63  }
0xb8: {  	_ =	swait.ge [sflag:s29], $0x80  }
0xb9: {  	[sflag:s29] =	ssyncset.done $0x0  }
0xba: {  	[sflag:s29] =	ssyncadd.s32 $0xFFFFFF80  }
0xbb: {  	_ =	swait.ge [sflag:s30], $0x80  }
0xbc: {  	[sflag:s30] =	ssyncset.done $0x0  }
0xbd: {  	[sflag:s30] =	ssyncadd.s32 $0xFFFFFF80  }
0xbe: {  	[tilespmem:s31], [sflag:$0x2] =	stream.indirect.gather [hbm4b:s5+s23], $0x80, s26, s23, $0xb8;
	[tilespmem:$0x1BE00] =	vst v63  }
0xbf: {  	_ =	swait.ge [sflag:s0], $0x4000  }
0xc0: {  	[sflag:s0] =	ssyncset.done $0x0  }
0xc1: {  	[sflag:s0] =	ssyncadd.s32 $0xFFFFC000  }
0xc2: {  	[spmem:s1] =	stream.indirect.scatter.add.f32 [tilespmem:s31], [sflag:$0x4], $0x80, s28, s23, $0xb8;
	[tilespmem:$0x1BE00] =	vst v63  }
0xc3: {  	_ =	swait.ge [sflag:s3], $0x4000  }
0xc4: {  	s6 =	sadd.s32 $0xFFFFB400, s11;
	[sflag:s3] =	ssyncset.done $0x0  }
0xc5: {  	s10 =	sadd.s32 $0x4E00, s6;
	s13 =	sadd.s32 $0xFFFFB400, s12;
	[sflag:s3] =	ssyncadd.s32 $0xFFFFC000  }
0xc6: {  	[tilespmem:s19], [sflag:$0x5] =	stream.linear.gather [hbm4b:s10+s2], $0x80, $0x38;
	[tilespmem:$0x1BE00] =	vst v63  }
0xc7: {  	s14 =	sadd.s32 $0x4E00, s13  }
0xc8: {  	[tilespmem:s20], [sflag:$0x6] =	stream.linear.gather [hbm4b:s14+s2], $0x80, $0x38;
	[tilespmem:$0x1BE00] =	vst v63  }
0xc9: {  	_ =	swait.ge [sflag:s21], $0x80  }
0xca: {  	[sflag:s21] =	ssyncset.done $0x0  }
0xcb: {  	[sflag:s21] =	ssyncadd.s32 $0xFFFFFF80  }
0xcc: {  	_ =	swait.ge [sflag:s22], $0x80  }
0xcd: {  	[sflag:s22] =	ssyncset.done $0x0  }
0xce: {  	[sflag:s22] =	ssyncadd.s32 $0xFFFFFF80  }
0xcf: {  	[tilespmem:s24], [sflag:$0x1] =	stream.indirect.gather [hbm4b:s5+s23], $0x80, s19, s23, $0xb8;
	[tilespmem:$0x1BE00] =	vst v63  }
0xd0: {  	_ =	swait.ge [sflag:s25], $0x4000  }
0xd1: {  	[sflag:s25] =	ssyncset.done $0x0  }
0xd2: {  	[sflag:s25] =	ssyncadd.s32 $0xFFFFC000  }
0xd3: {  	[spmem:s1] =	stream.indirect.scatter.add.f32 [tilespmem:s24], [sflag:$0x3], $0x80, s20, s23, $0xb8;
	[tilespmem:$0x1BE00] =	vst v63  }
0xd4: {  	_ =	swait.ge [sflag:s8], $0x4000  }
0xd5: {  	[sflag:s8] =	ssyncset.done $0x0  }
0xd6: {  	s6 =	sadd.s32 $0x4F00, s6;
	[sflag:s8] =	ssyncadd.s32 $0xFFFFC000  }
0xd7: {  	[tilespmem:s26], [sflag:$0x7] =	stream.linear.gather [hbm4b:s6+s2], $0x80, $0x38;
	[tilespmem:$0x1BE00] =	vst v63  }
0xd8: {  	s14 =	sadd.s32 $0x4F00, s13  }
0xd9: {  	[tilespmem:s28], [sflag:$0x8] =	stream.linear.gather [hbm4b:s14+s2], $0x80, $0x38;
	[tilespmem:$0x1BE00] =	vst v63  }
0xda: {  	_ =	swait.ge [sflag:s29], $0x80  }
0xdb: {  	[sflag:s29] =	ssyncset.done $0x0  }
0xdc: {  	[sflag:s29] =	ssyncadd.s32 $0xFFFFFF80  }
0xdd: {  	_ =	swait.ge [sflag:s30], $0x80  }
0xde: {  	[sflag:s30] =	ssyncset.done $0x0  }
0xdf: {  	[sflag:s30] =	ssyncadd.s32 $0xFFFFFF80  }
0xe0: {  	[tilespmem:s31], [sflag:$0x2] =	stream.indirect.gather [hbm4b:s5+s23], $0x80, s26, s23, $0xb8;
	[tilespmem:$0x1BE00] =	vst v63  }
0xe1: {  	_ =	swait.ge [sflag:s0], $0x4000  }
0xe2: {  	[sflag:s0] =	ssyncset.done $0x0  }
0xe3: {  	s6 =	simm.s32 $0xFFFFB600;
	[sflag:s0] =	ssyncadd.s32 $0xFFFFC000  }
.LBB2_3:
0xe4: {  	[spmem:s1] =	stream.indirect.scatter.add.f32 [tilespmem:s31], [sflag:$0x4], $0x80, s28, s23, $0xb8;
	[tilespmem:$0x1BE00] =	vst v63  }
0xe5: {  	s10 =	smov.u32 s6  }
0xe6: {  	p4 =	sne.s32 s6, $0xFFFFFE00;
	s6 =	sadd.s32 $0x200, s6;
	_ =	swait.ge [sflag:s3], $0x4000  }
0xe7: {  	s13 =	sadd.s32 s10, s11;
	[sflag:s3] =	ssyncset.done $0x0  }
0xe8: {  	s10 =	sadd.s32 s10, s12;
	s14 =	sadd.s32 $0x4E00, s13;
	[sflag:s3] =	ssyncadd.s32 $0xFFFFC000  }
0xe9: {  	[tilespmem:s19], [sflag:$0x5] =	stream.linear.gather [hbm4b:s14+s2], $0x80, $0x38;
	[tilespmem:$0x1BE00] =	vst v63  }
0xea: {  	s14 =	sadd.s32 $0x4E00, s10  }
0xeb: {  	[tilespmem:s20], [sflag:$0x6] =	stream.linear.gather [hbm4b:s14+s2], $0x80, $0x38;
	[tilespmem:$0x1BE00] =	vst v63  }
0xec: {  	_ =	swait.ge [sflag:s21], $0x80  }
0xed: {  	[sflag:s21] =	ssyncset.done $0x0  }
0xee: {  	[sflag:s21] =	ssyncadd.s32 $0xFFFFFF80  }
0xef: {  	_ =	swait.ge [sflag:s22], $0x80  }
0xf0: {  	[sflag:s22] =	ssyncset.done $0x0  }
0xf1: {  	[sflag:s22] =	ssyncadd.s32 $0xFFFFFF80  }
0xf2: {  	[tilespmem:s24], [sflag:$0x1] =	stream.indirect.gather [hbm4b:s5+s23], $0x80, s19, s23, $0xb8;
	[tilespmem:$0x1BE00] =	vst v63  }
0xf3: {  	_ =	swait.ge [sflag:s25], $0x4000  }
0xf4: {  	[sflag:s25] =	ssyncset.done $0x0  }
0xf5: {  	[sflag:s25] =	ssyncadd.s32 $0xFFFFC000  }
0xf6: {  	[spmem:s1] =	stream.indirect.scatter.add.f32 [tilespmem:s24], [sflag:$0x3], $0x80, s20, s23, $0xb8;
	[tilespmem:$0x1BE00] =	vst v63  }
0xf7: {  	_ =	swait.ge [sflag:s8], $0x4000  }
0xf8: {  	[sflag:s8] =	ssyncset.done $0x0  }
0xf9: {  	s13 =	sadd.s32 $0x4F00, s13;
	[sflag:s8] =	ssyncadd.s32 $0xFFFFC000  }
0xfa: {  	[tilespmem:s26], [sflag:$0x7] =	stream.linear.gather [hbm4b:s13+s2], $0x80, $0x38;
	[tilespmem:$0x1BE00] =	vst v63  }
0xfb: {  	s10 =	sadd.s32 $0x4F00, s10  }
0xfc: {  	[tilespmem:s28], [sflag:$0x8] =	stream.linear.gather [hbm4b:s10+s2], $0x80, $0x38;
	[tilespmem:$0x1BE00] =	vst v63  }
0xfd: {  	_ =	swait.ge [sflag:s29], $0x80  }
0xfe: {  	[sflag:s29] =	ssyncset.done $0x0  }
0xff: {  	[sflag:s29] =	ssyncadd.s32 $0xFFFFFF80  }
0x100: {  	_ =	swait.ge [sflag:s30], $0x80  }
0x101: {  	[sflag:s30] =	ssyncset.done $0x0  }
.Ltmp6:
0x102: {  	[sflag:s30] =	ssyncadd.s32 $0xFFFFFF80;
	(pc) =	sbr.rel @p4 .LBB2_3-.Ltmp6, $4  }
0x103: {  	[tilespmem:s31], [sflag:$0x2] =	stream.indirect.gather [hbm4b:s5+s23], $0x80, s26, s23, $0xb8;
	[tilespmem:$0x1BE00] =	vst v63  }
0x104: {  	_ =	swait.ge [sflag:s0], $0x4000  }
0x105: {  	[sflag:s0] =	ssyncset.done $0x0  }
0x106: {  	[sflag:s0] =	ssyncadd.s32 $0xFFFFC000  }
0x107: {  	[spmem:s1] =	stream.indirect.scatter.add.f32 [tilespmem:s31], [sflag:$0x4], $0x80, s28, s23, $0xb8;
	[tilespmem:$0x1BE00] =	vst v63  }
0x108: {  	_ =	swait.ge [sflag:s3], $0x4000  }
0x109: {  	[sflag:s3] =	ssyncset.done $0x0  }
0x10a: {  	s6 =	simm.s32 @!p1 $0x0;
	s10 =	simm.s32 @!p1 $0x13C00;
	[sflag:s3] =	ssyncadd.s32 $0xFFFFC000  }
0x10b: {  	[tilespmem:s10], [sflag:$0x5] =	stream.linear.gather @!p1 [hbm4b:s15+s6], $0x80, $0x38;
	[tilespmem:$0x1BE00] =	vst v63  }
0x10c: {  	s13 =	simm.s32 @!p1 $0x13C80  }
0x10d: {  	[tilespmem:s13], [sflag:$0x6] =	stream.linear.gather @!p1 [hbm4b:s16+s6], $0x80, $0x38;
	[tilespmem:$0x1BE00] =	vst v63  }
0x10e: {  	s6 =	simm.s32 @!p1 $0x5  }
0x10f: {  	_ =	swait.ge @!p1 [sflag:s6], $0x80  }
0x110: {  	[sflag:s6] =	ssyncset.done @!p1 $0x0  }
0x111: {  	[sflag:s6] =	ssyncadd.s32 @!p1 $0xFFFFFF80;
	s6 =	simm.s32 @!p1 $0x6  }
0x112: {  	_ =	swait.ge @!p1 [sflag:s6], $0x80  }
0x113: {  	[sflag:s6] =	ssyncset.done @!p1 $0x0  }
0x114: {  	s14 =	simm.s32 @!p1 $0x13D00;
	[sflag:s6] =	ssyncadd.s32 @!p1 $0xFFFFFF80;
	s6 =	simm.s32 @!p1 $0x80  }
0x115: {  	[tilespmem:s14], [sflag:$0x1] =	stream.indirect.gather @!p1 [hbm4b:s5+s6], $0x80, s10, s6, $0xb8;
	[tilespmem:$0x1BE00] =	vst v63  }
0x116: {  	s10 =	simm.s32 @!p1 $0x1  }
0x117: {  	_ =	swait.ge @!p1 [sflag:s10], $0x4000  }
0x118: {  	[sflag:s10] =	ssyncset.done @!p1 $0x0  }
0x119: {  	[sflag:s10] =	ssyncadd.s32 @!p1 $0xFFFFC000  }
0x11a: {  	[spmem:s1] =	stream.indirect.scatter.add.f32 @!p1 [tilespmem:s14], [sflag:$0x3], $0x80, s13, s6, $0xb8;
	[tilespmem:$0x1BE00] =	vst v63  }
.Ltmp7:
0x11b: {  	_ = 	snop;
	(pc) =	sbr.rel @p3 .LBB2_9-.Ltmp7, $4  }
.Ltmp8:
0x11c: {  	_ = 	snop;
	(pc) =	sbr.rel @!p3 .LBB2_8-.Ltmp8, $4  }
0x11d: {  	_ =	swait.ge [sflag:s8], $0x4000  }
0x11e: {  	[sflag:s8] =	ssyncset.done $0x0  }
0x11f: {  	s6 =	rddreg [dreg:$0x4];
	[sflag:s8] =	ssyncadd.s32 $0xFFFFC000  }
0x120: {  	_ = 	snop  }
.LBB2_10:
0x121: {  	_ =	sfence.sel $0x180000  }
0x122: {  	[bflag:$0x0] =	sbarrier.arrive $0xFFFF  }
0x123: {  	_ =	strace $0x90000050  }
0x124: {  	s0 =	stileid.u32;
	[bflag:$0x2] =	sbarrier.arrive $0xFFFF  }
0x125: {  	p0 =	sne.s32 s0, $0x0;
	s0 =	rddreg [dreg:$0x2]  }
0x126: {  	s0 =	sadd.s32 @!p0 $0x100000, s0  }
0x127: {  	[sflag:s0] =	ssyncadd.tile.s32 @!p0 $0x1;
	_ =	shalt  }
.Lfunc_end2:
_tile_overlayer_lowered:
.L_overlay_start_2:
0x128: {  	(tag) =	ssettag $0x2  }
0x129: {  	s0 =	rddreg [dreg:$0x0];
	s2 =	stileid.u32  }
0x12a: {  	s1 =	rddreg [dreg:$0x1];
	p0 =	sne.s32 s2, $0x0  }
0x12b: {  	s3 =	rddreg [dreg:$0x2];
	[bflag:$0x3] =	sbarrier.arrive $0xFFFF;
	s2 =	simm.s32 @!p0 $0x1C09  }
0x12c: {  	[timem:s3], [sflag:s2] =	dma.local @!p0 [hbm:s0], s1  }
0x12d: {  	s0 =	simm.s32 @!p0 $0x9  }
0x12e: {  	_ =	swait.ge @!p0 [sflag:s0], s1  }
0x12f: {  	s1 =	ssub.s32 @!p0 $0x0, s1;
	[sflag:s0] =	ssyncset.done @!p0 $0x0  }
0x130: {  	[sflag:s0] =	ssyncadd.s32 @!p0 s1  }
0x131: {  	[bflag:$0x3] =	sbarrier.arrive $0xFFFF  }
0x132: {  	_ =	shalt  }

// kernel: kernel.20.cloned.1.call-start
scs
__scs_entry_jumppad:
0x0: {  	(pc) =	sbr.rel $0x88, $3  }
0x1: {  	(tag) =	ssettag $0x0;
	lr =	simm.s32 $0x1  }
0x2: {  	[smem:$0x3F96] =	sst lr;
	_ =	strace $0xD0000000  }
0x3: {  	_ = 	snop  }
0x4: {  	_ = 	snop  }
0x5: {  	_ = 	snop  }
0x6: {  	_ = 	snop  }
0x7: {  	_ = 	snop  }
__scs_overlays_trampoline_lowered:
0x8: {  	[smem:$0x3FA5] =	sst s0  }
0x9: {  	[smem:$0x3FA6] =	sst s1  }
0xa: {  	[smem:$0x3FA7] =	sst s2  }
0xb: {  	[smem:$0x3FA8] =	sst s3  }
0xc: {  	[smem:$0x3FA9] =	sst s4  }
0xd: {  	[smem:$0x3FAA] =	sst s5  }
0xe: {  	[smem:$0x3FAB] =	sst s6  }
0xf: {  	[smem:$0x3FAC] =	sst s7  }
0x10: {  	[smem:$0x3FAD] =	sst s8  }
0x11: {  	[smem:$0x3FAE] =	sst s9;
	s0 =	simm.s32 @!p0 $0x0  }
0x12: {  	s1 =	sld [smem:$0x3F94];
	s0 =	simm.s32 @p0 $0x1  }
0x13: {  	[smem:$0x3FAF] =	sst s0;
	s0 =	simm.s32 @!p1 $0x0  }
0x14: {  	s2 =	sld [smem:$0x3F93];
	s0 =	simm.s32 @p1 $0x1  }
0x15: {  	[smem:$0x3FB0] =	sst s0;
	s0 =	simm.s32 @!p2 $0x0  }
0x16: {  	s3 =	sld [smem:$0x3FDB];
	s0 =	simm.s32 @p2 $0x1  }
0x17: {  	s4 =	simm.s32 $0x1BF5;
	[smem:$0x3FB2] =	sst s0  }
0x18: {  	s0 =	sld [smem:$0x3F95];
	_ =	swait.ge [sflag:s4], $0x0  }
0x19: {  	s7 =	sld [smem:$0x3F96]  }
0x1a: {  	s8 =	sadd.s32 $0xFFFFE003, lr  }
0x1b: {  	s9 =	sadd.s32 $0xFFFFFEF7, lr;
	s5 =	simm.s32 $0xFFFFFFFF;
	p2 =	slt.u32 s8, $0xFFFFF086  }
0x1c: {  	p1 =	slt.u32 s9, $0xF7A;
	s5 =	simm.s32 @!p2 $0x0  }
0x1d: {  	s5 =	simm.s32 @p1 $0x1;
	p0 =	seq.s32 s7, s2  }
0x1e: {  	s7 =	smul.u32 @!p0 $0xF7A, s2;
	p2 =	seq.s32 @!p0 s5, $0x0  }
0x1f: {  	s9 =	smul.u32 $0xF7A, s1;
	s8 =	simm.s32 @!p0 $0x1BF5;
	p2 =	por !p2, p0  }
0x20: {  	[sflag:s8] =	ssyncset.s32 @!p0 $0xFFFFF086;
	s6 =	sadd.s32 @!p0 s3, s7;
	s7 =	simm.s32 @!p0 $0x108  }
0x21: {  	s3 =	sadd.s32 s3, s9;
	s6 =	sadd.s32 @!p0 $0x88, s6;
	s7 =	simm.s32 @p2 $0x1082  }
0x22: {  	[simem:s7], [sflag:s8] =	dma.local @!p0 [hbm:s6], $0xF7A  }
0x23: {  	s9 =	sor.u32 $0xD0000000, s2;
	s6 =	simm.s32 $0x108;
	_ =	swait.ge @!p0 [sflag:s8], $0x0  }
0x24: {  	s3 =	sadd.s32 $0x88, s3;
	s6 =	simm.s32 @!p1 $0x1082;
	[sflag:s4] =	ssyncset.s32 $0xFFFFF086  }
0x25: {  	[simem:s6], [sflag:s4] =	dma.local [hbm:s3], $0xF7A  }
0x26: {  	[smem:$0x3F96] =	sst s1;
	(tag) =	ssettag s2;
	_ =	strace s9  }
0x27: {  	s1 =	sld [smem:$0x3FA6]  }
0x28: {  	s2 =	sld [smem:$0x3FA7]  }
0x29: {  	s4 =	sld [smem:$0x3FA9]  }
0x2a: {  	p0 =	seq.s32 s5, $0x0;
	s5 =	sld [smem:$0x3FAA]  }
0x2b: {  	s6 =	sld [smem:$0x3FAB]  }
0x2c: {  	s7 =	sld [smem:$0x3FAC]  }
0x2d: {  	s3 =	simm.s32 $0x108;
	s8 =	sld [smem:$0x3FAD]  }
0x2e: {  	s3 =	simm.s32 @!p0 $0x1082;
	s9 =	sld [smem:$0x3FAE]  }
0x2f: {  	lr =	sadd.s32 s0, s3;
	s0 =	sld [smem:$0x3FA5]  }
0x30: {  	s3 =	sld [smem:$0x3FA8]  }
0x31: {  	[smem:$0x3FB1] =	sst s10  }
0x32: {  	s10 =	sld [smem:$0x3FAF];
	_ =	sdelay $0x3  }
0x33: {  	p0 =	seq.s32 s10, $0x1;
	s10 =	sld [smem:$0x3FB1];
	_ =	sdelay $0x3  }
0x34: {  	[smem:$0x3FB1] =	sst s10  }
0x35: {  	s10 =	sld [smem:$0x3FB0];
	_ =	sdelay $0x3  }
0x36: {  	p1 =	seq.s32 s10, $0x1;
	s10 =	sld [smem:$0x3FB1];
	_ =	sdelay $0x3  }
0x37: {  	[smem:$0x3FB1] =	sst s10  }
0x38: {  	s10 =	sld [smem:$0x3FB2]  }
0x39: {  	_ = 	snop;
	(pc) =	sbr.ind lr, $3  }
0x3a: {  	_ = 	snop  }
0x3b: {  	_ = 	snop  }
0x3c: {  	p2 =	seq.s32 s10, $0x1;
	s10 =	sld [smem:$0x3FB1]  }
0x3d: {  	_ =	shalt  }
0x3e: {  	_ =	shalt  }
0x3f: {  	_ =	shalt  }
0x40: {  	_ =	shalt  }
0x41: {  	_ =	shalt  }
0x42: {  	_ =	shalt  }
0x43: {  	_ =	shalt  }
0x44: {  	_ =	shalt  }
0x45: {  	_ =	shalt  }
0x46: {  	_ =	shalt  }
0x47: {  	_ =	shalt  }
0x48: {  	_ =	shalt  }
0x49: {  	_ =	shalt  }
0x4a: {  	_ =	shalt  }
0x4b: {  	_ =	shalt  }
0x4c: {  	_ =	shalt  }
0x4d: {  	_ =	shalt  }
0x4e: {  	_ =	shalt  }
0x4f: {  	_ =	shalt  }
0x50: {  	_ =	shalt  }
0x51: {  	_ =	shalt  }
0x52: {  	_ =	shalt  }
0x53: {  	_ =	shalt  }
0x54: {  	_ =	shalt  }
0x55: {  	_ =	shalt  }
0x56: {  	_ =	shalt  }
0x57: {  	_ =	shalt  }
0x58: {  	_ =	shalt  }
0x59: {  	_ =	shalt  }
0x5a: {  	_ =	shalt  }
0x5b: {  	_ =	shalt  }
0x5c: {  	_ =	shalt  }
0x5d: {  	_ =	shalt  }
0x5e: {  	_ =	shalt  }
0x5f: {  	_ =	shalt  }
0x60: {  	_ =	shalt  }
0x61: {  	_ =	shalt  }
0x62: {  	_ =	shalt  }
0x63: {  	_ =	shalt  }
0x64: {  	_ =	shalt  }
0x65: {  	_ =	shalt  }
0x66: {  	_ =	shalt  }
0x67: {  	_ =	shalt  }
0x68: {  	_ =	shalt  }
0x69: {  	_ =	shalt  }
0x6a: {  	_ =	shalt  }
0x6b: {  	_ =	shalt  }
0x6c: {  	_ =	shalt  }
0x6d: {  	_ =	shalt  }
0x6e: {  	_ =	shalt  }
0x6f: {  	_ =	shalt  }
0x70: {  	_ =	shalt  }
0x71: {  	_ =	shalt  }
0x72: {  	_ =	shalt  }
0x73: {  	_ =	shalt  }
0x74: {  	_ =	shalt  }
0x75: {  	_ =	shalt  }
0x76: {  	_ =	shalt  }
0x77: {  	_ =	shalt  }
0x78: {  	_ =	shalt  }
0x79: {  	_ =	shalt  }
0x7a: {  	_ =	shalt  }
0x7b: {  	_ =	shalt  }
0x7c: {  	_ =	shalt  }
0x7d: {  	_ =	shalt  }
0x7e: {  	_ =	shalt  }
0x7f: {  	_ =	shalt  }
0x80: {  	_ =	shalt  }
0x81: {  	_ =	shalt  }
0x82: {  	_ =	shalt  }
0x83: {  	_ =	shalt  }
0x84: {  	_ =	shalt  }
0x85: {  	_ =	shalt  }
0x86: {  	_ =	shalt  }
0x87: {  	_ =	shalt  }
.Lfunc_end0:
.L_simem_size_0:
called_computation.3_lowered:
.L_overlay_start_0:
0x88: {  	s2 =	sld [smem:$0x3FD9]  }
0x89: {  	s3 =	sld [smem:$0x3FFE];
	_ =	sdelay $0x1  }
0x8a: {  	s1 =	srdreg.scid  }
0x8b: {  	s0 =	sand.u32 $0x1, s1  }
0x8c: {  	s16 =	sshll.u32 s0, $0xA;
	s2 =	sadd.s32 s3, s2  }
0x8d: {  	s2 =	sadd.s32 s2, s16  }
0x8e: {  	[smem:$0x3FBD] =	sst s2  }
0x8f: {  	_ = 	snop  }
0x90: {  	(tm) =	ssettm $0x1  }
0x91: {  	s17 =	sld [smem:$0x3FFB];
	_ =	sdelay $0x3  }
0x92: {  	_ =	strace s17  }
0x93: {  	s2 =	sld [smem:$0x3FFC];
	_ =	sdelay $0x3  }
0x94: {  	_ =	strace s2  }
0x95: {  	s2 =	sld [smem:$0x3FFD];
	_ =	sdelay $0x3  }
0x96: {  	_ =	strace s2  }
0x97: {  	_ =	strace $0x8FFFFFFF  }
0x98: {  	s18 =	sld [smem:$0x3FDB];
	_ =	sdelay $0x1  }
0x99: {  	s19 =	simm.s32 $_scs_section_size  }
0x9a: {  	s4 =	simm.s32 $_size__tile_overlayer_lowered;
	s5 =	simm.s32 $_tile_overlayer_lowered  }
0x9b: {  	s22 =	simm.s32 $0x1BFF;
	s21 =	sshll.u32 s5, $0x1;
	s2 =	sadd.s32 s19, s18  }
0x9c: {  	s6 =	simm.s32 $0x0;
	s20 =	sshll.u32 s4, $0x1;
	s4 =	sadd.s32 s21, s2  }
0x9d: {  	[timem:s6], [sflag:s22] =	dma.local [hbm:s4], s20  }
0x9e: {  	_ =	swait.ge [sflag:s22], s20  }
0x9f: {  	s3 =	ssub.s32 $0x0, s20;
	[sflag:s22] =	ssyncset.done $0x0  }
0xa0: {  	[sflag:s22] =	ssyncadd.s32 s3;
	_ =	sdelay $0x1  }
0xa1: {  	s23 =	simm.s32 $0x1B8B  }
0xa2: {  	_ =	swait.ge [sflag:s23], $0x1  }
0xa3: {  	[sflag:s23] =	ssyncset.done $0x0  }
0xa4: {  	s25 =	simm.s32 $0x1B8E;
	s24 =	sld [smem:$0x3FFE];
	[sflag:s23] =	ssyncadd.s32 $0xFFFFFFFF  }
0xa5: {  	s26 =	simm.s32 $execute0_lowered;
	[smem:$0x3FD2] =	sst s25  }
0xa6: {  	s4 =	sshll.u32 s26, $0x1;
	_ =	strace $0x8000004C;
	[dreg:$0x1] =	wrdreg $0xFFFFFFFF  }
0xa7: {  	s28 =	simm.s32 $_size_execute0_lowered;
	s2 =	sadd.s32 s2, s4;
	[dreg:$0x0] =	wrdreg $0x0  }
0xa8: {  	s4 =	sshll.u32 s28, $0x1;
	[dreg:$0x2] =	wrdreg s2  }
0xa9: {  	[dreg:$0x3] =	wrdreg s4  }
0xaa: {  	[dreg:$0x4] =	wrdreg $0xC0  }
0xab: {  	_ =	task [dreg:s6], $0x5FFFF  }
0xac: {  	[dreg:$0x1] =	wrdreg $0xFFFFFFFF  }
0xad: {  	[dreg:$0x0] =	wrdreg $0x60  }
0xae: {  	[dreg:$0x2] =	wrdreg s24  }
0xaf: {  	[dreg:$0x3] =	wrdreg $0x0  }
0xb0: {  	[dreg:$0x4] =	wrdreg $0xA  }
0xb1: {  	_ =	task.clear_ibuf [dreg:s6], $0x5FFFF;
	_ =	strace $0x9000004C  }
0xb2: {  	s29 =	simm.s32 $0xA;
	_ =	strace $0x8000004E  }
0xb3: {  	_ =	swait.ge [sflag:s29], $0x1  }
0xb4: {  	[sflag:s29] =	ssyncadd.s32 $0xFFFFFFFF  }
0xb5: {  	_ =	strace $0x9000004E  }
0xb6: {  	_ =	sfence  }
0xb7: {  	s30 =	sld [smem:$0x0];
	_ =	sdelay $0x2  }
0xb8: {  	s31 =	sshll.u32 s1, $0xD;
	s1 =	sshrl.u32 s1, $0x2  }
0xb9: {  	s3 =	sand.u32 $0x4000, s31;
	s1 =	sadd.s32 s1, s30  }
0xba: {  	s0 =	sor.u32 s3, s0;
	s1 =	sshll.u32 s1, $0x11  }
0xbb: {  	s0 =	sor.u32 s1, s0  }
0xbc: {  	s0 =	sadd.s32 $0x8F2B, s0  }
0xbd: {  	[sflag:s0] =	ssyncadd.remote.s32 $0x1  }
0xbe: {  	_ =	sfence.sel $0xFFFF  }
0xbf: {  	[dreg:$0x0] =	wrdreg $0xFFFFFFFF;
	(pc) =	sbr.abs _section_cstart, $3  }
0xc0: {  	[dreg:$0x1] =	wrdreg $0xFFFFFFFF  }
0xc1: {  	_ =	task.clear_ibuf [dreg:s6], $0x2FFFF;
	_ =	strace $0x9FFFFFFF  }
0xc2: {  	(tm) =	ssettm $0x7FFFFFFF  }
0xc3: {  	_ =	shalt  }
tec
execute0_lowered:
.L_overlay_start_1:
0x0: {  	(tag) =	ssettag $0x1  }
0x1: {  	s0 =	rddreg [dreg:$0x0]  }
0x2: {  	s1 =	rddreg [dreg:$0x1]  }
0x3: {  	s2 =	simm.s32 $0x0;
	s6 =	srdreg.scid;
	s14 =	stileid.u32  }
0x4: {  	s18 =	simm.s32 $0x9;
	s19 =	simm.s32 $0x13C00;
	s20 =	simm.s32 $0x13C80  }
0x5: {  	s28 =	simm.s32 $0x17D80;
	s29 =	simm.s32 $0x7;
	s30 =	simm.s32 $0x8  }
0x6: {  	s31 =	simm.s32 $0x17E00;
	[smem:$0x7FF] =	sst s2;
	s4 =	sadd.s32 $0x34400, s0  }
0x7: {  	s5 =	sadd.s32 $0xD200, s0;
	s3 =	sadd.s32 $0x8200, s0;
	s8 =	sadd.s32 $0x3200, s0  }
0x8: {  	s6 =	sand.u32 $0x1, s6;
	s7 =	smul.u32 $0x4F000, s14;
	s9 =	sadd.s32 $0x5B600, s0  }
0x9: {  	s10 =	smul.u32 $0x13C00, s14;
	s0 =	sadd.s32 $0xFBA00, s0;
	s23 =	sshll.u32 s14, $0x6  }
0xa: {  	s12 =	smul.u32 $0x2780, s14;
	s13 =	sshll.u32 s14, $0x4;
	p2 =	slt.u32 s14, $0x2  }
0xb: {  	p3 =	sgt.u32 s14, $0x1;
	_ =	strace $0x8000004D;
	s21 =	ssub.s32 $0x2, s6  }
0xc: {  	[dreg:$0x3] =	wrdreg s9;
	p0 =	seq.s32 s6, $0x0;
	s11 =	sshrl.u32 s21, $0x1  }
0xd: {  	s7 =	sshrl.u32 s7, $0x2;
	s22 =	sshrl.u32 s10, $0x3;
	s9 =	ssub.s32 s21, s11  }
0xe: {  	s17 =	sadd.s32 s7, s1;
	s24 =	sadd.s32 s0, s22;
	s7 =	sor.u32 $0x1C09, s23  }
0xf: {  	s0 =	sadd.s32 s0, s12;
	s11 =	sadd.s32 s3, s13;
	s12 =	sadd.s32 s8, s13  }
0x10: {  	s21 =	simm.s32 $0x5;
	s22 =	simm.s32 $0x6;
	s23 =	simm.s32 $0x80  }
0x11: {  	s25 =	sadd.s32 $0x27800, s24;
	[dreg:$0x5] =	wrdreg s0;
	s26 =	smax.u32 s9, $0x1  }
0x12: {  	s9 =	sor.u32 $0x100, s13;
	s13 =	sor.u32 $0x4E0, s14;
	[dreg:$0x4] =	wrdreg s25  }
0x13: {  	s17 =	sshrl.u32 s17, $0x3;
	s24 =	simm.s32 $0x13D00;
	[dreg:$0x6] =	wrdreg s26  }
.Ltmp0:
0x14: {  	s25 =	sadd.s32 s3, s9;
	s0 =	sadd.s32 s8, s9;
	(pc) =	sbr.rel .LBB2_1-.Ltmp0, $4  }
0x15: {  	s26 =	sshll.u32 s13, $0x4;
	p1 =	sgt.u32 s13, $0x4E1;
	[dreg:$0x7] =	wrdreg s25  }
0x16: {  	s9 =	simm.s32 $0x0;
	[dreg:$0x8] =	wrdreg s0;
	s15 =	sadd.s32 s3, s26  }
0x17: {  	s16 =	sadd.s32 s8, s26;
	s25 =	simm.s32 $0x1;
	s26 =	simm.s32 $0x17D00  }
0x18: {  	s0 =	simm.s32 $0x2;
	s3 =	simm.s32 $0x3;
	s8 =	simm.s32 $0x4  }
.LBB2_8:
0x19: {  	_ =	swait.ge [sflag:s3], $0x4000  }
0x1a: {  	[sflag:s3] =	ssyncset.done $0x0  }
0x1b: {  	[sflag:s3] =	ssyncadd.s32 $0xFFFFC000  }
.LBB2_9:
0x1c: {  	[bflag:$0x0] =	sbarrier.arrive $0xFFFF  }
0x1d: {  	[hbm:s6], [sflag:s7] =	dma.local [spmem:s17], $0x2780  }
0x1e: {  	_ =	swait.ge [sflag:s18], $0x2780  }
0x1f: {  	s9 =	sadd.s32 $0x1, s9;
	s14 =	rddreg [dreg:$0x6]  }
0x20: {  	p4 =	sne.s32 s9, s14  }
.Ltmp1:
0x21: {  	_ = 	snop;
	(pc) =	sbr.rel @!p4 .LBB2_10-.Ltmp1, $3  }
0x22: {  	_ =	sdelay $0x1  }
0x23: {  	[sflag:s18] =	ssyncset.done $0x0  }
0x24: {  	[sflag:s18] =	ssyncadd.s32 $0xFFFFD880  }
.LBB2_1:
0x25: {  	s6 =	rddreg [dreg:$0x3]  }
0x26: {  	[spmem:s17], [sflag:s7] =	dma.local [hbm:s6], $0x2780  }
.Ltmp2:
0x27: {  	_ =	swait.ge [sflag:s18], $0x2780;
	(pc) =	sbr.rel @!p0 .LBB2_2-.Ltmp2, $3  }
0x28: {  	[sflag:s18] =	ssyncset.done $0x0  }
0x29: {  	[sflag:s18] =	ssyncadd.s32 $0xFFFFD880  }
0x2a: {  	[bflag:$0x0] =	sbarrier.arrive $0xFFFF;
	_ =	sdelay $0x1  }
0x2b: {  	[tilespmem:s19], [sflag:$0x5] =	stream.linear.gather [hbm4b:s11+s2], $0x80, $0x38;
	[tilespmem:$0x1BE00] =	vst v63  }
0x2c: {  	_ = 	snop  }
0x2d: {  	[tilespmem:s20], [sflag:$0x6] =	stream.linear.gather [hbm4b:s12+s2], $0x80, $0x38;
	[tilespmem:$0x1BE00] =	vst v63  }
0x2e: {  	_ =	swait.ge [sflag:s21], $0x80  }
0x2f: {  	[sflag:s21] =	ssyncset.done $0x0  }
0x30: {  	[sflag:s21] =	ssyncadd.s32 $0xFFFFFF80  }
0x31: {  	_ =	swait.ge [sflag:s22], $0x80  }
0x32: {  	[sflag:s22] =	ssyncset.done $0x0  }
0x33: {  	[sflag:s22] =	ssyncadd.s32 $0xFFFFFF80  }
0x34: {  	[tilespmem:s24], [sflag:$0x1] =	stream.indirect.gather [hbm4b:s4+s23], $0x80, s19, s23, $0xb8;
	[tilespmem:$0x1BE00] =	vst v63  }
0x35: {  	_ =	swait.ge [sflag:s25], $0x4000  }
0x36: {  	[sflag:s25] =	ssyncset.done $0x0  }
0x37: {  	[sflag:s25] =	ssyncadd.s32 $0xFFFFC000  }
0x38: {  	[spmem:s1] =	stream.indirect.scatter.add.f32 [tilespmem:s24], [sflag:$0x3], $0x80, s20, s23, $0xb8;
	[tilespmem:$0x1BE00] =	vst v63  }
0x39: {  	s6 =	rddreg [dreg:$0x7]  }
0x3a: {  	[tilespmem:s26], [sflag:$0x7] =	stream.linear.gather [hbm4b:s6+s2], $0x80, $0x38;
	[tilespmem:$0x1BE00] =	vst v63  }
0x3b: {  	s13 =	rddreg [dreg:$0x8]  }
0x3c: {  	[tilespmem:s28], [sflag:$0x8] =	stream.linear.gather [hbm4b:s13+s2], $0x80, $0x38;
	[tilespmem:$0x1BE00] =	vst v63  }
0x3d: {  	_ =	swait.ge [sflag:s29], $0x80  }
0x3e: {  	[sflag:s29] =	ssyncset.done $0x0  }
0x3f: {  	[sflag:s29] =	ssyncadd.s32 $0xFFFFFF80  }
0x40: {  	_ =	swait.ge [sflag:s30], $0x80  }
0x41: {  	[sflag:s30] =	ssyncset.done $0x0  }
0x42: {  	[sflag:s30] =	ssyncadd.s32 $0xFFFFFF80  }
0x43: {  	[tilespmem:s31], [sflag:$0x2] =	stream.indirect.gather [hbm4b:s4+s23], $0x80, s26, s23, $0xb8;
	[tilespmem:$0x1BE00] =	vst v63  }
0x44: {  	_ =	swait.ge [sflag:s0], $0x4000  }
0x45: {  	[sflag:s0] =	ssyncset.done $0x0  }
0x46: {  	[sflag:s0] =	ssyncadd.s32 $0xFFFFC000  }
0x47: {  	[spmem:s1] =	stream.indirect.scatter.add.f32 [tilespmem:s31], [sflag:$0x4], $0x80, s28, s23, $0xb8;
	[tilespmem:$0x1BE00] =	vst v63  }
0x48: {  	_ =	swait.ge [sflag:s3], $0x4000  }
0x49: {  	s6 =	sadd.s32 $0xFFFFB400, s11;
	[sflag:s3] =	ssyncset.done $0x0  }
0x4a: {  	s10 =	sadd.s32 $0x4E00, s6;
	s13 =	sadd.s32 $0xFFFFB400, s12;
	[sflag:s3] =	ssyncadd.s32 $0xFFFFC000  }
0x4b: {  	[tilespmem:s19], [sflag:$0x5] =	stream.linear.gather [hbm4b:s10+s2], $0x80, $0x38;
	[tilespmem:$0x1BE00] =	vst v63  }
0x4c: {  	s14 =	sadd.s32 $0x4E00, s13  }
0x4d: {  	[tilespmem:s20], [sflag:$0x6] =	stream.linear.gather [hbm4b:s14+s2], $0x80, $0x38;
	[tilespmem:$0x1BE00] =	vst v63  }
0x4e: {  	_ =	swait.ge [sflag:s21], $0x80  }
0x4f: {  	[sflag:s21] =	ssyncset.done $0x0  }
0x50: {  	[sflag:s21] =	ssyncadd.s32 $0xFFFFFF80  }
0x51: {  	_ =	swait.ge [sflag:s22], $0x80  }
0x52: {  	[sflag:s22] =	ssyncset.done $0x0  }
0x53: {  	[sflag:s22] =	ssyncadd.s32 $0xFFFFFF80  }
0x54: {  	[tilespmem:s24], [sflag:$0x1] =	stream.indirect.gather [hbm4b:s4+s23], $0x80, s19, s23, $0xb8;
	[tilespmem:$0x1BE00] =	vst v63  }
0x55: {  	_ =	swait.ge [sflag:s25], $0x4000  }
0x56: {  	[sflag:s25] =	ssyncset.done $0x0  }
0x57: {  	[sflag:s25] =	ssyncadd.s32 $0xFFFFC000  }
0x58: {  	[spmem:s1] =	stream.indirect.scatter.add.f32 [tilespmem:s24], [sflag:$0x3], $0x80, s20, s23, $0xb8;
	[tilespmem:$0x1BE00] =	vst v63  }
0x59: {  	_ =	swait.ge [sflag:s8], $0x4000  }
0x5a: {  	[sflag:s8] =	ssyncset.done $0x0  }
0x5b: {  	s6 =	sadd.s32 $0x4F00, s6;
	[sflag:s8] =	ssyncadd.s32 $0xFFFFC000  }
0x5c: {  	[tilespmem:s26], [sflag:$0x7] =	stream.linear.gather [hbm4b:s6+s2], $0x80, $0x38;
	[tilespmem:$0x1BE00] =	vst v63  }
0x5d: {  	s14 =	sadd.s32 $0x4F00, s13  }
0x5e: {  	[tilespmem:s28], [sflag:$0x8] =	stream.linear.gather [hbm4b:s14+s2], $0x80, $0x38;
	[tilespmem:$0x1BE00] =	vst v63  }
0x5f: {  	_ =	swait.ge [sflag:s29], $0x80  }
0x60: {  	[sflag:s29] =	ssyncset.done $0x0  }
0x61: {  	[sflag:s29] =	ssyncadd.s32 $0xFFFFFF80  }
0x62: {  	_ =	swait.ge [sflag:s30], $0x80  }
0x63: {  	[sflag:s30] =	ssyncset.done $0x0  }
0x64: {  	[sflag:s30] =	ssyncadd.s32 $0xFFFFFF80  }
0x65: {  	[tilespmem:s31], [sflag:$0x2] =	stream.indirect.gather [hbm4b:s4+s23], $0x80, s26, s23, $0xb8;
	[tilespmem:$0x1BE00] =	vst v63  }
0x66: {  	_ =	swait.ge [sflag:s0], $0x4000  }
0x67: {  	[sflag:s0] =	ssyncset.done $0x0  }
0x68: {  	s6 =	simm.s32 $0xFFFFB600;
	[sflag:s0] =	ssyncadd.s32 $0xFFFFC000  }
.LBB2_6:
0x69: {  	[spmem:s1] =	stream.indirect.scatter.add.f32 [tilespmem:s31], [sflag:$0x4], $0x80, s28, s23, $0xb8;
	[tilespmem:$0x1BE00] =	vst v63  }
0x6a: {  	s10 =	smov.u32 s6  }
0x6b: {  	p4 =	sne.s32 s6, $0xFFFFFE00;
	s6 =	sadd.s32 $0x200, s6;
	_ =	swait.ge [sflag:s3], $0x4000  }
0x6c: {  	s13 =	sadd.s32 s10, s11;
	[sflag:s3] =	ssyncset.done $0x0  }
0x6d: {  	s10 =	sadd.s32 s10, s12;
	s14 =	sadd.s32 $0x4E00, s13;
	[sflag:s3] =	ssyncadd.s32 $0xFFFFC000  }
0x6e: {  	[tilespmem:s19], [sflag:$0x5] =	stream.linear.gather [hbm4b:s14+s2], $0x80, $0x38;
	[tilespmem:$0x1BE00] =	vst v63  }
0x6f: {  	s14 =	sadd.s32 $0x4E00, s10  }
0x70: {  	[tilespmem:s20], [sflag:$0x6] =	stream.linear.gather [hbm4b:s14+s2], $0x80, $0x38;
	[tilespmem:$0x1BE00] =	vst v63  }
0x71: {  	_ =	swait.ge [sflag:s21], $0x80  }
0x72: {  	[sflag:s21] =	ssyncset.done $0x0  }
0x73: {  	[sflag:s21] =	ssyncadd.s32 $0xFFFFFF80  }
0x74: {  	_ =	swait.ge [sflag:s22], $0x80  }
0x75: {  	[sflag:s22] =	ssyncset.done $0x0  }
0x76: {  	[sflag:s22] =	ssyncadd.s32 $0xFFFFFF80  }
0x77: {  	[tilespmem:s24], [sflag:$0x1] =	stream.indirect.gather [hbm4b:s4+s23], $0x80, s19, s23, $0xb8;
	[tilespmem:$0x1BE00] =	vst v63  }
0x78: {  	_ =	swait.ge [sflag:s25], $0x4000  }
0x79: {  	[sflag:s25] =	ssyncset.done $0x0  }
0x7a: {  	[sflag:s25] =	ssyncadd.s32 $0xFFFFC000  }
0x7b: {  	[spmem:s1] =	stream.indirect.scatter.add.f32 [tilespmem:s24], [sflag:$0x3], $0x80, s20, s23, $0xb8;
	[tilespmem:$0x1BE00] =	vst v63  }
0x7c: {  	_ =	swait.ge [sflag:s8], $0x4000  }
0x7d: {  	[sflag:s8] =	ssyncset.done $0x0  }
0x7e: {  	s13 =	sadd.s32 $0x4F00, s13;
	[sflag:s8] =	ssyncadd.s32 $0xFFFFC000  }
0x7f: {  	[tilespmem:s26], [sflag:$0x7] =	stream.linear.gather [hbm4b:s13+s2], $0x80, $0x38;
	[tilespmem:$0x1BE00] =	vst v63  }
0x80: {  	s10 =	sadd.s32 $0x4F00, s10  }
0x81: {  	[tilespmem:s28], [sflag:$0x8] =	stream.linear.gather [hbm4b:s10+s2], $0x80, $0x38;
	[tilespmem:$0x1BE00] =	vst v63  }
0x82: {  	_ =	swait.ge [sflag:s29], $0x80  }
0x83: {  	[sflag:s29] =	ssyncset.done $0x0  }
0x84: {  	[sflag:s29] =	ssyncadd.s32 $0xFFFFFF80  }
0x85: {  	_ =	swait.ge [sflag:s30], $0x80  }
0x86: {  	[sflag:s30] =	ssyncset.done $0x0  }
.Ltmp3:
0x87: {  	[sflag:s30] =	ssyncadd.s32 $0xFFFFFF80;
	(pc) =	sbr.rel @p4 .LBB2_6-.Ltmp3, $4  }
0x88: {  	[tilespmem:s31], [sflag:$0x2] =	stream.indirect.gather [hbm4b:s4+s23], $0x80, s26, s23, $0xb8;
	[tilespmem:$0x1BE00] =	vst v63  }
0x89: {  	_ =	swait.ge [sflag:s0], $0x4000  }
0x8a: {  	[sflag:s0] =	ssyncset.done $0x0  }
0x8b: {  	[sflag:s0] =	ssyncadd.s32 $0xFFFFC000  }
0x8c: {  	[spmem:s1] =	stream.indirect.scatter.add.f32 [tilespmem:s31], [sflag:$0x4], $0x80, s28, s23, $0xb8;
	[tilespmem:$0x1BE00] =	vst v63  }
0x8d: {  	_ =	swait.ge [sflag:s3], $0x4000  }
0x8e: {  	[sflag:s3] =	ssyncset.done $0x0  }
0x8f: {  	s6 =	simm.s32 @!p1 $0x0;
	s10 =	simm.s32 @!p1 $0x13C00;
	[sflag:s3] =	ssyncadd.s32 $0xFFFFC000  }
0x90: {  	[tilespmem:s10], [sflag:$0x5] =	stream.linear.gather @!p1 [hbm4b:s15+s6], $0x80, $0x38;
	[tilespmem:$0x1BE00] =	vst v63  }
0x91: {  	s13 =	simm.s32 @!p1 $0x13C80  }
0x92: {  	[tilespmem:s13], [sflag:$0x6] =	stream.linear.gather @!p1 [hbm4b:s16+s6], $0x80, $0x38;
	[tilespmem:$0x1BE00] =	vst v63  }
0x93: {  	s6 =	simm.s32 @!p1 $0x5  }
0x94: {  	_ =	swait.ge @!p1 [sflag:s6], $0x80  }
0x95: {  	[sflag:s6] =	ssyncset.done @!p1 $0x0  }
0x96: {  	[sflag:s6] =	ssyncadd.s32 @!p1 $0xFFFFFF80;
	s6 =	simm.s32 @!p1 $0x6  }
0x97: {  	_ =	swait.ge @!p1 [sflag:s6], $0x80  }
0x98: {  	[sflag:s6] =	ssyncset.done @!p1 $0x0  }
0x99: {  	s14 =	simm.s32 @!p1 $0x13D00;
	[sflag:s6] =	ssyncadd.s32 @!p1 $0xFFFFFF80;
	s6 =	simm.s32 @!p1 $0x80  }
0x9a: {  	[tilespmem:s14], [sflag:$0x1] =	stream.indirect.gather @!p1 [hbm4b:s4+s6], $0x80, s10, s6, $0xb8;
	[tilespmem:$0x1BE00] =	vst v63  }
0x9b: {  	s10 =	simm.s32 @!p1 $0x1  }
0x9c: {  	_ =	swait.ge @!p1 [sflag:s10], $0x4000  }
0x9d: {  	[sflag:s10] =	ssyncset.done @!p1 $0x0  }
0x9e: {  	[sflag:s10] =	ssyncadd.s32 @!p1 $0xFFFFC000  }
0x9f: {  	[spmem:s1] =	stream.indirect.scatter.add.f32 @!p1 [tilespmem:s14], [sflag:$0x3], $0x80, s13, s6, $0xb8;
	[tilespmem:$0x1BE00] =	vst v63  }
.Ltmp4:
0xa0: {  	_ = 	snop;
	(pc) =	sbr.rel @!p2 .LBB2_9-.Ltmp4, $4  }
.Ltmp5:
0xa1: {  	_ = 	snop;
	(pc) =	sbr.rel @p2 .LBB2_8-.Ltmp5, $4  }
0xa2: {  	_ =	swait.ge [sflag:s8], $0x4000  }
0xa3: {  	[sflag:s8] =	ssyncset.done $0x0  }
0xa4: {  	s6 =	rddreg [dreg:$0x5];
	[sflag:s8] =	ssyncadd.s32 $0xFFFFC000  }
0xa5: {  	_ = 	snop  }
.LBB2_2:
0xa6: {  	[tilespmem:s19], [sflag:$0x5] =	stream.linear.gather [hbm4b:s11+s2], $0x80, $0x38;
	[tilespmem:$0x1BE00] =	vst v63  }
0xa7: {  	_ = 	snop  }
0xa8: {  	[tilespmem:s20], [sflag:$0x6] =	stream.linear.gather [hbm4b:s12+s2], $0x80, $0x38;
	[tilespmem:$0x1BE00] =	vst v63  }
0xa9: {  	_ =	swait.ge [sflag:s21], $0x80  }
0xaa: {  	[sflag:s21] =	ssyncset.done $0x0  }
0xab: {  	[sflag:s21] =	ssyncadd.s32 $0xFFFFFF80  }
0xac: {  	_ =	swait.ge [sflag:s22], $0x80  }
0xad: {  	[sflag:s22] =	ssyncset.done $0x0  }
0xae: {  	[sflag:s22] =	ssyncadd.s32 $0xFFFFFF80  }
0xaf: {  	[tilespmem:s24], [sflag:$0x1] =	stream.indirect.gather [hbm4b:s5+s23], $0x80, s19, s23, $0xb8;
	[tilespmem:$0x1BE00] =	vst v63  }
0xb0: {  	_ =	swait.ge [sflag:s25], $0x4000  }
0xb1: {  	[sflag:s25] =	ssyncset.done $0x0  }
0xb2: {  	[sflag:s25] =	ssyncadd.s32 $0xFFFFC000  }
0xb3: {  	[spmem:s1] =	stream.indirect.scatter.add.f32 [tilespmem:s24], [sflag:$0x3], $0x80, s20, s23, $0xb8;
	[tilespmem:$0x1BE00] =	vst v63  }
0xb4: {  	s6 =	rddreg [dreg:$0x7]  }
0xb5: {  	[tilespmem:s26], [sflag:$0x7] =	stream.linear.gather [hbm4b:s6+s2], $0x80, $0x38;
	[tilespmem:$0x1BE00] =	vst v63  }
0xb6: {  	s13 =	rddreg [dreg:$0x8]  }
0xb7: {  	[tilespmem:s28], [sflag:$0x8] =	stream.linear.gather [hbm4b:s13+s2], $0x80, $0x38;
	[tilespmem:$0x1BE00] =	vst v63  }
0xb8: {  	_ =	swait.ge [sflag:s29], $0x80  }
0xb9: {  	[sflag:s29] =	ssyncset.done $0x0  }
0xba: {  	[sflag:s29] =	ssyncadd.s32 $0xFFFFFF80  }
0xbb: {  	_ =	swait.ge [sflag:s30], $0x80  }
0xbc: {  	[sflag:s30] =	ssyncset.done $0x0  }
0xbd: {  	[sflag:s30] =	ssyncadd.s32 $0xFFFFFF80  }
0xbe: {  	[tilespmem:s31], [sflag:$0x2] =	stream.indirect.gather [hbm4b:s5+s23], $0x80, s26, s23, $0xb8;
	[tilespmem:$0x1BE00] =	vst v63  }
0xbf: {  	_ =	swait.ge [sflag:s0], $0x4000  }
0xc0: {  	[sflag:s0] =	ssyncset.done $0x0  }
0xc1: {  	[sflag:s0] =	ssyncadd.s32 $0xFFFFC000  }
0xc2: {  	[spmem:s1] =	stream.indirect.scatter.add.f32 [tilespmem:s31], [sflag:$0x4], $0x80, s28, s23, $0xb8;
	[tilespmem:$0x1BE00] =	vst v63  }
0xc3: {  	_ =	swait.ge [sflag:s3], $0x4000  }
0xc4: {  	s6 =	sadd.s32 $0xFFFFB400, s11;
	[sflag:s3] =	ssyncset.done $0x0  }
0xc5: {  	s10 =	sadd.s32 $0x4E00, s6;
	s13 =	sadd.s32 $0xFFFFB400, s12;
	[sflag:s3] =	ssyncadd.s32 $0xFFFFC000  }
0xc6: {  	[tilespmem:s19], [sflag:$0x5] =	stream.linear.gather [hbm4b:s10+s2], $0x80, $0x38;
	[tilespmem:$0x1BE00] =	vst v63  }
0xc7: {  	s14 =	sadd.s32 $0x4E00, s13  }
0xc8: {  	[tilespmem:s20], [sflag:$0x6] =	stream.linear.gather [hbm4b:s14+s2], $0x80, $0x38;
	[tilespmem:$0x1BE00] =	vst v63  }
0xc9: {  	_ =	swait.ge [sflag:s21], $0x80  }
0xca: {  	[sflag:s21] =	ssyncset.done $0x0  }
0xcb: {  	[sflag:s21] =	ssyncadd.s32 $0xFFFFFF80  }
0xcc: {  	_ =	swait.ge [sflag:s22], $0x80  }
0xcd: {  	[sflag:s22] =	ssyncset.done $0x0  }
0xce: {  	[sflag:s22] =	ssyncadd.s32 $0xFFFFFF80  }
0xcf: {  	[tilespmem:s24], [sflag:$0x1] =	stream.indirect.gather [hbm4b:s5+s23], $0x80, s19, s23, $0xb8;
	[tilespmem:$0x1BE00] =	vst v63  }
0xd0: {  	_ =	swait.ge [sflag:s25], $0x4000  }
0xd1: {  	[sflag:s25] =	ssyncset.done $0x0  }
0xd2: {  	[sflag:s25] =	ssyncadd.s32 $0xFFFFC000  }
0xd3: {  	[spmem:s1] =	stream.indirect.scatter.add.f32 [tilespmem:s24], [sflag:$0x3], $0x80, s20, s23, $0xb8;
	[tilespmem:$0x1BE00] =	vst v63  }
0xd4: {  	_ =	swait.ge [sflag:s8], $0x4000  }
0xd5: {  	[sflag:s8] =	ssyncset.done $0x0  }
0xd6: {  	s6 =	sadd.s32 $0x4F00, s6;
	[sflag:s8] =	ssyncadd.s32 $0xFFFFC000  }
0xd7: {  	[tilespmem:s26], [sflag:$0x7] =	stream.linear.gather [hbm4b:s6+s2], $0x80, $0x38;
	[tilespmem:$0x1BE00] =	vst v63  }
0xd8: {  	s14 =	sadd.s32 $0x4F00, s13  }
0xd9: {  	[tilespmem:s28], [sflag:$0x8] =	stream.linear.gather [hbm4b:s14+s2], $0x80, $0x38;
	[tilespmem:$0x1BE00] =	vst v63  }
0xda: {  	_ =	swait.ge [sflag:s29], $0x80  }
0xdb: {  	[sflag:s29] =	ssyncset.done $0x0  }
0xdc: {  	[sflag:s29] =	ssyncadd.s32 $0xFFFFFF80  }
0xdd: {  	_ =	swait.ge [sflag:s30], $0x80  }
0xde: {  	[sflag:s30] =	ssyncset.done $0x0  }
0xdf: {  	[sflag:s30] =	ssyncadd.s32 $0xFFFFFF80  }
0xe0: {  	[tilespmem:s31], [sflag:$0x2] =	stream.indirect.gather [hbm4b:s5+s23], $0x80, s26, s23, $0xb8;
	[tilespmem:$0x1BE00] =	vst v63  }
0xe1: {  	_ =	swait.ge [sflag:s0], $0x4000  }
0xe2: {  	[sflag:s0] =	ssyncset.done $0x0  }
0xe3: {  	s6 =	simm.s32 $0xFFFFB600;
	[sflag:s0] =	ssyncadd.s32 $0xFFFFC000  }
.LBB2_3:
0xe4: {  	[spmem:s1] =	stream.indirect.scatter.add.f32 [tilespmem:s31], [sflag:$0x4], $0x80, s28, s23, $0xb8;
	[tilespmem:$0x1BE00] =	vst v63  }
0xe5: {  	s10 =	smov.u32 s6  }
0xe6: {  	p4 =	sne.s32 s6, $0xFFFFFE00;
	s6 =	sadd.s32 $0x200, s6;
	_ =	swait.ge [sflag:s3], $0x4000  }
0xe7: {  	s13 =	sadd.s32 s10, s11;
	[sflag:s3] =	ssyncset.done $0x0  }
0xe8: {  	s10 =	sadd.s32 s10, s12;
	s14 =	sadd.s32 $0x4E00, s13;
	[sflag:s3] =	ssyncadd.s32 $0xFFFFC000  }
0xe9: {  	[tilespmem:s19], [sflag:$0x5] =	stream.linear.gather [hbm4b:s14+s2], $0x80, $0x38;
	[tilespmem:$0x1BE00] =	vst v63  }
0xea: {  	s14 =	sadd.s32 $0x4E00, s10  }
0xeb: {  	[tilespmem:s20], [sflag:$0x6] =	stream.linear.gather [hbm4b:s14+s2], $0x80, $0x38;
	[tilespmem:$0x1BE00] =	vst v63  }
0xec: {  	_ =	swait.ge [sflag:s21], $0x80  }
0xed: {  	[sflag:s21] =	ssyncset.done $0x0  }
0xee: {  	[sflag:s21] =	ssyncadd.s32 $0xFFFFFF80  }
0xef: {  	_ =	swait.ge [sflag:s22], $0x80  }
0xf0: {  	[sflag:s22] =	ssyncset.done $0x0  }
0xf1: {  	[sflag:s22] =	ssyncadd.s32 $0xFFFFFF80  }
0xf2: {  	[tilespmem:s24], [sflag:$0x1] =	stream.indirect.gather [hbm4b:s5+s23], $0x80, s19, s23, $0xb8;
	[tilespmem:$0x1BE00] =	vst v63  }
0xf3: {  	_ =	swait.ge [sflag:s25], $0x4000  }
0xf4: {  	[sflag:s25] =	ssyncset.done $0x0  }
0xf5: {  	[sflag:s25] =	ssyncadd.s32 $0xFFFFC000  }
0xf6: {  	[spmem:s1] =	stream.indirect.scatter.add.f32 [tilespmem:s24], [sflag:$0x3], $0x80, s20, s23, $0xb8;
	[tilespmem:$0x1BE00] =	vst v63  }
0xf7: {  	_ =	swait.ge [sflag:s8], $0x4000  }
0xf8: {  	[sflag:s8] =	ssyncset.done $0x0  }
0xf9: {  	s13 =	sadd.s32 $0x4F00, s13;
	[sflag:s8] =	ssyncadd.s32 $0xFFFFC000  }
0xfa: {  	[tilespmem:s26], [sflag:$0x7] =	stream.linear.gather [hbm4b:s13+s2], $0x80, $0x38;
	[tilespmem:$0x1BE00] =	vst v63  }
0xfb: {  	s10 =	sadd.s32 $0x4F00, s10  }
0xfc: {  	[tilespmem:s28], [sflag:$0x8] =	stream.linear.gather [hbm4b:s10+s2], $0x80, $0x38;
	[tilespmem:$0x1BE00] =	vst v63  }
0xfd: {  	_ =	swait.ge [sflag:s29], $0x80  }
0xfe: {  	[sflag:s29] =	ssyncset.done $0x0  }
0xff: {  	[sflag:s29] =	ssyncadd.s32 $0xFFFFFF80  }
0x100: {  	_ =	swait.ge [sflag:s30], $0x80  }
0x101: {  	[sflag:s30] =	ssyncset.done $0x0  }
.Ltmp6:
0x102: {  	[sflag:s30] =	ssyncadd.s32 $0xFFFFFF80;
	(pc) =	sbr.rel @p4 .LBB2_3-.Ltmp6, $4  }
0x103: {  	[tilespmem:s31], [sflag:$0x2] =	stream.indirect.gather [hbm4b:s5+s23], $0x80, s26, s23, $0xb8;
	[tilespmem:$0x1BE00] =	vst v63  }
0x104: {  	_ =	swait.ge [sflag:s0], $0x4000  }
0x105: {  	[sflag:s0] =	ssyncset.done $0x0  }
0x106: {  	[sflag:s0] =	ssyncadd.s32 $0xFFFFC000  }
0x107: {  	[spmem:s1] =	stream.indirect.scatter.add.f32 [tilespmem:s31], [sflag:$0x4], $0x80, s28, s23, $0xb8;
	[tilespmem:$0x1BE00] =	vst v63  }
0x108: {  	_ =	swait.ge [sflag:s3], $0x4000  }
0x109: {  	[sflag:s3] =	ssyncset.done $0x0  }
0x10a: {  	s6 =	simm.s32 @!p1 $0x0;
	s10 =	simm.s32 @!p1 $0x13C00;
	[sflag:s3] =	ssyncadd.s32 $0xFFFFC000  }
0x10b: {  	[tilespmem:s10], [sflag:$0x5] =	stream.linear.gather @!p1 [hbm4b:s15+s6], $0x80, $0x38;
	[tilespmem:$0x1BE00] =	vst v63  }
0x10c: {  	s13 =	simm.s32 @!p1 $0x13C80  }
0x10d: {  	[tilespmem:s13], [sflag:$0x6] =	stream.linear.gather @!p1 [hbm4b:s16+s6], $0x80, $0x38;
	[tilespmem:$0x1BE00] =	vst v63  }
0x10e: {  	s6 =	simm.s32 @!p1 $0x5  }
0x10f: {  	_ =	swait.ge @!p1 [sflag:s6], $0x80  }
0x110: {  	[sflag:s6] =	ssyncset.done @!p1 $0x0  }
0x111: {  	[sflag:s6] =	ssyncadd.s32 @!p1 $0xFFFFFF80;
	s6 =	simm.s32 @!p1 $0x6  }
0x112: {  	_ =	swait.ge @!p1 [sflag:s6], $0x80  }
0x113: {  	[sflag:s6] =	ssyncset.done @!p1 $0x0  }
0x114: {  	s14 =	simm.s32 @!p1 $0x13D00;
	[sflag:s6] =	ssyncadd.s32 @!p1 $0xFFFFFF80;
	s6 =	simm.s32 @!p1 $0x80  }
0x115: {  	[tilespmem:s14], [sflag:$0x1] =	stream.indirect.gather @!p1 [hbm4b:s5+s6], $0x80, s10, s6, $0xb8;
	[tilespmem:$0x1BE00] =	vst v63  }
0x116: {  	s10 =	simm.s32 @!p1 $0x1  }
0x117: {  	_ =	swait.ge @!p1 [sflag:s10], $0x4000  }
0x118: {  	[sflag:s10] =	ssyncset.done @!p1 $0x0  }
0x119: {  	[sflag:s10] =	ssyncadd.s32 @!p1 $0xFFFFC000  }
0x11a: {  	[spmem:s1] =	stream.indirect.scatter.add.f32 @!p1 [tilespmem:s14], [sflag:$0x3], $0x80, s13, s6, $0xb8;
	[tilespmem:$0x1BE00] =	vst v63  }
.Ltmp7:
0x11b: {  	_ = 	snop;
	(pc) =	sbr.rel @p3 .LBB2_9-.Ltmp7, $4  }
.Ltmp8:
0x11c: {  	_ = 	snop;
	(pc) =	sbr.rel @!p3 .LBB2_8-.Ltmp8, $4  }
0x11d: {  	_ =	swait.ge [sflag:s8], $0x4000  }
0x11e: {  	[sflag:s8] =	ssyncset.done $0x0  }
0x11f: {  	s6 =	rddreg [dreg:$0x4];
	[sflag:s8] =	ssyncadd.s32 $0xFFFFC000  }
0x120: {  	_ = 	snop  }
.LBB2_10:
0x121: {  	_ =	sfence.sel $0x180000  }
0x122: {  	[bflag:$0x0] =	sbarrier.arrive $0xFFFF  }
0x123: {  	_ =	strace $0x9000004D  }
0x124: {  	s0 =	stileid.u32;
	[bflag:$0x2] =	sbarrier.arrive $0xFFFF  }
0x125: {  	p0 =	sne.s32 s0, $0x0;
	s0 =	rddreg [dreg:$0x2]  }
0x126: {  	s0 =	sadd.s32 @!p0 $0x100000, s0  }
0x127: {  	[sflag:s0] =	ssyncadd.tile.s32 @!p0 $0x1;
	_ =	shalt  }
.Lfunc_end2:
_tile_overlayer_lowered:
.L_overlay_start_2:
0x128: {  	(tag) =	ssettag $0x2  }
0x129: {  	s0 =	rddreg [dreg:$0x0];
	s2 =	stileid.u32  }
0x12a: {  	s1 =	rddreg [dreg:$0x1];
	p0 =	sne.s32 s2, $0x0  }
0x12b: {  	s3 =	rddreg [dreg:$0x2];
	[bflag:$0x3] =	sbarrier.arrive $0xFFFF;
	s2 =	simm.s32 @!p0 $0x1C09  }
0x12c: {  	[timem:s3], [sflag:s2] =	dma.local @!p0 [hbm:s0], s1  }
0x12d: {  	s0 =	simm.s32 @!p0 $0x9  }
0x12e: {  	_ =	swait.ge @!p0 [sflag:s0], s1  }
0x12f: {  	s1 =	ssub.s32 @!p0 $0x0, s1;
	[sflag:s0] =	ssyncset.done @!p0 $0x0  }
0x130: {  	[sflag:s0] =	ssyncadd.s32 @!p0 s1  }
0x131: {  	[bflag:$0x3] =	sbarrier.arrive $0xFFFF  }
0x132: {  	_ =	shalt  }

// kernel: kernel.23.cloned.1.call-start
scs
__scs_entry_jumppad:
0x0: {  	(pc) =	sbr.rel $0x88, $3  }
0x1: {  	(tag) =	ssettag $0x0;
	lr =	simm.s32 $0x1  }
0x2: {  	[smem:$0x3F96] =	sst lr;
	_ =	strace $0xD0000000  }
0x3: {  	_ = 	snop  }
0x4: {  	_ = 	snop  }
0x5: {  	_ = 	snop  }
0x6: {  	_ = 	snop  }
0x7: {  	_ = 	snop  }
__scs_overlays_trampoline_lowered:
0x8: {  	[smem:$0x3FA5] =	sst s0  }
0x9: {  	[smem:$0x3FA6] =	sst s1  }
0xa: {  	[smem:$0x3FA7] =	sst s2  }
0xb: {  	[smem:$0x3FA8] =	sst s3  }
0xc: {  	[smem:$0x3FA9] =	sst s4  }
0xd: {  	[smem:$0x3FAA] =	sst s5  }
0xe: {  	[smem:$0x3FAB] =	sst s6  }
0xf: {  	[smem:$0x3FAC] =	sst s7  }
0x10: {  	[smem:$0x3FAD] =	sst s8  }
0x11: {  	[smem:$0x3FAE] =	sst s9;
	s0 =	simm.s32 @!p0 $0x0  }
0x12: {  	s1 =	sld [smem:$0x3F94];
	s0 =	simm.s32 @p0 $0x1  }
0x13: {  	[smem:$0x3FAF] =	sst s0;
	s0 =	simm.s32 @!p1 $0x0  }
0x14: {  	s2 =	sld [smem:$0x3F93];
	s0 =	simm.s32 @p1 $0x1  }
0x15: {  	[smem:$0x3FB0] =	sst s0;
	s0 =	simm.s32 @!p2 $0x0  }
0x16: {  	s3 =	sld [smem:$0x3FDB];
	s0 =	simm.s32 @p2 $0x1  }
0x17: {  	s4 =	simm.s32 $0x1BF5;
	[smem:$0x3FB2] =	sst s0  }
0x18: {  	s0 =	sld [smem:$0x3F95];
	_ =	swait.ge [sflag:s4], $0x0  }
0x19: {  	s7 =	sld [smem:$0x3F96]  }
0x1a: {  	s8 =	sadd.s32 $0xFFFFE003, lr  }
0x1b: {  	s9 =	sadd.s32 $0xFFFFFEF7, lr;
	s5 =	simm.s32 $0xFFFFFFFF;
	p2 =	slt.u32 s8, $0xFFFFF086  }
0x1c: {  	p1 =	slt.u32 s9, $0xF7A;
	s5 =	simm.s32 @!p2 $0x0  }
0x1d: {  	s5 =	simm.s32 @p1 $0x1;
	p0 =	seq.s32 s7, s2  }
0x1e: {  	s7 =	smul.u32 @!p0 $0xF7A, s2;
	p2 =	seq.s32 @!p0 s5, $0x0  }
0x1f: {  	s9 =	smul.u32 $0xF7A, s1;
	s8 =	simm.s32 @!p0 $0x1BF5;
	p2 =	por !p2, p0  }
0x20: {  	[sflag:s8] =	ssyncset.s32 @!p0 $0xFFFFF086;
	s6 =	sadd.s32 @!p0 s3, s7;
	s7 =	simm.s32 @!p0 $0x108  }
0x21: {  	s3 =	sadd.s32 s3, s9;
	s6 =	sadd.s32 @!p0 $0x88, s6;
	s7 =	simm.s32 @p2 $0x1082  }
0x22: {  	[simem:s7], [sflag:s8] =	dma.local @!p0 [hbm:s6], $0xF7A  }
0x23: {  	s9 =	sor.u32 $0xD0000000, s2;
	s6 =	simm.s32 $0x108;
	_ =	swait.ge @!p0 [sflag:s8], $0x0  }
0x24: {  	s3 =	sadd.s32 $0x88, s3;
	s6 =	simm.s32 @!p1 $0x1082;
	[sflag:s4] =	ssyncset.s32 $0xFFFFF086  }
0x25: {  	[simem:s6], [sflag:s4] =	dma.local [hbm:s3], $0xF7A  }
0x26: {  	[smem:$0x3F96] =	sst s1;
	(tag) =	ssettag s2;
	_ =	strace s9  }
0x27: {  	s1 =	sld [smem:$0x3FA6]  }
0x28: {  	s2 =	sld [smem:$0x3FA7]  }
0x29: {  	s4 =	sld [smem:$0x3FA9]  }
0x2a: {  	p0 =	seq.s32 s5, $0x0;
	s5 =	sld [smem:$0x3FAA]  }
0x2b: {  	s6 =	sld [smem:$0x3FAB]  }
0x2c: {  	s7 =	sld [smem:$0x3FAC]  }
0x2d: {  	s3 =	simm.s32 $0x108;
	s8 =	sld [smem:$0x3FAD]  }
0x2e: {  	s3 =	simm.s32 @!p0 $0x1082;
	s9 =	sld [smem:$0x3FAE]  }
0x2f: {  	lr =	sadd.s32 s0, s3;
	s0 =	sld [smem:$0x3FA5]  }
0x30: {  	s3 =	sld [smem:$0x3FA8]  }
0x31: {  	[smem:$0x3FB1] =	sst s10  }
0x32: {  	s10 =	sld [smem:$0x3FAF];
	_ =	sdelay $0x3  }
0x33: {  	p0 =	seq.s32 s10, $0x1;
	s10 =	sld [smem:$0x3FB1];
	_ =	sdelay $0x3  }
0x34: {  	[smem:$0x3FB1] =	sst s10  }
0x35: {  	s10 =	sld [smem:$0x3FB0];
	_ =	sdelay $0x3  }
0x36: {  	p1 =	seq.s32 s10, $0x1;
	s10 =	sld [smem:$0x3FB1];
	_ =	sdelay $0x3  }
0x37: {  	[smem:$0x3FB1] =	sst s10  }
0x38: {  	s10 =	sld [smem:$0x3FB2]  }
0x39: {  	_ = 	snop;
	(pc) =	sbr.ind lr, $3  }
0x3a: {  	_ = 	snop  }
0x3b: {  	_ = 	snop  }
0x3c: {  	p2 =	seq.s32 s10, $0x1;
	s10 =	sld [smem:$0x3FB1]  }
0x3d: {  	_ =	shalt  }
0x3e: {  	_ =	shalt  }
0x3f: {  	_ =	shalt  }
0x40: {  	_ =	shalt  }
0x41: {  	_ =	shalt  }
0x42: {  	_ =	shalt  }
0x43: {  	_ =	shalt  }
0x44: {  	_ =	shalt  }
0x45: {  	_ =	shalt  }
0x46: {  	_ =	shalt  }
0x47: {  	_ =	shalt  }
0x48: {  	_ =	shalt  }
0x49: {  	_ =	shalt  }
0x4a: {  	_ =	shalt  }
0x4b: {  	_ =	shalt  }
0x4c: {  	_ =	shalt  }
0x4d: {  	_ =	shalt  }
0x4e: {  	_ =	shalt  }
0x4f: {  	_ =	shalt  }
0x50: {  	_ =	shalt  }
0x51: {  	_ =	shalt  }
0x52: {  	_ =	shalt  }
0x53: {  	_ =	shalt  }
0x54: {  	_ =	shalt  }
0x55: {  	_ =	shalt  }
0x56: {  	_ =	shalt  }
0x57: {  	_ =	shalt  }
0x58: {  	_ =	shalt  }
0x59: {  	_ =	shalt  }
0x5a: {  	_ =	shalt  }
0x5b: {  	_ =	shalt  }
0x5c: {  	_ =	shalt  }
0x5d: {  	_ =	shalt  }
0x5e: {  	_ =	shalt  }
0x5f: {  	_ =	shalt  }
0x60: {  	_ =	shalt  }
0x61: {  	_ =	shalt  }
0x62: {  	_ =	shalt  }
0x63: {  	_ =	shalt  }
0x64: {  	_ =	shalt  }
0x65: {  	_ =	shalt  }
0x66: {  	_ =	shalt  }
0x67: {  	_ =	shalt  }
0x68: {  	_ =	shalt  }
0x69: {  	_ =	shalt  }
0x6a: {  	_ =	shalt  }
0x6b: {  	_ =	shalt  }
0x6c: {  	_ =	shalt  }
0x6d: {  	_ =	shalt  }
0x6e: {  	_ =	shalt  }
0x6f: {  	_ =	shalt  }
0x70: {  	_ =	shalt  }
0x71: {  	_ =	shalt  }
0x72: {  	_ =	shalt  }
0x73: {  	_ =	shalt  }
0x74: {  	_ =	shalt  }
0x75: {  	_ =	shalt  }
0x76: {  	_ =	shalt  }
0x77: {  	_ =	shalt  }
0x78: {  	_ =	shalt  }
0x79: {  	_ =	shalt  }
0x7a: {  	_ =	shalt  }
0x7b: {  	_ =	shalt  }
0x7c: {  	_ =	shalt  }
0x7d: {  	_ =	shalt  }
0x7e: {  	_ =	shalt  }
0x7f: {  	_ =	shalt  }
0x80: {  	_ =	shalt  }
0x81: {  	_ =	shalt  }
0x82: {  	_ =	shalt  }
0x83: {  	_ =	shalt  }
0x84: {  	_ =	shalt  }
0x85: {  	_ =	shalt  }
0x86: {  	_ =	shalt  }
0x87: {  	_ =	shalt  }
.Lfunc_end0:
.L_simem_size_0:
called_computation.4_lowered:
.L_overlay_start_0:
0x88: {  	s2 =	sld [smem:$0x3FD9]  }
0x89: {  	s3 =	sld [smem:$0x3FFE];
	_ =	sdelay $0x1  }
0x8a: {  	s1 =	srdreg.scid  }
0x8b: {  	s0 =	sand.u32 $0x1, s1  }
0x8c: {  	s17 =	sshll.u32 s0, $0xA;
	s2 =	sadd.s32 s3, s2  }
0x8d: {  	s2 =	sadd.s32 s2, s17  }
0x8e: {  	[smem:$0x3FBD] =	sst s2  }
0x8f: {  	_ = 	snop  }
0x90: {  	s18 =	sld [smem:$0x3FD0];
	(tm) =	ssettm $0x1  }
0x91: {  	s19 =	sld [smem:$0x3FFB];
	_ =	sdelay $0x3  }
0x92: {  	_ =	strace s19  }
0x93: {  	s2 =	sld [smem:$0x3FFC];
	_ =	sdelay $0x3  }
0x94: {  	_ =	strace s2  }
0x95: {  	s2 =	sld [smem:$0x3FFD];
	_ =	sdelay $0x3  }
0x96: {  	_ =	strace s2  }
0x97: {  	_ =	strace $0x8FFFFFFF  }
0x98: {  	s20 =	sld [smem:$0x3FDB];
	_ =	sdelay $0x1  }
0x99: {  	s4 =	simm.s32 $_scs_section_size  }
0x9a: {  	s5 =	simm.s32 $_size__tile_overlayer_lowered;
	s6 =	simm.s32 $_tile_overlayer_lowered  }
0x9b: {  	s7 =	simm.s32 $0x1BFF;
	s21 =	sshll.u32 s6, $0x1;
	s4 =	sadd.s32 s4, s20  }
0x9c: {  	s22 =	simm.s32 $0x0;
	s5 =	sshll.u32 s5, $0x1;
	s6 =	sadd.s32 s21, s4  }
0x9d: {  	[timem:s22], [sflag:s7] =	dma.local [hbm:s6], s5  }
0x9e: {  	_ =	swait.ge [sflag:s7], s5  }
0x9f: {  	s5 =	ssub.s32 $0x0, s5;
	[sflag:s7] =	ssyncset.done $0x0  }
0xa0: {  	[sflag:s7] =	ssyncadd.s32 s5;
	_ =	sdelay $0x1  }
0xa1: {  	s23 =	simm.s32 $0x1B8B  }
0xa2: {  	_ =	swait.ge [sflag:s23], $0x1  }
0xa3: {  	[sflag:s23] =	ssyncset.done $0x0  }
0xa4: {  	[sflag:s23] =	ssyncadd.s32 $0xFFFFFFFF  }
0xa5: {  	s5 =	sld [smem:$0x0]  }
0xa6: {  	s6 =	sand.u32 $0xFFFFFFFE, s1  }
0xa7: {  	p0 =	sne.s32 s1, s6  }
0xa8: {  	s6 =	sshll.u32 @p0 s6, $0xE  }
0xa9: {  	s6 =	sadd.s32 @p0 $0x11B8D, s6;
	s7 =	sshll.u32 @p0 s5, $0x11  }
0xaa: {  	s6 =	sor.u32 @p0 s7, s6  }
0xab: {  	[sflag:s6] =	ssyncadd.remote.s32 @p0 $0x1;
	_ =	sdelay $0x1  }
0xac: {  	s6 =	simm.s32 @p0 $0x1B8D  }
0xad: {  	_ =	swait.eq @p0 [sflag:s6], $0x1  }
0xae: {  	[sflag:s6] =	ssyncadd.s32 @p0 $0xFFFFFFFF  }
0xaf: {  	s7 =	sshll.u32 @!p0 s1, $0xE  }
0xb0: {  	s7 =	sor.u32 @!p0 $0x4000, s7;
	s6 =	simm.s32 @!p0 $0x1B8D  }
0xb1: {  	s5 =	sshll.u32 @!p0 s5, $0x11;
	s7 =	sadd.s32 @!p0 $0x11B8D, s7;
	_ =	swait.eq @!p0 [sflag:s6], $0x1  }
0xb2: {  	s5 =	sor.u32 @!p0 s5, s7;
	[sflag:s6] =	ssyncadd.s32 @!p0 $0xFFFFFFFF  }
0xb3: {  	s25 =	simm.s32 $0x1B8E;
	s24 =	sld [smem:$0x3FFE];
	[sflag:s5] =	ssyncadd.remote.s32 @!p0 $0x1  }
0xb4: {  	s26 =	simm.s32 $execute0_lowered;
	[smem:$0x3FD2] =	sst s25  }
0xb5: {  	s6 =	sshll.u32 s26, $0x1;
	_ =	strace $0x80000055;
	[dreg:$0x1] =	wrdreg $0xFFFFFFFF  }
0xb6: {  	s28 =	simm.s32 $_size_execute0_lowered;
	s4 =	sadd.s32 s4, s6;
	[dreg:$0x0] =	wrdreg $0x0  }
0xb7: {  	s6 =	sshll.u32 s28, $0x1;
	[dreg:$0x2] =	wrdreg s4  }
0xb8: {  	[dreg:$0x3] =	wrdreg s6  }
0xb9: {  	[dreg:$0x4] =	wrdreg $0xC0  }
0xba: {  	_ =	task [dreg:s22], $0x5FFFF  }
0xbb: {  	[dreg:$0x1] =	wrdreg $0xFFFFFFFF  }
0xbc: {  	[dreg:$0x0] =	wrdreg $0x60  }
0xbd: {  	[dreg:$0x2] =	wrdreg s24  }
0xbe: {  	[dreg:$0x3] =	wrdreg s18  }
0xbf: {  	[dreg:$0x4] =	wrdreg $0x0  }
0xc0: {  	[dreg:$0x5] =	wrdreg $0x9  }
0xc1: {  	_ =	task.clear_ibuf [dreg:s22], $0x6FFFF;
	_ =	strace $0x90000055  }
0xc2: {  	s29 =	simm.s32 $0x9;
	_ =	strace $0x80000057  }
0xc3: {  	_ =	swait.ge [sflag:s29], $0x1  }
0xc4: {  	[sflag:s29] =	ssyncadd.s32 $0xFFFFFFFF  }
0xc5: {  	_ =	strace $0x90000057  }
0xc6: {  	_ =	sfence  }
0xc7: {  	s30 =	sld [smem:$0x0];
	_ =	sdelay $0x2  }
0xc8: {  	s31 =	sshll.u32 s1, $0xD;
	s1 =	sshrl.u32 s1, $0x2  }
0xc9: {  	s4 =	sand.u32 $0x4000, s31;
	s1 =	sadd.s32 s1, s30  }
0xca: {  	s0 =	sor.u32 s4, s0;
	s1 =	sshll.u32 s1, $0x11  }
0xcb: {  	s0 =	sor.u32 s1, s0  }
0xcc: {  	s0 =	sadd.s32 $0x8F2B, s0  }
0xcd: {  	[sflag:s0] =	ssyncadd.remote.s32 $0x1  }
0xce: {  	_ =	sfence.sel $0xFFFF  }
0xcf: {  	[dreg:$0x0] =	wrdreg $0xFFFFFFFF;
	(pc) =	sbr.abs _section_cstart, $3  }
0xd0: {  	[dreg:$0x1] =	wrdreg $0xFFFFFFFF  }
0xd1: {  	_ =	task.clear_ibuf [dreg:s22], $0x2FFFF;
	_ =	strace $0x9FFFFFFF  }
0xd2: {  	(tm) =	ssettm $0x7FFFFFFF  }
0xd3: {  	_ =	shalt  }
tec
execute0_lowered:
.L_overlay_start_1:
0x0: {  	(tag) =	ssettag $0x1  }
0x1: {  	s0 =	rddreg [dreg:$0x0]  }
0x2: {  	s3 =	rddreg [dreg:$0x1]  }
0x3: {  	s1 =	rddreg [dreg:$0x2];
	s2 =	simm.s32 $0x0;
	s6 =	srdreg.scid  }
0x4: {  	s14 =	stileid.u32;
	s18 =	simm.s32 $0x9;
	s19 =	simm.s32 $0x13C00  }
0x5: {  	s20 =	simm.s32 $0x13C80;
	s21 =	simm.s32 $0x5;
	s22 =	simm.s32 $0x6  }
0x6: {  	s28 =	simm.s32 $0x17D80;
	s29 =	simm.s32 $0x7;
	s30 =	simm.s32 $0x8  }
0x7: {  	s31 =	simm.s32 $0x17E00;
	[smem:$0x7FF] =	sst s2;
	s4 =	sadd.s32 $0x170C00, s0  }
0x8: {  	s5 =	sadd.s32 $0x149A00, s0;
	s8 =	sadd.s32 $0x8200, s0;
	s7 =	smul.u32 $0x4F000, s14  }
0x9: {  	s6 =	sand.u32 $0x1, s6;
	s9 =	sadd.s32 $0x3200, s0;
	s11 =	smul.u32 $0x13C00, s14  }
0xa: {  	s0 =	sadd.s32 $0x5B600, s0;
	s25 =	sshll.u32 s14, $0x6;
	s12 =	smul.u32 $0x2780, s14  }
0xb: {  	s13 =	sshll.u32 s14, $0x4;
	p2 =	slt.u32 s14, $0x2;
	p3 =	sgt.u32 s14, $0x1  }
0xc: {  	_ =	strace $0x80000056;
	s10 =	ssub.s32 $0x2, s6;
	[dreg:$0x4] =	wrdreg s0  }
0xd: {  	p0 =	seq.s32 s6, $0x0;
	s23 =	sshrl.u32 s10, $0x1;
	s7 =	sshrl.u32 s7, $0x2  }
0xe: {  	s24 =	sshrl.u32 s11, $0x3;
	s0 =	ssub.s32 s10, s23;
	s17 =	sadd.s32 s7, s1  }
0xf: {  	s11 =	sadd.s32 s3, s24;
	s7 =	sor.u32 $0x1C09, s25;
	s3 =	sadd.s32 s3, s12  }
0x10: {  	s12 =	sadd.s32 s9, s13;
	s23 =	simm.s32 $0x80;
	s24 =	simm.s32 $0x13D00  }
0x11: {  	s26 =	sadd.s32 $0x27800, s11;
	[dreg:$0x6] =	wrdreg s3;
	s0 =	smax.u32 s0, $0x1  }
0x12: {  	s11 =	sadd.s32 s8, s13;
	s3 =	sor.u32 $0x100, s13;
	[dreg:$0x5] =	wrdreg s26  }
0x13: {  	s13 =	sor.u32 $0x4E0, s14;
	s17 =	sshrl.u32 s17, $0x3;
	[dreg:$0x7] =	wrdreg s0  }
.Ltmp0:
0x14: {  	s25 =	sadd.s32 s8, s3;
	s0 =	sadd.s32 s9, s3;
	(pc) =	sbr.rel .LBB2_1-.Ltmp0, $4  }
0x15: {  	s26 =	sshll.u32 s13, $0x4;
	p1 =	sgt.u32 s13, $0x4E1;
	[dreg:$0x8] =	wrdreg s25  }
0x16: {  	s3 =	simm.s32 $0x3;
	[dreg:$0x9] =	wrdreg s0;
	s15 =	sadd.s32 s8, s26  }
0x17: {  	s16 =	sadd.s32 s9, s26;
	s25 =	simm.s32 $0x1;
	s26 =	simm.s32 $0x17D00  }
0x18: {  	s0 =	simm.s32 $0x2;
	s8 =	simm.s32 $0x4;
	s9 =	simm.s32 $0x0  }
.LBB2_8:
0x19: {  	_ =	swait.ge [sflag:s3], $0x4000  }
0x1a: {  	[sflag:s3] =	ssyncset.done $0x0  }
0x1b: {  	[sflag:s3] =	ssyncadd.s32 $0xFFFFC000  }
.LBB2_9:
0x1c: {  	[bflag:$0x0] =	sbarrier.arrive $0xFFFF  }
0x1d: {  	[hbm:s6], [sflag:s7] =	dma.local [spmem:s17], $0x2780  }
0x1e: {  	_ =	swait.ge [sflag:s18], $0x2780  }
0x1f: {  	s9 =	sadd.s32 $0x1, s9;
	s14 =	rddreg [dreg:$0x7]  }
0x20: {  	p4 =	sne.s32 s9, s14  }
.Ltmp1:
0x21: {  	_ = 	snop;
	(pc) =	sbr.rel @!p4 .LBB2_10-.Ltmp1, $3  }
0x22: {  	_ =	sdelay $0x1  }
0x23: {  	[sflag:s18] =	ssyncset.done $0x0  }
0x24: {  	[sflag:s18] =	ssyncadd.s32 $0xFFFFD880  }
.LBB2_1:
0x25: {  	s6 =	rddreg [dreg:$0x4]  }
0x26: {  	[spmem:s17], [sflag:s7] =	dma.local [hbm:s6], $0x2780  }
.Ltmp2:
0x27: {  	_ =	swait.ge [sflag:s18], $0x2780;
	(pc) =	sbr.rel @!p0 .LBB2_2-.Ltmp2, $3  }
0x28: {  	[sflag:s18] =	ssyncset.done $0x0  }
0x29: {  	[sflag:s18] =	ssyncadd.s32 $0xFFFFD880  }
0x2a: {  	[bflag:$0x0] =	sbarrier.arrive $0xFFFF;
	_ =	sdelay $0x1  }
0x2b: {  	[tilespmem:s19], [sflag:$0x5] =	stream.linear.gather [hbm4b:s11+s2], $0x80, $0x38;
	[tilespmem:$0x1BE00] =	vst v63  }
0x2c: {  	_ = 	snop  }
0x2d: {  	[tilespmem:s20], [sflag:$0x6] =	stream.linear.gather [hbm4b:s12+s2], $0x80, $0x38;
	[tilespmem:$0x1BE00] =	vst v63  }
0x2e: {  	_ =	swait.ge [sflag:s21], $0x80  }
0x2f: {  	[sflag:s21] =	ssyncset.done $0x0  }
0x30: {  	[sflag:s21] =	ssyncadd.s32 $0xFFFFFF80  }
0x31: {  	_ =	swait.ge [sflag:s22], $0x80  }
0x32: {  	[sflag:s22] =	ssyncset.done $0x0  }
0x33: {  	[sflag:s22] =	ssyncadd.s32 $0xFFFFFF80  }
0x34: {  	[tilespmem:s24], [sflag:$0x1] =	stream.indirect.gather [hbm4b:s4+s23], $0x80, s19, s23, $0xb8;
	[tilespmem:$0x1BE00] =	vst v63  }
0x35: {  	_ =	swait.ge [sflag:s25], $0x4000  }
0x36: {  	[sflag:s25] =	ssyncset.done $0x0  }
0x37: {  	[sflag:s25] =	ssyncadd.s32 $0xFFFFC000  }
0x38: {  	[spmem:s1] =	stream.indirect.scatter.add.f32 [tilespmem:s24], [sflag:$0x3], $0x80, s20, s23, $0xb8;
	[tilespmem:$0x1BE00] =	vst v63  }
0x39: {  	s6 =	rddreg [dreg:$0x8]  }
0x3a: {  	[tilespmem:s26], [sflag:$0x7] =	stream.linear.gather [hbm4b:s6+s2], $0x80, $0x38;
	[tilespmem:$0x1BE00] =	vst v63  }
0x3b: {  	s13 =	rddreg [dreg:$0x9]  }
0x3c: {  	[tilespmem:s28], [sflag:$0x8] =	stream.linear.gather [hbm4b:s13+s2], $0x80, $0x38;
	[tilespmem:$0x1BE00] =	vst v63  }
0x3d: {  	_ =	swait.ge [sflag:s29], $0x80  }
0x3e: {  	[sflag:s29] =	ssyncset.done $0x0  }
0x3f: {  	[sflag:s29] =	ssyncadd.s32 $0xFFFFFF80  }
0x40: {  	_ =	swait.ge [sflag:s30], $0x80  }
0x41: {  	[sflag:s30] =	ssyncset.done $0x0  }
0x42: {  	[sflag:s30] =	ssyncadd.s32 $0xFFFFFF80  }
0x43: {  	[tilespmem:s31], [sflag:$0x2] =	stream.indirect.gather [hbm4b:s4+s23], $0x80, s26, s23, $0xb8;
	[tilespmem:$0x1BE00] =	vst v63  }
0x44: {  	_ =	swait.ge [sflag:s0], $0x4000  }
0x45: {  	[sflag:s0] =	ssyncset.done $0x0  }
0x46: {  	[sflag:s0] =	ssyncadd.s32 $0xFFFFC000  }
0x47: {  	[spmem:s1] =	stream.indirect.scatter.add.f32 [tilespmem:s31], [sflag:$0x4], $0x80, s28, s23, $0xb8;
	[tilespmem:$0x1BE00] =	vst v63  }
0x48: {  	_ =	swait.ge [sflag:s3], $0x4000  }
0x49: {  	s6 =	sadd.s32 $0xFFFFB400, s11;
	[sflag:s3] =	ssyncset.done $0x0  }
0x4a: {  	s10 =	sadd.s32 $0x4E00, s6;
	s13 =	sadd.s32 $0xFFFFB400, s12;
	[sflag:s3] =	ssyncadd.s32 $0xFFFFC000  }
0x4b: {  	[tilespmem:s19], [sflag:$0x5] =	stream.linear.gather [hbm4b:s10+s2], $0x80, $0x38;
	[tilespmem:$0x1BE00] =	vst v63  }
0x4c: {  	s14 =	sadd.s32 $0x4E00, s13  }
0x4d: {  	[tilespmem:s20], [sflag:$0x6] =	stream.linear.gather [hbm4b:s14+s2], $0x80, $0x38;
	[tilespmem:$0x1BE00] =	vst v63  }
0x4e: {  	_ =	swait.ge [sflag:s21], $0x80  }
0x4f: {  	[sflag:s21] =	ssyncset.done $0x0  }
0x50: {  	[sflag:s21] =	ssyncadd.s32 $0xFFFFFF80  }
0x51: {  	_ =	swait.ge [sflag:s22], $0x80  }
0x52: {  	[sflag:s22] =	ssyncset.done $0x0  }
0x53: {  	[sflag:s22] =	ssyncadd.s32 $0xFFFFFF80  }
0x54: {  	[tilespmem:s24], [sflag:$0x1] =	stream.indirect.gather [hbm4b:s4+s23], $0x80, s19, s23, $0xb8;
	[tilespmem:$0x1BE00] =	vst v63  }
0x55: {  	_ =	swait.ge [sflag:s25], $0x4000  }
0x56: {  	[sflag:s25] =	ssyncset.done $0x0  }
0x57: {  	[sflag:s25] =	ssyncadd.s32 $0xFFFFC000  }
0x58: {  	[spmem:s1] =	stream.indirect.scatter.add.f32 [tilespmem:s24], [sflag:$0x3], $0x80, s20, s23, $0xb8;
	[tilespmem:$0x1BE00] =	vst v63  }
0x59: {  	_ =	swait.ge [sflag:s8], $0x4000  }
0x5a: {  	[sflag:s8] =	ssyncset.done $0x0  }
0x5b: {  	s6 =	sadd.s32 $0x4F00, s6;
	[sflag:s8] =	ssyncadd.s32 $0xFFFFC000  }
0x5c: {  	[tilespmem:s26], [sflag:$0x7] =	stream.linear.gather [hbm4b:s6+s2], $0x80, $0x38;
	[tilespmem:$0x1BE00] =	vst v63  }
0x5d: {  	s14 =	sadd.s32 $0x4F00, s13  }
0x5e: {  	[tilespmem:s28], [sflag:$0x8] =	stream.linear.gather [hbm4b:s14+s2], $0x80, $0x38;
	[tilespmem:$0x1BE00] =	vst v63  }
0x5f: {  	_ =	swait.ge [sflag:s29], $0x80  }
0x60: {  	[sflag:s29] =	ssyncset.done $0x0  }
0x61: {  	[sflag:s29] =	ssyncadd.s32 $0xFFFFFF80  }
0x62: {  	_ =	swait.ge [sflag:s30], $0x80  }
0x63: {  	[sflag:s30] =	ssyncset.done $0x0  }
0x64: {  	[sflag:s30] =	ssyncadd.s32 $0xFFFFFF80  }
0x65: {  	[tilespmem:s31], [sflag:$0x2] =	stream.indirect.gather [hbm4b:s4+s23], $0x80, s26, s23, $0xb8;
	[tilespmem:$0x1BE00] =	vst v63  }
0x66: {  	_ =	swait.ge [sflag:s0], $0x4000  }
0x67: {  	[sflag:s0] =	ssyncset.done $0x0  }
0x68: {  	s6 =	simm.s32 $0xFFFFB600;
	[sflag:s0] =	ssyncadd.s32 $0xFFFFC000  }
.LBB2_6:
0x69: {  	[spmem:s1] =	stream.indirect.scatter.add.f32 [tilespmem:s31], [sflag:$0x4], $0x80, s28, s23, $0xb8;
	[tilespmem:$0x1BE00] =	vst v63  }
0x6a: {  	s10 =	smov.u32 s6  }
0x6b: {  	p4 =	sne.s32 s6, $0xFFFFFE00;
	s6 =	sadd.s32 $0x200, s6;
	_ =	swait.ge [sflag:s3], $0x4000  }
0x6c: {  	s13 =	sadd.s32 s10, s11;
	[sflag:s3] =	ssyncset.done $0x0  }
0x6d: {  	s10 =	sadd.s32 s10, s12;
	s14 =	sadd.s32 $0x4E00, s13;
	[sflag:s3] =	ssyncadd.s32 $0xFFFFC000  }
0x6e: {  	[tilespmem:s19], [sflag:$0x5] =	stream.linear.gather [hbm4b:s14+s2], $0x80, $0x38;
	[tilespmem:$0x1BE00] =	vst v63  }
0x6f: {  	s14 =	sadd.s32 $0x4E00, s10  }
0x70: {  	[tilespmem:s20], [sflag:$0x6] =	stream.linear.gather [hbm4b:s14+s2], $0x80, $0x38;
	[tilespmem:$0x1BE00] =	vst v63  }
0x71: {  	_ =	swait.ge [sflag:s21], $0x80  }
0x72: {  	[sflag:s21] =	ssyncset.done $0x0  }
0x73: {  	[sflag:s21] =	ssyncadd.s32 $0xFFFFFF80  }
0x74: {  	_ =	swait.ge [sflag:s22], $0x80  }
0x75: {  	[sflag:s22] =	ssyncset.done $0x0  }
0x76: {  	[sflag:s22] =	ssyncadd.s32 $0xFFFFFF80  }
0x77: {  	[tilespmem:s24], [sflag:$0x1] =	stream.indirect.gather [hbm4b:s4+s23], $0x80, s19, s23, $0xb8;
	[tilespmem:$0x1BE00] =	vst v63  }
0x78: {  	_ =	swait.ge [sflag:s25], $0x4000  }
0x79: {  	[sflag:s25] =	ssyncset.done $0x0  }
0x7a: {  	[sflag:s25] =	ssyncadd.s32 $0xFFFFC000  }
0x7b: {  	[spmem:s1] =	stream.indirect.scatter.add.f32 [tilespmem:s24], [sflag:$0x3], $0x80, s20, s23, $0xb8;
	[tilespmem:$0x1BE00] =	vst v63  }
0x7c: {  	_ =	swait.ge [sflag:s8], $0x4000  }
0x7d: {  	[sflag:s8] =	ssyncset.done $0x0  }
0x7e: {  	s13 =	sadd.s32 $0x4F00, s13;
	[sflag:s8] =	ssyncadd.s32 $0xFFFFC000  }
0x7f: {  	[tilespmem:s26], [sflag:$0x7] =	stream.linear.gather [hbm4b:s13+s2], $0x80, $0x38;
	[tilespmem:$0x1BE00] =	vst v63  }
0x80: {  	s10 =	sadd.s32 $0x4F00, s10  }
0x81: {  	[tilespmem:s28], [sflag:$0x8] =	stream.linear.gather [hbm4b:s10+s2], $0x80, $0x38;
	[tilespmem:$0x1BE00] =	vst v63  }
0x82: {  	_ =	swait.ge [sflag:s29], $0x80  }
0x83: {  	[sflag:s29] =	ssyncset.done $0x0  }
0x84: {  	[sflag:s29] =	ssyncadd.s32 $0xFFFFFF80  }
0x85: {  	_ =	swait.ge [sflag:s30], $0x80  }
0x86: {  	[sflag:s30] =	ssyncset.done $0x0  }
.Ltmp3:
0x87: {  	[sflag:s30] =	ssyncadd.s32 $0xFFFFFF80;
	(pc) =	sbr.rel @p4 .LBB2_6-.Ltmp3, $4  }
0x88: {  	[tilespmem:s31], [sflag:$0x2] =	stream.indirect.gather [hbm4b:s4+s23], $0x80, s26, s23, $0xb8;
	[tilespmem:$0x1BE00] =	vst v63  }
0x89: {  	_ =	swait.ge [sflag:s0], $0x4000  }
0x8a: {  	[sflag:s0] =	ssyncset.done $0x0  }
0x8b: {  	[sflag:s0] =	ssyncadd.s32 $0xFFFFC000  }
0x8c: {  	[spmem:s1] =	stream.indirect.scatter.add.f32 [tilespmem:s31], [sflag:$0x4], $0x80, s28, s23, $0xb8;
	[tilespmem:$0x1BE00] =	vst v63  }
0x8d: {  	_ =	swait.ge [sflag:s3], $0x4000  }
0x8e: {  	[sflag:s3] =	ssyncset.done $0x0  }
0x8f: {  	s6 =	simm.s32 @!p1 $0x0;
	s10 =	simm.s32 @!p1 $0x13C00;
	[sflag:s3] =	ssyncadd.s32 $0xFFFFC000  }
0x90: {  	[tilespmem:s10], [sflag:$0x5] =	stream.linear.gather @!p1 [hbm4b:s15+s6], $0x80, $0x38;
	[tilespmem:$0x1BE00] =	vst v63  }
0x91: {  	s13 =	simm.s32 @!p1 $0x13C80  }
0x92: {  	[tilespmem:s13], [sflag:$0x6] =	stream.linear.gather @!p1 [hbm4b:s16+s6], $0x80, $0x38;
	[tilespmem:$0x1BE00] =	vst v63  }
0x93: {  	s6 =	simm.s32 @!p1 $0x5  }
0x94: {  	_ =	swait.ge @!p1 [sflag:s6], $0x80  }
0x95: {  	[sflag:s6] =	ssyncset.done @!p1 $0x0  }
0x96: {  	[sflag:s6] =	ssyncadd.s32 @!p1 $0xFFFFFF80;
	s6 =	simm.s32 @!p1 $0x6  }
0x97: {  	_ =	swait.ge @!p1 [sflag:s6], $0x80  }
0x98: {  	[sflag:s6] =	ssyncset.done @!p1 $0x0  }
0x99: {  	s14 =	simm.s32 @!p1 $0x13D00;
	[sflag:s6] =	ssyncadd.s32 @!p1 $0xFFFFFF80;
	s6 =	simm.s32 @!p1 $0x80  }
0x9a: {  	[tilespmem:s14], [sflag:$0x1] =	stream.indirect.gather @!p1 [hbm4b:s4+s6], $0x80, s10, s6, $0xb8;
	[tilespmem:$0x1BE00] =	vst v63  }
0x9b: {  	s10 =	simm.s32 @!p1 $0x1  }
0x9c: {  	_ =	swait.ge @!p1 [sflag:s10], $0x4000  }
0x9d: {  	[sflag:s10] =	ssyncset.done @!p1 $0x0  }
0x9e: {  	[sflag:s10] =	ssyncadd.s32 @!p1 $0xFFFFC000  }
0x9f: {  	[spmem:s1] =	stream.indirect.scatter.add.f32 @!p1 [tilespmem:s14], [sflag:$0x3], $0x80, s13, s6, $0xb8;
	[tilespmem:$0x1BE00] =	vst v63  }
.Ltmp4:
0xa0: {  	_ = 	snop;
	(pc) =	sbr.rel @!p2 .LBB2_9-.Ltmp4, $4  }
.Ltmp5:
0xa1: {  	_ = 	snop;
	(pc) =	sbr.rel @p2 .LBB2_8-.Ltmp5, $4  }
0xa2: {  	_ =	swait.ge [sflag:s8], $0x4000  }
0xa3: {  	[sflag:s8] =	ssyncset.done $0x0  }
0xa4: {  	s6 =	rddreg [dreg:$0x6];
	[sflag:s8] =	ssyncadd.s32 $0xFFFFC000  }
0xa5: {  	_ = 	snop  }
.LBB2_2:
0xa6: {  	[tilespmem:s19], [sflag:$0x5] =	stream.linear.gather [hbm4b:s11+s2], $0x80, $0x38;
	[tilespmem:$0x1BE00] =	vst v63  }
0xa7: {  	_ = 	snop  }
0xa8: {  	[tilespmem:s20], [sflag:$0x6] =	stream.linear.gather [hbm4b:s12+s2], $0x80, $0x38;
	[tilespmem:$0x1BE00] =	vst v63  }
0xa9: {  	_ =	swait.ge [sflag:s21], $0x80  }
0xaa: {  	[sflag:s21] =	ssyncset.done $0x0  }
0xab: {  	[sflag:s21] =	ssyncadd.s32 $0xFFFFFF80  }
0xac: {  	_ =	swait.ge [sflag:s22], $0x80  }
0xad: {  	[sflag:s22] =	ssyncset.done $0x0  }
0xae: {  	[sflag:s22] =	ssyncadd.s32 $0xFFFFFF80  }
0xaf: {  	[tilespmem:s24], [sflag:$0x1] =	stream.indirect.gather [hbm4b:s5+s23], $0x80, s19, s23, $0xb8;
	[tilespmem:$0x1BE00] =	vst v63  }
0xb0: {  	_ =	swait.ge [sflag:s25], $0x4000  }
0xb1: {  	[sflag:s25] =	ssyncset.done $0x0  }
0xb2: {  	[sflag:s25] =	ssyncadd.s32 $0xFFFFC000  }
0xb3: {  	[spmem:s1] =	stream.indirect.scatter.add.f32 [tilespmem:s24], [sflag:$0x3], $0x80, s20, s23, $0xb8;
	[tilespmem:$0x1BE00] =	vst v63  }
0xb4: {  	s6 =	rddreg [dreg:$0x8]  }
0xb5: {  	[tilespmem:s26], [sflag:$0x7] =	stream.linear.gather [hbm4b:s6+s2], $0x80, $0x38;
	[tilespmem:$0x1BE00] =	vst v63  }
0xb6: {  	s13 =	rddreg [dreg:$0x9]  }
0xb7: {  	[tilespmem:s28], [sflag:$0x8] =	stream.linear.gather [hbm4b:s13+s2], $0x80, $0x38;
	[tilespmem:$0x1BE00] =	vst v63  }
0xb8: {  	_ =	swait.ge [sflag:s29], $0x80  }
0xb9: {  	[sflag:s29] =	ssyncset.done $0x0  }
0xba: {  	[sflag:s29] =	ssyncadd.s32 $0xFFFFFF80  }
0xbb: {  	_ =	swait.ge [sflag:s30], $0x80  }
0xbc: {  	[sflag:s30] =	ssyncset.done $0x0  }
0xbd: {  	[sflag:s30] =	ssyncadd.s32 $0xFFFFFF80  }
0xbe: {  	[tilespmem:s31], [sflag:$0x2] =	stream.indirect.gather [hbm4b:s5+s23], $0x80, s26, s23, $0xb8;
	[tilespmem:$0x1BE00] =	vst v63  }
0xbf: {  	_ =	swait.ge [sflag:s0], $0x4000  }
0xc0: {  	[sflag:s0] =	ssyncset.done $0x0  }
0xc1: {  	[sflag:s0] =	ssyncadd.s32 $0xFFFFC000  }
0xc2: {  	[spmem:s1] =	stream.indirect.scatter.add.f32 [tilespmem:s31], [sflag:$0x4], $0x80, s28, s23, $0xb8;
	[tilespmem:$0x1BE00] =	vst v63  }
0xc3: {  	_ =	swait.ge [sflag:s3], $0x4000  }
0xc4: {  	s6 =	sadd.s32 $0xFFFFB400, s11;
	[sflag:s3] =	ssyncset.done $0x0  }
0xc5: {  	s10 =	sadd.s32 $0x4E00, s6;
	s13 =	sadd.s32 $0xFFFFB400, s12;
	[sflag:s3] =	ssyncadd.s32 $0xFFFFC000  }
0xc6: {  	[tilespmem:s19], [sflag:$0x5] =	stream.linear.gather [hbm4b:s10+s2], $0x80, $0x38;
	[tilespmem:$0x1BE00] =	vst v63  }
0xc7: {  	s14 =	sadd.s32 $0x4E00, s13  }
0xc8: {  	[tilespmem:s20], [sflag:$0x6] =	stream.linear.gather [hbm4b:s14+s2], $0x80, $0x38;
	[tilespmem:$0x1BE00] =	vst v63  }
0xc9: {  	_ =	swait.ge [sflag:s21], $0x80  }
0xca: {  	[sflag:s21] =	ssyncset.done $0x0  }
0xcb: {  	[sflag:s21] =	ssyncadd.s32 $0xFFFFFF80  }
0xcc: {  	_ =	swait.ge [sflag:s22], $0x80  }
0xcd: {  	[sflag:s22] =	ssyncset.done $0x0  }
0xce: {  	[sflag:s22] =	ssyncadd.s32 $0xFFFFFF80  }
0xcf: {  	[tilespmem:s24], [sflag:$0x1] =	stream.indirect.gather [hbm4b:s5+s23], $0x80, s19, s23, $0xb8;
	[tilespmem:$0x1BE00] =	vst v63  }
0xd0: {  	_ =	swait.ge [sflag:s25], $0x4000  }
0xd1: {  	[sflag:s25] =	ssyncset.done $0x0  }
0xd2: {  	[sflag:s25] =	ssyncadd.s32 $0xFFFFC000  }
0xd3: {  	[spmem:s1] =	stream.indirect.scatter.add.f32 [tilespmem:s24], [sflag:$0x3], $0x80, s20, s23, $0xb8;
	[tilespmem:$0x1BE00] =	vst v63  }
0xd4: {  	_ =	swait.ge [sflag:s8], $0x4000  }
0xd5: {  	[sflag:s8] =	ssyncset.done $0x0  }
0xd6: {  	s6 =	sadd.s32 $0x4F00, s6;
	[sflag:s8] =	ssyncadd.s32 $0xFFFFC000  }
0xd7: {  	[tilespmem:s26], [sflag:$0x7] =	stream.linear.gather [hbm4b:s6+s2], $0x80, $0x38;
	[tilespmem:$0x1BE00] =	vst v63  }
0xd8: {  	s14 =	sadd.s32 $0x4F00, s13  }
0xd9: {  	[tilespmem:s28], [sflag:$0x8] =	stream.linear.gather [hbm4b:s14+s2], $0x80, $0x38;
	[tilespmem:$0x1BE00] =	vst v63  }
0xda: {  	_ =	swait.ge [sflag:s29], $0x80  }
0xdb: {  	[sflag:s29] =	ssyncset.done $0x0  }
0xdc: {  	[sflag:s29] =	ssyncadd.s32 $0xFFFFFF80  }
0xdd: {  	_ =	swait.ge [sflag:s30], $0x80  }
0xde: {  	[sflag:s30] =	ssyncset.done $0x0  }
0xdf: {  	[sflag:s30] =	ssyncadd.s32 $0xFFFFFF80  }
0xe0: {  	[tilespmem:s31], [sflag:$0x2] =	stream.indirect.gather [hbm4b:s5+s23], $0x80, s26, s23, $0xb8;
	[tilespmem:$0x1BE00] =	vst v63  }
0xe1: {  	_ =	swait.ge [sflag:s0], $0x4000  }
0xe2: {  	[sflag:s0] =	ssyncset.done $0x0  }
0xe3: {  	s6 =	simm.s32 $0xFFFFB600;
	[sflag:s0] =	ssyncadd.s32 $0xFFFFC000  }
.LBB2_3:
0xe4: {  	[spmem:s1] =	stream.indirect.scatter.add.f32 [tilespmem:s31], [sflag:$0x4], $0x80, s28, s23, $0xb8;
	[tilespmem:$0x1BE00] =	vst v63  }
0xe5: {  	s10 =	smov.u32 s6  }
0xe6: {  	p4 =	sne.s32 s6, $0xFFFFFE00;
	s6 =	sadd.s32 $0x200, s6;
	_ =	swait.ge [sflag:s3], $0x4000  }
0xe7: {  	s13 =	sadd.s32 s10, s11;
	[sflag:s3] =	ssyncset.done $0x0  }
0xe8: {  	s10 =	sadd.s32 s10, s12;
	s14 =	sadd.s32 $0x4E00, s13;
	[sflag:s3] =	ssyncadd.s32 $0xFFFFC000  }
0xe9: {  	[tilespmem:s19], [sflag:$0x5] =	stream.linear.gather [hbm4b:s14+s2], $0x80, $0x38;
	[tilespmem:$0x1BE00] =	vst v63  }
0xea: {  	s14 =	sadd.s32 $0x4E00, s10  }
0xeb: {  	[tilespmem:s20], [sflag:$0x6] =	stream.linear.gather [hbm4b:s14+s2], $0x80, $0x38;
	[tilespmem:$0x1BE00] =	vst v63  }
0xec: {  	_ =	swait.ge [sflag:s21], $0x80  }
0xed: {  	[sflag:s21] =	ssyncset.done $0x0  }
0xee: {  	[sflag:s21] =	ssyncadd.s32 $0xFFFFFF80  }
0xef: {  	_ =	swait.ge [sflag:s22], $0x80  }
0xf0: {  	[sflag:s22] =	ssyncset.done $0x0  }
0xf1: {  	[sflag:s22] =	ssyncadd.s32 $0xFFFFFF80  }
0xf2: {  	[tilespmem:s24], [sflag:$0x1] =	stream.indirect.gather [hbm4b:s5+s23], $0x80, s19, s23, $0xb8;
	[tilespmem:$0x1BE00] =	vst v63  }
0xf3: {  	_ =	swait.ge [sflag:s25], $0x4000  }
0xf4: {  	[sflag:s25] =	ssyncset.done $0x0  }
0xf5: {  	[sflag:s25] =	ssyncadd.s32 $0xFFFFC000  }
0xf6: {  	[spmem:s1] =	stream.indirect.scatter.add.f32 [tilespmem:s24], [sflag:$0x3], $0x80, s20, s23, $0xb8;
	[tilespmem:$0x1BE00] =	vst v63  }
0xf7: {  	_ =	swait.ge [sflag:s8], $0x4000  }
0xf8: {  	[sflag:s8] =	ssyncset.done $0x0  }
0xf9: {  	s13 =	sadd.s32 $0x4F00, s13;
	[sflag:s8] =	ssyncadd.s32 $0xFFFFC000  }
0xfa: {  	[tilespmem:s26], [sflag:$0x7] =	stream.linear.gather [hbm4b:s13+s2], $0x80, $0x38;
	[tilespmem:$0x1BE00] =	vst v63  }
0xfb: {  	s10 =	sadd.s32 $0x4F00, s10  }
0xfc: {  	[tilespmem:s28], [sflag:$0x8] =	stream.linear.gather [hbm4b:s10+s2], $0x80, $0x38;
	[tilespmem:$0x1BE00] =	vst v63  }
0xfd: {  	_ =	swait.ge [sflag:s29], $0x80  }
0xfe: {  	[sflag:s29] =	ssyncset.done $0x0  }
0xff: {  	[sflag:s29] =	ssyncadd.s32 $0xFFFFFF80  }
0x100: {  	_ =	swait.ge [sflag:s30], $0x80  }
0x101: {  	[sflag:s30] =	ssyncset.done $0x0  }
.Ltmp6:
0x102: {  	[sflag:s30] =	ssyncadd.s32 $0xFFFFFF80;
	(pc) =	sbr.rel @p4 .LBB2_3-.Ltmp6, $4  }
0x103: {  	[tilespmem:s31], [sflag:$0x2] =	stream.indirect.gather [hbm4b:s5+s23], $0x80, s26, s23, $0xb8;
	[tilespmem:$0x1BE00] =	vst v63  }
0x104: {  	_ =	swait.ge [sflag:s0], $0x4000  }
0x105: {  	[sflag:s0] =	ssyncset.done $0x0  }
0x106: {  	[sflag:s0] =	ssyncadd.s32 $0xFFFFC000  }
0x107: {  	[spmem:s1] =	stream.indirect.scatter.add.f32 [tilespmem:s31], [sflag:$0x4], $0x80, s28, s23, $0xb8;
	[tilespmem:$0x1BE00] =	vst v63  }
0x108: {  	_ =	swait.ge [sflag:s3], $0x4000  }
0x109: {  	[sflag:s3] =	ssyncset.done $0x0  }
0x10a: {  	s6 =	simm.s32 @!p1 $0x0;
	s10 =	simm.s32 @!p1 $0x13C00;
	[sflag:s3] =	ssyncadd.s32 $0xFFFFC000  }
0x10b: {  	[tilespmem:s10], [sflag:$0x5] =	stream.linear.gather @!p1 [hbm4b:s15+s6], $0x80, $0x38;
	[tilespmem:$0x1BE00] =	vst v63  }
0x10c: {  	s13 =	simm.s32 @!p1 $0x13C80  }
0x10d: {  	[tilespmem:s13], [sflag:$0x6] =	stream.linear.gather @!p1 [hbm4b:s16+s6], $0x80, $0x38;
	[tilespmem:$0x1BE00] =	vst v63  }
0x10e: {  	s6 =	simm.s32 @!p1 $0x5  }
0x10f: {  	_ =	swait.ge @!p1 [sflag:s6], $0x80  }
0x110: {  	[sflag:s6] =	ssyncset.done @!p1 $0x0  }
0x111: {  	[sflag:s6] =	ssyncadd.s32 @!p1 $0xFFFFFF80;
	s6 =	simm.s32 @!p1 $0x6  }
0x112: {  	_ =	swait.ge @!p1 [sflag:s6], $0x80  }
0x113: {  	[sflag:s6] =	ssyncset.done @!p1 $0x0  }
0x114: {  	s14 =	simm.s32 @!p1 $0x13D00;
	[sflag:s6] =	ssyncadd.s32 @!p1 $0xFFFFFF80;
	s6 =	simm.s32 @!p1 $0x80  }
0x115: {  	[tilespmem:s14], [sflag:$0x1] =	stream.indirect.gather @!p1 [hbm4b:s5+s6], $0x80, s10, s6, $0xb8;
	[tilespmem:$0x1BE00] =	vst v63  }
0x116: {  	s10 =	simm.s32 @!p1 $0x1  }
0x117: {  	_ =	swait.ge @!p1 [sflag:s10], $0x4000  }
0x118: {  	[sflag:s10] =	ssyncset.done @!p1 $0x0  }
0x119: {  	[sflag:s10] =	ssyncadd.s32 @!p1 $0xFFFFC000  }
0x11a: {  	[spmem:s1] =	stream.indirect.scatter.add.f32 @!p1 [tilespmem:s14], [sflag:$0x3], $0x80, s13, s6, $0xb8;
	[tilespmem:$0x1BE00] =	vst v63  }
.Ltmp7:
0x11b: {  	_ = 	snop;
	(pc) =	sbr.rel @p3 .LBB2_9-.Ltmp7, $4  }
.Ltmp8:
0x11c: {  	_ = 	snop;
	(pc) =	sbr.rel @!p3 .LBB2_8-.Ltmp8, $4  }
0x11d: {  	_ =	swait.ge [sflag:s8], $0x4000  }
0x11e: {  	[sflag:s8] =	ssyncset.done $0x0  }
0x11f: {  	s6 =	rddreg [dreg:$0x5];
	[sflag:s8] =	ssyncadd.s32 $0xFFFFC000  }
0x120: {  	_ = 	snop  }
.LBB2_10:
0x121: {  	_ =	sfence.sel $0x180000  }
0x122: {  	[bflag:$0x0] =	sbarrier.arrive $0xFFFF  }
0x123: {  	_ =	strace $0x90000056  }
0x124: {  	s0 =	stileid.u32;
	[bflag:$0x2] =	sbarrier.arrive $0xFFFF  }
0x125: {  	p0 =	sne.s32 s0, $0x0;
	s0 =	rddreg [dreg:$0x3]  }
0x126: {  	s0 =	sadd.s32 @!p0 $0x100000, s0  }
0x127: {  	[sflag:s0] =	ssyncadd.tile.s32 @!p0 $0x1;
	_ =	shalt  }
.Lfunc_end2:
_tile_overlayer_lowered:
.L_overlay_start_2:
0x128: {  	(tag) =	ssettag $0x2  }
0x129: {  	s0 =	rddreg [dreg:$0x0];
	s2 =	stileid.u32  }
0x12a: {  	s1 =	rddreg [dreg:$0x1];
	p0 =	sne.s32 s2, $0x0  }
0x12b: {  	s3 =	rddreg [dreg:$0x2];
	[bflag:$0x3] =	sbarrier.arrive $0xFFFF;
	s2 =	simm.s32 @!p0 $0x1C09  }
0x12c: {  	[timem:s3], [sflag:s2] =	dma.local @!p0 [hbm:s0], s1  }
0x12d: {  	s0 =	simm.s32 @!p0 $0x9  }
0x12e: {  	_ =	swait.ge @!p0 [sflag:s0], s1  }
0x12f: {  	s1 =	ssub.s32 @!p0 $0x0, s1;
	[sflag:s0] =	ssyncset.done @!p0 $0x0  }
0x130: {  	[sflag:s0] =	ssyncadd.s32 @!p0 s1  }
0x131: {  	[bflag:$0x3] =	sbarrier.arrive $0xFFFF  }
0x132: {  	_ =	shalt  }

// kernel: kernel.26.cloned.1.call-start
scs
__scs_entry_jumppad:
0x0: {  	(pc) =	sbr.rel $0x88, $3  }
0x1: {  	(tag) =	ssettag $0x0;
	lr =	simm.s32 $0x1  }
0x2: {  	[smem:$0x3F96] =	sst lr;
	_ =	strace $0xD0000000  }
0x3: {  	_ = 	snop  }
0x4: {  	_ = 	snop  }
0x5: {  	_ = 	snop  }
0x6: {  	_ = 	snop  }
0x7: {  	_ = 	snop  }
__scs_overlays_trampoline_lowered:
0x8: {  	[smem:$0x3FA5] =	sst s0  }
0x9: {  	[smem:$0x3FA6] =	sst s1  }
0xa: {  	[smem:$0x3FA7] =	sst s2  }
0xb: {  	[smem:$0x3FA8] =	sst s3  }
0xc: {  	[smem:$0x3FA9] =	sst s4  }
0xd: {  	[smem:$0x3FAA] =	sst s5  }
0xe: {  	[smem:$0x3FAB] =	sst s6  }
0xf: {  	[smem:$0x3FAC] =	sst s7  }
0x10: {  	[smem:$0x3FAD] =	sst s8  }
0x11: {  	[smem:$0x3FAE] =	sst s9;
	s0 =	simm.s32 @!p0 $0x0  }
0x12: {  	s1 =	sld [smem:$0x3F94];
	s0 =	simm.s32 @p0 $0x1  }
0x13: {  	[smem:$0x3FAF] =	sst s0;
	s0 =	simm.s32 @!p1 $0x0  }
0x14: {  	s2 =	sld [smem:$0x3F93];
	s0 =	simm.s32 @p1 $0x1  }
0x15: {  	[smem:$0x3FB0] =	sst s0;
	s0 =	simm.s32 @!p2 $0x0  }
0x16: {  	s3 =	sld [smem:$0x3FDB];
	s0 =	simm.s32 @p2 $0x1  }
0x17: {  	s4 =	simm.s32 $0x1BF5;
	[smem:$0x3FB2] =	sst s0  }
0x18: {  	s0 =	sld [smem:$0x3F95];
	_ =	swait.ge [sflag:s4], $0x0  }
0x19: {  	s7 =	sld [smem:$0x3F96]  }
0x1a: {  	s8 =	sadd.s32 $0xFFFFE003, lr  }
0x1b: {  	s9 =	sadd.s32 $0xFFFFFEF7, lr;
	s5 =	simm.s32 $0xFFFFFFFF;
	p2 =	slt.u32 s8, $0xFFFFF086  }
0x1c: {  	p1 =	slt.u32 s9, $0xF7A;
	s5 =	simm.s32 @!p2 $0x0  }
0x1d: {  	s5 =	simm.s32 @p1 $0x1;
	p0 =	seq.s32 s7, s2  }
0x1e: {  	s7 =	smul.u32 @!p0 $0xF7A, s2;
	p2 =	seq.s32 @!p0 s5, $0x0  }
0x1f: {  	s9 =	smul.u32 $0xF7A, s1;
	s8 =	simm.s32 @!p0 $0x1BF5;
	p2 =	por !p2, p0  }
0x20: {  	[sflag:s8] =	ssyncset.s32 @!p0 $0xFFFFF086;
	s6 =	sadd.s32 @!p0 s3, s7;
	s7 =	simm.s32 @!p0 $0x108  }
0x21: {  	s3 =	sadd.s32 s3, s9;
	s6 =	sadd.s32 @!p0 $0x88, s6;
	s7 =	simm.s32 @p2 $0x1082  }
0x22: {  	[simem:s7], [sflag:s8] =	dma.local @!p0 [hbm:s6], $0xF7A  }
0x23: {  	s9 =	sor.u32 $0xD0000000, s2;
	s6 =	simm.s32 $0x108;
	_ =	swait.ge @!p0 [sflag:s8], $0x0  }
0x24: {  	s3 =	sadd.s32 $0x88, s3;
	s6 =	simm.s32 @!p1 $0x1082;
	[sflag:s4] =	ssyncset.s32 $0xFFFFF086  }
0x25: {  	[simem:s6], [sflag:s4] =	dma.local [hbm:s3], $0xF7A  }
0x26: {  	[smem:$0x3F96] =	sst s1;
	(tag) =	ssettag s2;
	_ =	strace s9  }
0x27: {  	s1 =	sld [smem:$0x3FA6]  }
0x28: {  	s2 =	sld [smem:$0x3FA7]  }
0x29: {  	s4 =	sld [smem:$0x3FA9]  }
0x2a: {  	p0 =	seq.s32 s5, $0x0;
	s5 =	sld [smem:$0x3FAA]  }
0x2b: {  	s6 =	sld [smem:$0x3FAB]  }
0x2c: {  	s7 =	sld [smem:$0x3FAC]  }
0x2d: {  	s3 =	simm.s32 $0x108;
	s8 =	sld [smem:$0x3FAD]  }
0x2e: {  	s3 =	simm.s32 @!p0 $0x1082;
	s9 =	sld [smem:$0x3FAE]  }
0x2f: {  	lr =	sadd.s32 s0, s3;
	s0 =	sld [smem:$0x3FA5]  }
0x30: {  	s3 =	sld [smem:$0x3FA8]  }
0x31: {  	[smem:$0x3FB1] =	sst s10  }
0x32: {  	s10 =	sld [smem:$0x3FAF];
	_ =	sdelay $0x3  }
0x33: {  	p0 =	seq.s32 s10, $0x1;
	s10 =	sld [smem:$0x3FB1];
	_ =	sdelay $0x3  }
0x34: {  	[smem:$0x3FB1] =	sst s10  }
0x35: {  	s10 =	sld [smem:$0x3FB0];
	_ =	sdelay $0x3  }
0x36: {  	p1 =	seq.s32 s10, $0x1;
	s10 =	sld [smem:$0x3FB1];
	_ =	sdelay $0x3  }
0x37: {  	[smem:$0x3FB1] =	sst s10  }
0x38: {  	s10 =	sld [smem:$0x3FB2]  }
0x39: {  	_ = 	snop;
	(pc) =	sbr.ind lr, $3  }
0x3a: {  	_ = 	snop  }
0x3b: {  	_ = 	snop  }
0x3c: {  	p2 =	seq.s32 s10, $0x1;
	s10 =	sld [smem:$0x3FB1]  }
0x3d: {  	_ =	shalt  }
0x3e: {  	_ =	shalt  }
0x3f: {  	_ =	shalt  }
0x40: {  	_ =	shalt  }
0x41: {  	_ =	shalt  }
0x42: {  	_ =	shalt  }
0x43: {  	_ =	shalt  }
0x44: {  	_ =	shalt  }
0x45: {  	_ =	shalt  }
0x46: {  	_ =	shalt  }
0x47: {  	_ =	shalt  }
0x48: {  	_ =	shalt  }
0x49: {  	_ =	shalt  }
0x4a: {  	_ =	shalt  }
0x4b: {  	_ =	shalt  }
0x4c: {  	_ =	shalt  }
0x4d: {  	_ =	shalt  }
0x4e: {  	_ =	shalt  }
0x4f: {  	_ =	shalt  }
0x50: {  	_ =	shalt  }
0x51: {  	_ =	shalt  }
0x52: {  	_ =	shalt  }
0x53: {  	_ =	shalt  }
0x54: {  	_ =	shalt  }
0x55: {  	_ =	shalt  }
0x56: {  	_ =	shalt  }
0x57: {  	_ =	shalt  }
0x58: {  	_ =	shalt  }
0x59: {  	_ =	shalt  }
0x5a: {  	_ =	shalt  }
0x5b: {  	_ =	shalt  }
0x5c: {  	_ =	shalt  }
0x5d: {  	_ =	shalt  }
0x5e: {  	_ =	shalt  }
0x5f: {  	_ =	shalt  }
0x60: {  	_ =	shalt  }
0x61: {  	_ =	shalt  }
0x62: {  	_ =	shalt  }
0x63: {  	_ =	shalt  }
0x64: {  	_ =	shalt  }
0x65: {  	_ =	shalt  }
0x66: {  	_ =	shalt  }
0x67: {  	_ =	shalt  }
0x68: {  	_ =	shalt  }
0x69: {  	_ =	shalt  }
0x6a: {  	_ =	shalt  }
0x6b: {  	_ =	shalt  }
0x6c: {  	_ =	shalt  }
0x6d: {  	_ =	shalt  }
0x6e: {  	_ =	shalt  }
0x6f: {  	_ =	shalt  }
0x70: {  	_ =	shalt  }
0x71: {  	_ =	shalt  }
0x72: {  	_ =	shalt  }
0x73: {  	_ =	shalt  }
0x74: {  	_ =	shalt  }
0x75: {  	_ =	shalt  }
0x76: {  	_ =	shalt  }
0x77: {  	_ =	shalt  }
0x78: {  	_ =	shalt  }
0x79: {  	_ =	shalt  }
0x7a: {  	_ =	shalt  }
0x7b: {  	_ =	shalt  }
0x7c: {  	_ =	shalt  }
0x7d: {  	_ =	shalt  }
0x7e: {  	_ =	shalt  }
0x7f: {  	_ =	shalt  }
0x80: {  	_ =	shalt  }
0x81: {  	_ =	shalt  }
0x82: {  	_ =	shalt  }
0x83: {  	_ =	shalt  }
0x84: {  	_ =	shalt  }
0x85: {  	_ =	shalt  }
0x86: {  	_ =	shalt  }
0x87: {  	_ =	shalt  }
.Lfunc_end0:
.L_simem_size_0:
called_computation.5_lowered:
.L_overlay_start_0:
0x88: {  	s2 =	sld [smem:$0x3FD9]  }
0x89: {  	s3 =	sld [smem:$0x3FFE];
	_ =	sdelay $0x1  }
0x8a: {  	s1 =	srdreg.scid  }
0x8b: {  	s0 =	sand.u32 $0x1, s1  }
0x8c: {  	s16 =	sshll.u32 s0, $0xA;
	s2 =	sadd.s32 s3, s2  }
0x8d: {  	s2 =	sadd.s32 s2, s16  }
0x8e: {  	[smem:$0x3FBD] =	sst s2  }
0x8f: {  	_ = 	snop  }
0x90: {  	(tm) =	ssettm $0x1  }
0x91: {  	s17 =	sld [smem:$0x3FFB];
	_ =	sdelay $0x3  }
0x92: {  	_ =	strace s17  }
0x93: {  	s2 =	sld [smem:$0x3FFC];
	_ =	sdelay $0x3  }
0x94: {  	_ =	strace s2  }
0x95: {  	s2 =	sld [smem:$0x3FFD];
	_ =	sdelay $0x3  }
0x96: {  	_ =	strace s2  }
0x97: {  	_ =	strace $0x8FFFFFFF  }
0x98: {  	s18 =	sld [smem:$0x3FDB];
	_ =	sdelay $0x1  }
0x99: {  	s19 =	simm.s32 $_scs_section_size  }
0x9a: {  	s4 =	simm.s32 $_size__tile_overlayer_lowered;
	s5 =	simm.s32 $_tile_overlayer_lowered  }
0x9b: {  	s22 =	simm.s32 $0x1BFF;
	s21 =	sshll.u32 s5, $0x1;
	s2 =	sadd.s32 s19, s18  }
0x9c: {  	s6 =	simm.s32 $0x0;
	s20 =	sshll.u32 s4, $0x1;
	s4 =	sadd.s32 s21, s2  }
0x9d: {  	[timem:s6], [sflag:s22] =	dma.local [hbm:s4], s20  }
0x9e: {  	_ =	swait.ge [sflag:s22], s20  }
0x9f: {  	s3 =	ssub.s32 $0x0, s20;
	[sflag:s22] =	ssyncset.done $0x0  }
0xa0: {  	[sflag:s22] =	ssyncadd.s32 s3;
	_ =	sdelay $0x1  }
0xa1: {  	s23 =	simm.s32 $0x1B8B  }
0xa2: {  	_ =	swait.ge [sflag:s23], $0x1  }
0xa3: {  	[sflag:s23] =	ssyncset.done $0x0  }
0xa4: {  	s25 =	simm.s32 $0x1B8E;
	s24 =	sld [smem:$0x3FFE];
	[sflag:s23] =	ssyncadd.s32 $0xFFFFFFFF  }
0xa5: {  	s26 =	simm.s32 $execute0_lowered;
	[smem:$0x3FD2] =	sst s25  }
0xa6: {  	s4 =	sshll.u32 s26, $0x1;
	_ =	strace $0x80000052;
	[dreg:$0x1] =	wrdreg $0xFFFFFFFF  }
0xa7: {  	s28 =	simm.s32 $_size_execute0_lowered;
	s2 =	sadd.s32 s2, s4;
	[dreg:$0x0] =	wrdreg $0x0  }
0xa8: {  	s4 =	sshll.u32 s28, $0x1;
	[dreg:$0x2] =	wrdreg s2  }
0xa9: {  	[dreg:$0x3] =	wrdreg s4  }
0xaa: {  	[dreg:$0x4] =	wrdreg $0xC0  }
0xab: {  	_ =	task [dreg:s6], $0x5FFFF  }
0xac: {  	[dreg:$0x1] =	wrdreg $0xFFFFFFFF  }
0xad: {  	[dreg:$0x0] =	wrdreg $0x60  }
0xae: {  	[dreg:$0x2] =	wrdreg s24  }
0xaf: {  	[dreg:$0x3] =	wrdreg $0x0  }
0xb0: {  	[dreg:$0x4] =	wrdreg $0xA  }
0xb1: {  	_ =	task.clear_ibuf [dreg:s6], $0x5FFFF;
	_ =	strace $0x90000052  }
0xb2: {  	s29 =	simm.s32 $0xA;
	_ =	strace $0x80000054  }
0xb3: {  	_ =	swait.ge [sflag:s29], $0x1  }
0xb4: {  	[sflag:s29] =	ssyncadd.s32 $0xFFFFFFFF  }
0xb5: {  	_ =	strace $0x90000054  }
0xb6: {  	_ =	sfence  }
0xb7: {  	s30 =	sld [smem:$0x0];
	_ =	sdelay $0x2  }
0xb8: {  	s31 =	sshll.u32 s1, $0xD;
	s1 =	sshrl.u32 s1, $0x2  }
0xb9: {  	s3 =	sand.u32 $0x4000, s31;
	s1 =	sadd.s32 s1, s30  }
0xba: {  	s0 =	sor.u32 s3, s0;
	s1 =	sshll.u32 s1, $0x11  }
0xbb: {  	s0 =	sor.u32 s1, s0  }
0xbc: {  	s0 =	sadd.s32 $0x8F2B, s0  }
0xbd: {  	[sflag:s0] =	ssyncadd.remote.s32 $0x1  }
0xbe: {  	_ =	sfence.sel $0xFFFF  }
0xbf: {  	[dreg:$0x0] =	wrdreg $0xFFFFFFFF;
	(pc) =	sbr.abs _section_cstart, $3  }
0xc0: {  	[dreg:$0x1] =	wrdreg $0xFFFFFFFF  }
0xc1: {  	_ =	task.clear_ibuf [dreg:s6], $0x2FFFF;
	_ =	strace $0x9FFFFFFF  }
0xc2: {  	(tm) =	ssettm $0x7FFFFFFF  }
0xc3: {  	_ =	shalt  }
tec
execute0_lowered:
.L_overlay_start_1:
0x0: {  	(tag) =	ssettag $0x1  }
0x1: {  	s0 =	rddreg [dreg:$0x0]  }
0x2: {  	s1 =	rddreg [dreg:$0x1]  }
0x3: {  	s2 =	simm.s32 $0x0;
	s6 =	srdreg.scid;
	s14 =	stileid.u32  }
0x4: {  	s18 =	simm.s32 $0x9;
	s19 =	simm.s32 $0x13C00;
	s20 =	simm.s32 $0x13C80  }
0x5: {  	s28 =	simm.s32 $0x17D80;
	s29 =	simm.s32 $0x7;
	s30 =	simm.s32 $0x8  }
0x6: {  	s31 =	simm.s32 $0x17E00;
	[smem:$0x7FF] =	sst s2;
	s4 =	sadd.s32 $0x34400, s0  }
0x7: {  	s5 =	sadd.s32 $0xD200, s0;
	s3 =	sadd.s32 $0x8200, s0;
	s8 =	sadd.s32 $0x3200, s0  }
0x8: {  	s6 =	sand.u32 $0x1, s6;
	s7 =	smul.u32 $0x4F000, s14;
	s9 =	sadd.s32 $0x5B600, s0  }
0x9: {  	s10 =	smul.u32 $0x13C00, s14;
	s0 =	sadd.s32 $0x197E00, s0;
	s23 =	sshll.u32 s14, $0x6  }
0xa: {  	s12 =	smul.u32 $0x2780, s14;
	s13 =	sshll.u32 s14, $0x4;
	p2 =	slt.u32 s14, $0x2  }
0xb: {  	p3 =	sgt.u32 s14, $0x1;
	_ =	strace $0x80000053;
	s21 =	ssub.s32 $0x2, s6  }
0xc: {  	[dreg:$0x3] =	wrdreg s9;
	p0 =	seq.s32 s6, $0x0;
	s11 =	sshrl.u32 s21, $0x1  }
0xd: {  	s7 =	sshrl.u32 s7, $0x2;
	s22 =	sshrl.u32 s10, $0x3;
	s9 =	ssub.s32 s21, s11  }
0xe: {  	s17 =	sadd.s32 s7, s1;
	s24 =	sadd.s32 s0, s22;
	s7 =	sor.u32 $0x1C09, s23  }
0xf: {  	s0 =	sadd.s32 s0, s12;
	s11 =	sadd.s32 s3, s13;
	s12 =	sadd.s32 s8, s13  }
0x10: {  	s21 =	simm.s32 $0x5;
	s22 =	simm.s32 $0x6;
	s23 =	simm.s32 $0x80  }
0x11: {  	s25 =	sadd.s32 $0x27800, s24;
	[dreg:$0x5] =	wrdreg s0;
	s26 =	smax.u32 s9, $0x1  }
0x12: {  	s9 =	sor.u32 $0x100, s13;
	s13 =	sor.u32 $0x4E0, s14;
	[dreg:$0x4] =	wrdreg s25  }
0x13: {  	s17 =	sshrl.u32 s17, $0x3;
	s24 =	simm.s32 $0x13D00;
	[dreg:$0x6] =	wrdreg s26  }
.Ltmp0:
0x14: {  	s25 =	sadd.s32 s3, s9;
	s0 =	sadd.s32 s8, s9;
	(pc) =	sbr.rel .LBB2_1-.Ltmp0, $4  }
0x15: {  	s26 =	sshll.u32 s13, $0x4;
	p1 =	sgt.u32 s13, $0x4E1;
	[dreg:$0x7] =	wrdreg s25  }
0x16: {  	s9 =	simm.s32 $0x0;
	[dreg:$0x8] =	wrdreg s0;
	s15 =	sadd.s32 s3, s26  }
0x17: {  	s16 =	sadd.s32 s8, s26;
	s25 =	simm.s32 $0x1;
	s26 =	simm.s32 $0x17D00  }
0x18: {  	s0 =	simm.s32 $0x2;
	s3 =	simm.s32 $0x3;
	s8 =	simm.s32 $0x4  }
.LBB2_8:
0x19: {  	_ =	swait.ge [sflag:s3], $0x4000  }
0x1a: {  	[sflag:s3] =	ssyncset.done $0x0  }
0x1b: {  	[sflag:s3] =	ssyncadd.s32 $0xFFFFC000  }
.LBB2_9:
0x1c: {  	[bflag:$0x0] =	sbarrier.arrive $0xFFFF  }
0x1d: {  	[hbm:s6], [sflag:s7] =	dma.local [spmem:s17], $0x2780  }
0x1e: {  	_ =	swait.ge [sflag:s18], $0x2780  }
0x1f: {  	s9 =	sadd.s32 $0x1, s9;
	s14 =	rddreg [dreg:$0x6]  }
0x20: {  	p4 =	sne.s32 s9, s14  }
.Ltmp1:
0x21: {  	_ = 	snop;
	(pc) =	sbr.rel @!p4 .LBB2_10-.Ltmp1, $3  }
0x22: {  	_ =	sdelay $0x1  }
0x23: {  	[sflag:s18] =	ssyncset.done $0x0  }
0x24: {  	[sflag:s18] =	ssyncadd.s32 $0xFFFFD880  }
.LBB2_1:
0x25: {  	s6 =	rddreg [dreg:$0x3]  }
0x26: {  	[spmem:s17], [sflag:s7] =	dma.local [hbm:s6], $0x2780  }
.Ltmp2:
0x27: {  	_ =	swait.ge [sflag:s18], $0x2780;
	(pc) =	sbr.rel @!p0 .LBB2_2-.Ltmp2, $3  }
0x28: {  	[sflag:s18] =	ssyncset.done $0x0  }
0x29: {  	[sflag:s18] =	ssyncadd.s32 $0xFFFFD880  }
0x2a: {  	[bflag:$0x0] =	sbarrier.arrive $0xFFFF;
	_ =	sdelay $0x1  }
0x2b: {  	[tilespmem:s19], [sflag:$0x5] =	stream.linear.gather [hbm4b:s11+s2], $0x80, $0x38;
	[tilespmem:$0x1BE00] =	vst v63  }
0x2c: {  	_ = 	snop  }
0x2d: {  	[tilespmem:s20], [sflag:$0x6] =	stream.linear.gather [hbm4b:s12+s2], $0x80, $0x38;
	[tilespmem:$0x1BE00] =	vst v63  }
0x2e: {  	_ =	swait.ge [sflag:s21], $0x80  }
0x2f: {  	[sflag:s21] =	ssyncset.done $0x0  }
0x30: {  	[sflag:s21] =	ssyncadd.s32 $0xFFFFFF80  }
0x31: {  	_ =	swait.ge [sflag:s22], $0x80  }
0x32: {  	[sflag:s22] =	ssyncset.done $0x0  }
0x33: {  	[sflag:s22] =	ssyncadd.s32 $0xFFFFFF80  }
0x34: {  	[tilespmem:s24], [sflag:$0x1] =	stream.indirect.gather [hbm4b:s4+s23], $0x80, s19, s23, $0xb8;
	[tilespmem:$0x1BE00] =	vst v63  }
0x35: {  	_ =	swait.ge [sflag:s25], $0x4000  }
0x36: {  	[sflag:s25] =	ssyncset.done $0x0  }
0x37: {  	[sflag:s25] =	ssyncadd.s32 $0xFFFFC000  }
0x38: {  	[spmem:s1] =	stream.indirect.scatter.add.f32 [tilespmem:s24], [sflag:$0x3], $0x80, s20, s23, $0xb8;
	[tilespmem:$0x1BE00] =	vst v63  }
0x39: {  	s6 =	rddreg [dreg:$0x7]  }
0x3a: {  	[tilespmem:s26], [sflag:$0x7] =	stream.linear.gather [hbm4b:s6+s2], $0x80, $0x38;
	[tilespmem:$0x1BE00] =	vst v63  }
0x3b: {  	s13 =	rddreg [dreg:$0x8]  }
0x3c: {  	[tilespmem:s28], [sflag:$0x8] =	stream.linear.gather [hbm4b:s13+s2], $0x80, $0x38;
	[tilespmem:$0x1BE00] =	vst v63  }
0x3d: {  	_ =	swait.ge [sflag:s29], $0x80  }
0x3e: {  	[sflag:s29] =	ssyncset.done $0x0  }
0x3f: {  	[sflag:s29] =	ssyncadd.s32 $0xFFFFFF80  }
0x40: {  	_ =	swait.ge [sflag:s30], $0x80  }
0x41: {  	[sflag:s30] =	ssyncset.done $0x0  }
0x42: {  	[sflag:s30] =	ssyncadd.s32 $0xFFFFFF80  }
0x43: {  	[tilespmem:s31], [sflag:$0x2] =	stream.indirect.gather [hbm4b:s4+s23], $0x80, s26, s23, $0xb8;
	[tilespmem:$0x1BE00] =	vst v63  }
0x44: {  	_ =	swait.ge [sflag:s0], $0x4000  }
0x45: {  	[sflag:s0] =	ssyncset.done $0x0  }
0x46: {  	[sflag:s0] =	ssyncadd.s32 $0xFFFFC000  }
0x47: {  	[spmem:s1] =	stream.indirect.scatter.add.f32 [tilespmem:s31], [sflag:$0x4], $0x80, s28, s23, $0xb8;
	[tilespmem:$0x1BE00] =	vst v63  }
0x48: {  	_ =	swait.ge [sflag:s3], $0x4000  }
0x49: {  	s6 =	sadd.s32 $0xFFFFB400, s11;
	[sflag:s3] =	ssyncset.done $0x0  }
0x4a: {  	s10 =	sadd.s32 $0x4E00, s6;
	s13 =	sadd.s32 $0xFFFFB400, s12;
	[sflag:s3] =	ssyncadd.s32 $0xFFFFC000  }
0x4b: {  	[tilespmem:s19], [sflag:$0x5] =	stream.linear.gather [hbm4b:s10+s2], $0x80, $0x38;
	[tilespmem:$0x1BE00] =	vst v63  }
0x4c: {  	s14 =	sadd.s32 $0x4E00, s13  }
0x4d: {  	[tilespmem:s20], [sflag:$0x6] =	stream.linear.gather [hbm4b:s14+s2], $0x80, $0x38;
	[tilespmem:$0x1BE00] =	vst v63  }
0x4e: {  	_ =	swait.ge [sflag:s21], $0x80  }
0x4f: {  	[sflag:s21] =	ssyncset.done $0x0  }
0x50: {  	[sflag:s21] =	ssyncadd.s32 $0xFFFFFF80  }
0x51: {  	_ =	swait.ge [sflag:s22], $0x80  }
0x52: {  	[sflag:s22] =	ssyncset.done $0x0  }
0x53: {  	[sflag:s22] =	ssyncadd.s32 $0xFFFFFF80  }
0x54: {  	[tilespmem:s24], [sflag:$0x1] =	stream.indirect.gather [hbm4b:s4+s23], $0x80, s19, s23, $0xb8;
	[tilespmem:$0x1BE00] =	vst v63  }
0x55: {  	_ =	swait.ge [sflag:s25], $0x4000  }
0x56: {  	[sflag:s25] =	ssyncset.done $0x0  }
0x57: {  	[sflag:s25] =	ssyncadd.s32 $0xFFFFC000  }
0x58: {  	[spmem:s1] =	stream.indirect.scatter.add.f32 [tilespmem:s24], [sflag:$0x3], $0x80, s20, s23, $0xb8;
	[tilespmem:$0x1BE00] =	vst v63  }
0x59: {  	_ =	swait.ge [sflag:s8], $0x4000  }
0x5a: {  	[sflag:s8] =	ssyncset.done $0x0  }
0x5b: {  	s6 =	sadd.s32 $0x4F00, s6;
	[sflag:s8] =	ssyncadd.s32 $0xFFFFC000  }
0x5c: {  	[tilespmem:s26], [sflag:$0x7] =	stream.linear.gather [hbm4b:s6+s2], $0x80, $0x38;
	[tilespmem:$0x1BE00] =	vst v63  }
0x5d: {  	s14 =	sadd.s32 $0x4F00, s13  }
0x5e: {  	[tilespmem:s28], [sflag:$0x8] =	stream.linear.gather [hbm4b:s14+s2], $0x80, $0x38;
	[tilespmem:$0x1BE00] =	vst v63  }
0x5f: {  	_ =	swait.ge [sflag:s29], $0x80  }
0x60: {  	[sflag:s29] =	ssyncset.done $0x0  }
0x61: {  	[sflag:s29] =	ssyncadd.s32 $0xFFFFFF80  }
0x62: {  	_ =	swait.ge [sflag:s30], $0x80  }
0x63: {  	[sflag:s30] =	ssyncset.done $0x0  }
0x64: {  	[sflag:s30] =	ssyncadd.s32 $0xFFFFFF80  }
0x65: {  	[tilespmem:s31], [sflag:$0x2] =	stream.indirect.gather [hbm4b:s4+s23], $0x80, s26, s23, $0xb8;
	[tilespmem:$0x1BE00] =	vst v63  }
0x66: {  	_ =	swait.ge [sflag:s0], $0x4000  }
0x67: {  	[sflag:s0] =	ssyncset.done $0x0  }
0x68: {  	s6 =	simm.s32 $0xFFFFB600;
	[sflag:s0] =	ssyncadd.s32 $0xFFFFC000  }
.LBB2_6:
0x69: {  	[spmem:s1] =	stream.indirect.scatter.add.f32 [tilespmem:s31], [sflag:$0x4], $0x80, s28, s23, $0xb8;
	[tilespmem:$0x1BE00] =	vst v63  }
0x6a: {  	s10 =	smov.u32 s6  }
0x6b: {  	p4 =	sne.s32 s6, $0xFFFFFE00;
	s6 =	sadd.s32 $0x200, s6;
	_ =	swait.ge [sflag:s3], $0x4000  }
0x6c: {  	s13 =	sadd.s32 s10, s11;
	[sflag:s3] =	ssyncset.done $0x0  }
0x6d: {  	s10 =	sadd.s32 s10, s12;
	s14 =	sadd.s32 $0x4E00, s13;
	[sflag:s3] =	ssyncadd.s32 $0xFFFFC000  }
0x6e: {  	[tilespmem:s19], [sflag:$0x5] =	stream.linear.gather [hbm4b:s14+s2], $0x80, $0x38;
	[tilespmem:$0x1BE00] =	vst v63  }
0x6f: {  	s14 =	sadd.s32 $0x4E00, s10  }
0x70: {  	[tilespmem:s20], [sflag:$0x6] =	stream.linear.gather [hbm4b:s14+s2], $0x80, $0x38;
	[tilespmem:$0x1BE00] =	vst v63  }
0x71: {  	_ =	swait.ge [sflag:s21], $0x80  }
0x72: {  	[sflag:s21] =	ssyncset.done $0x0  }
0x73: {  	[sflag:s21] =	ssyncadd.s32 $0xFFFFFF80  }
0x74: {  	_ =	swait.ge [sflag:s22], $0x80  }
0x75: {  	[sflag:s22] =	ssyncset.done $0x0  }
0x76: {  	[sflag:s22] =	ssyncadd.s32 $0xFFFFFF80  }
0x77: {  	[tilespmem:s24], [sflag:$0x1] =	stream.indirect.gather [hbm4b:s4+s23], $0x80, s19, s23, $0xb8;
	[tilespmem:$0x1BE00] =	vst v63  }
0x78: {  	_ =	swait.ge [sflag:s25], $0x4000  }
0x79: {  	[sflag:s25] =	ssyncset.done $0x0  }
0x7a: {  	[sflag:s25] =	ssyncadd.s32 $0xFFFFC000  }
0x7b: {  	[spmem:s1] =	stream.indirect.scatter.add.f32 [tilespmem:s24], [sflag:$0x3], $0x80, s20, s23, $0xb8;
	[tilespmem:$0x1BE00] =	vst v63  }
0x7c: {  	_ =	swait.ge [sflag:s8], $0x4000  }
0x7d: {  	[sflag:s8] =	ssyncset.done $0x0  }
0x7e: {  	s13 =	sadd.s32 $0x4F00, s13;
	[sflag:s8] =	ssyncadd.s32 $0xFFFFC000  }
0x7f: {  	[tilespmem:s26], [sflag:$0x7] =	stream.linear.gather [hbm4b:s13+s2], $0x80, $0x38;
	[tilespmem:$0x1BE00] =	vst v63  }
0x80: {  	s10 =	sadd.s32 $0x4F00, s10  }
0x81: {  	[tilespmem:s28], [sflag:$0x8] =	stream.linear.gather [hbm4b:s10+s2], $0x80, $0x38;
	[tilespmem:$0x1BE00] =	vst v63  }
0x82: {  	_ =	swait.ge [sflag:s29], $0x80  }
0x83: {  	[sflag:s29] =	ssyncset.done $0x0  }
0x84: {  	[sflag:s29] =	ssyncadd.s32 $0xFFFFFF80  }
0x85: {  	_ =	swait.ge [sflag:s30], $0x80  }
0x86: {  	[sflag:s30] =	ssyncset.done $0x0  }
.Ltmp3:
0x87: {  	[sflag:s30] =	ssyncadd.s32 $0xFFFFFF80;
	(pc) =	sbr.rel @p4 .LBB2_6-.Ltmp3, $4  }
0x88: {  	[tilespmem:s31], [sflag:$0x2] =	stream.indirect.gather [hbm4b:s4+s23], $0x80, s26, s23, $0xb8;
	[tilespmem:$0x1BE00] =	vst v63  }
0x89: {  	_ =	swait.ge [sflag:s0], $0x4000  }
0x8a: {  	[sflag:s0] =	ssyncset.done $0x0  }
0x8b: {  	[sflag:s0] =	ssyncadd.s32 $0xFFFFC000  }
0x8c: {  	[spmem:s1] =	stream.indirect.scatter.add.f32 [tilespmem:s31], [sflag:$0x4], $0x80, s28, s23, $0xb8;
	[tilespmem:$0x1BE00] =	vst v63  }
0x8d: {  	_ =	swait.ge [sflag:s3], $0x4000  }
0x8e: {  	[sflag:s3] =	ssyncset.done $0x0  }
0x8f: {  	s6 =	simm.s32 @!p1 $0x0;
	s10 =	simm.s32 @!p1 $0x13C00;
	[sflag:s3] =	ssyncadd.s32 $0xFFFFC000  }
0x90: {  	[tilespmem:s10], [sflag:$0x5] =	stream.linear.gather @!p1 [hbm4b:s15+s6], $0x80, $0x38;
	[tilespmem:$0x1BE00] =	vst v63  }
0x91: {  	s13 =	simm.s32 @!p1 $0x13C80  }
0x92: {  	[tilespmem:s13], [sflag:$0x6] =	stream.linear.gather @!p1 [hbm4b:s16+s6], $0x80, $0x38;
	[tilespmem:$0x1BE00] =	vst v63  }
0x93: {  	s6 =	simm.s32 @!p1 $0x5  }
0x94: {  	_ =	swait.ge @!p1 [sflag:s6], $0x80  }
0x95: {  	[sflag:s6] =	ssyncset.done @!p1 $0x0  }
0x96: {  	[sflag:s6] =	ssyncadd.s32 @!p1 $0xFFFFFF80;
	s6 =	simm.s32 @!p1 $0x6  }
0x97: {  	_ =	swait.ge @!p1 [sflag:s6], $0x80  }
0x98: {  	[sflag:s6] =	ssyncset.done @!p1 $0x0  }
0x99: {  	s14 =	simm.s32 @!p1 $0x13D00;
	[sflag:s6] =	ssyncadd.s32 @!p1 $0xFFFFFF80;
	s6 =	simm.s32 @!p1 $0x80  }
0x9a: {  	[tilespmem:s14], [sflag:$0x1] =	stream.indirect.gather @!p1 [hbm4b:s4+s6], $0x80, s10, s6, $0xb8;
	[tilespmem:$0x1BE00] =	vst v63  }
0x9b: {  	s10 =	simm.s32 @!p1 $0x1  }
0x9c: {  	_ =	swait.ge @!p1 [sflag:s10], $0x4000  }
0x9d: {  	[sflag:s10] =	ssyncset.done @!p1 $0x0  }
0x9e: {  	[sflag:s10] =	ssyncadd.s32 @!p1 $0xFFFFC000  }
0x9f: {  	[spmem:s1] =	stream.indirect.scatter.add.f32 @!p1 [tilespmem:s14], [sflag:$0x3], $0x80, s13, s6, $0xb8;
	[tilespmem:$0x1BE00] =	vst v63  }
.Ltmp4:
0xa0: {  	_ = 	snop;
	(pc) =	sbr.rel @!p2 .LBB2_9-.Ltmp4, $4  }
.Ltmp5:
0xa1: {  	_ = 	snop;
	(pc) =	sbr.rel @p2 .LBB2_8-.Ltmp5, $4  }
0xa2: {  	_ =	swait.ge [sflag:s8], $0x4000  }
0xa3: {  	[sflag:s8] =	ssyncset.done $0x0  }
0xa4: {  	s6 =	rddreg [dreg:$0x5];
	[sflag:s8] =	ssyncadd.s32 $0xFFFFC000  }
0xa5: {  	_ = 	snop  }
.LBB2_2:
0xa6: {  	[tilespmem:s19], [sflag:$0x5] =	stream.linear.gather [hbm4b:s11+s2], $0x80, $0x38;
	[tilespmem:$0x1BE00] =	vst v63  }
0xa7: {  	_ = 	snop  }
0xa8: {  	[tilespmem:s20], [sflag:$0x6] =	stream.linear.gather [hbm4b:s12+s2], $0x80, $0x38;
	[tilespmem:$0x1BE00] =	vst v63  }
0xa9: {  	_ =	swait.ge [sflag:s21], $0x80  }
0xaa: {  	[sflag:s21] =	ssyncset.done $0x0  }
0xab: {  	[sflag:s21] =	ssyncadd.s32 $0xFFFFFF80  }
0xac: {  	_ =	swait.ge [sflag:s22], $0x80  }
0xad: {  	[sflag:s22] =	ssyncset.done $0x0  }
0xae: {  	[sflag:s22] =	ssyncadd.s32 $0xFFFFFF80  }
0xaf: {  	[tilespmem:s24], [sflag:$0x1] =	stream.indirect.gather [hbm4b:s5+s23], $0x80, s19, s23, $0xb8;
	[tilespmem:$0x1BE00] =	vst v63  }
0xb0: {  	_ =	swait.ge [sflag:s25], $0x4000  }
0xb1: {  	[sflag:s25] =	ssyncset.done $0x0  }
0xb2: {  	[sflag:s25] =	ssyncadd.s32 $0xFFFFC000  }
0xb3: {  	[spmem:s1] =	stream.indirect.scatter.add.f32 [tilespmem:s24], [sflag:$0x3], $0x80, s20, s23, $0xb8;
	[tilespmem:$0x1BE00] =	vst v63  }
0xb4: {  	s6 =	rddreg [dreg:$0x7]  }
0xb5: {  	[tilespmem:s26], [sflag:$0x7] =	stream.linear.gather [hbm4b:s6+s2], $0x80, $0x38;
	[tilespmem:$0x1BE00] =	vst v63  }
0xb6: {  	s13 =	rddreg [dreg:$0x8]  }
0xb7: {  	[tilespmem:s28], [sflag:$0x8] =	stream.linear.gather [hbm4b:s13+s2], $0x80, $0x38;
	[tilespmem:$0x1BE00] =	vst v63  }
0xb8: {  	_ =	swait.ge [sflag:s29], $0x80  }
0xb9: {  	[sflag:s29] =	ssyncset.done $0x0  }
0xba: {  	[sflag:s29] =	ssyncadd.s32 $0xFFFFFF80  }
0xbb: {  	_ =	swait.ge [sflag:s30], $0x80  }
0xbc: {  	[sflag:s30] =	ssyncset.done $0x0  }
0xbd: {  	[sflag:s30] =	ssyncadd.s32 $0xFFFFFF80  }
0xbe: {  	[tilespmem:s31], [sflag:$0x2] =	stream.indirect.gather [hbm4b:s5+s23], $0x80, s26, s23, $0xb8;
	[tilespmem:$0x1BE00] =	vst v63  }
0xbf: {  	_ =	swait.ge [sflag:s0], $0x4000  }
0xc0: {  	[sflag:s0] =	ssyncset.done $0x0  }
0xc1: {  	[sflag:s0] =	ssyncadd.s32 $0xFFFFC000  }
0xc2: {  	[spmem:s1] =	stream.indirect.scatter.add.f32 [tilespmem:s31], [sflag:$0x4], $0x80, s28, s23, $0xb8;
	[tilespmem:$0x1BE00] =	vst v63  }
0xc3: {  	_ =	swait.ge [sflag:s3], $0x4000  }
0xc4: {  	s6 =	sadd.s32 $0xFFFFB400, s11;
	[sflag:s3] =	ssyncset.done $0x0  }
0xc5: {  	s10 =	sadd.s32 $0x4E00, s6;
	s13 =	sadd.s32 $0xFFFFB400, s12;
	[sflag:s3] =	ssyncadd.s32 $0xFFFFC000  }
0xc6: {  	[tilespmem:s19], [sflag:$0x5] =	stream.linear.gather [hbm4b:s10+s2], $0x80, $0x38;
	[tilespmem:$0x1BE00] =	vst v63  }
0xc7: {  	s14 =	sadd.s32 $0x4E00, s13  }
0xc8: {  	[tilespmem:s20], [sflag:$0x6] =	stream.linear.gather [hbm4b:s14+s2], $0x80, $0x38;
	[tilespmem:$0x1BE00] =	vst v63  }
0xc9: {  	_ =	swait.ge [sflag:s21], $0x80  }
0xca: {  	[sflag:s21] =	ssyncset.done $0x0  }
0xcb: {  	[sflag:s21] =	ssyncadd.s32 $0xFFFFFF80  }
0xcc: {  	_ =	swait.ge [sflag:s22], $0x80  }
0xcd: {  	[sflag:s22] =	ssyncset.done $0x0  }
0xce: {  	[sflag:s22] =	ssyncadd.s32 $0xFFFFFF80  }
0xcf: {  	[tilespmem:s24], [sflag:$0x1] =	stream.indirect.gather [hbm4b:s5+s23], $0x80, s19, s23, $0xb8;
	[tilespmem:$0x1BE00] =	vst v63  }
0xd0: {  	_ =	swait.ge [sflag:s25], $0x4000  }
0xd1: {  	[sflag:s25] =	ssyncset.done $0x0  }
0xd2: {  	[sflag:s25] =	ssyncadd.s32 $0xFFFFC000  }
0xd3: {  	[spmem:s1] =	stream.indirect.scatter.add.f32 [tilespmem:s24], [sflag:$0x3], $0x80, s20, s23, $0xb8;
	[tilespmem:$0x1BE00] =	vst v63  }
0xd4: {  	_ =	swait.ge [sflag:s8], $0x4000  }
0xd5: {  	[sflag:s8] =	ssyncset.done $0x0  }
0xd6: {  	s6 =	sadd.s32 $0x4F00, s6;
	[sflag:s8] =	ssyncadd.s32 $0xFFFFC000  }
0xd7: {  	[tilespmem:s26], [sflag:$0x7] =	stream.linear.gather [hbm4b:s6+s2], $0x80, $0x38;
	[tilespmem:$0x1BE00] =	vst v63  }
0xd8: {  	s14 =	sadd.s32 $0x4F00, s13  }
0xd9: {  	[tilespmem:s28], [sflag:$0x8] =	stream.linear.gather [hbm4b:s14+s2], $0x80, $0x38;
	[tilespmem:$0x1BE00] =	vst v63  }
0xda: {  	_ =	swait.ge [sflag:s29], $0x80  }
0xdb: {  	[sflag:s29] =	ssyncset.done $0x0  }
0xdc: {  	[sflag:s29] =	ssyncadd.s32 $0xFFFFFF80  }
0xdd: {  	_ =	swait.ge [sflag:s30], $0x80  }
0xde: {  	[sflag:s30] =	ssyncset.done $0x0  }
0xdf: {  	[sflag:s30] =	ssyncadd.s32 $0xFFFFFF80  }
0xe0: {  	[tilespmem:s31], [sflag:$0x2] =	stream.indirect.gather [hbm4b:s5+s23], $0x80, s26, s23, $0xb8;
	[tilespmem:$0x1BE00] =	vst v63  }
0xe1: {  	_ =	swait.ge [sflag:s0], $0x4000  }
0xe2: {  	[sflag:s0] =	ssyncset.done $0x0  }
0xe3: {  	s6 =	simm.s32 $0xFFFFB600;
	[sflag:s0] =	ssyncadd.s32 $0xFFFFC000  }
.LBB2_3:
0xe4: {  	[spmem:s1] =	stream.indirect.scatter.add.f32 [tilespmem:s31], [sflag:$0x4], $0x80, s28, s23, $0xb8;
	[tilespmem:$0x1BE00] =	vst v63  }
0xe5: {  	s10 =	smov.u32 s6  }
0xe6: {  	p4 =	sne.s32 s6, $0xFFFFFE00;
	s6 =	sadd.s32 $0x200, s6;
	_ =	swait.ge [sflag:s3], $0x4000  }
0xe7: {  	s13 =	sadd.s32 s10, s11;
	[sflag:s3] =	ssyncset.done $0x0  }
0xe8: {  	s10 =	sadd.s32 s10, s12;
	s14 =	sadd.s32 $0x4E00, s13;
	[sflag:s3] =	ssyncadd.s32 $0xFFFFC000  }
0xe9: {  	[tilespmem:s19], [sflag:$0x5] =	stream.linear.gather [hbm4b:s14+s2], $0x80, $0x38;
	[tilespmem:$0x1BE00] =	vst v63  }
0xea: {  	s14 =	sadd.s32 $0x4E00, s10  }
0xeb: {  	[tilespmem:s20], [sflag:$0x6] =	stream.linear.gather [hbm4b:s14+s2], $0x80, $0x38;
	[tilespmem:$0x1BE00] =	vst v63  }
0xec: {  	_ =	swait.ge [sflag:s21], $0x80  }
0xed: {  	[sflag:s21] =	ssyncset.done $0x0  }
0xee: {  	[sflag:s21] =	ssyncadd.s32 $0xFFFFFF80  }
0xef: {  	_ =	swait.ge [sflag:s22], $0x80  }
0xf0: {  	[sflag:s22] =	ssyncset.done $0x0  }
0xf1: {  	[sflag:s22] =	ssyncadd.s32 $0xFFFFFF80  }
0xf2: {  	[tilespmem:s24], [sflag:$0x1] =	stream.indirect.gather [hbm4b:s5+s23], $0x80, s19, s23, $0xb8;
	[tilespmem:$0x1BE00] =	vst v63  }
0xf3: {  	_ =	swait.ge [sflag:s25], $0x4000  }
0xf4: {  	[sflag:s25] =	ssyncset.done $0x0  }
0xf5: {  	[sflag:s25] =	ssyncadd.s32 $0xFFFFC000  }
0xf6: {  	[spmem:s1] =	stream.indirect.scatter.add.f32 [tilespmem:s24], [sflag:$0x3], $0x80, s20, s23, $0xb8;
	[tilespmem:$0x1BE00] =	vst v63  }
0xf7: {  	_ =	swait.ge [sflag:s8], $0x4000  }
0xf8: {  	[sflag:s8] =	ssyncset.done $0x0  }
0xf9: {  	s13 =	sadd.s32 $0x4F00, s13;
	[sflag:s8] =	ssyncadd.s32 $0xFFFFC000  }
0xfa: {  	[tilespmem:s26], [sflag:$0x7] =	stream.linear.gather [hbm4b:s13+s2], $0x80, $0x38;
	[tilespmem:$0x1BE00] =	vst v63  }
0xfb: {  	s10 =	sadd.s32 $0x4F00, s10  }
0xfc: {  	[tilespmem:s28], [sflag:$0x8] =	stream.linear.gather [hbm4b:s10+s2], $0x80, $0x38;
	[tilespmem:$0x1BE00] =	vst v63  }
0xfd: {  	_ =	swait.ge [sflag:s29], $0x80  }
0xfe: {  	[sflag:s29] =	ssyncset.done $0x0  }
0xff: {  	[sflag:s29] =	ssyncadd.s32 $0xFFFFFF80  }
0x100: {  	_ =	swait.ge [sflag:s30], $0x80  }
0x101: {  	[sflag:s30] =	ssyncset.done $0x0  }
.Ltmp6:
0x102: {  	[sflag:s30] =	ssyncadd.s32 $0xFFFFFF80;
	(pc) =	sbr.rel @p4 .LBB2_3-.Ltmp6, $4  }
0x103: {  	[tilespmem:s31], [sflag:$0x2] =	stream.indirect.gather [hbm4b:s5+s23], $0x80, s26, s23, $0xb8;
	[tilespmem:$0x1BE00] =	vst v63  }
0x104: {  	_ =	swait.ge [sflag:s0], $0x4000  }
0x105: {  	[sflag:s0] =	ssyncset.done $0x0  }
0x106: {  	[sflag:s0] =	ssyncadd.s32 $0xFFFFC000  }
0x107: {  	[spmem:s1] =	stream.indirect.scatter.add.f32 [tilespmem:s31], [sflag:$0x4], $0x80, s28, s23, $0xb8;
	[tilespmem:$0x1BE00] =	vst v63  }
0x108: {  	_ =	swait.ge [sflag:s3], $0x4000  }
0x109: {  	[sflag:s3] =	ssyncset.done $0x0  }
0x10a: {  	s6 =	simm.s32 @!p1 $0x0;
	s10 =	simm.s32 @!p1 $0x13C00;
	[sflag:s3] =	ssyncadd.s32 $0xFFFFC000  }
0x10b: {  	[tilespmem:s10], [sflag:$0x5] =	stream.linear.gather @!p1 [hbm4b:s15+s6], $0x80, $0x38;
	[tilespmem:$0x1BE00] =	vst v63  }
0x10c: {  	s13 =	simm.s32 @!p1 $0x13C80  }
0x10d: {  	[tilespmem:s13], [sflag:$0x6] =	stream.linear.gather @!p1 [hbm4b:s16+s6], $0x80, $0x38;
	[tilespmem:$0x1BE00] =	vst v63  }
0x10e: {  	s6 =	simm.s32 @!p1 $0x5  }
0x10f: {  	_ =	swait.ge @!p1 [sflag:s6], $0x80  }
0x110: {  	[sflag:s6] =	ssyncset.done @!p1 $0x0  }
0x111: {  	[sflag:s6] =	ssyncadd.s32 @!p1 $0xFFFFFF80;
	s6 =	simm.s32 @!p1 $0x6  }
0x112: {  	_ =	swait.ge @!p1 [sflag:s6], $0x80  }
0x113: {  	[sflag:s6] =	ssyncset.done @!p1 $0x0  }
0x114: {  	s14 =	simm.s32 @!p1 $0x13D00;
	[sflag:s6] =	ssyncadd.s32 @!p1 $0xFFFFFF80;
	s6 =	simm.s32 @!p1 $0x80  }
0x115: {  	[tilespmem:s14], [sflag:$0x1] =	stream.indirect.gather @!p1 [hbm4b:s5+s6], $0x80, s10, s6, $0xb8;
	[tilespmem:$0x1BE00] =	vst v63  }
0x116: {  	s10 =	simm.s32 @!p1 $0x1  }
0x117: {  	_ =	swait.ge @!p1 [sflag:s10], $0x4000  }
0x118: {  	[sflag:s10] =	ssyncset.done @!p1 $0x0  }
0x119: {  	[sflag:s10] =	ssyncadd.s32 @!p1 $0xFFFFC000  }
0x11a: {  	[spmem:s1] =	stream.indirect.scatter.add.f32 @!p1 [tilespmem:s14], [sflag:$0x3], $0x80, s13, s6, $0xb8;
	[tilespmem:$0x1BE00] =	vst v63  }
.Ltmp7:
0x11b: {  	_ = 	snop;
	(pc) =	sbr.rel @p3 .LBB2_9-.Ltmp7, $4  }
.Ltmp8:
0x11c: {  	_ = 	snop;
	(pc) =	sbr.rel @!p3 .LBB2_8-.Ltmp8, $4  }
0x11d: {  	_ =	swait.ge [sflag:s8], $0x4000  }
0x11e: {  	[sflag:s8] =	ssyncset.done $0x0  }
0x11f: {  	s6 =	rddreg [dreg:$0x4];
	[sflag:s8] =	ssyncadd.s32 $0xFFFFC000  }
0x120: {  	_ = 	snop  }
.LBB2_10:
0x121: {  	_ =	sfence.sel $0x180000  }
0x122: {  	[bflag:$0x0] =	sbarrier.arrive $0xFFFF  }
0x123: {  	_ =	strace $0x90000053  }
0x124: {  	s0 =	stileid.u32;
	[bflag:$0x2] =	sbarrier.arrive $0xFFFF  }
0x125: {  	p0 =	sne.s32 s0, $0x0;
	s0 =	rddreg [dreg:$0x2]  }
0x126: {  	s0 =	sadd.s32 @!p0 $0x100000, s0  }
0x127: {  	[sflag:s0] =	ssyncadd.tile.s32 @!p0 $0x1;
	_ =	shalt  }
.Lfunc_end2:
_tile_overlayer_lowered:
.L_overlay_start_2:
0x128: {  	(tag) =	ssettag $0x2  }
0x129: {  	s0 =	rddreg [dreg:$0x0];
	s2 =	stileid.u32  }
0x12a: {  	s1 =	rddreg [dreg:$0x1];
	p0 =	sne.s32 s2, $0x0  }
0x12b: {  	s3 =	rddreg [dreg:$0x2];
	[bflag:$0x3] =	sbarrier.arrive $0xFFFF;
	s2 =	simm.s32 @!p0 $0x1C09  }
0x12c: {  	[timem:s3], [sflag:s2] =	dma.local @!p0 [hbm:s0], s1  }
0x12d: {  	s0 =	simm.s32 @!p0 $0x9  }
0x12e: {  	_ =	swait.ge @!p0 [sflag:s0], s1  }
0x12f: {  	s1 =	ssub.s32 @!p0 $0x0, s1;
	[sflag:s0] =	ssyncset.done @!p0 $0x0  }
0x130: {  	[sflag:s0] =	ssyncadd.s32 @!p0 s1  }
0x131: {  	[bflag:$0x3] =	sbarrier.arrive $0xFFFF  }
0x132: {  	_ =	shalt  }

</sc_bundles>
